<compile_context>
chip_gen: v7x
topology: tpu7x:2x2x1
jax: 0.10.2.dev20260603
libtpu: 0.0.44.dev20260713+nightly
codegen_flags: <defaults>
</compile_context>

<pallas_src>
import functools

import jax
import jax.numpy as jnp
import numpy as np
from jax import lax
from jax.experimental import pallas as pl
from jax.experimental.pallas import tpu as pltpu
from jax.experimental.pallas import tpu_sc as plsc

_NC = 2
_NS = 16
_KB = 4
_S = 2
_Z = np.int32(0)


def _make_sc_agg(n, d, e, cc, kb=_KB, lag=_S):
    nw = _NC * _NS
    w_per = e // nw
    g = w_per // cc
    rows_t = n // _NS
    nfull = rows_t // cc
    rem = rows_t % cc

    scratch = [
        pltpu.VMEM_SHARED((n, d), jnp.float32),
        pltpu.VMEM((g, cc), jnp.int32),
        pltpu.VMEM((g, cc), jnp.int32),
        [pltpu.VMEM((cc, d), jnp.float32)] * kb,
        [pltpu.SemaphoreType.DMA] * kb,
        [pltpu.SemaphoreType.DMA] * kb,
    ]
    mesh = plsc.VectorSubcoreMesh(core_axis_name="c", subcore_axis_name="s",
                                  num_cores=_NC, num_subcores=_NS)

    @functools.partial(
        pl.kernel, mesh=mesh, scratch_types=scratch,
        out_type=jax.ShapeDtypeStruct((_NC, n, d), jnp.float32),
        compiler_params=pltpu.CompilerParams(use_tc_tiling_on_sc=False))
    def body(src_hbm, dst_hbm, feat_hbm, agg_out,
             acc, sidx, didx, rowbufs, gsems, ssems):
        i32 = jnp.int32
        c = lax.axis_index("c")
        s = lax.axis_index("s")
        wid = c * i32(_NS) + s
        row0 = s * i32(rows_t)

        def _zr(r, carry):
            for k in range(d // 16):
                rowbufs[0][r, pl.ds(k * 16, 16)] = jnp.zeros((16,),
                                                             jnp.float32)
            return carry
        lax.fori_loop(jnp.int32(0), jnp.int32(cc), _zr, jnp.int32(0))
        for t in range(nfull):
            pltpu.sync_copy(rowbufs[0],
                            acc.at[pl.ds(row0 + i32(t * cc), cc)])
        if rem:
            pltpu.sync_copy(rowbufs[0].at[pl.ds(0, rem)],
                            acc.at[pl.ds(row0 + i32(nfull * cc), rem)])
        plsc.subcore_barrier()

        pltpu.sync_copy(src_hbm.at[pl.ds(wid * i32(g), g)], sidx)
        pltpu.sync_copy(dst_hbm.at[pl.ds(wid * i32(g), g)], didx)

        def _gather(j, b):
            pltpu.async_copy(feat_hbm.at[sidx.at[j]], rowbufs[b], gsems[b])

        def _wait_gather(b):
            pltpu.make_async_copy(feat_hbm.at[sidx.at[i32(0)]], rowbufs[b],
                                  gsems[b]).wait()

        def _scatter(q, b):
            pltpu.async_copy(rowbufs[b], acc.at[didx.at[q]], ssems[b],
                             add=True)

        def _wait_scatter(b):
            pltpu.make_async_copy(rowbufs[b], acc.at[didx.at[i32(0)]],
                                  ssems[b]).wait()

        def _pos(gg, carry):
            for b in range(kb):
                j = gg * i32(kb) + i32(b)
                pl.when((gg > 0) & (j < i32(g + kb)))(
                    lambda b=b: _wait_scatter(b))
                pl.when(j < i32(g))(lambda j=j, b=b: _gather(j, b))
                bq = (b - lag) % kb
                q = j - i32(lag)

                def _do(q=q, bq=bq):
                    _wait_gather(bq)
                    _scatter(q, bq)
                pl.when((q >= 0) & (q < i32(g)))(_do)
            return carry
        lax.fori_loop(jnp.int32(0), jnp.int32(g // kb + 2), _pos,
                      jnp.int32(0))

        plsc.subcore_barrier()

        pltpu.sync_copy(acc.at[pl.ds(row0, rows_t)],
                        agg_out.at[c, pl.ds(row0, rows_t)])

    return body



def _make_sc_count(n, e, cc):
    nw = _NC * _NS
    w_per = e // nw
    g = w_per // cc
    rows_t = n // _NS

    scratch = [
        pltpu.VMEM_SHARED((n, 16), jnp.float32),
        pltpu.VMEM((rows_t, 16), jnp.float32),
        pltpu.VMEM((cc, 16), jnp.float32),
        pltpu.VMEM((g, cc), jnp.int32),
        [pltpu.SemaphoreType.DMA] * _KB,
    ]
    mesh = plsc.VectorSubcoreMesh(core_axis_name="c", subcore_axis_name="s",
                                  num_cores=_NC, num_subcores=_NS)

    @functools.partial(
        pl.kernel, mesh=mesh, scratch_types=scratch,
        out_type=jax.ShapeDtypeStruct((_NC, n, 16), jnp.float32),
        compiler_params=pltpu.CompilerParams(use_tc_tiling_on_sc=False))
    def body(dst_hbm, cnt_out, cacc, cstage, ones, didx, ssems):
        i32 = jnp.int32
        c = lax.axis_index("c")
        s = lax.axis_index("s")
        wid = c * i32(_NS) + s
        row0 = s * i32(rows_t)

        def _zc(r, carry):
            cstage[r, pl.ds(0, 16)] = jnp.zeros((16,), jnp.float32)
            return carry
        lax.fori_loop(jnp.int32(0), jnp.int32(rows_t), _zc, jnp.int32(0))
        pltpu.sync_copy(cstage, cacc.at[pl.ds(row0, rows_t)])

        def _o(r, carry):
            ones[r, pl.ds(0, 16)] = jnp.full((16,), 1.0, jnp.float32)
            return carry
        lax.fori_loop(jnp.int32(0), jnp.int32(cc), _o, jnp.int32(0))
        plsc.subcore_barrier()

        pltpu.sync_copy(dst_hbm.at[pl.ds(wid * i32(g), g)], didx)

        def _wait(b):
            pltpu.make_async_copy(ones, cacc.at[didx.at[i32(0)]],
                                  ssems[b]).wait()

        def _pos(gg, carry):
            for b in range(_KB):
                j = gg * i32(_KB) + i32(b)
                pl.when((gg > 0) & (j < i32(g + _KB)))(
                    lambda b=b: _wait(b))
                def _fire(j=j, b=b):
                    pltpu.async_copy(ones, cacc.at[didx.at[j]], ssems[b],
                                     add=True)
                pl.when(j < i32(g))(_fire)
            return carry
        lax.fori_loop(jnp.int32(0), jnp.int32(g // _KB + 2), _pos,
                      jnp.int32(0))

        plsc.subcore_barrier()
        pltpu.sync_copy(cacc.at[pl.ds(row0, rows_t)], cstage)
        pltpu.sync_copy(cstage, cnt_out.at[c, pl.ds(row0, rows_t)])

    return body


def _tc_first(p, cnt2, x, wl_t, wr_t, b8):
    n, d = x.shape
    do = wl_t.shape[1]
    blk = 1000
    grid = (n // blk,)
    one = np.int32(1)
    in_specs = [
        pl.BlockSpec((1, blk, d), lambda i: (_Z, i, _Z)),
        pl.BlockSpec((1, blk, d), lambda i: (one, i, _Z)),
        pl.BlockSpec((1, blk, 16), lambda i: (_Z, i, _Z)),
        pl.BlockSpec((1, blk, 16), lambda i: (one, i, _Z)),
        pl.BlockSpec((blk, d), lambda i: (i, _Z)),
        pl.BlockSpec(wl_t.shape, lambda i: (_Z, _Z)),
        pl.BlockSpec(wr_t.shape, lambda i: (_Z, _Z)),
        pl.BlockSpec(b8.shape, lambda i: (_Z, _Z)),
    ]

    def body(p0r, p1r, c0r, c1r, xr, wlr, wrr, br, outr, invr):
        cnt = c0r[0, :, 0:1] + c1r[0, :, 0:1]
        inv = 1.0 / jnp.maximum(cnt, 1.0)
        agg = (p0r[0] + p1r[0]) * inv
        z = (jnp.dot(agg, wlr[...], preferred_element_type=jnp.float32)
             + jnp.dot(xr[...], wrr[...], preferred_element_type=jnp.float32)
             + br[0:1, :])
        outr[...] = jnp.maximum(z, 0.0)
        invr[...] = inv

    return pl.pallas_call(
        body, grid=grid, in_specs=in_specs,
        out_specs=[pl.BlockSpec((blk, do), lambda i: (i, _Z)),
                   pl.BlockSpec((blk, 1), lambda i: (i, _Z))],
        out_shape=[jax.ShapeDtypeStruct((n, do), jnp.float32),
                   jax.ShapeDtypeStruct((n, 1), jnp.float32)])(
            p, p, cnt2, cnt2, x, wl_t, wr_t, b8)


def _tc_mid(p, inv, h, wl_t, wr_t, b8, extra_wt):
    n, d = h.shape
    do = wl_t.shape[1]
    blk = 1000
    grid = (n // blk,)
    one = np.int32(1)
    in_specs = [
        pl.BlockSpec((1, blk, d), lambda i: (_Z, i, _Z)),
        pl.BlockSpec((1, blk, d), lambda i: (one, i, _Z)),
        pl.BlockSpec((blk, 1), lambda i: (i, _Z)),
        pl.BlockSpec((blk, d), lambda i: (i, _Z)),
        pl.BlockSpec(wl_t.shape, lambda i: (_Z, _Z)),
        pl.BlockSpec(wr_t.shape, lambda i: (_Z, _Z)),
        pl.BlockSpec(b8.shape, lambda i: (_Z, _Z)),
        pl.BlockSpec(extra_wt.shape, lambda i: (_Z, _Z)),
    ]

    def body(p0r, p1r, invr, hr, wlr, wrr, br, ewr, outr, yr):
        agg = (p0r[0] + p1r[0]) * invr[...]
        z = (jnp.dot(agg, wlr[...], preferred_element_type=jnp.float32)
             + jnp.dot(hr[...], wrr[...], preferred_element_type=jnp.float32)
             + br[0:1, :])
        z = jnp.maximum(z, 0.0)
        outr[...] = z
        yr[...] = jnp.dot(z, ewr[...], preferred_element_type=jnp.float32)

    return pl.pallas_call(
        body, grid=grid, in_specs=in_specs,
        out_specs=[pl.BlockSpec((blk, do), lambda i: (i, _Z)),
                   pl.BlockSpec((blk, extra_wt.shape[1]),
                                lambda i: (i, _Z))],
        out_shape=[jax.ShapeDtypeStruct((n, do), jnp.float32),
                   jax.ShapeDtypeStruct((n, extra_wt.shape[1]),
                                        jnp.float32)])(
            p, p, inv, h, wl_t, wr_t, b8, extra_wt)


def _tc_final(p, inv, h, wr_t, b8):
    n, d = h.shape
    do = wr_t.shape[1]
    blk = 1000
    grid = (n // blk,)
    one = np.int32(1)
    in_specs = [
        pl.BlockSpec((1, blk, do), lambda i: (_Z, i, _Z)),
        pl.BlockSpec((1, blk, do), lambda i: (one, i, _Z)),
        pl.BlockSpec((blk, 1), lambda i: (i, _Z)),
        pl.BlockSpec((blk, d), lambda i: (i, _Z)),
        pl.BlockSpec(wr_t.shape, lambda i: (_Z, _Z)),
        pl.BlockSpec(b8.shape, lambda i: (_Z, _Z)),
    ]

    def body(p0r, p1r, invr, hr, wrr, br, outr):
        agg = (p0r[0] + p1r[0]) * invr[...]
        outr[...] = (agg
                     + jnp.dot(hr[...], wrr[...],
                               preferred_element_type=jnp.float32)
                     + br[0:1, :])

    return pl.pallas_call(
        body, grid=grid, in_specs=in_specs,
        out_specs=pl.BlockSpec((blk, do), lambda i: (i, _Z)),
        out_shape=jax.ShapeDtypeStruct((n, do), jnp.float32))(
            p, p, inv, h, wr_t, b8)


def kernel(x, edge_index, W1l, b1l, W1r, W2l, b2l, W2r, W3l, b3l, W3r,
           g1, be1, g2, be2, g3, be3):
    n, d_in = x.shape
    e = edge_index.shape[1]
    d_h = W1l.shape[0]
    d_out = W3l.shape[0]
    src = edge_index[0].astype(jnp.int32)
    dst = edge_index[1].astype(jnp.int32)

    src40 = src.reshape(e // 40, 40)
    dst40 = dst.reshape(e // 40, 40)
    src80 = src.reshape(e // 80, 80)
    dst80 = dst.reshape(e // 80, 80)
    x = x.astype(jnp.float32)

    inv_std = np.float32(1.0 / np.sqrt(1.0 + 1e-5))

    def fold(wl, bl, wr, gamma, beta):
        sc = gamma * inv_std
        wl_t = wl.T * sc[None, :]
        wr_t = wr.T * sc[None, :]
        b8 = jnp.broadcast_to((bl * sc + beta)[None, :], (8, sc.shape[0]))
        return wl_t, wr_t, b8

    w1l_t, w1r_t, b1_8 = fold(W1l, b1l, W1r, g1, be1)
    w2l_t, w2r_t, b2_8 = fold(W2l, b2l, W2r, g2, be2)
    w3l_t, w3r_t, b3_8 = fold(W3l, b3l, W3r, g3, be3)

    cnt2 = _make_sc_count(n, e, 80)(dst80)
    agg1 = _make_sc_agg(n, d_in, e, 80, kb=3, lag=1)(src80, dst80, x)
    h1, inv = _tc_first(agg1, cnt2, x, w1l_t, w1r_t, b1_8)
    agg2 = _make_sc_agg(n, d_h, e, 80, kb=3, lag=1)(src80, dst80, h1)
    h2, y3 = _tc_mid(agg2, inv, h1, w2l_t, w2r_t, b2_8, w3l_t)
    agg3 = _make_sc_agg(n, d_out, e, 80, kb=5, lag=2)(src80, dst80, y3)
    return _tc_final(agg3, inv, h2, w3r_t, b3_8)

# --- scband reference (transcript-rebuilt; emitter-appended) ---
"""Pipeline reference for scband-graph-sage-79998060855855 (READ-ONLY COPY).

The authoritative reference and input builder live on the scoring server;
editing this copy changes nothing except your own understanding.
"""

import jax
jax.config.update('jax_enable_x64', True)
import jax.numpy as jnp
import numpy as np

N = 10000
E = 320000
D_IN = 128
D_H = 128
D_OUT = 64
EPS = 1e-5


def _glorot(key, out_d, in_d):
    return (jax.random.normal(key, (out_d, in_d), dtype=jnp.float32) / np.sqrt(in_d)).astype(jnp.float32)


def setup_inputs(seed: int = 0) -> dict:
    key = jax.random.key(seed)
    ks = jax.random.split(key, 24)
    x = jax.random.normal(ks[0], (N, D_IN), dtype=jnp.float32)
    edge_index = jax.random.randint(ks[1], (2, E), 0, N, dtype=jnp.int64)
    inp = {
        'x': x,
        'edge_index': edge_index,
        # SAGEConv layer 1 (in=128 -> hidden=128): lin_l (neighbor agg, with bias), lin_r (root, no bias)
        'W1l': _glorot(ks[2], D_H, D_IN), 'b1l': jnp.zeros((D_H,), dtype=jnp.float32), 'W1r': _glorot(ks[3], D_H, D_IN),
        # SAGEConv layer 2 (hidden -> hidden)
        'W2l': _glorot(ks[4], D_H, D_H), 'b2l': jnp.zeros((D_H,), dtype=jnp.float32), 'W2r': _glorot(ks[5], D_H, D_H),
        # SAGEConv layer 3 (hidden -> out=64)
        'W3l': _glorot(ks[6], D_OUT, D_H), 'b3l': jnp.zeros((D_OUT,), dtype=jnp.float32), 'W3r': _glorot(ks[7], D_OUT, D_H),
        # BatchNorm affine params (eval mode: running_mean=0, running_var=1)
        'g1': jax.random.uniform(ks[8], (D_H,), dtype=jnp.float32, minval=0.5, maxval=1.5),
        'be1': jax.random.normal(ks[9], (D_H,), dtype=jnp.float32) * 0.1,
        'g2': jax.random.uniform(ks[10], (D_H,), dtype=jnp.float32, minval=0.5, maxval=1.5),
        'be2': jax.random.normal(ks[11], (D_H,), dtype=jnp.float32) * 0.1,
        'g3': jax.random.uniform(ks[12], (D_OUT,), dtype=jnp.float32, minval=0.5, maxval=1.5),
        'be3': jax.random.normal(ks[13], (D_OUT,), dtype=jnp.float32) * 0.1,
    }
    return inp


def _sage_conv(x, edge_index, Wl, bl, Wr):
    src = edge_index[0]
    dst = edge_index[1]
    msgs = jnp.take(x, src, axis=0)                       # gather: [E, d]
    agg = jax.ops.segment_sum(msgs, dst, num_segments=N)  # scatter-add
    cnt = jax.ops.segment_sum(jnp.ones((E,), dtype=x.dtype), dst, num_segments=N)
    agg = agg / jnp.clip(cnt, 1.0, None)[:, None]         # mean aggregation
    return agg @ Wl.T + bl + x @ Wr.T


def _batch_norm_eval(x, gamma, beta):
    # running_mean = 0, running_var = 1 (fresh module, eval mode)
    return x / jnp.sqrt(1.0 + EPS) * gamma + beta


def reference(x, edge_index, W1l, b1l, W1r, W2l, b2l, W2r, W3l, b3l, W3r, g1, be1, g2, be2, g3, be3):
    h = _sage_conv(x, edge_index, W1l, b1l, W1r)
    h = _batch_norm_eval(h, g1, be1)
    h = jax.nn.relu(h)
    # dropout is identity in eval mode
    h = _sage_conv(h, edge_index, W2l, b2l, W2r)
    h = _batch_norm_eval(h, g2, be2)
    h = jax.nn.relu(h)
    h = _sage_conv(h, edge_index, W3l, b3l, W3r)
    h = _batch_norm_eval(h, g3, be3)
    return h

if __name__ == "__main__":
    import jax
    _d = setup_inputs()
    print(jax.jit(kernel)(*tuple(_d.values())))

</pallas_src>

<mosaic_0001>
#map = affine_map<(d0, d1) -> (0, 0)>
#map1 = affine_map<(d0, d1) -> (0, 0, 0)>
module attributes {stable_mosaic.version = 14 : i64} {
  func.func @body(%arg0: i32, %arg1: i32, %arg2: memref<4000x80xi32, #tpu.memory_space<hbm>>, %arg3: memref<4000x80xi32, #tpu.memory_space<hbm>>, %arg4: memref<10000x64xf32, #tpu.memory_space<hbm>>, %arg5: memref<2x10000x64xf32, #tpu.memory_space<hbm>>, %arg6: memref<10000x64xf32, #tpu.memory_space<vmem_shared>>, %arg7: memref<125x80xi32, #tpu.memory_space<vmem>>, %arg8: memref<125x80xi32, #tpu.memory_space<vmem>>, %arg9: memref<80x64xf32, #tpu.memory_space<vmem>>, %arg10: memref<80x64xf32, #tpu.memory_space<vmem>>, %arg11: memref<80x64xf32, #tpu.memory_space<vmem>>, %arg12: memref<80x64xf32, #tpu.memory_space<vmem>>, %arg13: memref<80x64xf32, #tpu.memory_space<vmem>>, %arg14: memref<!tpu.dma_semaphore, #tpu.memory_space<semaphore_mem>>, %arg15: memref<!tpu.dma_semaphore, #tpu.memory_space<semaphore_mem>>, %arg16: memref<!tpu.dma_semaphore, #tpu.memory_space<semaphore_mem>>, %arg17: memref<!tpu.dma_semaphore, #tpu.memory_space<semaphore_mem>>, %arg18: memref<!tpu.dma_semaphore, #tpu.memory_space<semaphore_mem>>, %arg19: memref<!tpu.dma_semaphore, #tpu.memory_space<semaphore_mem>>, %arg20: memref<!tpu.dma_semaphore, #tpu.memory_space<semaphore_mem>>, %arg21: memref<!tpu.dma_semaphore, #tpu.memory_space<semaphore_mem>>, %arg22: memref<!tpu.dma_semaphore, #tpu.memory_space<semaphore_mem>>, %arg23: memref<!tpu.dma_semaphore, #tpu.memory_space<semaphore_mem>>) attributes {dimension_semantics = [#tpu.dimension_semantics<core_parallel>, #tpu.dimension_semantics<subcore_parallel>], iteration_bounds = array<i64: 2, 16>, scalar_prefetch = 0 : i64, scratch_operands = 18 : i64, tpu.core_type = #tpu.core_type<sc_vector_subcore>, window_params = [{transform_indices = #map}, {transform_indices = #map}, {transform_indices = #map}, {transform_indices = #map1}]} {
    %mul3A = arith.constant 16 : i32
    %mul3A_0 = arith.muli %arg0, %mul3A : i32
    %add3A = arith.addi %mul3A_0, %arg1 : i32
    %mul3A_1 = arith.constant 625 : i32
    %mul3A_2 = arith.muli %arg1, %mul3A_1 : i32
    %while3A = arith.constant 0 : i32
    %while3A_3 = arith.constant 0 : i32
    %while3A_4 = arith.constant 80 : i32
    %while3A_5 = arith.subi %while3A_4, %while3A_3 : i32
    %while3A_6 = arith.addi %while3A_3, %while3A_5 : i32
    %while3A_7 = arith.constant 1 : i32
    %while3A_8 = arith.divsi %while3A_5, %while3A_7 : i32
    %while3A_9 = arith.muli %while3A_8, %while3A_7 : i32
    %while3A_10 = arith.addi %while3A_3, %while3A_9 : i32
    %while3A_11 = arith.constant 1 : i32
    scf.for %while3A_45 = %while3A_3 to %while3A_10 step %while3A_11  : i32 {
      %broadcast_in_dim3A = arith.constant 0.000000e+00 : f32
      %broadcast_in_dim3A_46 = vector.broadcast %broadcast_in_dim3A : f32 to vector<16xf32>
      %swap3A = arith.index_cast %while3A_45 : i32 to index
      %swap3A_47 = arith.constant 0 : index
      %swap3A_48 = tpu.vector_load %arg9[%swap3A, %swap3A_47] {strides = array<i32>} : memref<80x64xf32, #tpu.memory_space<vmem>>, vector<1x16xf32>,
      %swap3A_49 = vector.shape_cast %swap3A_48 : vector<1x16xf32> to vector<16xf32>
      %swap3A_50 = vector.shape_cast %broadcast_in_dim3A_46 : vector<16xf32> to vector<1x16xf32>
      tpu.vector_store %arg9[%swap3A, %swap3A_47], %swap3A_50 {strides = array<i32>} : memref<80x64xf32, #tpu.memory_space<vmem>>, vector<1x16xf32>,
      %broadcast_in_dim3A_51 = arith.constant 0.000000e+00 : f32
      %broadcast_in_dim3A_52 = vector.broadcast %broadcast_in_dim3A_51 : f32 to vector<16xf32>
      %swap3A_53 = arith.index_cast %while3A_45 : i32 to index
      %swap3A_54 = arith.constant 16 : index
      %swap3A_55 = tpu.vector_load %arg9[%swap3A_53, %swap3A_54] {strides = array<i32>} : memref<80x64xf32, #tpu.memory_space<vmem>>, vector<1x16xf32>,
      %swap3A_56 = vector.shape_cast %swap3A_55 : vector<1x16xf32> to vector<16xf32>
      %swap3A_57 = vector.shape_cast %broadcast_in_dim3A_52 : vector<16xf32> to vector<1x16xf32>
      tpu.vector_store %arg9[%swap3A_53, %swap3A_54], %swap3A_57 {strides = array<i32>} : memref<80x64xf32, #tpu.memory_space<vmem>>, vector<1x16xf32>,
      %broadcast_in_dim3A_58 = arith.constant 0.000000e+00 : f32
      %broadcast_in_dim3A_59 = vector.broadcast %broadcast_in_dim3A_58 : f32 to vector<16xf32>
      %swap3A_60 = arith.index_cast %while3A_45 : i32 to index
      %swap3A_61 = arith.constant 32 : index
      %swap3A_62 = tpu.vector_load %arg9[%swap3A_60, %swap3A_61] {strides = array<i32>} : memref<80x64xf32, #tpu.memory_space<vmem>>, vector<1x16xf32>,
      %swap3A_63 = vector.shape_cast %swap3A_62 : vector<1x16xf32> to vector<16xf32>
      %swap3A_64 = vector.shape_cast %broadcast_in_dim3A_59 : vector<16xf32> to vector<1x16xf32>
      tpu.vector_store %arg9[%swap3A_60, %swap3A_61], %swap3A_64 {strides = array<i32>} : memref<80x64xf32, #tpu.memory_space<vmem>>, vector<1x16xf32>,
      %broadcast_in_dim3A_65 = arith.constant 0.000000e+00 : f32
      %broadcast_in_dim3A_66 = vector.broadcast %broadcast_in_dim3A_65 : f32 to vector<16xf32>
      %swap3A_67 = arith.index_cast %while3A_45 : i32 to index
      %swap3A_68 = arith.constant 48 : index
      %swap3A_69 = tpu.vector_load %arg9[%swap3A_67, %swap3A_68] {strides = array<i32>} : memref<80x64xf32, #tpu.memory_space<vmem>>, vector<1x16xf32>,
      %swap3A_70 = vector.shape_cast %swap3A_69 : vector<1x16xf32> to vector<16xf32>
      %swap3A_71 = vector.shape_cast %broadcast_in_dim3A_66 : vector<16xf32> to vector<1x16xf32>
      tpu.vector_store %arg9[%swap3A_67, %swap3A_68], %swap3A_71 {strides = array<i32>} : memref<80x64xf32, #tpu.memory_space<vmem>>, vector<1x16xf32>,
    }
    %while3A_12 = arith.constant 1 : i32
    scf.for %while3A_45 = %while3A_10 to %while3A_6 step %while3A_12  : i32 {
      %broadcast_in_dim3A = arith.constant 0.000000e+00 : f32
      %broadcast_in_dim3A_46 = vector.broadcast %broadcast_in_dim3A : f32 to vector<16xf32>
      %swap3A = arith.index_cast %while3A_45 : i32 to index
      %swap3A_47 = arith.constant 0 : index
      %swap3A_48 = tpu.vector_load %arg9[%swap3A, %swap3A_47] {strides = array<i32>} : memref<80x64xf32, #tpu.memory_space<vmem>>, vector<1x16xf32>,
      %swap3A_49 = vector.shape_cast %swap3A_48 : vector<1x16xf32> to vector<16xf32>
      %swap3A_50 = vector.shape_cast %broadcast_in_dim3A_46 : vector<16xf32> to vector<1x16xf32>
      tpu.vector_store %arg9[%swap3A, %swap3A_47], %swap3A_50 {strides = array<i32>} : memref<80x64xf32, #tpu.memory_space<vmem>>, vector<1x16xf32>,
      %broadcast_in_dim3A_51 = arith.constant 0.000000e+00 : f32
      %broadcast_in_dim3A_52 = vector.broadcast %broadcast_in_dim3A_51 : f32 to vector<16xf32>
      %swap3A_53 = arith.index_cast %while3A_45 : i32 to index
      %swap3A_54 = arith.constant 16 : index
      %swap3A_55 = tpu.vector_load %arg9[%swap3A_53, %swap3A_54] {strides = array<i32>} : memref<80x64xf32, #tpu.memory_space<vmem>>, vector<1x16xf32>,
      %swap3A_56 = vector.shape_cast %swap3A_55 : vector<1x16xf32> to vector<16xf32>
      %swap3A_57 = vector.shape_cast %broadcast_in_dim3A_52 : vector<16xf32> to vector<1x16xf32>
      tpu.vector_store %arg9[%swap3A_53, %swap3A_54], %swap3A_57 {strides = array<i32>} : memref<80x64xf32, #tpu.memory_space<vmem>>, vector<1x16xf32>,
      %broadcast_in_dim3A_58 = arith.constant 0.000000e+00 : f32
      %broadcast_in_dim3A_59 = vector.broadcast %broadcast_in_dim3A_58 : f32 to vector<16xf32>
      %swap3A_60 = arith.index_cast %while3A_45 : i32 to index
      %swap3A_61 = arith.constant 32 : index
      %swap3A_62 = tpu.vector_load %arg9[%swap3A_60, %swap3A_61] {strides = array<i32>} : memref<80x64xf32, #tpu.memory_space<vmem>>, vector<1x16xf32>,
      %swap3A_63 = vector.shape_cast %swap3A_62 : vector<1x16xf32> to vector<16xf32>
      %swap3A_64 = vector.shape_cast %broadcast_in_dim3A_59 : vector<16xf32> to vector<1x16xf32>
      tpu.vector_store %arg9[%swap3A_60, %swap3A_61], %swap3A_64 {strides = array<i32>} : memref<80x64xf32, #tpu.memory_space<vmem>>, vector<1x16xf32>,
      %broadcast_in_dim3A_65 = arith.constant 0.000000e+00 : f32
      %broadcast_in_dim3A_66 = vector.broadcast %broadcast_in_dim3A_65 : f32 to vector<16xf32>
      %swap3A_67 = arith.index_cast %while3A_45 : i32 to index
      %swap3A_68 = arith.constant 48 : index
      %swap3A_69 = tpu.vector_load %arg9[%swap3A_67, %swap3A_68] {strides = array<i32>} : memref<80x64xf32, #tpu.memory_space<vmem>>, vector<1x16xf32>,
      %swap3A_70 = vector.shape_cast %swap3A_69 : vector<1x16xf32> to vector<16xf32>
      %swap3A_71 = vector.shape_cast %broadcast_in_dim3A_66 : vector<16xf32> to vector<1x16xf32>
      tpu.vector_store %arg9[%swap3A_67, %swap3A_68], %swap3A_71 {strides = array<i32>} : memref<80x64xf32, #tpu.memory_space<vmem>>, vector<1x16xf32>,
    }
    %add3A_13 = arith.constant 0 : i32
    %add3A_14 = arith.addi %mul3A_2, %add3A_13 : i32
    "tpu.region"() ({
      %run_scoped3A = tpu.sem_alloc : memref<!tpu.dma_semaphore, #tpu.memory_space<semaphore_mem>>
      %dma_start3A = arith.constant 0 : i32
      %dma_start3A_45 = tpu.memref_slice %arg6[%add3A_14, %dma_start3A] : memref<10000x64xf32, #tpu.memory_space<vmem_shared>> -> memref<80x64xf32, #tpu.memory_space<vmem_shared>>
      %dma_start3A_46 = arith.constant 0 : i32
      %dma_start3A_47 = tpu.memref_slice %arg6[%add3A_14, %dma_start3A_46] : memref<10000x64xf32, #tpu.memory_space<vmem_shared>> -> memref<80x64xf32, #tpu.memory_space<vmem_shared>>
      tpu.enqueue_dma source(%arg9 : memref<80x64xf32, #tpu.memory_space<vmem>>) target(%dma_start3A_47 : memref<80x64xf32, #tpu.memory_space<vmem_shared>>) target_semaphore(%run_scoped3A : memref<!tpu.dma_semaphore, #tpu.memory_space<semaphore_mem>>)
      %dma_wait3A = arith.constant 0 : i32
      %dma_wait3A_48 = tpu.memref_slice %arg6[%add3A_14, %dma_wait3A] : memref<10000x64xf32, #tpu.memory_space<vmem_shared>> -> memref<80x64xf32, #tpu.memory_space<vmem_shared>>
      %dma_wait3A_49 = arith.constant 0 : i32
      %dma_wait3A_50 = tpu.memref_slice %arg6[%add3A_14, %dma_wait3A_49] : memref<10000x64xf32, #tpu.memory_space<vmem_shared>> -> memref<80x64xf32, #tpu.memory_space<vmem_shared>>
      tpu.wait_dma2 semaphore(%run_scoped3A : memref<!tpu.dma_semaphore, #tpu.memory_space<semaphore_mem>>) src(%arg9 : memref<80x64xf32, #tpu.memory_space<vmem>>) dst(%dma_wait3A_50 : memref<80x64xf32, #tpu.memory_space<vmem_shared>>)
      tpu.yield
    }) : () -> ()
    %add3A_15 = arith.constant 80 : i32
    %add3A_16 = arith.addi %mul3A_2, %add3A_15 : i32
    "tpu.region"() ({
      %run_scoped3A = tpu.sem_alloc : memref<!tpu.dma_semaphore, #tpu.memory_space<semaphore_mem>>
      %dma_start3A = arith.constant 0 : i32
      %dma_start3A_45 = tpu.memref_slice %arg6[%add3A_16, %dma_start3A] : memref<10000x64xf32, #tpu.memory_space<vmem_shared>> -> memref<80x64xf32, #tpu.memory_space<vmem_shared>>
      %dma_start3A_46 = arith.constant 0 : i32
      %dma_start3A_47 = tpu.memref_slice %arg6[%add3A_16, %dma_start3A_46] : memref<10000x64xf32, #tpu.memory_space<vmem_shared>> -> memref<80x64xf32, #tpu.memory_space<vmem_shared>>
      tpu.enqueue_dma source(%arg9 : memref<80x64xf32, #tpu.memory_space<vmem>>) target(%dma_start3A_47 : memref<80x64xf32, #tpu.memory_space<vmem_shared>>) target_semaphore(%run_scoped3A : memref<!tpu.dma_semaphore, #tpu.memory_space<semaphore_mem>>)
      %dma_wait3A = arith.constant 0 : i32
      %dma_wait3A_48 = tpu.memref_slice %arg6[%add3A_16, %dma_wait3A] : memref<10000x64xf32, #tpu.memory_space<vmem_shared>> -> memref<80x64xf32, #tpu.memory_space<vmem_shared>>
      %dma_wait3A_49 = arith.constant 0 : i32
      %dma_wait3A_50 = tpu.memref_slice %arg6[%add3A_16, %dma_wait3A_49] : memref<10000x64xf32, #tpu.memory_space<vmem_shared>> -> memref<80x64xf32, #tpu.memory_space<vmem_shared>>
      tpu.wait_dma2 semaphore(%run_scoped3A : memref<!tpu.dma_semaphore, #tpu.memory_space<semaphore_mem>>) src(%arg9 : memref<80x64xf32, #tpu.memory_space<vmem>>) dst(%dma_wait3A_50 : memref<80x64xf32, #tpu.memory_space<vmem_shared>>)
      tpu.yield
    }) : () -> ()
    %add3A_17 = arith.constant 160 : i32
    %add3A_18 = arith.addi %mul3A_2, %add3A_17 : i32
    "tpu.region"() ({
      %run_scoped3A = tpu.sem_alloc : memref<!tpu.dma_semaphore, #tpu.memory_space<semaphore_mem>>
      %dma_start3A = arith.constant 0 : i32
      %dma_start3A_45 = tpu.memref_slice %arg6[%add3A_18, %dma_start3A] : memref<10000x64xf32, #tpu.memory_space<vmem_shared>> -> memref<80x64xf32, #tpu.memory_space<vmem_shared>>
      %dma_start3A_46 = arith.constant 0 : i32
      %dma_start3A_47 = tpu.memref_slice %arg6[%add3A_18, %dma_start3A_46] : memref<10000x64xf32, #tpu.memory_space<vmem_shared>> -> memref<80x64xf32, #tpu.memory_space<vmem_shared>>
      tpu.enqueue_dma source(%arg9 : memref<80x64xf32, #tpu.memory_space<vmem>>) target(%dma_start3A_47 : memref<80x64xf32, #tpu.memory_space<vmem_shared>>) target_semaphore(%run_scoped3A : memref<!tpu.dma_semaphore, #tpu.memory_space<semaphore_mem>>)
      %dma_wait3A = arith.constant 0 : i32
      %dma_wait3A_48 = tpu.memref_slice %arg6[%add3A_18, %dma_wait3A] : memref<10000x64xf32, #tpu.memory_space<vmem_shared>> -> memref<80x64xf32, #tpu.memory_space<vmem_shared>>
      %dma_wait3A_49 = arith.constant 0 : i32
      %dma_wait3A_50 = tpu.memref_slice %arg6[%add3A_18, %dma_wait3A_49] : memref<10000x64xf32, #tpu.memory_space<vmem_shared>> -> memref<80x64xf32, #tpu.memory_space<vmem_shared>>
      tpu.wait_dma2 semaphore(%run_scoped3A : memref<!tpu.dma_semaphore, #tpu.memory_space<semaphore_mem>>) src(%arg9 : memref<80x64xf32, #tpu.memory_space<vmem>>) dst(%dma_wait3A_50 : memref<80x64xf32, #tpu.memory_space<vmem_shared>>)
      tpu.yield
    }) : () -> ()
    %add3A_19 = arith.constant 240 : i32
    %add3A_20 = arith.addi %mul3A_2, %add3A_19 : i32
    "tpu.region"() ({
      %run_scoped3A = tpu.sem_alloc : memref<!tpu.dma_semaphore, #tpu.memory_space<semaphore_mem>>
      %dma_start3A = arith.constant 0 : i32
      %dma_start3A_45 = tpu.memref_slice %arg6[%add3A_20, %dma_start3A] : memref<10000x64xf32, #tpu.memory_space<vmem_shared>> -> memref<80x64xf32, #tpu.memory_space<vmem_shared>>
      %dma_start3A_46 = arith.constant 0 : i32
      %dma_start3A_47 = tpu.memref_slice %arg6[%add3A_20, %dma_start3A_46] : memref<10000x64xf32, #tpu.memory_space<vmem_shared>> -> memref<80x64xf32, #tpu.memory_space<vmem_shared>>
      tpu.enqueue_dma source(%arg9 : memref<80x64xf32, #tpu.memory_space<vmem>>) target(%dma_start3A_47 : memref<80x64xf32, #tpu.memory_space<vmem_shared>>) target_semaphore(%run_scoped3A : memref<!tpu.dma_semaphore, #tpu.memory_space<semaphore_mem>>)
      %dma_wait3A = arith.constant 0 : i32
      %dma_wait3A_48 = tpu.memref_slice %arg6[%add3A_20, %dma_wait3A] : memref<10000x64xf32, #tpu.memory_space<vmem_shared>> -> memref<80x64xf32, #tpu.memory_space<vmem_shared>>
      %dma_wait3A_49 = arith.constant 0 : i32
      %dma_wait3A_50 = tpu.memref_slice %arg6[%add3A_20, %dma_wait3A_49] : memref<10000x64xf32, #tpu.memory_space<vmem_shared>> -> memref<80x64xf32, #tpu.memory_space<vmem_shared>>
      tpu.wait_dma2 semaphore(%run_scoped3A : memref<!tpu.dma_semaphore, #tpu.memory_space<semaphore_mem>>) src(%arg9 : memref<80x64xf32, #tpu.memory_space<vmem>>) dst(%dma_wait3A_50 : memref<80x64xf32, #tpu.memory_space<vmem_shared>>)
      tpu.yield
    }) : () -> ()
    %add3A_21 = arith.constant 320 : i32
    %add3A_22 = arith.addi %mul3A_2, %add3A_21 : i32
    "tpu.region"() ({
      %run_scoped3A = tpu.sem_alloc : memref<!tpu.dma_semaphore, #tpu.memory_space<semaphore_mem>>
      %dma_start3A = arith.constant 0 : i32
      %dma_start3A_45 = tpu.memref_slice %arg6[%add3A_22, %dma_start3A] : memref<10000x64xf32, #tpu.memory_space<vmem_shared>> -> memref<80x64xf32, #tpu.memory_space<vmem_shared>>
      %dma_start3A_46 = arith.constant 0 : i32
      %dma_start3A_47 = tpu.memref_slice %arg6[%add3A_22, %dma_start3A_46] : memref<10000x64xf32, #tpu.memory_space<vmem_shared>> -> memref<80x64xf32, #tpu.memory_space<vmem_shared>>
      tpu.enqueue_dma source(%arg9 : memref<80x64xf32, #tpu.memory_space<vmem>>) target(%dma_start3A_47 : memref<80x64xf32, #tpu.memory_space<vmem_shared>>) target_semaphore(%run_scoped3A : memref<!tpu.dma_semaphore, #tpu.memory_space<semaphore_mem>>)
      %dma_wait3A = arith.constant 0 : i32
      %dma_wait3A_48 = tpu.memref_slice %arg6[%add3A_22, %dma_wait3A] : memref<10000x64xf32, #tpu.memory_space<vmem_shared>> -> memref<80x64xf32, #tpu.memory_space<vmem_shared>>
      %dma_wait3A_49 = arith.constant 0 : i32
      %dma_wait3A_50 = tpu.memref_slice %arg6[%add3A_22, %dma_wait3A_49] : memref<10000x64xf32, #tpu.memory_space<vmem_shared>> -> memref<80x64xf32, #tpu.memory_space<vmem_shared>>
      tpu.wait_dma2 semaphore(%run_scoped3A : memref<!tpu.dma_semaphore, #tpu.memory_space<semaphore_mem>>) src(%arg9 : memref<80x64xf32, #tpu.memory_space<vmem>>) dst(%dma_wait3A_50 : memref<80x64xf32, #tpu.memory_space<vmem_shared>>)
      tpu.yield
    }) : () -> ()
    %add3A_23 = arith.constant 400 : i32
    %add3A_24 = arith.addi %mul3A_2, %add3A_23 : i32
    "tpu.region"() ({
      %run_scoped3A = tpu.sem_alloc : memref<!tpu.dma_semaphore, #tpu.memory_space<semaphore_mem>>
      %dma_start3A = arith.constant 0 : i32
      %dma_start3A_45 = tpu.memref_slice %arg6[%add3A_24, %dma_start3A] : memref<10000x64xf32, #tpu.memory_space<vmem_shared>> -> memref<80x64xf32, #tpu.memory_space<vmem_shared>>
      %dma_start3A_46 = arith.constant 0 : i32
      %dma_start3A_47 = tpu.memref_slice %arg6[%add3A_24, %dma_start3A_46] : memref<10000x64xf32, #tpu.memory_space<vmem_shared>> -> memref<80x64xf32, #tpu.memory_space<vmem_shared>>
      tpu.enqueue_dma source(%arg9 : memref<80x64xf32, #tpu.memory_space<vmem>>) target(%dma_start3A_47 : memref<80x64xf32, #tpu.memory_space<vmem_shared>>) target_semaphore(%run_scoped3A : memref<!tpu.dma_semaphore, #tpu.memory_space<semaphore_mem>>)
      %dma_wait3A = arith.constant 0 : i32
      %dma_wait3A_48 = tpu.memref_slice %arg6[%add3A_24, %dma_wait3A] : memref<10000x64xf32, #tpu.memory_space<vmem_shared>> -> memref<80x64xf32, #tpu.memory_space<vmem_shared>>
      %dma_wait3A_49 = arith.constant 0 : i32
      %dma_wait3A_50 = tpu.memref_slice %arg6[%add3A_24, %dma_wait3A_49] : memref<10000x64xf32, #tpu.memory_space<vmem_shared>> -> memref<80x64xf32, #tpu.memory_space<vmem_shared>>
      tpu.wait_dma2 semaphore(%run_scoped3A : memref<!tpu.dma_semaphore, #tpu.memory_space<semaphore_mem>>) src(%arg9 : memref<80x64xf32, #tpu.memory_space<vmem>>) dst(%dma_wait3A_50 : memref<80x64xf32, #tpu.memory_space<vmem_shared>>)
      tpu.yield
    }) : () -> ()
    %add3A_25 = arith.constant 480 : i32
    %add3A_26 = arith.addi %mul3A_2, %add3A_25 : i32
    "tpu.region"() ({
      %run_scoped3A = tpu.sem_alloc : memref<!tpu.dma_semaphore, #tpu.memory_space<semaphore_mem>>
      %dma_start3A = arith.constant 0 : i32
      %dma_start3A_45 = tpu.memref_slice %arg6[%add3A_26, %dma_start3A] : memref<10000x64xf32, #tpu.memory_space<vmem_shared>> -> memref<80x64xf32, #tpu.memory_space<vmem_shared>>
      %dma_start3A_46 = arith.constant 0 : i32
      %dma_start3A_47 = tpu.memref_slice %arg6[%add3A_26, %dma_start3A_46] : memref<10000x64xf32, #tpu.memory_space<vmem_shared>> -> memref<80x64xf32, #tpu.memory_space<vmem_shared>>
      tpu.enqueue_dma source(%arg9 : memref<80x64xf32, #tpu.memory_space<vmem>>) target(%dma_start3A_47 : memref<80x64xf32, #tpu.memory_space<vmem_shared>>) target_semaphore(%run_scoped3A : memref<!tpu.dma_semaphore, #tpu.memory_space<semaphore_mem>>)
      %dma_wait3A = arith.constant 0 : i32
      %dma_wait3A_48 = tpu.memref_slice %arg6[%add3A_26, %dma_wait3A] : memref<10000x64xf32, #tpu.memory_space<vmem_shared>> -> memref<80x64xf32, #tpu.memory_space<vmem_shared>>
      %dma_wait3A_49 = arith.constant 0 : i32
      %dma_wait3A_50 = tpu.memref_slice %arg6[%add3A_26, %dma_wait3A_49] : memref<10000x64xf32, #tpu.memory_space<vmem_shared>> -> memref<80x64xf32, #tpu.memory_space<vmem_shared>>
      tpu.wait_dma2 semaphore(%run_scoped3A : memref<!tpu.dma_semaphore, #tpu.memory_space<semaphore_mem>>) src(%arg9 : memref<80x64xf32, #tpu.memory_space<vmem>>) dst(%dma_wait3A_50 : memref<80x64xf32, #tpu.memory_space<vmem_shared>>)
      tpu.yield
    }) : () -> ()
    %add3A_27 = arith.constant 560 : i32
    %add3A_28 = arith.addi %mul3A_2, %add3A_27 : i32
    "tpu.region"() ({
      %run_scoped3A = tpu.sem_alloc : memref<!tpu.dma_semaphore, #tpu.memory_space<semaphore_mem>>
      %dma_start3A = arith.constant 0 : i32
      %dma_start3A_45 = arith.constant 0 : i32
      %dma_start3A_46 = tpu.memref_slice %arg9[%dma_start3A, %dma_start3A_45] : memref<80x64xf32, #tpu.memory_space<vmem>> -> memref<65x64xf32, #tpu.memory_space<vmem>>
      %dma_start3A_47 = arith.constant 0 : i32
      %dma_start3A_48 = tpu.memref_slice %arg6[%add3A_28, %dma_start3A_47] : memref<10000x64xf32, #tpu.memory_space<vmem_shared>> -> memref<65x64xf32, #tpu.memory_space<vmem_shared>>
      %dma_start3A_49 = arith.constant 0 : i32
      %dma_start3A_50 = tpu.memref_slice %arg6[%add3A_28, %dma_start3A_49] : memref<10000x64xf32, #tpu.memory_space<vmem_shared>> -> memref<65x64xf32, #tpu.memory_space<vmem_shared>>
      %dma_start3A_51 = arith.constant 0 : i32
      %dma_start3A_52 = arith.constant 0 : i32
      %dma_start3A_53 = tpu.memref_slice %arg9[%dma_start3A_51, %dma_start3A_52] : memref<80x64xf32, #tpu.memory_space<vmem>> -> memref<65x64xf32, #tpu.memory_space<vmem>>
      tpu.enqueue_dma source(%dma_start3A_53 : memref<65x64xf32, #tpu.memory_space<vmem>>) target(%dma_start3A_50 : memref<65x64xf32, #tpu.memory_space<vmem_shared>>) target_semaphore(%run_scoped3A : memref<!tpu.dma_semaphore, #tpu.memory_space<semaphore_mem>>)
      %dma_wait3A = arith.constant 0 : i32
      %dma_wait3A_54 = arith.constant 0 : i32
      %dma_wait3A_55 = tpu.memref_slice %arg9[%dma_wait3A, %dma_wait3A_54] : memref<80x64xf32, #tpu.memory_space<vmem>> -> memref<65x64xf32, #tpu.memory_space<vmem>>
      %dma_wait3A_56 = arith.constant 0 : i32
      %dma_wait3A_57 = tpu.memref_slice %arg6[%add3A_28, %dma_wait3A_56] : memref<10000x64xf32, #tpu.memory_space<vmem_shared>> -> memref<65x64xf32, #tpu.memory_space<vmem_shared>>
      %dma_wait3A_58 = arith.constant 0 : i32
      %dma_wait3A_59 = tpu.memref_slice %arg6[%add3A_28, %dma_wait3A_58] : memref<10000x64xf32, #tpu.memory_space<vmem_shared>> -> memref<65x64xf32, #tpu.memory_space<vmem_shared>>
      %dma_wait3A_60 = arith.constant 0 : i32
      %dma_wait3A_61 = arith.constant 0 : i32
      %dma_wait3A_62 = tpu.memref_slice %arg9[%dma_wait3A_60, %dma_wait3A_61] : memref<80x64xf32, #tpu.memory_space<vmem>> -> memref<65x64xf32, #tpu.memory_space<vmem>>
      tpu.wait_dma2 semaphore(%run_scoped3A : memref<!tpu.dma_semaphore, #tpu.memory_space<semaphore_mem>>) src(%dma_wait3A_62 : memref<65x64xf32, #tpu.memory_space<vmem>>) dst(%dma_wait3A_59 : memref<65x64xf32, #tpu.memory_space<vmem_shared>>)
      tpu.yield
    }) : () -> ()
    %barrier3A = arith.constant 0 : index
    tpu.barrier barrier_id(%barrier3A)
    %mul3A_29 = arith.constant 125 : i32
    %mul3A_30 = arith.muli %add3A, %mul3A_29 : i32
    "tpu.region"() ({
      %run_scoped3A = tpu.sem_alloc : memref<!tpu.dma_semaphore, #tpu.memory_space<semaphore_mem>>
      %dma_start3A = arith.constant 0 : i32
      %dma_start3A_45 = tpu.memref_slice %arg2[%mul3A_30, %dma_start3A] : memref<4000x80xi32, #tpu.memory_space<hbm>> -> memref<125x80xi32, #tpu.memory_space<hbm>>
      %dma_start3A_46 = arith.constant 0 : i32
      %dma_start3A_47 = tpu.memref_slice %arg2[%mul3A_30, %dma_start3A_46] : memref<4000x80xi32, #tpu.memory_space<hbm>> -> memref<125x80xi32, #tpu.memory_space<hbm>>
      tpu.enqueue_dma source(%dma_start3A_47 : memref<125x80xi32, #tpu.memory_space<hbm>>) target(%arg7 : memref<125x80xi32, #tpu.memory_space<vmem>>) target_semaphore(%run_scoped3A : memref<!tpu.dma_semaphore, #tpu.memory_space<semaphore_mem>>)
      %dma_wait3A = arith.constant 0 : i32
      %dma_wait3A_48 = tpu.memref_slice %arg2[%mul3A_30, %dma_wait3A] : memref<4000x80xi32, #tpu.memory_space<hbm>> -> memref<125x80xi32, #tpu.memory_space<hbm>>
      %dma_wait3A_49 = arith.constant 0 : i32
      %dma_wait3A_50 = tpu.memref_slice %arg2[%mul3A_30, %dma_wait3A_49] : memref<4000x80xi32, #tpu.memory_space<hbm>> -> memref<125x80xi32, #tpu.memory_space<hbm>>
      tpu.wait_dma2 semaphore(%run_scoped3A : memref<!tpu.dma_semaphore, #tpu.memory_space<semaphore_mem>>) src(%dma_wait3A_50 : memref<125x80xi32, #tpu.memory_space<hbm>>) dst(%arg7 : memref<125x80xi32, #tpu.memory_space<vmem>>)
      tpu.yield
    }) : () -> ()
    %mul3A_31 = arith.constant 125 : i32
    %mul3A_32 = arith.muli %add3A, %mul3A_31 : i32
    "tpu.region"() ({
      %run_scoped3A = tpu.sem_alloc : memref<!tpu.dma_semaphore, #tpu.memory_space<semaphore_mem>>
      %dma_start3A = arith.constant 0 : i32
      %dma_start3A_45 = tpu.memref_slice %arg3[%mul3A_32, %dma_start3A] : memref<4000x80xi32, #tpu.memory_space<hbm>> -> memref<125x80xi32, #tpu.memory_space<hbm>>
      %dma_start3A_46 = arith.constant 0 : i32
      %dma_start3A_47 = tpu.memref_slice %arg3[%mul3A_32, %dma_start3A_46] : memref<4000x80xi32, #tpu.memory_space<hbm>> -> memref<125x80xi32, #tpu.memory_space<hbm>>
      tpu.enqueue_dma source(%dma_start3A_47 : memref<125x80xi32, #tpu.memory_space<hbm>>) target(%arg8 : memref<125x80xi32, #tpu.memory_space<vmem>>) target_semaphore(%run_scoped3A : memref<!tpu.dma_semaphore, #tpu.memory_space<semaphore_mem>>)
      %dma_wait3A = arith.constant 0 : i32
      %dma_wait3A_48 = tpu.memref_slice %arg3[%mul3A_32, %dma_wait3A] : memref<4000x80xi32, #tpu.memory_space<hbm>> -> memref<125x80xi32, #tpu.memory_space<hbm>>
      %dma_wait3A_49 = arith.constant 0 : i32
      %dma_wait3A_50 = tpu.memref_slice %arg3[%mul3A_32, %dma_wait3A_49] : memref<4000x80xi32, #tpu.memory_space<hbm>> -> memref<125x80xi32, #tpu.memory_space<hbm>>
      tpu.wait_dma2 semaphore(%run_scoped3A : memref<!tpu.dma_semaphore, #tpu.memory_space<semaphore_mem>>) src(%dma_wait3A_50 : memref<125x80xi32, #tpu.memory_space<hbm>>) dst(%arg8 : memref<125x80xi32, #tpu.memory_space<vmem>>)
      tpu.yield
    }) : () -> ()
    %while3A_33 = arith.constant 0 : i32
    %while3A_34 = arith.constant 0 : i32
    %while3A_35 = arith.constant 27 : i32
    %while3A_36 = arith.subi %while3A_35, %while3A_34 : i32
    %while3A_37 = arith.addi %while3A_34, %while3A_36 : i32
    %while3A_38 = arith.constant 1 : i32
    %while3A_39 = arith.divsi %while3A_36, %while3A_38 : i32
    %while3A_40 = arith.muli %while3A_39, %while3A_38 : i32
    %while3A_41 = arith.addi %while3A_34, %while3A_40 : i32
    %while3A_42 = arith.constant 1 : i32
    scf.for %while3A_45 = %while3A_34 to %while3A_41 step %while3A_42  : i32 {
      %mul3A_46 = arith.constant 5 : i32
      %mul3A_47 = arith.muli %while3A_45, %mul3A_46 : i32
      %add3A_48 = arith.constant 0 : i32
      %add3A_49 = arith.addi %mul3A_47, %add3A_48 : i32
      %gt3A = arith.constant 0 : i32
      %gt3A_50 = arith.cmpi sgt, %while3A_45, %gt3A : i32
      %lt3A = arith.constant 130 : i32
      %lt3A_51 = arith.cmpi slt, %add3A_49, %lt3A : i32
      %and3A = arith.andi %gt3A_50, %lt3A_51 : i1
      %convert_element_type3A = arith.extui %and3A : i1 to i32
      %cond3A = arith.constant 0 : i32
      %cond3A_52 = arith.cmpi ne, %convert_element_type3A, %cond3A : i32
      scf.if %cond3A_52 {
        %dma_wait3A = arith.constant 0 : i32
        %dma_wait3A_174 = arith.constant 0 : i32
        %dma_wait3A_175 = tpu.memref_slice %arg8[%dma_wait3A, %dma_wait3A_174] : memref<125x80xi32, #tpu.memory_space<vmem>> -> memref<1x80xi32, #tpu.memory_space<vmem>>
        %dma_wait3A_176 = tpu.memref_squeeze %dma_wait3A_175 : memref<1x80xi32, #tpu.memory_space<vmem>> -> memref<80xi32, #tpu.memory_space<vmem>>
        %dma_wait3A_177 = arith.constant 0 : i32
        %dma_wait3A_178 = arith.constant 0 : i32
        %dma_wait3A_179 = tpu.memref_slice %arg6[%dma_wait3A_177, %dma_wait3A_178] : memref<10000x64xf32, #tpu.memory_space<vmem_shared>> -> memref<10000x64xf32, #tpu.memory_space<vmem_shared>>
        tpu.wait_indirect_dma semaphore(%arg19 : memref<!tpu.dma_semaphore, #tpu.memory_space<semaphore_mem>>) src(%arg9 : memref<80x64xf32, #tpu.memory_space<vmem>>) dst(%dma_wait3A_179 : memref<10000x64xf32, #tpu.memory_space<vmem_shared>>)
      } else {
      }
      %lt3A_53 = arith.constant 125 : i32
      %lt3A_54 = arith.cmpi slt, %add3A_49, %lt3A_53 : i32
      %convert_element_type3A_55 = arith.extui %lt3A_54 : i1 to i32
      %cond3A_56 = arith.constant 0 : i32
      %cond3A_57 = arith.cmpi ne, %convert_element_type3A_55, %cond3A_56 : i32
      scf.if %cond3A_57 {
        %dma_start3A = arith.constant 0 : i32
        %dma_start3A_174 = tpu.memref_slice %arg7[%add3A_49, %dma_start3A] : memref<125x80xi32, #tpu.memory_space<vmem>> -> memref<1x80xi32, #tpu.memory_space<vmem>>
        %dma_start3A_175 = tpu.memref_squeeze %dma_start3A_174 : memref<1x80xi32, #tpu.memory_space<vmem>> -> memref<80xi32, #tpu.memory_space<vmem>>
        %dma_start3A_176 = arith.constant 0 : i32
        %dma_start3A_177 = arith.constant 0 : i32
        %dma_start3A_178 = tpu.memref_slice %arg4[%dma_start3A_176, %dma_start3A_177] : memref<10000x64xf32, #tpu.memory_space<hbm>> -> memref<10000x64xf32, #tpu.memory_space<hbm>>
        tpu.enqueue_indirect_dma source(%dma_start3A_178 : memref<10000x64xf32, #tpu.memory_space<hbm>>) target(%arg9 : memref<80x64xf32, #tpu.memory_space<vmem>>) offsets(%dma_start3A_175 : memref<80xi32, #tpu.memory_space<vmem>>) semaphore(%arg14 : memref<!tpu.dma_semaphore, #tpu.memory_space<semaphore_mem>>)
      } else {
      }
      %sub3A = arith.constant 2 : i32
      %sub3A_58 = arith.subi %add3A_49, %sub3A : i32
      %ge3A = arith.constant 0 : i32
      %ge3A_59 = arith.cmpi sge, %sub3A_58, %ge3A : i32
      %lt3A_60 = arith.constant 125 : i32
      %lt3A_61 = arith.cmpi slt, %sub3A_58, %lt3A_60 : i32
      %and3A_62 = arith.andi %ge3A_59, %lt3A_61 : i1
      %convert_element_type3A_63 = arith.extui %and3A_62 : i1 to i32
      %cond3A_64 = arith.constant 0 : i32
      %cond3A_65 = arith.cmpi ne, %convert_element_type3A_63, %cond3A_64 : i32
      scf.if %cond3A_65 {
        %dma_wait3A = arith.constant 0 : i32
        %dma_wait3A_174 = arith.constant 0 : i32
        %dma_wait3A_175 = tpu.memref_slice %arg7[%dma_wait3A, %dma_wait3A_174] : memref<125x80xi32, #tpu.memory_space<vmem>> -> memref<1x80xi32, #tpu.memory_space<vmem>>
        %dma_wait3A_176 = tpu.memref_squeeze %dma_wait3A_175 : memref<1x80xi32, #tpu.memory_space<vmem>> -> memref<80xi32, #tpu.memory_space<vmem>>
        %dma_wait3A_177 = arith.constant 0 : i32
        %dma_wait3A_178 = arith.constant 0 : i32
        %dma_wait3A_179 = tpu.memref_slice %arg4[%dma_wait3A_177, %dma_wait3A_178] : memref<10000x64xf32, #tpu.memory_space<hbm>> -> memref<10000x64xf32, #tpu.memory_space<hbm>>
        tpu.wait_indirect_dma semaphore(%arg17 : memref<!tpu.dma_semaphore, #tpu.memory_space<semaphore_mem>>) src(%dma_wait3A_179 : memref<10000x64xf32, #tpu.memory_space<hbm>>) dst(%arg12 : memref<80x64xf32, #tpu.memory_space<vmem>>)
        %dma_start3A = arith.constant 0 : i32
        %dma_start3A_180 = tpu.memref_slice %arg8[%sub3A_58, %dma_start3A] : memref<125x80xi32, #tpu.memory_space<vmem>> -> memref<1x80xi32, #tpu.memory_space<vmem>>
        %dma_start3A_181 = tpu.memref_squeeze %dma_start3A_180 : memref<1x80xi32, #tpu.memory_space<vmem>> -> memref<80xi32, #tpu.memory_space<vmem>>
        %dma_start3A_182 = arith.constant 0 : i32
        %dma_start3A_183 = arith.constant 0 : i32
        %dma_start3A_184 = tpu.memref_slice %arg6[%dma_start3A_182, %dma_start3A_183] : memref<10000x64xf32, #tpu.memory_space<vmem_shared>> -> memref<10000x64xf32, #tpu.memory_space<vmem_shared>>
        tpu.enqueue_indirect_dma source(%arg12 : memref<80x64xf32, #tpu.memory_space<vmem>>) target(%dma_start3A_184 : memref<10000x64xf32, #tpu.memory_space<vmem_shared>>) offsets(%dma_start3A_181 : memref<80xi32, #tpu.memory_space<vmem>>) semaphore(%arg22 : memref<!tpu.dma_semaphore, #tpu.memory_space<semaphore_mem>>) {add = true}
      } else {
      }
      %mul3A_66 = arith.constant 5 : i32
      %mul3A_67 = arith.muli %while3A_45, %mul3A_66 : i32
      %add3A_68 = arith.constant 1 : i32
      %add3A_69 = arith.addi %mul3A_67, %add3A_68 : i32
      %gt3A_70 = arith.constant 0 : i32
      %gt3A_71 = arith.cmpi sgt, %while3A_45, %gt3A_70 : i32
      %lt3A_72 = arith.constant 130 : i32
      %lt3A_73 = arith.cmpi slt, %add3A_69, %lt3A_72 : i32
      %and3A_74 = arith.andi %gt3A_71, %lt3A_73 : i1
      %convert_element_type3A_75 = arith.extui %and3A_74 : i1 to i32
      %cond3A_76 = arith.constant 0 : i32
      %cond3A_77 = arith.cmpi ne, %convert_element_type3A_75, %cond3A_76 : i32
      scf.if %cond3A_77 {
        %dma_wait3A = arith.constant 0 : i32
        %dma_wait3A_174 = arith.constant 0 : i32
        %dma_wait3A_175 = tpu.memref_slice %arg8[%dma_wait3A, %dma_wait3A_174] : memref<125x80xi32, #tpu.memory_space<vmem>> -> memref<1x80xi32, #tpu.memory_space<vmem>>
        %dma_wait3A_176 = tpu.memref_squeeze %dma_wait3A_175 : memref<1x80xi32, #tpu.memory_space<vmem>> -> memref<80xi32, #tpu.memory_space<vmem>>
        %dma_wait3A_177 = arith.constant 0 : i32
        %dma_wait3A_178 = arith.constant 0 : i32
        %dma_wait3A_179 = tpu.memref_slice %arg6[%dma_wait3A_177, %dma_wait3A_178] : memref<10000x64xf32, #tpu.memory_space<vmem_shared>> -> memref<10000x64xf32, #tpu.memory_space<vmem_shared>>
        tpu.wait_indirect_dma semaphore(%arg20 : memref<!tpu.dma_semaphore, #tpu.memory_space<semaphore_mem>>) src(%arg10 : memref<80x64xf32, #tpu.memory_space<vmem>>) dst(%dma_wait3A_179 : memref<10000x64xf32, #tpu.memory_space<vmem_shared>>)
      } else {
      }
      %lt3A_78 = arith.constant 125 : i32
      %lt3A_79 = arith.cmpi slt, %add3A_69, %lt3A_78 : i32
      %convert_element_type3A_80 = arith.extui %lt3A_79 : i1 to i32
      %cond3A_81 = arith.constant 0 : i32
      %cond3A_82 = arith.cmpi ne, %convert_element_type3A_80, %cond3A_81 : i32
      scf.if %cond3A_82 {
        %dma_start3A = arith.constant 0 : i32
        %dma_start3A_174 = tpu.memref_slice %arg7[%add3A_69, %dma_start3A] : memref<125x80xi32, #tpu.memory_space<vmem>> -> memref<1x80xi32, #tpu.memory_space<vmem>>
        %dma_start3A_175 = tpu.memref_squeeze %dma_start3A_174 : memref<1x80xi32, #tpu.memory_space<vmem>> -> memref<80xi32, #tpu.memory_space<vmem>>
        %dma_start3A_176 = arith.constant 0 : i32
        %dma_start3A_177 = arith.constant 0 : i32
        %dma_start3A_178 = tpu.memref_slice %arg4[%dma_start3A_176, %dma_start3A_177] : memref<10000x64xf32, #tpu.memory_space<hbm>> -> memref<10000x64xf32, #tpu.memory_space<hbm>>
        tpu.enqueue_indirect_dma source(%dma_start3A_178 : memref<10000x64xf32, #tpu.memory_space<hbm>>) target(%arg10 : memref<80x64xf32, #tpu.memory_space<vmem>>) offsets(%dma_start3A_175 : memref<80xi32, #tpu.memory_space<vmem>>) semaphore(%arg15 : memref<!tpu.dma_semaphore, #tpu.memory_space<semaphore_mem>>)
      } else {
      }
      %sub3A_83 = arith.constant 2 : i32
      %sub3A_84 = arith.subi %add3A_69, %sub3A_83 : i32
      %ge3A_85 = arith.constant 0 : i32
      %ge3A_86 = arith.cmpi sge, %sub3A_84, %ge3A_85 : i32
      %lt3A_87 = arith.constant 125 : i32
      %lt3A_88 = arith.cmpi slt, %sub3A_84, %lt3A_87 : i32
      %and3A_89 = arith.andi %ge3A_86, %lt3A_88 : i1
      %convert_element_type3A_90 = arith.extui %and3A_89 : i1 to i32
      %cond3A_91 = arith.constant 0 : i32
      %cond3A_92 = arith.cmpi ne, %convert_element_type3A_90, %cond3A_91 : i32
      scf.if %cond3A_92 {
        %dma_wait3A = arith.constant 0 : i32
        %dma_wait3A_174 = arith.constant 0 : i32
        %dma_wait3A_175 = tpu.memref_slice %arg7[%dma_wait3A, %dma_wait3A_174] : memref<125x80xi32, #tpu.memory_space<vmem>> -> memref<1x80xi32, #tpu.memory_space<vmem>>
        %dma_wait3A_176 = tpu.memref_squeeze %dma_wait3A_175 : memref<1x80xi32, #tpu.memory_space<vmem>> -> memref<80xi32, #tpu.memory_space<vmem>>
        %dma_wait3A_177 = arith.constant 0 : i32
        %dma_wait3A_178 = arith.constant 0 : i32
        %dma_wait3A_179 = tpu.memref_slice %arg4[%dma_wait3A_177, %dma_wait3A_178] : memref<10000x64xf32, #tpu.memory_space<hbm>> -> memref<10000x64xf32, #tpu.memory_space<hbm>>
        tpu.wait_indirect_dma semaphore(%arg18 : memref<!tpu.dma_semaphore, #tpu.memory_space<semaphore_mem>>) src(%dma_wait3A_179 : memref<10000x64xf32, #tpu.memory_space<hbm>>) dst(%arg13 : memref<80x64xf32, #tpu.memory_space<vmem>>)
        %dma_start3A = arith.constant 0 : i32
        %dma_start3A_180 = tpu.memref_slice %arg8[%sub3A_84, %dma_start3A] : memref<125x80xi32, #tpu.memory_space<vmem>> -> memref<1x80xi32, #tpu.memory_space<vmem>>
        %dma_start3A_181 = tpu.memref_squeeze %dma_start3A_180 : memref<1x80xi32, #tpu.memory_space<vmem>> -> memref<80xi32, #tpu.memory_space<vmem>>
        %dma_start3A_182 = arith.constant 0 : i32
        %dma_start3A_183 = arith.constant 0 : i32
        %dma_start3A_184 = tpu.memref_slice %arg6[%dma_start3A_182, %dma_start3A_183] : memref<10000x64xf32, #tpu.memory_space<vmem_shared>> -> memref<10000x64xf32, #tpu.memory_space<vmem_shared>>
        tpu.enqueue_indirect_dma source(%arg13 : memref<80x64xf32, #tpu.memory_space<vmem>>) target(%dma_start3A_184 : memref<10000x64xf32, #tpu.memory_space<vmem_shared>>) offsets(%dma_start3A_181 : memref<80xi32, #tpu.memory_space<vmem>>) semaphore(%arg23 : memref<!tpu.dma_semaphore, #tpu.memory_space<semaphore_mem>>) {add = true}
      } else {
      }
      %mul3A_93 = arith.constant 5 : i32
      %mul3A_94 = arith.muli %while3A_45, %mul3A_93 : i32
      %add3A_95 = arith.constant 2 : i32
      %add3A_96 = arith.addi %mul3A_94, %add3A_95 : i32
      %gt3A_97 = arith.constant 0 : i32
      %gt3A_98 = arith.cmpi sgt, %while3A_45, %gt3A_97 : i32
      %lt3A_99 = arith.constant 130 : i32
      %lt3A_100 = arith.cmpi slt, %add3A_96, %lt3A_99 : i32
      %and3A_101 = arith.andi %gt3A_98, %lt3A_100 : i1
      %convert_element_type3A_102 = arith.extui %and3A_101 : i1 to i32
      %cond3A_103 = arith.constant 0 : i32
      %cond3A_104 = arith.cmpi ne, %convert_element_type3A_102, %cond3A_103 : i32
      scf.if %cond3A_104 {
        %dma_wait3A = arith.constant 0 : i32
        %dma_wait3A_174 = arith.constant 0 : i32
        %dma_wait3A_175 = tpu.memref_slice %arg8[%dma_wait3A, %dma_wait3A_174] : memref<125x80xi32, #tpu.memory_space<vmem>> -> memref<1x80xi32, #tpu.memory_space<vmem>>
        %dma_wait3A_176 = tpu.memref_squeeze %dma_wait3A_175 : memref<1x80xi32, #tpu.memory_space<vmem>> -> memref<80xi32, #tpu.memory_space<vmem>>
        %dma_wait3A_177 = arith.constant 0 : i32
        %dma_wait3A_178 = arith.constant 0 : i32
        %dma_wait3A_179 = tpu.memref_slice %arg6[%dma_wait3A_177, %dma_wait3A_178] : memref<10000x64xf32, #tpu.memory_space<vmem_shared>> -> memref<10000x64xf32, #tpu.memory_space<vmem_shared>>
        tpu.wait_indirect_dma semaphore(%arg21 : memref<!tpu.dma_semaphore, #tpu.memory_space<semaphore_mem>>) src(%arg11 : memref<80x64xf32, #tpu.memory_space<vmem>>) dst(%dma_wait3A_179 : memref<10000x64xf32, #tpu.memory_space<vmem_shared>>)
      } else {
      }
      %lt3A_105 = arith.constant 125 : i32
      %lt3A_106 = arith.cmpi slt, %add3A_96, %lt3A_105 : i32
      %convert_element_type3A_107 = arith.extui %lt3A_106 : i1 to i32
      %cond3A_108 = arith.constant 0 : i32
      %cond3A_109 = arith.cmpi ne, %convert_element_type3A_107, %cond3A_108 : i32
      scf.if %cond3A_109 {
        %dma_start3A = arith.constant 0 : i32
        %dma_start3A_174 = tpu.memref_slice %arg7[%add3A_96, %dma_start3A] : memref<125x80xi32, #tpu.memory_space<vmem>> -> memref<1x80xi32, #tpu.memory_space<vmem>>
        %dma_start3A_175 = tpu.memref_squeeze %dma_start3A_174 : memref<1x80xi32, #tpu.memory_space<vmem>> -> memref<80xi32, #tpu.memory_space<vmem>>
        %dma_start3A_176 = arith.constant 0 : i32
        %dma_start3A_177 = arith.constant 0 : i32
        %dma_start3A_178 = tpu.memref_slice %arg4[%dma_start3A_176, %dma_start3A_177] : memref<10000x64xf32, #tpu.memory_space<hbm>> -> memref<10000x64xf32, #tpu.memory_space<hbm>>
        tpu.enqueue_indirect_dma source(%dma_start3A_178 : memref<10000x64xf32, #tpu.memory_space<hbm>>) target(%arg11 : memref<80x64xf32, #tpu.memory_space<vmem>>) offsets(%dma_start3A_175 : memref<80xi32, #tpu.memory_space<vmem>>) semaphore(%arg16 : memref<!tpu.dma_semaphore, #tpu.memory_space<semaphore_mem>>)
      } else {
      }
      %sub3A_110 = arith.constant 2 : i32
      %sub3A_111 = arith.subi %add3A_96, %sub3A_110 : i32
      %ge3A_112 = arith.constant 0 : i32
      %ge3A_113 = arith.cmpi sge, %sub3A_111, %ge3A_112 : i32
      %lt3A_114 = arith.constant 125 : i32
      %lt3A_115 = arith.cmpi slt, %sub3A_111, %lt3A_114 : i32
      %and3A_116 = arith.andi %ge3A_113, %lt3A_115 : i1
      %convert_element_type3A_117 = arith.extui %and3A_116 : i1 to i32
      %cond3A_118 = arith.constant 0 : i32
      %cond3A_119 = arith.cmpi ne, %convert_element_type3A_117, %cond3A_118 : i32
      scf.if %cond3A_119 {
        %dma_wait3A = arith.constant 0 : i32
        %dma_wait3A_174 = arith.constant 0 : i32
        %dma_wait3A_175 = tpu.memref_slice %arg7[%dma_wait3A, %dma_wait3A_174] : memref<125x80xi32, #tpu.memory_space<vmem>> -> memref<1x80xi32, #tpu.memory_space<vmem>>
        %dma_wait3A_176 = tpu.memref_squeeze %dma_wait3A_175 : memref<1x80xi32, #tpu.memory_space<vmem>> -> memref<80xi32, #tpu.memory_space<vmem>>
        %dma_wait3A_177 = arith.constant 0 : i32
        %dma_wait3A_178 = arith.constant 0 : i32
        %dma_wait3A_179 = tpu.memref_slice %arg4[%dma_wait3A_177, %dma_wait3A_178] : memref<10000x64xf32, #tpu.memory_space<hbm>> -> memref<10000x64xf32, #tpu.memory_space<hbm>>
        tpu.wait_indirect_dma semaphore(%arg14 : memref<!tpu.dma_semaphore, #tpu.memory_space<semaphore_mem>>) src(%dma_wait3A_179 : memref<10000x64xf32, #tpu.memory_space<hbm>>) dst(%arg9 : memref<80x64xf32, #tpu.memory_space<vmem>>)
        %dma_start3A = arith.constant 0 : i32
        %dma_start3A_180 = tpu.memref_slice %arg8[%sub3A_111, %dma_start3A] : memref<125x80xi32, #tpu.memory_space<vmem>> -> memref<1x80xi32, #tpu.memory_space<vmem>>
        %dma_start3A_181 = tpu.memref_squeeze %dma_start3A_180 : memref<1x80xi32, #tpu.memory_space<vmem>> -> memref<80xi32, #tpu.memory_space<vmem>>
        %dma_start3A_182 = arith.constant 0 : i32
        %dma_start3A_183 = arith.constant 0 : i32
        %dma_start3A_184 = tpu.memref_slice %arg6[%dma_start3A_182, %dma_start3A_183] : memref<10000x64xf32, #tpu.memory_space<vmem_shared>> -> memref<10000x64xf32, #tpu.memory_space<vmem_shared>>
        tpu.enqueue_indirect_dma source(%arg9 : memref<80x64xf32, #tpu.memory_space<vmem>>) target(%dma_start3A_184 : memref<10000x64xf32, #tpu.memory_space<vmem_shared>>) offsets(%dma_start3A_181 : memref<80xi32, #tpu.memory_space<vmem>>) semaphore(%arg19 : memref<!tpu.dma_semaphore, #tpu.memory_space<semaphore_mem>>) {add = true}
      } else {
      }
      %mul3A_120 = arith.constant 5 : i32
      %mul3A_121 = arith.muli %while3A_45, %mul3A_120 : i32
      %add3A_122 = arith.constant 3 : i32
      %add3A_123 = arith.addi %mul3A_121, %add3A_122 : i32
      %gt3A_124 = arith.constant 0 : i32
      %gt3A_125 = arith.cmpi sgt, %while3A_45, %gt3A_124 : i32
      %lt3A_126 = arith.constant 130 : i32
      %lt3A_127 = arith.cmpi slt, %add3A_123, %lt3A_126 : i32
      %and3A_128 = arith.andi %gt3A_125, %lt3A_127 : i1
      %convert_element_type3A_129 = arith.extui %and3A_128 : i1 to i32
      %cond3A_130 = arith.constant 0 : i32
      %cond3A_131 = arith.cmpi ne, %convert_element_type3A_129, %cond3A_130 : i32
      scf.if %cond3A_131 {
        %dma_wait3A = arith.constant 0 : i32
        %dma_wait3A_174 = arith.constant 0 : i32
        %dma_wait3A_175 = tpu.memref_slice %arg8[%dma_wait3A, %dma_wait3A_174] : memref<125x80xi32, #tpu.memory_space<vmem>> -> memref<1x80xi32, #tpu.memory_space<vmem>>
        %dma_wait3A_176 = tpu.memref_squeeze %dma_wait3A_175 : memref<1x80xi32, #tpu.memory_space<vmem>> -> memref<80xi32, #tpu.memory_space<vmem>>
        %dma_wait3A_177 = arith.constant 0 : i32
        %dma_wait3A_178 = arith.constant 0 : i32
        %dma_wait3A_179 = tpu.memref_slice %arg6[%dma_wait3A_177, %dma_wait3A_178] : memref<10000x64xf32, #tpu.memory_space<vmem_shared>> -> memref<10000x64xf32, #tpu.memory_space<vmem_shared>>
        tpu.wait_indirect_dma semaphore(%arg22 : memref<!tpu.dma_semaphore, #tpu.memory_space<semaphore_mem>>) src(%arg12 : memref<80x64xf32, #tpu.memory_space<vmem>>) dst(%dma_wait3A_179 : memref<10000x64xf32, #tpu.memory_space<vmem_shared>>)
      } else {
      }
      %lt3A_132 = arith.constant 125 : i32
      %lt3A_133 = arith.cmpi slt, %add3A_123, %lt3A_132 : i32
      %convert_element_type3A_134 = arith.extui %lt3A_133 : i1 to i32
      %cond3A_135 = arith.constant 0 : i32
      %cond3A_136 = arith.cmpi ne, %convert_element_type3A_134, %cond3A_135 : i32
      scf.if %cond3A_136 {
        %dma_start3A = arith.constant 0 : i32
        %dma_start3A_174 = tpu.memref_slice %arg7[%add3A_123, %dma_start3A] : memref<125x80xi32, #tpu.memory_space<vmem>> -> memref<1x80xi32, #tpu.memory_space<vmem>>
        %dma_start3A_175 = tpu.memref_squeeze %dma_start3A_174 : memref<1x80xi32, #tpu.memory_space<vmem>> -> memref<80xi32, #tpu.memory_space<vmem>>
        %dma_start3A_176 = arith.constant 0 : i32
        %dma_start3A_177 = arith.constant 0 : i32
        %dma_start3A_178 = tpu.memref_slice %arg4[%dma_start3A_176, %dma_start3A_177] : memref<10000x64xf32, #tpu.memory_space<hbm>> -> memref<10000x64xf32, #tpu.memory_space<hbm>>
        tpu.enqueue_indirect_dma source(%dma_start3A_178 : memref<10000x64xf32, #tpu.memory_space<hbm>>) target(%arg12 : memref<80x64xf32, #tpu.memory_space<vmem>>) offsets(%dma_start3A_175 : memref<80xi32, #tpu.memory_space<vmem>>) semaphore(%arg17 : memref<!tpu.dma_semaphore, #tpu.memory_space<semaphore_mem>>)
      } else {
      }
      %sub3A_137 = arith.constant 2 : i32
      %sub3A_138 = arith.subi %add3A_123, %sub3A_137 : i32
      %ge3A_139 = arith.constant 0 : i32
      %ge3A_140 = arith.cmpi sge, %sub3A_138, %ge3A_139 : i32
      %lt3A_141 = arith.constant 125 : i32
      %lt3A_142 = arith.cmpi slt, %sub3A_138, %lt3A_141 : i32
      %and3A_143 = arith.andi %ge3A_140, %lt3A_142 : i1
      %convert_element_type3A_144 = arith.extui %and3A_143 : i1 to i32
      %cond3A_145 = arith.constant 0 : i32
      %cond3A_146 = arith.cmpi ne, %convert_element_type3A_144, %cond3A_145 : i32
      scf.if %cond3A_146 {
        %dma_wait3A = arith.constant 0 : i32
        %dma_wait3A_174 = arith.constant 0 : i32
        %dma_wait3A_175 = tpu.memref_slice %arg7[%dma_wait3A, %dma_wait3A_174] : memref<125x80xi32, #tpu.memory_space<vmem>> -> memref<1x80xi32, #tpu.memory_space<vmem>>
        %dma_wait3A_176 = tpu.memref_squeeze %dma_wait3A_175 : memref<1x80xi32, #tpu.memory_space<vmem>> -> memref<80xi32, #tpu.memory_space<vmem>>
        %dma_wait3A_177 = arith.constant 0 : i32
        %dma_wait3A_178 = arith.constant 0 : i32
        %dma_wait3A_179 = tpu.memref_slice %arg4[%dma_wait3A_177, %dma_wait3A_178] : memref<10000x64xf32, #tpu.memory_space<hbm>> -> memref<10000x64xf32, #tpu.memory_space<hbm>>
        tpu.wait_indirect_dma semaphore(%arg15 : memref<!tpu.dma_semaphore, #tpu.memory_space<semaphore_mem>>) src(%dma_wait3A_179 : memref<10000x64xf32, #tpu.memory_space<hbm>>) dst(%arg10 : memref<80x64xf32, #tpu.memory_space<vmem>>)
        %dma_start3A = arith.constant 0 : i32
        %dma_start3A_180 = tpu.memref_slice %arg8[%sub3A_138, %dma_start3A] : memref<125x80xi32, #tpu.memory_space<vmem>> -> memref<1x80xi32, #tpu.memory_space<vmem>>
        %dma_start3A_181 = tpu.memref_squeeze %dma_start3A_180 : memref<1x80xi32, #tpu.memory_space<vmem>> -> memref<80xi32, #tpu.memory_space<vmem>>
        %dma_start3A_182 = arith.constant 0 : i32
        %dma_start3A_183 = arith.constant 0 : i32
        %dma_start3A_184 = tpu.memref_slice %arg6[%dma_start3A_182, %dma_start3A_183] : memref<10000x64xf32, #tpu.memory_space<vmem_shared>> -> memref<10000x64xf32, #tpu.memory_space<vmem_shared>>
        tpu.enqueue_indirect_dma source(%arg10 : memref<80x64xf32, #tpu.memory_space<vmem>>) target(%dma_start3A_184 : memref<10000x64xf32, #tpu.memory_space<vmem_shared>>) offsets(%dma_start3A_181 : memref<80xi32, #tpu.memory_space<vmem>>) semaphore(%arg20 : memref<!tpu.dma_semaphore, #tpu.memory_space<semaphore_mem>>) {add = true}
      } else {
      }
      %mul3A_147 = arith.constant 5 : i32
      %mul3A_148 = arith.muli %while3A_45, %mul3A_147 : i32
      %add3A_149 = arith.constant 4 : i32
      %add3A_150 = arith.addi %mul3A_148, %add3A_149 : i32
      %gt3A_151 = arith.constant 0 : i32
      %gt3A_152 = arith.cmpi sgt, %while3A_45, %gt3A_151 : i32
      %lt3A_153 = arith.constant 130 : i32
      %lt3A_154 = arith.cmpi slt, %add3A_150, %lt3A_153 : i32
      %and3A_155 = arith.andi %gt3A_152, %lt3A_154 : i1
      %convert_element_type3A_156 = arith.extui %and3A_155 : i1 to i32
      %cond3A_157 = arith.constant 0 : i32
      %cond3A_158 = arith.cmpi ne, %convert_element_type3A_156, %cond3A_157 : i32
      scf.if %cond3A_158 {
        %dma_wait3A = arith.constant 0 : i32
        %dma_wait3A_174 = arith.constant 0 : i32
        %dma_wait3A_175 = tpu.memref_slice %arg8[%dma_wait3A, %dma_wait3A_174] : memref<125x80xi32, #tpu.memory_space<vmem>> -> memref<1x80xi32, #tpu.memory_space<vmem>>
        %dma_wait3A_176 = tpu.memref_squeeze %dma_wait3A_175 : memref<1x80xi32, #tpu.memory_space<vmem>> -> memref<80xi32, #tpu.memory_space<vmem>>
        %dma_wait3A_177 = arith.constant 0 : i32
        %dma_wait3A_178 = arith.constant 0 : i32
        %dma_wait3A_179 = tpu.memref_slice %arg6[%dma_wait3A_177, %dma_wait3A_178] : memref<10000x64xf32, #tpu.memory_space<vmem_shared>> -> memref<10000x64xf32, #tpu.memory_space<vmem_shared>>
        tpu.wait_indirect_dma semaphore(%arg23 : memref<!tpu.dma_semaphore, #tpu.memory_space<semaphore_mem>>) src(%arg13 : memref<80x64xf32, #tpu.memory_space<vmem>>) dst(%dma_wait3A_179 : memref<10000x64xf32, #tpu.memory_space<vmem_shared>>)
      } else {
      }
      %lt3A_159 = arith.constant 125 : i32
      %lt3A_160 = arith.cmpi slt, %add3A_150, %lt3A_159 : i32
      %convert_element_type3A_161 = arith.extui %lt3A_160 : i1 to i32
      %cond3A_162 = arith.constant 0 : i32
      %cond3A_163 = arith.cmpi ne, %convert_element_type3A_161, %cond3A_162 : i32
      scf.if %cond3A_163 {
        %dma_start3A = arith.constant 0 : i32
        %dma_start3A_174 = tpu.memref_slice %arg7[%add3A_150, %dma_start3A] : memref<125x80xi32, #tpu.memory_space<vmem>> -> memref<1x80xi32, #tpu.memory_space<vmem>>
        %dma_start3A_175 = tpu.memref_squeeze %dma_start3A_174 : memref<1x80xi32, #tpu.memory_space<vmem>> -> memref<80xi32, #tpu.memory_space<vmem>>
        %dma_start3A_176 = arith.constant 0 : i32
        %dma_start3A_177 = arith.constant 0 : i32
        %dma_start3A_178 = tpu.memref_slice %arg4[%dma_start3A_176, %dma_start3A_177] : memref<10000x64xf32, #tpu.memory_space<hbm>> -> memref<10000x64xf32, #tpu.memory_space<hbm>>
        tpu.enqueue_indirect_dma source(%dma_start3A_178 : memref<10000x64xf32, #tpu.memory_space<hbm>>) target(%arg13 : memref<80x64xf32, #tpu.memory_space<vmem>>) offsets(%dma_start3A_175 : memref<80xi32, #tpu.memory_space<vmem>>) semaphore(%arg18 : memref<!tpu.dma_semaphore, #tpu.memory_space<semaphore_mem>>)
      } else {
      }
      %sub3A_164 = arith.constant 2 : i32
      %sub3A_165 = arith.subi %add3A_150, %sub3A_164 : i32
      %ge3A_166 = arith.constant 0 : i32
      %ge3A_167 = arith.cmpi sge, %sub3A_165, %ge3A_166 : i32
      %lt3A_168 = arith.constant 125 : i32
      %lt3A_169 = arith.cmpi slt, %sub3A_165, %lt3A_168 : i32
      %and3A_170 = arith.andi %ge3A_167, %lt3A_169 : i1
      %convert_element_type3A_171 = arith.extui %and3A_170 : i1 to i32
      %cond3A_172 = arith.constant 0 : i32
      %cond3A_173 = arith.cmpi ne, %convert_element_type3A_171, %cond3A_172 : i32
      scf.if %cond3A_173 {
        %dma_wait3A = arith.constant 0 : i32
        %dma_wait3A_174 = arith.constant 0 : i32
        %dma_wait3A_175 = tpu.memref_slice %arg7[%dma_wait3A, %dma_wait3A_174] : memref<125x80xi32, #tpu.memory_space<vmem>> -> memref<1x80xi32, #tpu.memory_space<vmem>>
        %dma_wait3A_176 = tpu.memref_squeeze %dma_wait3A_175 : memref<1x80xi32, #tpu.memory_space<vmem>> -> memref<80xi32, #tpu.memory_space<vmem>>
        %dma_wait3A_177 = arith.constant 0 : i32
        %dma_wait3A_178 = arith.constant 0 : i32
        %dma_wait3A_179 = tpu.memref_slice %arg4[%dma_wait3A_177, %dma_wait3A_178] : memref<10000x64xf32, #tpu.memory_space<hbm>> -> memref<10000x64xf32, #tpu.memory_space<hbm>>
        tpu.wait_indirect_dma semaphore(%arg16 : memref<!tpu.dma_semaphore, #tpu.memory_space<semaphore_mem>>) src(%dma_wait3A_179 : memref<10000x64xf32, #tpu.memory_space<hbm>>) dst(%arg11 : memref<80x64xf32, #tpu.memory_space<vmem>>)
        %dma_start3A = arith.constant 0 : i32
        %dma_start3A_180 = tpu.memref_slice %arg8[%sub3A_165, %dma_start3A] : memref<125x80xi32, #tpu.memory_space<vmem>> -> memref<1x80xi32, #tpu.memory_space<vmem>>
        %dma_start3A_181 = tpu.memref_squeeze %dma_start3A_180 : memref<1x80xi32, #tpu.memory_space<vmem>> -> memref<80xi32, #tpu.memory_space<vmem>>
        %dma_start3A_182 = arith.constant 0 : i32
        %dma_start3A_183 = arith.constant 0 : i32
        %dma_start3A_184 = tpu.memref_slice %arg6[%dma_start3A_182, %dma_start3A_183] : memref<10000x64xf32, #tpu.memory_space<vmem_shared>> -> memref<10000x64xf32, #tpu.memory_space<vmem_shared>>
        tpu.enqueue_indirect_dma source(%arg11 : memref<80x64xf32, #tpu.memory_space<vmem>>) target(%dma_start3A_184 : memref<10000x64xf32, #tpu.memory_space<vmem_shared>>) offsets(%dma_start3A_181 : memref<80xi32, #tpu.memory_space<vmem>>) semaphore(%arg21 : memref<!tpu.dma_semaphore, #tpu.memory_space<semaphore_mem>>) {add = true}
      } else {
      }
    }
    %while3A_43 = arith.constant 1 : i32
    scf.for %while3A_45 = %while3A_41 to %while3A_37 step %while3A_43  : i32 {
      %mul3A_46 = arith.constant 5 : i32
      %mul3A_47 = arith.muli %while3A_45, %mul3A_46 : i32
      %add3A_48 = arith.constant 0 : i32
      %add3A_49 = arith.addi %mul3A_47, %add3A_48 : i32
      %gt3A = arith.constant 0 : i32
      %gt3A_50 = arith.cmpi sgt, %while3A_45, %gt3A : i32
      %lt3A = arith.constant 130 : i32
      %lt3A_51 = arith.cmpi slt, %add3A_49, %lt3A : i32
      %and3A = arith.andi %gt3A_50, %lt3A_51 : i1
      %convert_element_type3A = arith.extui %and3A : i1 to i32
      %cond3A = arith.constant 0 : i32
      %cond3A_52 = arith.cmpi ne, %convert_element_type3A, %cond3A : i32
      scf.if %cond3A_52 {
        %dma_wait3A = arith.constant 0 : i32
        %dma_wait3A_174 = arith.constant 0 : i32
        %dma_wait3A_175 = tpu.memref_slice %arg8[%dma_wait3A, %dma_wait3A_174] : memref<125x80xi32, #tpu.memory_space<vmem>> -> memref<1x80xi32, #tpu.memory_space<vmem>>
        %dma_wait3A_176 = tpu.memref_squeeze %dma_wait3A_175 : memref<1x80xi32, #tpu.memory_space<vmem>> -> memref<80xi32, #tpu.memory_space<vmem>>
        %dma_wait3A_177 = arith.constant 0 : i32
        %dma_wait3A_178 = arith.constant 0 : i32
        %dma_wait3A_179 = tpu.memref_slice %arg6[%dma_wait3A_177, %dma_wait3A_178] : memref<10000x64xf32, #tpu.memory_space<vmem_shared>> -> memref<10000x64xf32, #tpu.memory_space<vmem_shared>>
        tpu.wait_indirect_dma semaphore(%arg19 : memref<!tpu.dma_semaphore, #tpu.memory_space<semaphore_mem>>) src(%arg9 : memref<80x64xf32, #tpu.memory_space<vmem>>) dst(%dma_wait3A_179 : memref<10000x64xf32, #tpu.memory_space<vmem_shared>>)
      } else {
      }
      %lt3A_53 = arith.constant 125 : i32
      %lt3A_54 = arith.cmpi slt, %add3A_49, %lt3A_53 : i32
      %convert_element_type3A_55 = arith.extui %lt3A_54 : i1 to i32
      %cond3A_56 = arith.constant 0 : i32
      %cond3A_57 = arith.cmpi ne, %convert_element_type3A_55, %cond3A_56 : i32
      scf.if %cond3A_57 {
        %dma_start3A = arith.constant 0 : i32
        %dma_start3A_174 = tpu.memref_slice %arg7[%add3A_49, %dma_start3A] : memref<125x80xi32, #tpu.memory_space<vmem>> -> memref<1x80xi32, #tpu.memory_space<vmem>>
        %dma_start3A_175 = tpu.memref_squeeze %dma_start3A_174 : memref<1x80xi32, #tpu.memory_space<vmem>> -> memref<80xi32, #tpu.memory_space<vmem>>
        %dma_start3A_176 = arith.constant 0 : i32
        %dma_start3A_177 = arith.constant 0 : i32
        %dma_start3A_178 = tpu.memref_slice %arg4[%dma_start3A_176, %dma_start3A_177] : memref<10000x64xf32, #tpu.memory_space<hbm>> -> memref<10000x64xf32, #tpu.memory_space<hbm>>
        tpu.enqueue_indirect_dma source(%dma_start3A_178 : memref<10000x64xf32, #tpu.memory_space<hbm>>) target(%arg9 : memref<80x64xf32, #tpu.memory_space<vmem>>) offsets(%dma_start3A_175 : memref<80xi32, #tpu.memory_space<vmem>>) semaphore(%arg14 : memref<!tpu.dma_semaphore, #tpu.memory_space<semaphore_mem>>)
      } else {
      }
      %sub3A = arith.constant 2 : i32
      %sub3A_58 = arith.subi %add3A_49, %sub3A : i32
      %ge3A = arith.constant 0 : i32
      %ge3A_59 = arith.cmpi sge, %sub3A_58, %ge3A : i32
      %lt3A_60 = arith.constant 125 : i32
      %lt3A_61 = arith.cmpi slt, %sub3A_58, %lt3A_60 : i32
      %and3A_62 = arith.andi %ge3A_59, %lt3A_61 : i1
      %convert_element_type3A_63 = arith.extui %and3A_62 : i1 to i32
      %cond3A_64 = arith.constant 0 : i32
      %cond3A_65 = arith.cmpi ne, %convert_element_type3A_63, %cond3A_64 : i32
      scf.if %cond3A_65 {
        %dma_wait3A = arith.constant 0 : i32
        %dma_wait3A_174 = arith.constant 0 : i32
        %dma_wait3A_175 = tpu.memref_slice %arg7[%dma_wait3A, %dma_wait3A_174] : memref<125x80xi32, #tpu.memory_space<vmem>> -> memref<1x80xi32, #tpu.memory_space<vmem>>
        %dma_wait3A_176 = tpu.memref_squeeze %dma_wait3A_175 : memref<1x80xi32, #tpu.memory_space<vmem>> -> memref<80xi32, #tpu.memory_space<vmem>>
        %dma_wait3A_177 = arith.constant 0 : i32
        %dma_wait3A_178 = arith.constant 0 : i32
        %dma_wait3A_179 = tpu.memref_slice %arg4[%dma_wait3A_177, %dma_wait3A_178] : memref<10000x64xf32, #tpu.memory_space<hbm>> -> memref<10000x64xf32, #tpu.memory_space<hbm>>
        tpu.wait_indirect_dma semaphore(%arg17 : memref<!tpu.dma_semaphore, #tpu.memory_space<semaphore_mem>>) src(%dma_wait3A_179 : memref<10000x64xf32, #tpu.memory_space<hbm>>) dst(%arg12 : memref<80x64xf32, #tpu.memory_space<vmem>>)
        %dma_start3A = arith.constant 0 : i32
        %dma_start3A_180 = tpu.memref_slice %arg8[%sub3A_58, %dma_start3A] : memref<125x80xi32, #tpu.memory_space<vmem>> -> memref<1x80xi32, #tpu.memory_space<vmem>>
        %dma_start3A_181 = tpu.memref_squeeze %dma_start3A_180 : memref<1x80xi32, #tpu.memory_space<vmem>> -> memref<80xi32, #tpu.memory_space<vmem>>
        %dma_start3A_182 = arith.constant 0 : i32
        %dma_start3A_183 = arith.constant 0 : i32
        %dma_start3A_184 = tpu.memref_slice %arg6[%dma_start3A_182, %dma_start3A_183] : memref<10000x64xf32, #tpu.memory_space<vmem_shared>> -> memref<10000x64xf32, #tpu.memory_space<vmem_shared>>
        tpu.enqueue_indirect_dma source(%arg12 : memref<80x64xf32, #tpu.memory_space<vmem>>) target(%dma_start3A_184 : memref<10000x64xf32, #tpu.memory_space<vmem_shared>>) offsets(%dma_start3A_181 : memref<80xi32, #tpu.memory_space<vmem>>) semaphore(%arg22 : memref<!tpu.dma_semaphore, #tpu.memory_space<semaphore_mem>>) {add = true}
      } else {
      }
      %mul3A_66 = arith.constant 5 : i32
      %mul3A_67 = arith.muli %while3A_45, %mul3A_66 : i32
      %add3A_68 = arith.constant 1 : i32
      %add3A_69 = arith.addi %mul3A_67, %add3A_68 : i32
      %gt3A_70 = arith.constant 0 : i32
      %gt3A_71 = arith.cmpi sgt, %while3A_45, %gt3A_70 : i32
      %lt3A_72 = arith.constant 130 : i32
      %lt3A_73 = arith.cmpi slt, %add3A_69, %lt3A_72 : i32
      %and3A_74 = arith.andi %gt3A_71, %lt3A_73 : i1
      %convert_element_type3A_75 = arith.extui %and3A_74 : i1 to i32
      %cond3A_76 = arith.constant 0 : i32
      %cond3A_77 = arith.cmpi ne, %convert_element_type3A_75, %cond3A_76 : i32
      scf.if %cond3A_77 {
        %dma_wait3A = arith.constant 0 : i32
        %dma_wait3A_174 = arith.constant 0 : i32
        %dma_wait3A_175 = tpu.memref_slice %arg8[%dma_wait3A, %dma_wait3A_174] : memref<125x80xi32, #tpu.memory_space<vmem>> -> memref<1x80xi32, #tpu.memory_space<vmem>>
        %dma_wait3A_176 = tpu.memref_squeeze %dma_wait3A_175 : memref<1x80xi32, #tpu.memory_space<vmem>> -> memref<80xi32, #tpu.memory_space<vmem>>
        %dma_wait3A_177 = arith.constant 0 : i32
        %dma_wait3A_178 = arith.constant 0 : i32
        %dma_wait3A_179 = tpu.memref_slice %arg6[%dma_wait3A_177, %dma_wait3A_178] : memref<10000x64xf32, #tpu.memory_space<vmem_shared>> -> memref<10000x64xf32, #tpu.memory_space<vmem_shared>>
        tpu.wait_indirect_dma semaphore(%arg20 : memref<!tpu.dma_semaphore, #tpu.memory_space<semaphore_mem>>) src(%arg10 : memref<80x64xf32, #tpu.memory_space<vmem>>) dst(%dma_wait3A_179 : memref<10000x64xf32, #tpu.memory_space<vmem_shared>>)
      } else {
      }
      %lt3A_78 = arith.constant 125 : i32
      %lt3A_79 = arith.cmpi slt, %add3A_69, %lt3A_78 : i32
      %convert_element_type3A_80 = arith.extui %lt3A_79 : i1 to i32
      %cond3A_81 = arith.constant 0 : i32
      %cond3A_82 = arith.cmpi ne, %convert_element_type3A_80, %cond3A_81 : i32
      scf.if %cond3A_82 {
        %dma_start3A = arith.constant 0 : i32
        %dma_start3A_174 = tpu.memref_slice %arg7[%add3A_69, %dma_start3A] : memref<125x80xi32, #tpu.memory_space<vmem>> -> memref<1x80xi32, #tpu.memory_space<vmem>>
        %dma_start3A_175 = tpu.memref_squeeze %dma_start3A_174 : memref<1x80xi32, #tpu.memory_space<vmem>> -> memref<80xi32, #tpu.memory_space<vmem>>
        %dma_start3A_176 = arith.constant 0 : i32
        %dma_start3A_177 = arith.constant 0 : i32
        %dma_start3A_178 = tpu.memref_slice %arg4[%dma_start3A_176, %dma_start3A_177] : memref<10000x64xf32, #tpu.memory_space<hbm>> -> memref<10000x64xf32, #tpu.memory_space<hbm>>
        tpu.enqueue_indirect_dma source(%dma_start3A_178 : memref<10000x64xf32, #tpu.memory_space<hbm>>) target(%arg10 : memref<80x64xf32, #tpu.memory_space<vmem>>) offsets(%dma_start3A_175 : memref<80xi32, #tpu.memory_space<vmem>>) semaphore(%arg15 : memref<!tpu.dma_semaphore, #tpu.memory_space<semaphore_mem>>)
      } else {
      }
      %sub3A_83 = arith.constant 2 : i32
      %sub3A_84 = arith.subi %add3A_69, %sub3A_83 : i32
      %ge3A_85 = arith.constant 0 : i32
      %ge3A_86 = arith.cmpi sge, %sub3A_84, %ge3A_85 : i32
      %lt3A_87 = arith.constant 125 : i32
      %lt3A_88 = arith.cmpi slt, %sub3A_84, %lt3A_87 : i32
      %and3A_89 = arith.andi %ge3A_86, %lt3A_88 : i1
      %convert_element_type3A_90 = arith.extui %and3A_89 : i1 to i32
      %cond3A_91 = arith.constant 0 : i32
      %cond3A_92 = arith.cmpi ne, %convert_element_type3A_90, %cond3A_91 : i32
      scf.if %cond3A_92 {
        %dma_wait3A = arith.constant 0 : i32
        %dma_wait3A_174 = arith.constant 0 : i32
        %dma_wait3A_175 = tpu.memref_slice %arg7[%dma_wait3A, %dma_wait3A_174] : memref<125x80xi32, #tpu.memory_space<vmem>> -> memref<1x80xi32, #tpu.memory_space<vmem>>
        %dma_wait3A_176 = tpu.memref_squeeze %dma_wait3A_175 : memref<1x80xi32, #tpu.memory_space<vmem>> -> memref<80xi32, #tpu.memory_space<vmem>>
        %dma_wait3A_177 = arith.constant 0 : i32
        %dma_wait3A_178 = arith.constant 0 : i32
        %dma_wait3A_179 = tpu.memref_slice %arg4[%dma_wait3A_177, %dma_wait3A_178] : memref<10000x64xf32, #tpu.memory_space<hbm>> -> memref<10000x64xf32, #tpu.memory_space<hbm>>
        tpu.wait_indirect_dma semaphore(%arg18 : memref<!tpu.dma_semaphore, #tpu.memory_space<semaphore_mem>>) src(%dma_wait3A_179 : memref<10000x64xf32, #tpu.memory_space<hbm>>) dst(%arg13 : memref<80x64xf32, #tpu.memory_space<vmem>>)
        %dma_start3A = arith.constant 0 : i32
        %dma_start3A_180 = tpu.memref_slice %arg8[%sub3A_84, %dma_start3A] : memref<125x80xi32, #tpu.memory_space<vmem>> -> memref<1x80xi32, #tpu.memory_space<vmem>>
        %dma_start3A_181 = tpu.memref_squeeze %dma_start3A_180 : memref<1x80xi32, #tpu.memory_space<vmem>> -> memref<80xi32, #tpu.memory_space<vmem>>
        %dma_start3A_182 = arith.constant 0 : i32
        %dma_start3A_183 = arith.constant 0 : i32
        %dma_start3A_184 = tpu.memref_slice %arg6[%dma_start3A_182, %dma_start3A_183] : memref<10000x64xf32, #tpu.memory_space<vmem_shared>> -> memref<10000x64xf32, #tpu.memory_space<vmem_shared>>
        tpu.enqueue_indirect_dma source(%arg13 : memref<80x64xf32, #tpu.memory_space<vmem>>) target(%dma_start3A_184 : memref<10000x64xf32, #tpu.memory_space<vmem_shared>>) offsets(%dma_start3A_181 : memref<80xi32, #tpu.memory_space<vmem>>) semaphore(%arg23 : memref<!tpu.dma_semaphore, #tpu.memory_space<semaphore_mem>>) {add = true}
      } else {
      }
      %mul3A_93 = arith.constant 5 : i32
      %mul3A_94 = arith.muli %while3A_45, %mul3A_93 : i32
      %add3A_95 = arith.constant 2 : i32
      %add3A_96 = arith.addi %mul3A_94, %add3A_95 : i32
      %gt3A_97 = arith.constant 0 : i32
      %gt3A_98 = arith.cmpi sgt, %while3A_45, %gt3A_97 : i32
      %lt3A_99 = arith.constant 130 : i32
      %lt3A_100 = arith.cmpi slt, %add3A_96, %lt3A_99 : i32
      %and3A_101 = arith.andi %gt3A_98, %lt3A_100 : i1
      %convert_element_type3A_102 = arith.extui %and3A_101 : i1 to i32
      %cond3A_103 = arith.constant 0 : i32
      %cond3A_104 = arith.cmpi ne, %convert_element_type3A_102, %cond3A_103 : i32
      scf.if %cond3A_104 {
        %dma_wait3A = arith.constant 0 : i32
        %dma_wait3A_174 = arith.constant 0 : i32
        %dma_wait3A_175 = tpu.memref_slice %arg8[%dma_wait3A, %dma_wait3A_174] : memref<125x80xi32, #tpu.memory_space<vmem>> -> memref<1x80xi32, #tpu.memory_space<vmem>>
        %dma_wait3A_176 = tpu.memref_squeeze %dma_wait3A_175 : memref<1x80xi32, #tpu.memory_space<vmem>> -> memref<80xi32, #tpu.memory_space<vmem>>
        %dma_wait3A_177 = arith.constant 0 : i32
        %dma_wait3A_178 = arith.constant 0 : i32
        %dma_wait3A_179 = tpu.memref_slice %arg6[%dma_wait3A_177, %dma_wait3A_178] : memref<10000x64xf32, #tpu.memory_space<vmem_shared>> -> memref<10000x64xf32, #tpu.memory_space<vmem_shared>>
        tpu.wait_indirect_dma semaphore(%arg21 : memref<!tpu.dma_semaphore, #tpu.memory_space<semaphore_mem>>) src(%arg11 : memref<80x64xf32, #tpu.memory_space<vmem>>) dst(%dma_wait3A_179 : memref<10000x64xf32, #tpu.memory_space<vmem_shared>>)
      } else {
      }
      %lt3A_105 = arith.constant 125 : i32
      %lt3A_106 = arith.cmpi slt, %add3A_96, %lt3A_105 : i32
      %convert_element_type3A_107 = arith.extui %lt3A_106 : i1 to i32
      %cond3A_108 = arith.constant 0 : i32
      %cond3A_109 = arith.cmpi ne, %convert_element_type3A_107, %cond3A_108 : i32
      scf.if %cond3A_109 {
        %dma_start3A = arith.constant 0 : i32
        %dma_start3A_174 = tpu.memref_slice %arg7[%add3A_96, %dma_start3A] : memref<125x80xi32, #tpu.memory_space<vmem>> -> memref<1x80xi32, #tpu.memory_space<vmem>>
        %dma_start3A_175 = tpu.memref_squeeze %dma_start3A_174 : memref<1x80xi32, #tpu.memory_space<vmem>> -> memref<80xi32, #tpu.memory_space<vmem>>
        %dma_start3A_176 = arith.constant 0 : i32
        %dma_start3A_177 = arith.constant 0 : i32
        %dma_start3A_178 = tpu.memref_slice %arg4[%dma_start3A_176, %dma_start3A_177] : memref<10000x64xf32, #tpu.memory_space<hbm>> -> memref<10000x64xf32, #tpu.memory_space<hbm>>
        tpu.enqueue_indirect_dma source(%dma_start3A_178 : memref<10000x64xf32, #tpu.memory_space<hbm>>) target(%arg11 : memref<80x64xf32, #tpu.memory_space<vmem>>) offsets(%dma_start3A_175 : memref<80xi32, #tpu.memory_space<vmem>>) semaphore(%arg16 : memref<!tpu.dma_semaphore, #tpu.memory_space<semaphore_mem>>)
      } else {
      }
      %sub3A_110 = arith.constant 2 : i32
      %sub3A_111 = arith.subi %add3A_96, %sub3A_110 : i32
      %ge3A_112 = arith.constant 0 : i32
      %ge3A_113 = arith.cmpi sge, %sub3A_111, %ge3A_112 : i32
      %lt3A_114 = arith.constant 125 : i32
      %lt3A_115 = arith.cmpi slt, %sub3A_111, %lt3A_114 : i32
      %and3A_116 = arith.andi %ge3A_113, %lt3A_115 : i1
      %convert_element_type3A_117 = arith.extui %and3A_116 : i1 to i32
      %cond3A_118 = arith.constant 0 : i32
      %cond3A_119 = arith.cmpi ne, %convert_element_type3A_117, %cond3A_118 : i32
      scf.if %cond3A_119 {
        %dma_wait3A = arith.constant 0 : i32
        %dma_wait3A_174 = arith.constant 0 : i32
        %dma_wait3A_175 = tpu.memref_slice %arg7[%dma_wait3A, %dma_wait3A_174] : memref<125x80xi32, #tpu.memory_space<vmem>> -> memref<1x80xi32, #tpu.memory_space<vmem>>
        %dma_wait3A_176 = tpu.memref_squeeze %dma_wait3A_175 : memref<1x80xi32, #tpu.memory_space<vmem>> -> memref<80xi32, #tpu.memory_space<vmem>>
        %dma_wait3A_177 = arith.constant 0 : i32
        %dma_wait3A_178 = arith.constant 0 : i32
        %dma_wait3A_179 = tpu.memref_slice %arg4[%dma_wait3A_177, %dma_wait3A_178] : memref<10000x64xf32, #tpu.memory_space<hbm>> -> memref<10000x64xf32, #tpu.memory_space<hbm>>
        tpu.wait_indirect_dma semaphore(%arg14 : memref<!tpu.dma_semaphore, #tpu.memory_space<semaphore_mem>>) src(%dma_wait3A_179 : memref<10000x64xf32, #tpu.memory_space<hbm>>) dst(%arg9 : memref<80x64xf32, #tpu.memory_space<vmem>>)
        %dma_start3A = arith.constant 0 : i32
        %dma_start3A_180 = tpu.memref_slice %arg8[%sub3A_111, %dma_start3A] : memref<125x80xi32, #tpu.memory_space<vmem>> -> memref<1x80xi32, #tpu.memory_space<vmem>>
        %dma_start3A_181 = tpu.memref_squeeze %dma_start3A_180 : memref<1x80xi32, #tpu.memory_space<vmem>> -> memref<80xi32, #tpu.memory_space<vmem>>
        %dma_start3A_182 = arith.constant 0 : i32
        %dma_start3A_183 = arith.constant 0 : i32
        %dma_start3A_184 = tpu.memref_slice %arg6[%dma_start3A_182, %dma_start3A_183] : memref<10000x64xf32, #tpu.memory_space<vmem_shared>> -> memref<10000x64xf32, #tpu.memory_space<vmem_shared>>
        tpu.enqueue_indirect_dma source(%arg9 : memref<80x64xf32, #tpu.memory_space<vmem>>) target(%dma_start3A_184 : memref<10000x64xf32, #tpu.memory_space<vmem_shared>>) offsets(%dma_start3A_181 : memref<80xi32, #tpu.memory_space<vmem>>) semaphore(%arg19 : memref<!tpu.dma_semaphore, #tpu.memory_space<semaphore_mem>>) {add = true}
      } else {
      }
      %mul3A_120 = arith.constant 5 : i32
      %mul3A_121 = arith.muli %while3A_45, %mul3A_120 : i32
      %add3A_122 = arith.constant 3 : i32
      %add3A_123 = arith.addi %mul3A_121, %add3A_122 : i32
      %gt3A_124 = arith.constant 0 : i32
      %gt3A_125 = arith.cmpi sgt, %while3A_45, %gt3A_124 : i32
      %lt3A_126 = arith.constant 130 : i32
      %lt3A_127 = arith.cmpi slt, %add3A_123, %lt3A_126 : i32
      %and3A_128 = arith.andi %gt3A_125, %lt3A_127 : i1
      %convert_element_type3A_129 = arith.extui %and3A_128 : i1 to i32
      %cond3A_130 = arith.constant 0 : i32
      %cond3A_131 = arith.cmpi ne, %convert_element_type3A_129, %cond3A_130 : i32
      scf.if %cond3A_131 {
        %dma_wait3A = arith.constant 0 : i32
        %dma_wait3A_174 = arith.constant 0 : i32
        %dma_wait3A_175 = tpu.memref_slice %arg8[%dma_wait3A, %dma_wait3A_174] : memref<125x80xi32, #tpu.memory_space<vmem>> -> memref<1x80xi32, #tpu.memory_space<vmem>>
        %dma_wait3A_176 = tpu.memref_squeeze %dma_wait3A_175 : memref<1x80xi32, #tpu.memory_space<vmem>> -> memref<80xi32, #tpu.memory_space<vmem>>
        %dma_wait3A_177 = arith.constant 0 : i32
        %dma_wait3A_178 = arith.constant 0 : i32
        %dma_wait3A_179 = tpu.memref_slice %arg6[%dma_wait3A_177, %dma_wait3A_178] : memref<10000x64xf32, #tpu.memory_space<vmem_shared>> -> memref<10000x64xf32, #tpu.memory_space<vmem_shared>>
        tpu.wait_indirect_dma semaphore(%arg22 : memref<!tpu.dma_semaphore, #tpu.memory_space<semaphore_mem>>) src(%arg12 : memref<80x64xf32, #tpu.memory_space<vmem>>) dst(%dma_wait3A_179 : memref<10000x64xf32, #tpu.memory_space<vmem_shared>>)
      } else {
      }
      %lt3A_132 = arith.constant 125 : i32
      %lt3A_133 = arith.cmpi slt, %add3A_123, %lt3A_132 : i32
      %convert_element_type3A_134 = arith.extui %lt3A_133 : i1 to i32
      %cond3A_135 = arith.constant 0 : i32
      %cond3A_136 = arith.cmpi ne, %convert_element_type3A_134, %cond3A_135 : i32
      scf.if %cond3A_136 {
        %dma_start3A = arith.constant 0 : i32
        %dma_start3A_174 = tpu.memref_slice %arg7[%add3A_123, %dma_start3A] : memref<125x80xi32, #tpu.memory_space<vmem>> -> memref<1x80xi32, #tpu.memory_space<vmem>>
        %dma_start3A_175 = tpu.memref_squeeze %dma_start3A_174 : memref<1x80xi32, #tpu.memory_space<vmem>> -> memref<80xi32, #tpu.memory_space<vmem>>
        %dma_start3A_176 = arith.constant 0 : i32
        %dma_start3A_177 = arith.constant 0 : i32
        %dma_start3A_178 = tpu.memref_slice %arg4[%dma_start3A_176, %dma_start3A_177] : memref<10000x64xf32, #tpu.memory_space<hbm>> -> memref<10000x64xf32, #tpu.memory_space<hbm>>
        tpu.enqueue_indirect_dma source(%dma_start3A_178 : memref<10000x64xf32, #tpu.memory_space<hbm>>) target(%arg12 : memref<80x64xf32, #tpu.memory_space<vmem>>) offsets(%dma_start3A_175 : memref<80xi32, #tpu.memory_space<vmem>>) semaphore(%arg17 : memref<!tpu.dma_semaphore, #tpu.memory_space<semaphore_mem>>)
      } else {
      }
      %sub3A_137 = arith.constant 2 : i32
      %sub3A_138 = arith.subi %add3A_123, %sub3A_137 : i32
      %ge3A_139 = arith.constant 0 : i32
      %ge3A_140 = arith.cmpi sge, %sub3A_138, %ge3A_139 : i32
      %lt3A_141 = arith.constant 125 : i32
      %lt3A_142 = arith.cmpi slt, %sub3A_138, %lt3A_141 : i32
      %and3A_143 = arith.andi %ge3A_140, %lt3A_142 : i1
      %convert_element_type3A_144 = arith.extui %and3A_143 : i1 to i32
      %cond3A_145 = arith.constant 0 : i32
      %cond3A_146 = arith.cmpi ne, %convert_element_type3A_144, %cond3A_145 : i32
      scf.if %cond3A_146 {
        %dma_wait3A = arith.constant 0 : i32
        %dma_wait3A_174 = arith.constant 0 : i32
        %dma_wait3A_175 = tpu.memref_slice %arg7[%dma_wait3A, %dma_wait3A_174] : memref<125x80xi32, #tpu.memory_space<vmem>> -> memref<1x80xi32, #tpu.memory_space<vmem>>
        %dma_wait3A_176 = tpu.memref_squeeze %dma_wait3A_175 : memref<1x80xi32, #tpu.memory_space<vmem>> -> memref<80xi32, #tpu.memory_space<vmem>>
        %dma_wait3A_177 = arith.constant 0 : i32
        %dma_wait3A_178 = arith.constant 0 : i32
        %dma_wait3A_179 = tpu.memref_slice %arg4[%dma_wait3A_177, %dma_wait3A_178] : memref<10000x64xf32, #tpu.memory_space<hbm>> -> memref<10000x64xf32, #tpu.memory_space<hbm>>
        tpu.wait_indirect_dma semaphore(%arg15 : memref<!tpu.dma_semaphore, #tpu.memory_space<semaphore_mem>>) src(%dma_wait3A_179 : memref<10000x64xf32, #tpu.memory_space<hbm>>) dst(%arg10 : memref<80x64xf32, #tpu.memory_space<vmem>>)
        %dma_start3A = arith.constant 0 : i32
        %dma_start3A_180 = tpu.memref_slice %arg8[%sub3A_138, %dma_start3A] : memref<125x80xi32, #tpu.memory_space<vmem>> -> memref<1x80xi32, #tpu.memory_space<vmem>>
        %dma_start3A_181 = tpu.memref_squeeze %dma_start3A_180 : memref<1x80xi32, #tpu.memory_space<vmem>> -> memref<80xi32, #tpu.memory_space<vmem>>
        %dma_start3A_182 = arith.constant 0 : i32
        %dma_start3A_183 = arith.constant 0 : i32
        %dma_start3A_184 = tpu.memref_slice %arg6[%dma_start3A_182, %dma_start3A_183] : memref<10000x64xf32, #tpu.memory_space<vmem_shared>> -> memref<10000x64xf32, #tpu.memory_space<vmem_shared>>
        tpu.enqueue_indirect_dma source(%arg10 : memref<80x64xf32, #tpu.memory_space<vmem>>) target(%dma_start3A_184 : memref<10000x64xf32, #tpu.memory_space<vmem_shared>>) offsets(%dma_start3A_181 : memref<80xi32, #tpu.memory_space<vmem>>) semaphore(%arg20 : memref<!tpu.dma_semaphore, #tpu.memory_space<semaphore_mem>>) {add = true}
      } else {
      }
      %mul3A_147 = arith.constant 5 : i32
      %mul3A_148 = arith.muli %while3A_45, %mul3A_147 : i32
      %add3A_149 = arith.constant 4 : i32
      %add3A_150 = arith.addi %mul3A_148, %add3A_149 : i32
      %gt3A_151 = arith.constant 0 : i32
      %gt3A_152 = arith.cmpi sgt, %while3A_45, %gt3A_151 : i32
      %lt3A_153 = arith.constant 130 : i32
      %lt3A_154 = arith.cmpi slt, %add3A_150, %lt3A_153 : i32
      %and3A_155 = arith.andi %gt3A_152, %lt3A_154 : i1
      %convert_element_type3A_156 = arith.extui %and3A_155 : i1 to i32
      %cond3A_157 = arith.constant 0 : i32
      %cond3A_158 = arith.cmpi ne, %convert_element_type3A_156, %cond3A_157 : i32
      scf.if %cond3A_158 {
        %dma_wait3A = arith.constant 0 : i32
        %dma_wait3A_174 = arith.constant 0 : i32
        %dma_wait3A_175 = tpu.memref_slice %arg8[%dma_wait3A, %dma_wait3A_174] : memref<125x80xi32, #tpu.memory_space<vmem>> -> memref<1x80xi32, #tpu.memory_space<vmem>>
        %dma_wait3A_176 = tpu.memref_squeeze %dma_wait3A_175 : memref<1x80xi32, #tpu.memory_space<vmem>> -> memref<80xi32, #tpu.memory_space<vmem>>
        %dma_wait3A_177 = arith.constant 0 : i32
        %dma_wait3A_178 = arith.constant 0 : i32
        %dma_wait3A_179 = tpu.memref_slice %arg6[%dma_wait3A_177, %dma_wait3A_178] : memref<10000x64xf32, #tpu.memory_space<vmem_shared>> -> memref<10000x64xf32, #tpu.memory_space<vmem_shared>>
        tpu.wait_indirect_dma semaphore(%arg23 : memref<!tpu.dma_semaphore, #tpu.memory_space<semaphore_mem>>) src(%arg13 : memref<80x64xf32, #tpu.memory_space<vmem>>) dst(%dma_wait3A_179 : memref<10000x64xf32, #tpu.memory_space<vmem_shared>>)
      } else {
      }
      %lt3A_159 = arith.constant 125 : i32
      %lt3A_160 = arith.cmpi slt, %add3A_150, %lt3A_159 : i32
      %convert_element_type3A_161 = arith.extui %lt3A_160 : i1 to i32
      %cond3A_162 = arith.constant 0 : i32
      %cond3A_163 = arith.cmpi ne, %convert_element_type3A_161, %cond3A_162 : i32
      scf.if %cond3A_163 {
        %dma_start3A = arith.constant 0 : i32
        %dma_start3A_174 = tpu.memref_slice %arg7[%add3A_150, %dma_start3A] : memref<125x80xi32, #tpu.memory_space<vmem>> -> memref<1x80xi32, #tpu.memory_space<vmem>>
        %dma_start3A_175 = tpu.memref_squeeze %dma_start3A_174 : memref<1x80xi32, #tpu.memory_space<vmem>> -> memref<80xi32, #tpu.memory_space<vmem>>
        %dma_start3A_176 = arith.constant 0 : i32
        %dma_start3A_177 = arith.constant 0 : i32
        %dma_start3A_178 = tpu.memref_slice %arg4[%dma_start3A_176, %dma_start3A_177] : memref<10000x64xf32, #tpu.memory_space<hbm>> -> memref<10000x64xf32, #tpu.memory_space<hbm>>
        tpu.enqueue_indirect_dma source(%dma_start3A_178 : memref<10000x64xf32, #tpu.memory_space<hbm>>) target(%arg13 : memref<80x64xf32, #tpu.memory_space<vmem>>) offsets(%dma_start3A_175 : memref<80xi32, #tpu.memory_space<vmem>>) semaphore(%arg18 : memref<!tpu.dma_semaphore, #tpu.memory_space<semaphore_mem>>)
      } else {
      }
      %sub3A_164 = arith.constant 2 : i32
      %sub3A_165 = arith.subi %add3A_150, %sub3A_164 : i32
      %ge3A_166 = arith.constant 0 : i32
      %ge3A_167 = arith.cmpi sge, %sub3A_165, %ge3A_166 : i32
      %lt3A_168 = arith.constant 125 : i32
      %lt3A_169 = arith.cmpi slt, %sub3A_165, %lt3A_168 : i32
      %and3A_170 = arith.andi %ge3A_167, %lt3A_169 : i1
      %convert_element_type3A_171 = arith.extui %and3A_170 : i1 to i32
      %cond3A_172 = arith.constant 0 : i32
      %cond3A_173 = arith.cmpi ne, %convert_element_type3A_171, %cond3A_172 : i32
      scf.if %cond3A_173 {
        %dma_wait3A = arith.constant 0 : i32
        %dma_wait3A_174 = arith.constant 0 : i32
        %dma_wait3A_175 = tpu.memref_slice %arg7[%dma_wait3A, %dma_wait3A_174] : memref<125x80xi32, #tpu.memory_space<vmem>> -> memref<1x80xi32, #tpu.memory_space<vmem>>
        %dma_wait3A_176 = tpu.memref_squeeze %dma_wait3A_175 : memref<1x80xi32, #tpu.memory_space<vmem>> -> memref<80xi32, #tpu.memory_space<vmem>>
        %dma_wait3A_177 = arith.constant 0 : i32
        %dma_wait3A_178 = arith.constant 0 : i32
        %dma_wait3A_179 = tpu.memref_slice %arg4[%dma_wait3A_177, %dma_wait3A_178] : memref<10000x64xf32, #tpu.memory_space<hbm>> -> memref<10000x64xf32, #tpu.memory_space<hbm>>
        tpu.wait_indirect_dma semaphore(%arg16 : memref<!tpu.dma_semaphore, #tpu.memory_space<semaphore_mem>>) src(%dma_wait3A_179 : memref<10000x64xf32, #tpu.memory_space<hbm>>) dst(%arg11 : memref<80x64xf32, #tpu.memory_space<vmem>>)
        %dma_start3A = arith.constant 0 : i32
        %dma_start3A_180 = tpu.memref_slice %arg8[%sub3A_165, %dma_start3A] : memref<125x80xi32, #tpu.memory_space<vmem>> -> memref<1x80xi32, #tpu.memory_space<vmem>>
        %dma_start3A_181 = tpu.memref_squeeze %dma_start3A_180 : memref<1x80xi32, #tpu.memory_space<vmem>> -> memref<80xi32, #tpu.memory_space<vmem>>
        %dma_start3A_182 = arith.constant 0 : i32
        %dma_start3A_183 = arith.constant 0 : i32
        %dma_start3A_184 = tpu.memref_slice %arg6[%dma_start3A_182, %dma_start3A_183] : memref<10000x64xf32, #tpu.memory_space<vmem_shared>> -> memref<10000x64xf32, #tpu.memory_space<vmem_shared>>
        tpu.enqueue_indirect_dma source(%arg11 : memref<80x64xf32, #tpu.memory_space<vmem>>) target(%dma_start3A_184 : memref<10000x64xf32, #tpu.memory_space<vmem_shared>>) offsets(%dma_start3A_181 : memref<80xi32, #tpu.memory_space<vmem>>) semaphore(%arg21 : memref<!tpu.dma_semaphore, #tpu.memory_space<semaphore_mem>>) {add = true}
      } else {
      }
    }
    %barrier3A_44 = arith.constant 0 : index
    tpu.barrier barrier_id(%barrier3A_44)
    "tpu.region"() ({
      %run_scoped3A = tpu.sem_alloc : memref<!tpu.dma_semaphore, #tpu.memory_space<semaphore_mem>>
      %dma_start3A = arith.constant 0 : i32
      %dma_start3A_45 = tpu.memref_slice %arg5[%arg0, %mul3A_2, %dma_start3A] : memref<2x10000x64xf32, #tpu.memory_space<hbm>> -> memref<1x625x64xf32, #tpu.memory_space<hbm>>
      %dma_start3A_46 = tpu.memref_squeeze %dma_start3A_45 : memref<1x625x64xf32, #tpu.memory_space<hbm>> -> memref<625x64xf32, #tpu.memory_space<hbm>>
      %dma_start3A_47 = arith.constant 0 : i32
      %dma_start3A_48 = tpu.memref_slice %arg6[%mul3A_2, %dma_start3A_47] : memref<10000x64xf32, #tpu.memory_space<vmem_shared>> -> memref<625x64xf32, #tpu.memory_space<vmem_shared>>
      tpu.enqueue_dma source(%dma_start3A_48 : memref<625x64xf32, #tpu.memory_space<vmem_shared>>) target(%dma_start3A_46 : memref<625x64xf32, #tpu.memory_space<hbm>>) target_semaphore(%run_scoped3A : memref<!tpu.dma_semaphore, #tpu.memory_space<semaphore_mem>>)
      %dma_wait3A = arith.constant 0 : i32
      %dma_wait3A_49 = tpu.memref_slice %arg5[%arg0, %mul3A_2, %dma_wait3A] : memref<2x10000x64xf32, #tpu.memory_space<hbm>> -> memref<1x625x64xf32, #tpu.memory_space<hbm>>
      %dma_wait3A_50 = tpu.memref_squeeze %dma_wait3A_49 : memref<1x625x64xf32, #tpu.memory_space<hbm>> -> memref<625x64xf32, #tpu.memory_space<hbm>>
      %dma_wait3A_51 = arith.constant 0 : i32
      %dma_wait3A_52 = tpu.memref_slice %arg6[%mul3A_2, %dma_wait3A_51] : memref<10000x64xf32, #tpu.memory_space<vmem_shared>> -> memref<625x64xf32, #tpu.memory_space<vmem_shared>>
      tpu.wait_dma2 semaphore(%run_scoped3A : memref<!tpu.dma_semaphore, #tpu.memory_space<semaphore_mem>>) src(%dma_wait3A_52 : memref<625x64xf32, #tpu.memory_space<vmem_shared>>) dst(%dma_wait3A_50 : memref<625x64xf32, #tpu.memory_space<hbm>>)
      tpu.yield
    }) : () -> ()
    return
  }
}

#map = affine_map<(d0, d1) -> (0, 0)>
#map1 = affine_map<(d0, d1) -> (0, 0, 0)>
module attributes {stable_mosaic.version = 14 : i64} {
  func.func @body(%arg0: i32, %arg1: i32, %arg2: memref<4000x80xi32, #tpu.memory_space<hbm>>, %arg3: memref<2x10000x16xf32, #tpu.memory_space<hbm>>, %arg4: memref<10000x16xf32, #tpu.memory_space<vmem_shared>>, %arg5: memref<625x16xf32, #tpu.memory_space<vmem>>, %arg6: memref<80x16xf32, #tpu.memory_space<vmem>>, %arg7: memref<125x80xi32, #tpu.memory_space<vmem>>, %arg8: memref<!tpu.dma_semaphore, #tpu.memory_space<semaphore_mem>>, %arg9: memref<!tpu.dma_semaphore, #tpu.memory_space<semaphore_mem>>, %arg10: memref<!tpu.dma_semaphore, #tpu.memory_space<semaphore_mem>>, %arg11: memref<!tpu.dma_semaphore, #tpu.memory_space<semaphore_mem>>) attributes {dimension_semantics = [#tpu.dimension_semantics<core_parallel>, #tpu.dimension_semantics<subcore_parallel>], iteration_bounds = array<i64: 2, 16>, scalar_prefetch = 0 : i64, scratch_operands = 8 : i64, tpu.core_type = #tpu.core_type<sc_vector_subcore>, window_params = [{transform_indices = #map}, {transform_indices = #map1}]} {
    %mul3A = arith.constant 16 : i32
    %mul3A_0 = arith.muli %arg0, %mul3A : i32
    %add3A = arith.addi %mul3A_0, %arg1 : i32
    %mul3A_1 = arith.constant 625 : i32
    %mul3A_2 = arith.muli %arg1, %mul3A_1 : i32
    %while3A = arith.constant 0 : i32
    %while3A_3 = arith.constant 0 : i32
    %while3A_4 = arith.constant 625 : i32
    %while3A_5 = arith.subi %while3A_4, %while3A_3 : i32
    %while3A_6 = arith.addi %while3A_3, %while3A_5 : i32
    %while3A_7 = arith.constant 1 : i32
    %while3A_8 = arith.divsi %while3A_5, %while3A_7 : i32
    %while3A_9 = arith.muli %while3A_8, %while3A_7 : i32
    %while3A_10 = arith.addi %while3A_3, %while3A_9 : i32
    %while3A_11 = arith.constant 1 : i32
    scf.for %while3A_38 = %while3A_3 to %while3A_10 step %while3A_11  : i32 {
      %broadcast_in_dim3A = arith.constant 0.000000e+00 : f32
      %broadcast_in_dim3A_39 = vector.broadcast %broadcast_in_dim3A : f32 to vector<16xf32>
      %swap3A = arith.index_cast %while3A_38 : i32 to index
      %swap3A_40 = arith.constant 0 : index
      %swap3A_41 = tpu.vector_load %arg5[%swap3A, %swap3A_40] {strides = array<i32>} : memref<625x16xf32, #tpu.memory_space<vmem>>, vector<1x16xf32>,
      %swap3A_42 = vector.shape_cast %swap3A_41 : vector<1x16xf32> to vector<16xf32>
      %swap3A_43 = vector.shape_cast %broadcast_in_dim3A_39 : vector<16xf32> to vector<1x16xf32>
      tpu.vector_store %arg5[%swap3A, %swap3A_40], %swap3A_43 {strides = array<i32>} : memref<625x16xf32, #tpu.memory_space<vmem>>, vector<1x16xf32>,
    }
    %while3A_12 = arith.constant 1 : i32
    scf.for %while3A_38 = %while3A_10 to %while3A_6 step %while3A_12  : i32 {
      %broadcast_in_dim3A = arith.constant 0.000000e+00 : f32
      %broadcast_in_dim3A_39 = vector.broadcast %broadcast_in_dim3A : f32 to vector<16xf32>
      %swap3A = arith.index_cast %while3A_38 : i32 to index
      %swap3A_40 = arith.constant 0 : index
      %swap3A_41 = tpu.vector_load %arg5[%swap3A, %swap3A_40] {strides = array<i32>} : memref<625x16xf32, #tpu.memory_space<vmem>>, vector<1x16xf32>,
      %swap3A_42 = vector.shape_cast %swap3A_41 : vector<1x16xf32> to vector<16xf32>
      %swap3A_43 = vector.shape_cast %broadcast_in_dim3A_39 : vector<16xf32> to vector<1x16xf32>
      tpu.vector_store %arg5[%swap3A, %swap3A_40], %swap3A_43 {strides = array<i32>} : memref<625x16xf32, #tpu.memory_space<vmem>>, vector<1x16xf32>,
    }
    "tpu.region"() ({
      %run_scoped3A = tpu.sem_alloc : memref<!tpu.dma_semaphore, #tpu.memory_space<semaphore_mem>>
      %dma_start3A = arith.constant 0 : i32
      %dma_start3A_38 = tpu.memref_slice %arg4[%mul3A_2, %dma_start3A] : memref<10000x16xf32, #tpu.memory_space<vmem_shared>> -> memref<625x16xf32, #tpu.memory_space<vmem_shared>>
      %dma_start3A_39 = arith.constant 0 : i32
      %dma_start3A_40 = tpu.memref_slice %arg4[%mul3A_2, %dma_start3A_39] : memref<10000x16xf32, #tpu.memory_space<vmem_shared>> -> memref<625x16xf32, #tpu.memory_space<vmem_shared>>
      tpu.enqueue_dma source(%arg5 : memref<625x16xf32, #tpu.memory_space<vmem>>) target(%dma_start3A_40 : memref<625x16xf32, #tpu.memory_space<vmem_shared>>) target_semaphore(%run_scoped3A : memref<!tpu.dma_semaphore, #tpu.memory_space<semaphore_mem>>)
      %dma_wait3A = arith.constant 0 : i32
      %dma_wait3A_41 = tpu.memref_slice %arg4[%mul3A_2, %dma_wait3A] : memref<10000x16xf32, #tpu.memory_space<vmem_shared>> -> memref<625x16xf32, #tpu.memory_space<vmem_shared>>
      %dma_wait3A_42 = arith.constant 0 : i32
      %dma_wait3A_43 = tpu.memref_slice %arg4[%mul3A_2, %dma_wait3A_42] : memref<10000x16xf32, #tpu.memory_space<vmem_shared>> -> memref<625x16xf32, #tpu.memory_space<vmem_shared>>
      tpu.wait_dma2 semaphore(%run_scoped3A : memref<!tpu.dma_semaphore, #tpu.memory_space<semaphore_mem>>) src(%arg5 : memref<625x16xf32, #tpu.memory_space<vmem>>) dst(%dma_wait3A_43 : memref<625x16xf32, #tpu.memory_space<vmem_shared>>)
      tpu.yield
    }) : () -> ()
    %while3A_13 = arith.constant 0 : i32
    %while3A_14 = arith.constant 0 : i32
    %while3A_15 = arith.constant 80 : i32
    %while3A_16 = arith.subi %while3A_15, %while3A_14 : i32
    %while3A_17 = arith.addi %while3A_14, %while3A_16 : i32
    %while3A_18 = arith.constant 1 : i32
    %while3A_19 = arith.divsi %while3A_16, %while3A_18 : i32
    %while3A_20 = arith.muli %while3A_19, %while3A_18 : i32
    %while3A_21 = arith.addi %while3A_14, %while3A_20 : i32
    %while3A_22 = arith.constant 1 : i32
    scf.for %while3A_38 = %while3A_14 to %while3A_21 step %while3A_22  : i32 {
      %broadcast_in_dim3A = arith.constant 1.000000e+00 : f32
      %broadcast_in_dim3A_39 = vector.broadcast %broadcast_in_dim3A : f32 to vector<16xf32>
      %swap3A = arith.index_cast %while3A_38 : i32 to index
      %swap3A_40 = arith.constant 0 : index
      %swap3A_41 = tpu.vector_load %arg6[%swap3A, %swap3A_40] {strides = array<i32>} : memref<80x16xf32, #tpu.memory_space<vmem>>, vector<1x16xf32>,
      %swap3A_42 = vector.shape_cast %swap3A_41 : vector<1x16xf32> to vector<16xf32>
      %swap3A_43 = vector.shape_cast %broadcast_in_dim3A_39 : vector<16xf32> to vector<1x16xf32>
      tpu.vector_store %arg6[%swap3A, %swap3A_40], %swap3A_43 {strides = array<i32>} : memref<80x16xf32, #tpu.memory_space<vmem>>, vector<1x16xf32>,
    }
    %while3A_23 = arith.constant 1 : i32
    scf.for %while3A_38 = %while3A_21 to %while3A_17 step %while3A_23  : i32 {
      %broadcast_in_dim3A = arith.constant 1.000000e+00 : f32
      %broadcast_in_dim3A_39 = vector.broadcast %broadcast_in_dim3A : f32 to vector<16xf32>
      %swap3A = arith.index_cast %while3A_38 : i32 to index
      %swap3A_40 = arith.constant 0 : index
      %swap3A_41 = tpu.vector_load %arg6[%swap3A, %swap3A_40] {strides = array<i32>} : memref<80x16xf32, #tpu.memory_space<vmem>>, vector<1x16xf32>,
      %swap3A_42 = vector.shape_cast %swap3A_41 : vector<1x16xf32> to vector<16xf32>
      %swap3A_43 = vector.shape_cast %broadcast_in_dim3A_39 : vector<16xf32> to vector<1x16xf32>
      tpu.vector_store %arg6[%swap3A, %swap3A_40], %swap3A_43 {strides = array<i32>} : memref<80x16xf32, #tpu.memory_space<vmem>>, vector<1x16xf32>,
    }
    %barrier3A = arith.constant 0 : index
    tpu.barrier barrier_id(%barrier3A)
    %mul3A_24 = arith.constant 125 : i32
    %mul3A_25 = arith.muli %add3A, %mul3A_24 : i32
    "tpu.region"() ({
      %run_scoped3A = tpu.sem_alloc : memref<!tpu.dma_semaphore, #tpu.memory_space<semaphore_mem>>
      %dma_start3A = arith.constant 0 : i32
      %dma_start3A_38 = tpu.memref_slice %arg2[%mul3A_25, %dma_start3A] : memref<4000x80xi32, #tpu.memory_space<hbm>> -> memref<125x80xi32, #tpu.memory_space<hbm>>
      %dma_start3A_39 = arith.constant 0 : i32
      %dma_start3A_40 = tpu.memref_slice %arg2[%mul3A_25, %dma_start3A_39] : memref<4000x80xi32, #tpu.memory_space<hbm>> -> memref<125x80xi32, #tpu.memory_space<hbm>>
      tpu.enqueue_dma source(%dma_start3A_40 : memref<125x80xi32, #tpu.memory_space<hbm>>) target(%arg7 : memref<125x80xi32, #tpu.memory_space<vmem>>) target_semaphore(%run_scoped3A : memref<!tpu.dma_semaphore, #tpu.memory_space<semaphore_mem>>)
      %dma_wait3A = arith.constant 0 : i32
      %dma_wait3A_41 = tpu.memref_slice %arg2[%mul3A_25, %dma_wait3A] : memref<4000x80xi32, #tpu.memory_space<hbm>> -> memref<125x80xi32, #tpu.memory_space<hbm>>
      %dma_wait3A_42 = arith.constant 0 : i32
      %dma_wait3A_43 = tpu.memref_slice %arg2[%mul3A_25, %dma_wait3A_42] : memref<4000x80xi32, #tpu.memory_space<hbm>> -> memref<125x80xi32, #tpu.memory_space<hbm>>
      tpu.wait_dma2 semaphore(%run_scoped3A : memref<!tpu.dma_semaphore, #tpu.memory_space<semaphore_mem>>) src(%dma_wait3A_43 : memref<125x80xi32, #tpu.memory_space<hbm>>) dst(%arg7 : memref<125x80xi32, #tpu.memory_space<vmem>>)
      tpu.yield
    }) : () -> ()
    %while3A_26 = arith.constant 0 : i32
    %while3A_27 = arith.constant 0 : i32
    %while3A_28 = arith.constant 33 : i32
    %while3A_29 = arith.subi %while3A_28, %while3A_27 : i32
    %while3A_30 = arith.addi %while3A_27, %while3A_29 : i32
    %while3A_31 = arith.constant 1 : i32
    %while3A_32 = arith.divsi %while3A_29, %while3A_31 : i32
    %while3A_33 = arith.muli %while3A_32, %while3A_31 : i32
    %while3A_34 = arith.addi %while3A_27, %while3A_33 : i32
    %while3A_35 = arith.constant 1 : i32
    scf.for %while3A_38 = %while3A_27 to %while3A_34 step %while3A_35  : i32 {
      %mul3A_39 = arith.constant 4 : i32
      %mul3A_40 = arith.muli %while3A_38, %mul3A_39 : i32
      %add3A_41 = arith.constant 0 : i32
      %add3A_42 = arith.addi %mul3A_40, %add3A_41 : i32
      %gt3A = arith.constant 0 : i32
      %gt3A_43 = arith.cmpi sgt, %while3A_38, %gt3A : i32
      %lt3A = arith.constant 129 : i32
      %lt3A_44 = arith.cmpi slt, %add3A_42, %lt3A : i32
      %and3A = arith.andi %gt3A_43, %lt3A_44 : i1
      %convert_element_type3A = arith.extui %and3A : i1 to i32
      %cond3A = arith.constant 0 : i32
      %cond3A_45 = arith.cmpi ne, %convert_element_type3A, %cond3A : i32
      scf.if %cond3A_45 {
        %dma_wait3A = arith.constant 0 : i32
        %dma_wait3A_102 = arith.constant 0 : i32
        %dma_wait3A_103 = tpu.memref_slice %arg7[%dma_wait3A, %dma_wait3A_102] : memref<125x80xi32, #tpu.memory_space<vmem>> -> memref<1x80xi32, #tpu.memory_space<vmem>>
        %dma_wait3A_104 = tpu.memref_squeeze %dma_wait3A_103 : memref<1x80xi32, #tpu.memory_space<vmem>> -> memref<80xi32, #tpu.memory_space<vmem>>
        %dma_wait3A_105 = arith.constant 0 : i32
        %dma_wait3A_106 = arith.constant 0 : i32
        %dma_wait3A_107 = tpu.memref_slice %arg4[%dma_wait3A_105, %dma_wait3A_106] : memref<10000x16xf32, #tpu.memory_space<vmem_shared>> -> memref<10000x16xf32, #tpu.memory_space<vmem_shared>>
        tpu.wait_indirect_dma semaphore(%arg8 : memref<!tpu.dma_semaphore, #tpu.memory_space<semaphore_mem>>) src(%arg6 : memref<80x16xf32, #tpu.memory_space<vmem>>) dst(%dma_wait3A_107 : memref<10000x16xf32, #tpu.memory_space<vmem_shared>>)
      } else {
      }
      %lt3A_46 = arith.constant 125 : i32
      %lt3A_47 = arith.cmpi slt, %add3A_42, %lt3A_46 : i32
      %convert_element_type3A_48 = arith.extui %lt3A_47 : i1 to i32
      %cond3A_49 = arith.constant 0 : i32
      %cond3A_50 = arith.cmpi ne, %convert_element_type3A_48, %cond3A_49 : i32
      scf.if %cond3A_50 {
        %dma_start3A = arith.constant 0 : i32
        %dma_start3A_102 = tpu.memref_slice %arg7[%add3A_42, %dma_start3A] : memref<125x80xi32, #tpu.memory_space<vmem>> -> memref<1x80xi32, #tpu.memory_space<vmem>>
        %dma_start3A_103 = tpu.memref_squeeze %dma_start3A_102 : memref<1x80xi32, #tpu.memory_space<vmem>> -> memref<80xi32, #tpu.memory_space<vmem>>
        %dma_start3A_104 = arith.constant 0 : i32
        %dma_start3A_105 = arith.constant 0 : i32
        %dma_start3A_106 = tpu.memref_slice %arg4[%dma_start3A_104, %dma_start3A_105] : memref<10000x16xf32, #tpu.memory_space<vmem_shared>> -> memref<10000x16xf32, #tpu.memory_space<vmem_shared>>
        tpu.enqueue_indirect_dma source(%arg6 : memref<80x16xf32, #tpu.memory_space<vmem>>) target(%dma_start3A_106 : memref<10000x16xf32, #tpu.memory_space<vmem_shared>>) offsets(%dma_start3A_103 : memref<80xi32, #tpu.memory_space<vmem>>) semaphore(%arg8 : memref<!tpu.dma_semaphore, #tpu.memory_space<semaphore_mem>>) {add = true}
      } else {
      }
      %mul3A_51 = arith.constant 4 : i32
      %mul3A_52 = arith.muli %while3A_38, %mul3A_51 : i32
      %add3A_53 = arith.constant 1 : i32
      %add3A_54 = arith.addi %mul3A_52, %add3A_53 : i32
      %gt3A_55 = arith.constant 0 : i32
      %gt3A_56 = arith.cmpi sgt, %while3A_38, %gt3A_55 : i32
      %lt3A_57 = arith.constant 129 : i32
      %lt3A_58 = arith.cmpi slt, %add3A_54, %lt3A_57 : i32
      %and3A_59 = arith.andi %gt3A_56, %lt3A_58 : i1
      %convert_element_type3A_60 = arith.extui %and3A_59 : i1 to i32
      %cond3A_61 = arith.constant 0 : i32
      %cond3A_62 = arith.cmpi ne, %convert_element_type3A_60, %cond3A_61 : i32
      scf.if %cond3A_62 {
        %dma_wait3A = arith.constant 0 : i32
        %dma_wait3A_102 = arith.constant 0 : i32
        %dma_wait3A_103 = tpu.memref_slice %arg7[%dma_wait3A, %dma_wait3A_102] : memref<125x80xi32, #tpu.memory_space<vmem>> -> memref<1x80xi32, #tpu.memory_space<vmem>>
        %dma_wait3A_104 = tpu.memref_squeeze %dma_wait3A_103 : memref<1x80xi32, #tpu.memory_space<vmem>> -> memref<80xi32, #tpu.memory_space<vmem>>
        %dma_wait3A_105 = arith.constant 0 : i32
        %dma_wait3A_106 = arith.constant 0 : i32
        %dma_wait3A_107 = tpu.memref_slice %arg4[%dma_wait3A_105, %dma_wait3A_106] : memref<10000x16xf32, #tpu.memory_space<vmem_shared>> -> memref<10000x16xf32, #tpu.memory_space<vmem_shared>>
        tpu.wait_indirect_dma semaphore(%arg9 : memref<!tpu.dma_semaphore, #tpu.memory_space<semaphore_mem>>) src(%arg6 : memref<80x16xf32, #tpu.memory_space<vmem>>) dst(%dma_wait3A_107 : memref<10000x16xf32, #tpu.memory_space<vmem_shared>>)
      } else {
      }
      %lt3A_63 = arith.constant 125 : i32
      %lt3A_64 = arith.cmpi slt, %add3A_54, %lt3A_63 : i32
      %convert_element_type3A_65 = arith.extui %lt3A_64 : i1 to i32
      %cond3A_66 = arith.constant 0 : i32
      %cond3A_67 = arith.cmpi ne, %convert_element_type3A_65, %cond3A_66 : i32
      scf.if %cond3A_67 {
        %dma_start3A = arith.constant 0 : i32
        %dma_start3A_102 = tpu.memref_slice %arg7[%add3A_54, %dma_start3A] : memref<125x80xi32, #tpu.memory_space<vmem>> -> memref<1x80xi32, #tpu.memory_space<vmem>>
        %dma_start3A_103 = tpu.memref_squeeze %dma_start3A_102 : memref<1x80xi32, #tpu.memory_space<vmem>> -> memref<80xi32, #tpu.memory_space<vmem>>
        %dma_start3A_104 = arith.constant 0 : i32
        %dma_start3A_105 = arith.constant 0 : i32
        %dma_start3A_106 = tpu.memref_slice %arg4[%dma_start3A_104, %dma_start3A_105] : memref<10000x16xf32, #tpu.memory_space<vmem_shared>> -> memref<10000x16xf32, #tpu.memory_space<vmem_shared>>
        tpu.enqueue_indirect_dma source(%arg6 : memref<80x16xf32, #tpu.memory_space<vmem>>) target(%dma_start3A_106 : memref<10000x16xf32, #tpu.memory_space<vmem_shared>>) offsets(%dma_start3A_103 : memref<80xi32, #tpu.memory_space<vmem>>) semaphore(%arg9 : memref<!tpu.dma_semaphore, #tpu.memory_space<semaphore_mem>>) {add = true}
      } else {
      }
      %mul3A_68 = arith.constant 4 : i32
      %mul3A_69 = arith.muli %while3A_38, %mul3A_68 : i32
      %add3A_70 = arith.constant 2 : i32
      %add3A_71 = arith.addi %mul3A_69, %add3A_70 : i32
      %gt3A_72 = arith.constant 0 : i32
      %gt3A_73 = arith.cmpi sgt, %while3A_38, %gt3A_72 : i32
      %lt3A_74 = arith.constant 129 : i32
      %lt3A_75 = arith.cmpi slt, %add3A_71, %lt3A_74 : i32
      %and3A_76 = arith.andi %gt3A_73, %lt3A_75 : i1
      %convert_element_type3A_77 = arith.extui %and3A_76 : i1 to i32
      %cond3A_78 = arith.constant 0 : i32
      %cond3A_79 = arith.cmpi ne, %convert_element_type3A_77, %cond3A_78 : i32
      scf.if %cond3A_79 {
        %dma_wait3A = arith.constant 0 : i32
        %dma_wait3A_102 = arith.constant 0 : i32
        %dma_wait3A_103 = tpu.memref_slice %arg7[%dma_wait3A, %dma_wait3A_102] : memref<125x80xi32, #tpu.memory_space<vmem>> -> memref<1x80xi32, #tpu.memory_space<vmem>>
        %dma_wait3A_104 = tpu.memref_squeeze %dma_wait3A_103 : memref<1x80xi32, #tpu.memory_space<vmem>> -> memref<80xi32, #tpu.memory_space<vmem>>
        %dma_wait3A_105 = arith.constant 0 : i32
        %dma_wait3A_106 = arith.constant 0 : i32
        %dma_wait3A_107 = tpu.memref_slice %arg4[%dma_wait3A_105, %dma_wait3A_106] : memref<10000x16xf32, #tpu.memory_space<vmem_shared>> -> memref<10000x16xf32, #tpu.memory_space<vmem_shared>>
        tpu.wait_indirect_dma semaphore(%arg10 : memref<!tpu.dma_semaphore, #tpu.memory_space<semaphore_mem>>) src(%arg6 : memref<80x16xf32, #tpu.memory_space<vmem>>) dst(%dma_wait3A_107 : memref<10000x16xf32, #tpu.memory_space<vmem_shared>>)
      } else {
      }
      %lt3A_80 = arith.constant 125 : i32
      %lt3A_81 = arith.cmpi slt, %add3A_71, %lt3A_80 : i32
      %convert_element_type3A_82 = arith.extui %lt3A_81 : i1 to i32
      %cond3A_83 = arith.constant 0 : i32
      %cond3A_84 = arith.cmpi ne, %convert_element_type3A_82, %cond3A_83 : i32
      scf.if %cond3A_84 {
        %dma_start3A = arith.constant 0 : i32
        %dma_start3A_102 = tpu.memref_slice %arg7[%add3A_71, %dma_start3A] : memref<125x80xi32, #tpu.memory_space<vmem>> -> memref<1x80xi32, #tpu.memory_space<vmem>>
        %dma_start3A_103 = tpu.memref_squeeze %dma_start3A_102 : memref<1x80xi32, #tpu.memory_space<vmem>> -> memref<80xi32, #tpu.memory_space<vmem>>
        %dma_start3A_104 = arith.constant 0 : i32
        %dma_start3A_105 = arith.constant 0 : i32
        %dma_start3A_106 = tpu.memref_slice %arg4[%dma_start3A_104, %dma_start3A_105] : memref<10000x16xf32, #tpu.memory_space<vmem_shared>> -> memref<10000x16xf32, #tpu.memory_space<vmem_shared>>
        tpu.enqueue_indirect_dma source(%arg6 : memref<80x16xf32, #tpu.memory_space<vmem>>) target(%dma_start3A_106 : memref<10000x16xf32, #tpu.memory_space<vmem_shared>>) offsets(%dma_start3A_103 : memref<80xi32, #tpu.memory_space<vmem>>) semaphore(%arg10 : memref<!tpu.dma_semaphore, #tpu.memory_space<semaphore_mem>>) {add = true}
      } else {
      }
      %mul3A_85 = arith.constant 4 : i32
      %mul3A_86 = arith.muli %while3A_38, %mul3A_85 : i32
      %add3A_87 = arith.constant 3 : i32
      %add3A_88 = arith.addi %mul3A_86, %add3A_87 : i32
      %gt3A_89 = arith.constant 0 : i32
      %gt3A_90 = arith.cmpi sgt, %while3A_38, %gt3A_89 : i32
      %lt3A_91 = arith.constant 129 : i32
      %lt3A_92 = arith.cmpi slt, %add3A_88, %lt3A_91 : i32
      %and3A_93 = arith.andi %gt3A_90, %lt3A_92 : i1
      %convert_element_type3A_94 = arith.extui %and3A_93 : i1 to i32
      %cond3A_95 = arith.constant 0 : i32
      %cond3A_96 = arith.cmpi ne, %convert_element_type3A_94, %cond3A_95 : i32
      scf.if %cond3A_96 {
        %dma_wait3A = arith.constant 0 : i32
        %dma_wait3A_102 = arith.constant 0 : i32
        %dma_wait3A_103 = tpu.memref_slice %arg7[%dma_wait3A, %dma_wait3A_102] : memref<125x80xi32, #tpu.memory_space<vmem>> -> memref<1x80xi32, #tpu.memory_space<vmem>>
        %dma_wait3A_104 = tpu.memref_squeeze %dma_wait3A_103 : memref<1x80xi32, #tpu.memory_space<vmem>> -> memref<80xi32, #tpu.memory_space<vmem>>
        %dma_wait3A_105 = arith.constant 0 : i32
        %dma_wait3A_106 = arith.constant 0 : i32
        %dma_wait3A_107 = tpu.memref_slice %arg4[%dma_wait3A_105, %dma_wait3A_106] : memref<10000x16xf32, #tpu.memory_space<vmem_shared>> -> memref<10000x16xf32, #tpu.memory_space<vmem_shared>>
        tpu.wait_indirect_dma semaphore(%arg11 : memref<!tpu.dma_semaphore, #tpu.memory_space<semaphore_mem>>) src(%arg6 : memref<80x16xf32, #tpu.memory_space<vmem>>) dst(%dma_wait3A_107 : memref<10000x16xf32, #tpu.memory_space<vmem_shared>>)
      } else {
      }
      %lt3A_97 = arith.constant 125 : i32
      %lt3A_98 = arith.cmpi slt, %add3A_88, %lt3A_97 : i32
      %convert_element_type3A_99 = arith.extui %lt3A_98 : i1 to i32
      %cond3A_100 = arith.constant 0 : i32
      %cond3A_101 = arith.cmpi ne, %convert_element_type3A_99, %cond3A_100 : i32
      scf.if %cond3A_101 {
        %dma_start3A = arith.constant 0 : i32
        %dma_start3A_102 = tpu.memref_slice %arg7[%add3A_88, %dma_start3A] : memref<125x80xi32, #tpu.memory_space<vmem>> -> memref<1x80xi32, #tpu.memory_space<vmem>>
        %dma_start3A_103 = tpu.memref_squeeze %dma_start3A_102 : memref<1x80xi32, #tpu.memory_space<vmem>> -> memref<80xi32, #tpu.memory_space<vmem>>
        %dma_start3A_104 = arith.constant 0 : i32
        %dma_start3A_105 = arith.constant 0 : i32
        %dma_start3A_106 = tpu.memref_slice %arg4[%dma_start3A_104, %dma_start3A_105] : memref<10000x16xf32, #tpu.memory_space<vmem_shared>> -> memref<10000x16xf32, #tpu.memory_space<vmem_shared>>
        tpu.enqueue_indirect_dma source(%arg6 : memref<80x16xf32, #tpu.memory_space<vmem>>) target(%dma_start3A_106 : memref<10000x16xf32, #tpu.memory_space<vmem_shared>>) offsets(%dma_start3A_103 : memref<80xi32, #tpu.memory_space<vmem>>) semaphore(%arg11 : memref<!tpu.dma_semaphore, #tpu.memory_space<semaphore_mem>>) {add = true}
      } else {
      }
    }
    %while3A_36 = arith.constant 1 : i32
    scf.for %while3A_38 = %while3A_34 to %while3A_30 step %while3A_36  : i32 {
      %mul3A_39 = arith.constant 4 : i32
      %mul3A_40 = arith.muli %while3A_38, %mul3A_39 : i32
      %add3A_41 = arith.constant 0 : i32
      %add3A_42 = arith.addi %mul3A_40, %add3A_41 : i32
      %gt3A = arith.constant 0 : i32
      %gt3A_43 = arith.cmpi sgt, %while3A_38, %gt3A : i32
      %lt3A = arith.constant 129 : i32
      %lt3A_44 = arith.cmpi slt, %add3A_42, %lt3A : i32
      %and3A = arith.andi %gt3A_43, %lt3A_44 : i1
      %convert_element_type3A = arith.extui %and3A : i1 to i32
      %cond3A = arith.constant 0 : i32
      %cond3A_45 = arith.cmpi ne, %convert_element_type3A, %cond3A : i32
      scf.if %cond3A_45 {
        %dma_wait3A = arith.constant 0 : i32
        %dma_wait3A_102 = arith.constant 0 : i32
        %dma_wait3A_103 = tpu.memref_slice %arg7[%dma_wait3A, %dma_wait3A_102] : memref<125x80xi32, #tpu.memory_space<vmem>> -> memref<1x80xi32, #tpu.memory_space<vmem>>
        %dma_wait3A_104 = tpu.memref_squeeze %dma_wait3A_103 : memref<1x80xi32, #tpu.memory_space<vmem>> -> memref<80xi32, #tpu.memory_space<vmem>>
        %dma_wait3A_105 = arith.constant 0 : i32
        %dma_wait3A_106 = arith.constant 0 : i32
        %dma_wait3A_107 = tpu.memref_slice %arg4[%dma_wait3A_105, %dma_wait3A_106] : memref<10000x16xf32, #tpu.memory_space<vmem_shared>> -> memref<10000x16xf32, #tpu.memory_space<vmem_shared>>
        tpu.wait_indirect_dma semaphore(%arg8 : memref<!tpu.dma_semaphore, #tpu.memory_space<semaphore_mem>>) src(%arg6 : memref<80x16xf32, #tpu.memory_space<vmem>>) dst(%dma_wait3A_107 : memref<10000x16xf32, #tpu.memory_space<vmem_shared>>)
      } else {
      }
      %lt3A_46 = arith.constant 125 : i32
      %lt3A_47 = arith.cmpi slt, %add3A_42, %lt3A_46 : i32
      %convert_element_type3A_48 = arith.extui %lt3A_47 : i1 to i32
      %cond3A_49 = arith.constant 0 : i32
      %cond3A_50 = arith.cmpi ne, %convert_element_type3A_48, %cond3A_49 : i32
      scf.if %cond3A_50 {
        %dma_start3A = arith.constant 0 : i32
        %dma_start3A_102 = tpu.memref_slice %arg7[%add3A_42, %dma_start3A] : memref<125x80xi32, #tpu.memory_space<vmem>> -> memref<1x80xi32, #tpu.memory_space<vmem>>
        %dma_start3A_103 = tpu.memref_squeeze %dma_start3A_102 : memref<1x80xi32, #tpu.memory_space<vmem>> -> memref<80xi32, #tpu.memory_space<vmem>>
        %dma_start3A_104 = arith.constant 0 : i32
        %dma_start3A_105 = arith.constant 0 : i32
        %dma_start3A_106 = tpu.memref_slice %arg4[%dma_start3A_104, %dma_start3A_105] : memref<10000x16xf32, #tpu.memory_space<vmem_shared>> -> memref<10000x16xf32, #tpu.memory_space<vmem_shared>>
        tpu.enqueue_indirect_dma source(%arg6 : memref<80x16xf32, #tpu.memory_space<vmem>>) target(%dma_start3A_106 : memref<10000x16xf32, #tpu.memory_space<vmem_shared>>) offsets(%dma_start3A_103 : memref<80xi32, #tpu.memory_space<vmem>>) semaphore(%arg8 : memref<!tpu.dma_semaphore, #tpu.memory_space<semaphore_mem>>) {add = true}
      } else {
      }
      %mul3A_51 = arith.constant 4 : i32
      %mul3A_52 = arith.muli %while3A_38, %mul3A_51 : i32
      %add3A_53 = arith.constant 1 : i32
      %add3A_54 = arith.addi %mul3A_52, %add3A_53 : i32
      %gt3A_55 = arith.constant 0 : i32
      %gt3A_56 = arith.cmpi sgt, %while3A_38, %gt3A_55 : i32
      %lt3A_57 = arith.constant 129 : i32
      %lt3A_58 = arith.cmpi slt, %add3A_54, %lt3A_57 : i32
      %and3A_59 = arith.andi %gt3A_56, %lt3A_58 : i1
      %convert_element_type3A_60 = arith.extui %and3A_59 : i1 to i32
      %cond3A_61 = arith.constant 0 : i32
      %cond3A_62 = arith.cmpi ne, %convert_element_type3A_60, %cond3A_61 : i32
      scf.if %cond3A_62 {
        %dma_wait3A = arith.constant 0 : i32
        %dma_wait3A_102 = arith.constant 0 : i32
        %dma_wait3A_103 = tpu.memref_slice %arg7[%dma_wait3A, %dma_wait3A_102] : memref<125x80xi32, #tpu.memory_space<vmem>> -> memref<1x80xi32, #tpu.memory_space<vmem>>
        %dma_wait3A_104 = tpu.memref_squeeze %dma_wait3A_103 : memref<1x80xi32, #tpu.memory_space<vmem>> -> memref<80xi32, #tpu.memory_space<vmem>>
        %dma_wait3A_105 = arith.constant 0 : i32
        %dma_wait3A_106 = arith.constant 0 : i32
        %dma_wait3A_107 = tpu.memref_slice %arg4[%dma_wait3A_105, %dma_wait3A_106] : memref<10000x16xf32, #tpu.memory_space<vmem_shared>> -> memref<10000x16xf32, #tpu.memory_space<vmem_shared>>
        tpu.wait_indirect_dma semaphore(%arg9 : memref<!tpu.dma_semaphore, #tpu.memory_space<semaphore_mem>>) src(%arg6 : memref<80x16xf32, #tpu.memory_space<vmem>>) dst(%dma_wait3A_107 : memref<10000x16xf32, #tpu.memory_space<vmem_shared>>)
      } else {
      }
      %lt3A_63 = arith.constant 125 : i32
      %lt3A_64 = arith.cmpi slt, %add3A_54, %lt3A_63 : i32
      %convert_element_type3A_65 = arith.extui %lt3A_64 : i1 to i32
      %cond3A_66 = arith.constant 0 : i32
      %cond3A_67 = arith.cmpi ne, %convert_element_type3A_65, %cond3A_66 : i32
      scf.if %cond3A_67 {
        %dma_start3A = arith.constant 0 : i32
        %dma_start3A_102 = tpu.memref_slice %arg7[%add3A_54, %dma_start3A] : memref<125x80xi32, #tpu.memory_space<vmem>> -> memref<1x80xi32, #tpu.memory_space<vmem>>
        %dma_start3A_103 = tpu.memref_squeeze %dma_start3A_102 : memref<1x80xi32, #tpu.memory_space<vmem>> -> memref<80xi32, #tpu.memory_space<vmem>>
        %dma_start3A_104 = arith.constant 0 : i32
        %dma_start3A_105 = arith.constant 0 : i32
        %dma_start3A_106 = tpu.memref_slice %arg4[%dma_start3A_104, %dma_start3A_105] : memref<10000x16xf32, #tpu.memory_space<vmem_shared>> -> memref<10000x16xf32, #tpu.memory_space<vmem_shared>>
        tpu.enqueue_indirect_dma source(%arg6 : memref<80x16xf32, #tpu.memory_space<vmem>>) target(%dma_start3A_106 : memref<10000x16xf32, #tpu.memory_space<vmem_shared>>) offsets(%dma_start3A_103 : memref<80xi32, #tpu.memory_space<vmem>>) semaphore(%arg9 : memref<!tpu.dma_semaphore, #tpu.memory_space<semaphore_mem>>) {add = true}
      } else {
      }
      %mul3A_68 = arith.constant 4 : i32
      %mul3A_69 = arith.muli %while3A_38, %mul3A_68 : i32
      %add3A_70 = arith.constant 2 : i32
      %add3A_71 = arith.addi %mul3A_69, %add3A_70 : i32
      %gt3A_72 = arith.constant 0 : i32
      %gt3A_73 = arith.cmpi sgt, %while3A_38, %gt3A_72 : i32
      %lt3A_74 = arith.constant 129 : i32
      %lt3A_75 = arith.cmpi slt, %add3A_71, %lt3A_74 : i32
      %and3A_76 = arith.andi %gt3A_73, %lt3A_75 : i1
      %convert_element_type3A_77 = arith.extui %and3A_76 : i1 to i32
      %cond3A_78 = arith.constant 0 : i32
      %cond3A_79 = arith.cmpi ne, %convert_element_type3A_77, %cond3A_78 : i32
      scf.if %cond3A_79 {
        %dma_wait3A = arith.constant 0 : i32
        %dma_wait3A_102 = arith.constant 0 : i32
        %dma_wait3A_103 = tpu.memref_slice %arg7[%dma_wait3A, %dma_wait3A_102] : memref<125x80xi32, #tpu.memory_space<vmem>> -> memref<1x80xi32, #tpu.memory_space<vmem>>
        %dma_wait3A_104 = tpu.memref_squeeze %dma_wait3A_103 : memref<1x80xi32, #tpu.memory_space<vmem>> -> memref<80xi32, #tpu.memory_space<vmem>>
        %dma_wait3A_105 = arith.constant 0 : i32
        %dma_wait3A_106 = arith.constant 0 : i32
        %dma_wait3A_107 = tpu.memref_slice %arg4[%dma_wait3A_105, %dma_wait3A_106] : memref<10000x16xf32, #tpu.memory_space<vmem_shared>> -> memref<10000x16xf32, #tpu.memory_space<vmem_shared>>
        tpu.wait_indirect_dma semaphore(%arg10 : memref<!tpu.dma_semaphore, #tpu.memory_space<semaphore_mem>>) src(%arg6 : memref<80x16xf32, #tpu.memory_space<vmem>>) dst(%dma_wait3A_107 : memref<10000x16xf32, #tpu.memory_space<vmem_shared>>)
      } else {
      }
      %lt3A_80 = arith.constant 125 : i32
      %lt3A_81 = arith.cmpi slt, %add3A_71, %lt3A_80 : i32
      %convert_element_type3A_82 = arith.extui %lt3A_81 : i1 to i32
      %cond3A_83 = arith.constant 0 : i32
      %cond3A_84 = arith.cmpi ne, %convert_element_type3A_82, %cond3A_83 : i32
      scf.if %cond3A_84 {
        %dma_start3A = arith.constant 0 : i32
        %dma_start3A_102 = tpu.memref_slice %arg7[%add3A_71, %dma_start3A] : memref<125x80xi32, #tpu.memory_space<vmem>> -> memref<1x80xi32, #tpu.memory_space<vmem>>
        %dma_start3A_103 = tpu.memref_squeeze %dma_start3A_102 : memref<1x80xi32, #tpu.memory_space<vmem>> -> memref<80xi32, #tpu.memory_space<vmem>>
        %dma_start3A_104 = arith.constant 0 : i32
        %dma_start3A_105 = arith.constant 0 : i32
        %dma_start3A_106 = tpu.memref_slice %arg4[%dma_start3A_104, %dma_start3A_105] : memref<10000x16xf32, #tpu.memory_space<vmem_shared>> -> memref<10000x16xf32, #tpu.memory_space<vmem_shared>>
        tpu.enqueue_indirect_dma source(%arg6 : memref<80x16xf32, #tpu.memory_space<vmem>>) target(%dma_start3A_106 : memref<10000x16xf32, #tpu.memory_space<vmem_shared>>) offsets(%dma_start3A_103 : memref<80xi32, #tpu.memory_space<vmem>>) semaphore(%arg10 : memref<!tpu.dma_semaphore, #tpu.memory_space<semaphore_mem>>) {add = true}
      } else {
      }
      %mul3A_85 = arith.constant 4 : i32
      %mul3A_86 = arith.muli %while3A_38, %mul3A_85 : i32
      %add3A_87 = arith.constant 3 : i32
      %add3A_88 = arith.addi %mul3A_86, %add3A_87 : i32
      %gt3A_89 = arith.constant 0 : i32
      %gt3A_90 = arith.cmpi sgt, %while3A_38, %gt3A_89 : i32
      %lt3A_91 = arith.constant 129 : i32
      %lt3A_92 = arith.cmpi slt, %add3A_88, %lt3A_91 : i32
      %and3A_93 = arith.andi %gt3A_90, %lt3A_92 : i1
      %convert_element_type3A_94 = arith.extui %and3A_93 : i1 to i32
      %cond3A_95 = arith.constant 0 : i32
      %cond3A_96 = arith.cmpi ne, %convert_element_type3A_94, %cond3A_95 : i32
      scf.if %cond3A_96 {
        %dma_wait3A = arith.constant 0 : i32
        %dma_wait3A_102 = arith.constant 0 : i32
        %dma_wait3A_103 = tpu.memref_slice %arg7[%dma_wait3A, %dma_wait3A_102] : memref<125x80xi32, #tpu.memory_space<vmem>> -> memref<1x80xi32, #tpu.memory_space<vmem>>
        %dma_wait3A_104 = tpu.memref_squeeze %dma_wait3A_103 : memref<1x80xi32, #tpu.memory_space<vmem>> -> memref<80xi32, #tpu.memory_space<vmem>>
        %dma_wait3A_105 = arith.constant 0 : i32
        %dma_wait3A_106 = arith.constant 0 : i32
        %dma_wait3A_107 = tpu.memref_slice %arg4[%dma_wait3A_105, %dma_wait3A_106] : memref<10000x16xf32, #tpu.memory_space<vmem_shared>> -> memref<10000x16xf32, #tpu.memory_space<vmem_shared>>
        tpu.wait_indirect_dma semaphore(%arg11 : memref<!tpu.dma_semaphore, #tpu.memory_space<semaphore_mem>>) src(%arg6 : memref<80x16xf32, #tpu.memory_space<vmem>>) dst(%dma_wait3A_107 : memref<10000x16xf32, #tpu.memory_space<vmem_shared>>)
      } else {
      }
      %lt3A_97 = arith.constant 125 : i32
      %lt3A_98 = arith.cmpi slt, %add3A_88, %lt3A_97 : i32
      %convert_element_type3A_99 = arith.extui %lt3A_98 : i1 to i32
      %cond3A_100 = arith.constant 0 : i32
      %cond3A_101 = arith.cmpi ne, %convert_element_type3A_99, %cond3A_100 : i32
      scf.if %cond3A_101 {
        %dma_start3A = arith.constant 0 : i32
        %dma_start3A_102 = tpu.memref_slice %arg7[%add3A_88, %dma_start3A] : memref<125x80xi32, #tpu.memory_space<vmem>> -> memref<1x80xi32, #tpu.memory_space<vmem>>
        %dma_start3A_103 = tpu.memref_squeeze %dma_start3A_102 : memref<1x80xi32, #tpu.memory_space<vmem>> -> memref<80xi32, #tpu.memory_space<vmem>>
        %dma_start3A_104 = arith.constant 0 : i32
        %dma_start3A_105 = arith.constant 0 : i32
        %dma_start3A_106 = tpu.memref_slice %arg4[%dma_start3A_104, %dma_start3A_105] : memref<10000x16xf32, #tpu.memory_space<vmem_shared>> -> memref<10000x16xf32, #tpu.memory_space<vmem_shared>>
        tpu.enqueue_indirect_dma source(%arg6 : memref<80x16xf32, #tpu.memory_space<vmem>>) target(%dma_start3A_106 : memref<10000x16xf32, #tpu.memory_space<vmem_shared>>) offsets(%dma_start3A_103 : memref<80xi32, #tpu.memory_space<vmem>>) semaphore(%arg11 : memref<!tpu.dma_semaphore, #tpu.memory_space<semaphore_mem>>) {add = true}
      } else {
      }
    }
    %barrier3A_37 = arith.constant 0 : index
    tpu.barrier barrier_id(%barrier3A_37)
    "tpu.region"() ({
      %run_scoped3A = tpu.sem_alloc : memref<!tpu.dma_semaphore, #tpu.memory_space<semaphore_mem>>
      %dma_start3A = arith.constant 0 : i32
      %dma_start3A_38 = tpu.memref_slice %arg4[%mul3A_2, %dma_start3A] : memref<10000x16xf32, #tpu.memory_space<vmem_shared>> -> memref<625x16xf32, #tpu.memory_space<vmem_shared>>
      %dma_start3A_39 = arith.constant 0 : i32
      %dma_start3A_40 = tpu.memref_slice %arg4[%mul3A_2, %dma_start3A_39] : memref<10000x16xf32, #tpu.memory_space<vmem_shared>> -> memref<625x16xf32, #tpu.memory_space<vmem_shared>>
      tpu.enqueue_dma source(%dma_start3A_40 : memref<625x16xf32, #tpu.memory_space<vmem_shared>>) target(%arg5 : memref<625x16xf32, #tpu.memory_space<vmem>>) target_semaphore(%run_scoped3A : memref<!tpu.dma_semaphore, #tpu.memory_space<semaphore_mem>>)
      %dma_wait3A = arith.constant 0 : i32
      %dma_wait3A_41 = tpu.memref_slice %arg4[%mul3A_2, %dma_wait3A] : memref<10000x16xf32, #tpu.memory_space<vmem_shared>> -> memref<625x16xf32, #tpu.memory_space<vmem_shared>>
      %dma_wait3A_42 = arith.constant 0 : i32
      %dma_wait3A_43 = tpu.memref_slice %arg4[%mul3A_2, %dma_wait3A_42] : memref<10000x16xf32, #tpu.memory_space<vmem_shared>> -> memref<625x16xf32, #tpu.memory_space<vmem_shared>>
      tpu.wait_dma2 semaphore(%run_scoped3A : memref<!tpu.dma_semaphore, #tpu.memory_space<semaphore_mem>>) src(%dma_wait3A_43 : memref<625x16xf32, #tpu.memory_space<vmem_shared>>) dst(%arg5 : memref<625x16xf32, #tpu.memory_space<vmem>>)
      tpu.yield
    }) : () -> ()
    "tpu.region"() ({
      %run_scoped3A = tpu.sem_alloc : memref<!tpu.dma_semaphore, #tpu.memory_space<semaphore_mem>>
      %dma_start3A = arith.constant 0 : i32
      %dma_start3A_38 = tpu.memref_slice %arg3[%arg0, %mul3A_2, %dma_start3A] : memref<2x10000x16xf32, #tpu.memory_space<hbm>> -> memref<1x625x16xf32, #tpu.memory_space<hbm>>
      %dma_start3A_39 = tpu.memref_squeeze %dma_start3A_38 : memref<1x625x16xf32, #tpu.memory_space<hbm>> -> memref<625x16xf32, #tpu.memory_space<hbm>>
      %dma_start3A_40 = arith.constant 0 : i32
      %dma_start3A_41 = tpu.memref_slice %arg3[%arg0, %mul3A_2, %dma_start3A_40] : memref<2x10000x16xf32, #tpu.memory_space<hbm>> -> memref<1x625x16xf32, #tpu.memory_space<hbm>>
      %dma_start3A_42 = tpu.memref_squeeze %dma_start3A_41 : memref<1x625x16xf32, #tpu.memory_space<hbm>> -> memref<625x16xf32, #tpu.memory_space<hbm>>
      tpu.enqueue_dma source(%arg5 : memref<625x16xf32, #tpu.memory_space<vmem>>) target(%dma_start3A_42 : memref<625x16xf32, #tpu.memory_space<hbm>>) target_semaphore(%run_scoped3A : memref<!tpu.dma_semaphore, #tpu.memory_space<semaphore_mem>>)
      %dma_wait3A = arith.constant 0 : i32
      %dma_wait3A_43 = tpu.memref_slice %arg3[%arg0, %mul3A_2, %dma_wait3A] : memref<2x10000x16xf32, #tpu.memory_space<hbm>> -> memref<1x625x16xf32, #tpu.memory_space<hbm>>
      %dma_wait3A_44 = tpu.memref_squeeze %dma_wait3A_43 : memref<1x625x16xf32, #tpu.memory_space<hbm>> -> memref<625x16xf32, #tpu.memory_space<hbm>>
      %dma_wait3A_45 = arith.constant 0 : i32
      %dma_wait3A_46 = tpu.memref_slice %arg3[%arg0, %mul3A_2, %dma_wait3A_45] : memref<2x10000x16xf32, #tpu.memory_space<hbm>> -> memref<1x625x16xf32, #tpu.memory_space<hbm>>
      %dma_wait3A_47 = tpu.memref_squeeze %dma_wait3A_46 : memref<1x625x16xf32, #tpu.memory_space<hbm>> -> memref<625x16xf32, #tpu.memory_space<hbm>>
      tpu.wait_dma2 semaphore(%run_scoped3A : memref<!tpu.dma_semaphore, #tpu.memory_space<semaphore_mem>>) src(%arg5 : memref<625x16xf32, #tpu.memory_space<vmem>>) dst(%dma_wait3A_47 : memref<625x16xf32, #tpu.memory_space<hbm>>)
      tpu.yield
    }) : () -> ()
    return
  }
}

#map = affine_map<(d0, d1) -> (0, 0)>
#map1 = affine_map<(d0, d1) -> (0, 0, 0)>
module attributes {stable_mosaic.version = 14 : i64} {
  func.func @body(%arg0: i32, %arg1: i32, %arg2: memref<4000x80xi32, #tpu.memory_space<hbm>>, %arg3: memref<4000x80xi32, #tpu.memory_space<hbm>>, %arg4: memref<10000x128xf32, #tpu.memory_space<hbm>>, %arg5: memref<2x10000x128xf32, #tpu.memory_space<hbm>>, %arg6: memref<10000x128xf32, #tpu.memory_space<vmem_shared>>, %arg7: memref<125x80xi32, #tpu.memory_space<vmem>>, %arg8: memref<125x80xi32, #tpu.memory_space<vmem>>, %arg9: memref<80x128xf32, #tpu.memory_space<vmem>>, %arg10: memref<80x128xf32, #tpu.memory_space<vmem>>, %arg11: memref<80x128xf32, #tpu.memory_space<vmem>>, %arg12: memref<!tpu.dma_semaphore, #tpu.memory_space<semaphore_mem>>, %arg13: memref<!tpu.dma_semaphore, #tpu.memory_space<semaphore_mem>>, %arg14: memref<!tpu.dma_semaphore, #tpu.memory_space<semaphore_mem>>, %arg15: memref<!tpu.dma_semaphore, #tpu.memory_space<semaphore_mem>>, %arg16: memref<!tpu.dma_semaphore, #tpu.memory_space<semaphore_mem>>, %arg17: memref<!tpu.dma_semaphore, #tpu.memory_space<semaphore_mem>>) attributes {dimension_semantics = [#tpu.dimension_semantics<core_parallel>, #tpu.dimension_semantics<subcore_parallel>], iteration_bounds = array<i64: 2, 16>, scalar_prefetch = 0 : i64, scratch_operands = 12 : i64, tpu.core_type = #tpu.core_type<sc_vector_subcore>, window_params = [{transform_indices = #map}, {transform_indices = #map}, {transform_indices = #map}, {transform_indices = #map1}]} {
    %mul3A = arith.constant 16 : i32
    %mul3A_0 = arith.muli %arg0, %mul3A : i32
    %add3A = arith.addi %mul3A_0, %arg1 : i32
    %mul3A_1 = arith.constant 625 : i32
    %mul3A_2 = arith.muli %arg1, %mul3A_1 : i32
    %while3A = arith.constant 0 : i32
    %while3A_3 = arith.constant 0 : i32
    %while3A_4 = arith.constant 80 : i32
    %while3A_5 = arith.subi %while3A_4, %while3A_3 : i32
    %while3A_6 = arith.addi %while3A_3, %while3A_5 : i32
    %while3A_7 = arith.constant 1 : i32
    %while3A_8 = arith.divsi %while3A_5, %while3A_7 : i32
    %while3A_9 = arith.muli %while3A_8, %while3A_7 : i32
    %while3A_10 = arith.addi %while3A_3, %while3A_9 : i32
    %while3A_11 = arith.constant 1 : i32
    scf.for %while3A_45 = %while3A_3 to %while3A_10 step %while3A_11  : i32 {
      %broadcast_in_dim3A = arith.constant 0.000000e+00 : f32
      %broadcast_in_dim3A_46 = vector.broadcast %broadcast_in_dim3A : f32 to vector<16xf32>
      %swap3A = arith.index_cast %while3A_45 : i32 to index
      %swap3A_47 = arith.constant 0 : index
      %swap3A_48 = tpu.vector_load %arg9[%swap3A, %swap3A_47] {strides = array<i32>} : memref<80x128xf32, #tpu.memory_space<vmem>>, vector<1x16xf32>,
      %swap3A_49 = vector.shape_cast %swap3A_48 : vector<1x16xf32> to vector<16xf32>
      %swap3A_50 = vector.shape_cast %broadcast_in_dim3A_46 : vector<16xf32> to vector<1x16xf32>
      tpu.vector_store %arg9[%swap3A, %swap3A_47], %swap3A_50 {strides = array<i32>} : memref<80x128xf32, #tpu.memory_space<vmem>>, vector<1x16xf32>,
      %broadcast_in_dim3A_51 = arith.constant 0.000000e+00 : f32
      %broadcast_in_dim3A_52 = vector.broadcast %broadcast_in_dim3A_51 : f32 to vector<16xf32>
      %swap3A_53 = arith.index_cast %while3A_45 : i32 to index
      %swap3A_54 = arith.constant 16 : index
      %swap3A_55 = tpu.vector_load %arg9[%swap3A_53, %swap3A_54] {strides = array<i32>} : memref<80x128xf32, #tpu.memory_space<vmem>>, vector<1x16xf32>,
      %swap3A_56 = vector.shape_cast %swap3A_55 : vector<1x16xf32> to vector<16xf32>
      %swap3A_57 = vector.shape_cast %broadcast_in_dim3A_52 : vector<16xf32> to vector<1x16xf32>
      tpu.vector_store %arg9[%swap3A_53, %swap3A_54], %swap3A_57 {strides = array<i32>} : memref<80x128xf32, #tpu.memory_space<vmem>>, vector<1x16xf32>,
      %broadcast_in_dim3A_58 = arith.constant 0.000000e+00 : f32
      %broadcast_in_dim3A_59 = vector.broadcast %broadcast_in_dim3A_58 : f32 to vector<16xf32>
      %swap3A_60 = arith.index_cast %while3A_45 : i32 to index
      %swap3A_61 = arith.constant 32 : index
      %swap3A_62 = tpu.vector_load %arg9[%swap3A_60, %swap3A_61] {strides = array<i32>} : memref<80x128xf32, #tpu.memory_space<vmem>>, vector<1x16xf32>,
      %swap3A_63 = vector.shape_cast %swap3A_62 : vector<1x16xf32> to vector<16xf32>
      %swap3A_64 = vector.shape_cast %broadcast_in_dim3A_59 : vector<16xf32> to vector<1x16xf32>
      tpu.vector_store %arg9[%swap3A_60, %swap3A_61], %swap3A_64 {strides = array<i32>} : memref<80x128xf32, #tpu.memory_space<vmem>>, vector<1x16xf32>,
      %broadcast_in_dim3A_65 = arith.constant 0.000000e+00 : f32
      %broadcast_in_dim3A_66 = vector.broadcast %broadcast_in_dim3A_65 : f32 to vector<16xf32>
      %swap3A_67 = arith.index_cast %while3A_45 : i32 to index
      %swap3A_68 = arith.constant 48 : index
      %swap3A_69 = tpu.vector_load %arg9[%swap3A_67, %swap3A_68] {strides = array<i32>} : memref<80x128xf32, #tpu.memory_space<vmem>>, vector<1x16xf32>,
      %swap3A_70 = vector.shape_cast %swap3A_69 : vector<1x16xf32> to vector<16xf32>
      %swap3A_71 = vector.shape_cast %broadcast_in_dim3A_66 : vector<16xf32> to vector<1x16xf32>
      tpu.vector_store %arg9[%swap3A_67, %swap3A_68], %swap3A_71 {strides = array<i32>} : memref<80x128xf32, #tpu.memory_space<vmem>>, vector<1x16xf32>,
      %broadcast_in_dim3A_72 = arith.constant 0.000000e+00 : f32
      %broadcast_in_dim3A_73 = vector.broadcast %broadcast_in_dim3A_72 : f32 to vector<16xf32>
      %swap3A_74 = arith.index_cast %while3A_45 : i32 to index
      %swap3A_75 = arith.constant 64 : index
      %swap3A_76 = tpu.vector_load %arg9[%swap3A_74, %swap3A_75] {strides = array<i32>} : memref<80x128xf32, #tpu.memory_space<vmem>>, vector<1x16xf32>,
      %swap3A_77 = vector.shape_cast %swap3A_76 : vector<1x16xf32> to vector<16xf32>
      %swap3A_78 = vector.shape_cast %broadcast_in_dim3A_73 : vector<16xf32> to vector<1x16xf32>
      tpu.vector_store %arg9[%swap3A_74, %swap3A_75], %swap3A_78 {strides = array<i32>} : memref<80x128xf32, #tpu.memory_space<vmem>>, vector<1x16xf32>,
      %broadcast_in_dim3A_79 = arith.constant 0.000000e+00 : f32
      %broadcast_in_dim3A_80 = vector.broadcast %broadcast_in_dim3A_79 : f32 to vector<16xf32>
      %swap3A_81 = arith.index_cast %while3A_45 : i32 to index
      %swap3A_82 = arith.constant 80 : index
      %swap3A_83 = tpu.vector_load %arg9[%swap3A_81, %swap3A_82] {strides = array<i32>} : memref<80x128xf32, #tpu.memory_space<vmem>>, vector<1x16xf32>,
      %swap3A_84 = vector.shape_cast %swap3A_83 : vector<1x16xf32> to vector<16xf32>
      %swap3A_85 = vector.shape_cast %broadcast_in_dim3A_80 : vector<16xf32> to vector<1x16xf32>
      tpu.vector_store %arg9[%swap3A_81, %swap3A_82], %swap3A_85 {strides = array<i32>} : memref<80x128xf32, #tpu.memory_space<vmem>>, vector<1x16xf32>,
      %broadcast_in_dim3A_86 = arith.constant 0.000000e+00 : f32
      %broadcast_in_dim3A_87 = vector.broadcast %broadcast_in_dim3A_86 : f32 to vector<16xf32>
      %swap3A_88 = arith.index_cast %while3A_45 : i32 to index
      %swap3A_89 = arith.constant 96 : index
      %swap3A_90 = tpu.vector_load %arg9[%swap3A_88, %swap3A_89] {strides = array<i32>} : memref<80x128xf32, #tpu.memory_space<vmem>>, vector<1x16xf32>,
      %swap3A_91 = vector.shape_cast %swap3A_90 : vector<1x16xf32> to vector<16xf32>
      %swap3A_92 = vector.shape_cast %broadcast_in_dim3A_87 : vector<16xf32> to vector<1x16xf32>
      tpu.vector_store %arg9[%swap3A_88, %swap3A_89], %swap3A_92 {strides = array<i32>} : memref<80x128xf32, #tpu.memory_space<vmem>>, vector<1x16xf32>,
      %broadcast_in_dim3A_93 = arith.constant 0.000000e+00 : f32
      %broadcast_in_dim3A_94 = vector.broadcast %broadcast_in_dim3A_93 : f32 to vector<16xf32>
      %swap3A_95 = arith.index_cast %while3A_45 : i32 to index
      %swap3A_96 = arith.constant 112 : index
      %swap3A_97 = tpu.vector_load %arg9[%swap3A_95, %swap3A_96] {strides = array<i32>} : memref<80x128xf32, #tpu.memory_space<vmem>>, vector<1x16xf32>,
      %swap3A_98 = vector.shape_cast %swap3A_97 : vector<1x16xf32> to vector<16xf32>
      %swap3A_99 = vector.shape_cast %broadcast_in_dim3A_94 : vector<16xf32> to vector<1x16xf32>
      tpu.vector_store %arg9[%swap3A_95, %swap3A_96], %swap3A_99 {strides = array<i32>} : memref<80x128xf32, #tpu.memory_space<vmem>>, vector<1x16xf32>,
    }
    %while3A_12 = arith.constant 1 : i32
    scf.for %while3A_45 = %while3A_10 to %while3A_6 step %while3A_12  : i32 {
      %broadcast_in_dim3A = arith.constant 0.000000e+00 : f32
      %broadcast_in_dim3A_46 = vector.broadcast %broadcast_in_dim3A : f32 to vector<16xf32>
      %swap3A = arith.index_cast %while3A_45 : i32 to index
      %swap3A_47 = arith.constant 0 : index
      %swap3A_48 = tpu.vector_load %arg9[%swap3A, %swap3A_47] {strides = array<i32>} : memref<80x128xf32, #tpu.memory_space<vmem>>, vector<1x16xf32>,
      %swap3A_49 = vector.shape_cast %swap3A_48 : vector<1x16xf32> to vector<16xf32>
      %swap3A_50 = vector.shape_cast %broadcast_in_dim3A_46 : vector<16xf32> to vector<1x16xf32>
      tpu.vector_store %arg9[%swap3A, %swap3A_47], %swap3A_50 {strides = array<i32>} : memref<80x128xf32, #tpu.memory_space<vmem>>, vector<1x16xf32>,
      %broadcast_in_dim3A_51 = arith.constant 0.000000e+00 : f32
      %broadcast_in_dim3A_52 = vector.broadcast %broadcast_in_dim3A_51 : f32 to vector<16xf32>
      %swap3A_53 = arith.index_cast %while3A_45 : i32 to index
      %swap3A_54 = arith.constant 16 : index
      %swap3A_55 = tpu.vector_load %arg9[%swap3A_53, %swap3A_54] {strides = array<i32>} : memref<80x128xf32, #tpu.memory_space<vmem>>, vector<1x16xf32>,
      %swap3A_56 = vector.shape_cast %swap3A_55 : vector<1x16xf32> to vector<16xf32>
      %swap3A_57 = vector.shape_cast %broadcast_in_dim3A_52 : vector<16xf32> to vector<1x16xf32>
      tpu.vector_store %arg9[%swap3A_53, %swap3A_54], %swap3A_57 {strides = array<i32>} : memref<80x128xf32, #tpu.memory_space<vmem>>, vector<1x16xf32>,
      %broadcast_in_dim3A_58 = arith.constant 0.000000e+00 : f32
      %broadcast_in_dim3A_59 = vector.broadcast %broadcast_in_dim3A_58 : f32 to vector<16xf32>
      %swap3A_60 = arith.index_cast %while3A_45 : i32 to index
      %swap3A_61 = arith.constant 32 : index
      %swap3A_62 = tpu.vector_load %arg9[%swap3A_60, %swap3A_61] {strides = array<i32>} : memref<80x128xf32, #tpu.memory_space<vmem>>, vector<1x16xf32>,
      %swap3A_63 = vector.shape_cast %swap3A_62 : vector<1x16xf32> to vector<16xf32>
      %swap3A_64 = vector.shape_cast %broadcast_in_dim3A_59 : vector<16xf32> to vector<1x16xf32>
      tpu.vector_store %arg9[%swap3A_60, %swap3A_61], %swap3A_64 {strides = array<i32>} : memref<80x128xf32, #tpu.memory_space<vmem>>, vector<1x16xf32>,
      %broadcast_in_dim3A_65 = arith.constant 0.000000e+00 : f32
      %broadcast_in_dim3A_66 = vector.broadcast %broadcast_in_dim3A_65 : f32 to vector<16xf32>
      %swap3A_67 = arith.index_cast %while3A_45 : i32 to index
      %swap3A_68 = arith.constant 48 : index
      %swap3A_69 = tpu.vector_load %arg9[%swap3A_67, %swap3A_68] {strides = array<i32>} : memref<80x128xf32, #tpu.memory_space<vmem>>, vector<1x16xf32>,
      %swap3A_70 = vector.shape_cast %swap3A_69 : vector<1x16xf32> to vector<16xf32>
      %swap3A_71 = vector.shape_cast %broadcast_in_dim3A_66 : vector<16xf32> to vector<1x16xf32>
      tpu.vector_store %arg9[%swap3A_67, %swap3A_68], %swap3A_71 {strides = array<i32>} : memref<80x128xf32, #tpu.memory_space<vmem>>, vector<1x16xf32>,
      %broadcast_in_dim3A_72 = arith.constant 0.000000e+00 : f32
      %broadcast_in_dim3A_73 = vector.broadcast %broadcast_in_dim3A_72 : f32 to vector<16xf32>
      %swap3A_74 = arith.index_cast %while3A_45 : i32 to index
      %swap3A_75 = arith.constant 64 : index
      %swap3A_76 = tpu.vector_load %arg9[%swap3A_74, %swap3A_75] {strides = array<i32>} : memref<80x128xf32, #tpu.memory_space<vmem>>, vector<1x16xf32>,
      %swap3A_77 = vector.shape_cast %swap3A_76 : vector<1x16xf32> to vector<16xf32>
      %swap3A_78 = vector.shape_cast %broadcast_in_dim3A_73 : vector<16xf32> to vector<1x16xf32>
      tpu.vector_store %arg9[%swap3A_74, %swap3A_75], %swap3A_78 {strides = array<i32>} : memref<80x128xf32, #tpu.memory_space<vmem>>, vector<1x16xf32>,
      %broadcast_in_dim3A_79 = arith.constant 0.000000e+00 : f32
      %broadcast_in_dim3A_80 = vector.broadcast %broadcast_in_dim3A_79 : f32 to vector<16xf32>
      %swap3A_81 = arith.index_cast %while3A_45 : i32 to index
      %swap3A_82 = arith.constant 80 : index
      %swap3A_83 = tpu.vector_load %arg9[%swap3A_81, %swap3A_82] {strides = array<i32>} : memref<80x128xf32, #tpu.memory_space<vmem>>, vector<1x16xf32>,
      %swap3A_84 = vector.shape_cast %swap3A_83 : vector<1x16xf32> to vector<16xf32>
      %swap3A_85 = vector.shape_cast %broadcast_in_dim3A_80 : vector<16xf32> to vector<1x16xf32>
      tpu.vector_store %arg9[%swap3A_81, %swap3A_82], %swap3A_85 {strides = array<i32>} : memref<80x128xf32, #tpu.memory_space<vmem>>, vector<1x16xf32>,
      %broadcast_in_dim3A_86 = arith.constant 0.000000e+00 : f32
      %broadcast_in_dim3A_87 = vector.broadcast %broadcast_in_dim3A_86 : f32 to vector<16xf32>
      %swap3A_88 = arith.index_cast %while3A_45 : i32 to index
      %swap3A_89 = arith.constant 96 : index
      %swap3A_90 = tpu.vector_load %arg9[%swap3A_88, %swap3A_89] {strides = array<i32>} : memref<80x128xf32, #tpu.memory_space<vmem>>, vector<1x16xf32>,
      %swap3A_91 = vector.shape_cast %swap3A_90 : vector<1x16xf32> to vector<16xf32>
      %swap3A_92 = vector.shape_cast %broadcast_in_dim3A_87 : vector<16xf32> to vector<1x16xf32>
      tpu.vector_store %arg9[%swap3A_88, %swap3A_89], %swap3A_92 {strides = array<i32>} : memref<80x128xf32, #tpu.memory_space<vmem>>, vector<1x16xf32>,
      %broadcast_in_dim3A_93 = arith.constant 0.000000e+00 : f32
      %broadcast_in_dim3A_94 = vector.broadcast %broadcast_in_dim3A_93 : f32 to vector<16xf32>
      %swap3A_95 = arith.index_cast %while3A_45 : i32 to index
      %swap3A_96 = arith.constant 112 : index
      %swap3A_97 = tpu.vector_load %arg9[%swap3A_95, %swap3A_96] {strides = array<i32>} : memref<80x128xf32, #tpu.memory_space<vmem>>, vector<1x16xf32>,
      %swap3A_98 = vector.shape_cast %swap3A_97 : vector<1x16xf32> to vector<16xf32>
      %swap3A_99 = vector.shape_cast %broadcast_in_dim3A_94 : vector<16xf32> to vector<1x16xf32>
      tpu.vector_store %arg9[%swap3A_95, %swap3A_96], %swap3A_99 {strides = array<i32>} : memref<80x128xf32, #tpu.memory_space<vmem>>, vector<1x16xf32>,
    }
    %add3A_13 = arith.constant 0 : i32
    %add3A_14 = arith.addi %mul3A_2, %add3A_13 : i32
    "tpu.region"() ({
      %run_scoped3A = tpu.sem_alloc : memref<!tpu.dma_semaphore, #tpu.memory_space<semaphore_mem>>
      %dma_start3A = arith.constant 0 : i32
      %dma_start3A_45 = tpu.memref_slice %arg6[%add3A_14, %dma_start3A] : memref<10000x128xf32, #tpu.memory_space<vmem_shared>> -> memref<80x128xf32, #tpu.memory_space<vmem_shared>>
      %dma_start3A_46 = arith.constant 0 : i32
      %dma_start3A_47 = tpu.memref_slice %arg6[%add3A_14, %dma_start3A_46] : memref<10000x128xf32, #tpu.memory_space<vmem_shared>> -> memref<80x128xf32, #tpu.memory_space<vmem_shared>>
      tpu.enqueue_dma source(%arg9 : memref<80x128xf32, #tpu.memory_space<vmem>>) target(%dma_start3A_47 : memref<80x128xf32, #tpu.memory_space<vmem_shared>>) target_semaphore(%run_scoped3A : memref<!tpu.dma_semaphore, #tpu.memory_space<semaphore_mem>>)
      %dma_wait3A = arith.constant 0 : i32
      %dma_wait3A_48 = tpu.memref_slice %arg6[%add3A_14, %dma_wait3A] : memref<10000x128xf32, #tpu.memory_space<vmem_shared>> -> memref<80x128xf32, #tpu.memory_space<vmem_shared>>
      %dma_wait3A_49 = arith.constant 0 : i32
      %dma_wait3A_50 = tpu.memref_slice %arg6[%add3A_14, %dma_wait3A_49] : memref<10000x128xf32, #tpu.memory_space<vmem_shared>> -> memref<80x128xf32, #tpu.memory_space<vmem_shared>>
      tpu.wait_dma2 semaphore(%run_scoped3A : memref<!tpu.dma_semaphore, #tpu.memory_space<semaphore_mem>>) src(%arg9 : memref<80x128xf32, #tpu.memory_space<vmem>>) dst(%dma_wait3A_50 : memref<80x128xf32, #tpu.memory_space<vmem_shared>>)
      tpu.yield
    }) : () -> ()
    %add3A_15 = arith.constant 80 : i32
    %add3A_16 = arith.addi %mul3A_2, %add3A_15 : i32
    "tpu.region"() ({
      %run_scoped3A = tpu.sem_alloc : memref<!tpu.dma_semaphore, #tpu.memory_space<semaphore_mem>>
      %dma_start3A = arith.constant 0 : i32
      %dma_start3A_45 = tpu.memref_slice %arg6[%add3A_16, %dma_start3A] : memref<10000x128xf32, #tpu.memory_space<vmem_shared>> -> memref<80x128xf32, #tpu.memory_space<vmem_shared>>
      %dma_start3A_46 = arith.constant 0 : i32
      %dma_start3A_47 = tpu.memref_slice %arg6[%add3A_16, %dma_start3A_46] : memref<10000x128xf32, #tpu.memory_space<vmem_shared>> -> memref<80x128xf32, #tpu.memory_space<vmem_shared>>
      tpu.enqueue_dma source(%arg9 : memref<80x128xf32, #tpu.memory_space<vmem>>) target(%dma_start3A_47 : memref<80x128xf32, #tpu.memory_space<vmem_shared>>) target_semaphore(%run_scoped3A : memref<!tpu.dma_semaphore, #tpu.memory_space<semaphore_mem>>)
      %dma_wait3A = arith.constant 0 : i32
      %dma_wait3A_48 = tpu.memref_slice %arg6[%add3A_16, %dma_wait3A] : memref<10000x128xf32, #tpu.memory_space<vmem_shared>> -> memref<80x128xf32, #tpu.memory_space<vmem_shared>>
      %dma_wait3A_49 = arith.constant 0 : i32
      %dma_wait3A_50 = tpu.memref_slice %arg6[%add3A_16, %dma_wait3A_49] : memref<10000x128xf32, #tpu.memory_space<vmem_shared>> -> memref<80x128xf32, #tpu.memory_space<vmem_shared>>
      tpu.wait_dma2 semaphore(%run_scoped3A : memref<!tpu.dma_semaphore, #tpu.memory_space<semaphore_mem>>) src(%arg9 : memref<80x128xf32, #tpu.memory_space<vmem>>) dst(%dma_wait3A_50 : memref<80x128xf32, #tpu.memory_space<vmem_shared>>)
      tpu.yield
    }) : () -> ()
    %add3A_17 = arith.constant 160 : i32
    %add3A_18 = arith.addi %mul3A_2, %add3A_17 : i32
    "tpu.region"() ({
      %run_scoped3A = tpu.sem_alloc : memref<!tpu.dma_semaphore, #tpu.memory_space<semaphore_mem>>
      %dma_start3A = arith.constant 0 : i32
      %dma_start3A_45 = tpu.memref_slice %arg6[%add3A_18, %dma_start3A] : memref<10000x128xf32, #tpu.memory_space<vmem_shared>> -> memref<80x128xf32, #tpu.memory_space<vmem_shared>>
      %dma_start3A_46 = arith.constant 0 : i32
      %dma_start3A_47 = tpu.memref_slice %arg6[%add3A_18, %dma_start3A_46] : memref<10000x128xf32, #tpu.memory_space<vmem_shared>> -> memref<80x128xf32, #tpu.memory_space<vmem_shared>>
      tpu.enqueue_dma source(%arg9 : memref<80x128xf32, #tpu.memory_space<vmem>>) target(%dma_start3A_47 : memref<80x128xf32, #tpu.memory_space<vmem_shared>>) target_semaphore(%run_scoped3A : memref<!tpu.dma_semaphore, #tpu.memory_space<semaphore_mem>>)
      %dma_wait3A = arith.constant 0 : i32
      %dma_wait3A_48 = tpu.memref_slice %arg6[%add3A_18, %dma_wait3A] : memref<10000x128xf32, #tpu.memory_space<vmem_shared>> -> memref<80x128xf32, #tpu.memory_space<vmem_shared>>
      %dma_wait3A_49 = arith.constant 0 : i32
      %dma_wait3A_50 = tpu.memref_slice %arg6[%add3A_18, %dma_wait3A_49] : memref<10000x128xf32, #tpu.memory_space<vmem_shared>> -> memref<80x128xf32, #tpu.memory_space<vmem_shared>>
      tpu.wait_dma2 semaphore(%run_scoped3A : memref<!tpu.dma_semaphore, #tpu.memory_space<semaphore_mem>>) src(%arg9 : memref<80x128xf32, #tpu.memory_space<vmem>>) dst(%dma_wait3A_50 : memref<80x128xf32, #tpu.memory_space<vmem_shared>>)
      tpu.yield
    }) : () -> ()
    %add3A_19 = arith.constant 240 : i32
    %add3A_20 = arith.addi %mul3A_2, %add3A_19 : i32
    "tpu.region"() ({
      %run_scoped3A = tpu.sem_alloc : memref<!tpu.dma_semaphore, #tpu.memory_space<semaphore_mem>>
      %dma_start3A = arith.constant 0 : i32
      %dma_start3A_45 = tpu.memref_slice %arg6[%add3A_20, %dma_start3A] : memref<10000x128xf32, #tpu.memory_space<vmem_shared>> -> memref<80x128xf32, #tpu.memory_space<vmem_shared>>
      %dma_start3A_46 = arith.constant 0 : i32
      %dma_start3A_47 = tpu.memref_slice %arg6[%add3A_20, %dma_start3A_46] : memref<10000x128xf32, #tpu.memory_space<vmem_shared>> -> memref<80x128xf32, #tpu.memory_space<vmem_shared>>
      tpu.enqueue_dma source(%arg9 : memref<80x128xf32, #tpu.memory_space<vmem>>) target(%dma_start3A_47 : memref<80x128xf32, #tpu.memory_space<vmem_shared>>) target_semaphore(%run_scoped3A : memref<!tpu.dma_semaphore, #tpu.memory_space<semaphore_mem>>)
      %dma_wait3A = arith.constant 0 : i32
      %dma_wait3A_48 = tpu.memref_slice %arg6[%add3A_20, %dma_wait3A] : memref<10000x128xf32, #tpu.memory_space<vmem_shared>> -> memref<80x128xf32, #tpu.memory_space<vmem_shared>>
      %dma_wait3A_49 = arith.constant 0 : i32
      %dma_wait3A_50 = tpu.memref_slice %arg6[%add3A_20, %dma_wait3A_49] : memref<10000x128xf32, #tpu.memory_space<vmem_shared>> -> memref<80x128xf32, #tpu.memory_space<vmem_shared>>
      tpu.wait_dma2 semaphore(%run_scoped3A : memref<!tpu.dma_semaphore, #tpu.memory_space<semaphore_mem>>) src(%arg9 : memref<80x128xf32, #tpu.memory_space<vmem>>) dst(%dma_wait3A_50 : memref<80x128xf32, #tpu.memory_space<vmem_shared>>)
      tpu.yield
    }) : () -> ()
    %add3A_21 = arith.constant 320 : i32
    %add3A_22 = arith.addi %mul3A_2, %add3A_21 : i32
    "tpu.region"() ({
      %run_scoped3A = tpu.sem_alloc : memref<!tpu.dma_semaphore, #tpu.memory_space<semaphore_mem>>
      %dma_start3A = arith.constant 0 : i32
      %dma_start3A_45 = tpu.memref_slice %arg6[%add3A_22, %dma_start3A] : memref<10000x128xf32, #tpu.memory_space<vmem_shared>> -> memref<80x128xf32, #tpu.memory_space<vmem_shared>>
      %dma_start3A_46 = arith.constant 0 : i32
      %dma_start3A_47 = tpu.memref_slice %arg6[%add3A_22, %dma_start3A_46] : memref<10000x128xf32, #tpu.memory_space<vmem_shared>> -> memref<80x128xf32, #tpu.memory_space<vmem_shared>>
      tpu.enqueue_dma source(%arg9 : memref<80x128xf32, #tpu.memory_space<vmem>>) target(%dma_start3A_47 : memref<80x128xf32, #tpu.memory_space<vmem_shared>>) target_semaphore(%run_scoped3A : memref<!tpu.dma_semaphore, #tpu.memory_space<semaphore_mem>>)
      %dma_wait3A = arith.constant 0 : i32
      %dma_wait3A_48 = tpu.memref_slice %arg6[%add3A_22, %dma_wait3A] : memref<10000x128xf32, #tpu.memory_space<vmem_shared>> -> memref<80x128xf32, #tpu.memory_space<vmem_shared>>
      %dma_wait3A_49 = arith.constant 0 : i32
      %dma_wait3A_50 = tpu.memref_slice %arg6[%add3A_22, %dma_wait3A_49] : memref<10000x128xf32, #tpu.memory_space<vmem_shared>> -> memref<80x128xf32, #tpu.memory_space<vmem_shared>>
      tpu.wait_dma2 semaphore(%run_scoped3A : memref<!tpu.dma_semaphore, #tpu.memory_space<semaphore_mem>>) src(%arg9 : memref<80x128xf32, #tpu.memory_space<vmem>>) dst(%dma_wait3A_50 : memref<80x128xf32, #tpu.memory_space<vmem_shared>>)
      tpu.yield
    }) : () -> ()
    %add3A_23 = arith.constant 400 : i32
    %add3A_24 = arith.addi %mul3A_2, %add3A_23 : i32
    "tpu.region"() ({
      %run_scoped3A = tpu.sem_alloc : memref<!tpu.dma_semaphore, #tpu.memory_space<semaphore_mem>>
      %dma_start3A = arith.constant 0 : i32
      %dma_start3A_45 = tpu.memref_slice %arg6[%add3A_24, %dma_start3A] : memref<10000x128xf32, #tpu.memory_space<vmem_shared>> -> memref<80x128xf32, #tpu.memory_space<vmem_shared>>
      %dma_start3A_46 = arith.constant 0 : i32
      %dma_start3A_47 = tpu.memref_slice %arg6[%add3A_24, %dma_start3A_46] : memref<10000x128xf32, #tpu.memory_space<vmem_shared>> -> memref<80x128xf32, #tpu.memory_space<vmem_shared>>
      tpu.enqueue_dma source(%arg9 : memref<80x128xf32, #tpu.memory_space<vmem>>) target(%dma_start3A_47 : memref<80x128xf32, #tpu.memory_space<vmem_shared>>) target_semaphore(%run_scoped3A : memref<!tpu.dma_semaphore, #tpu.memory_space<semaphore_mem>>)
      %dma_wait3A = arith.constant 0 : i32
      %dma_wait3A_48 = tpu.memref_slice %arg6[%add3A_24, %dma_wait3A] : memref<10000x128xf32, #tpu.memory_space<vmem_shared>> -> memref<80x128xf32, #tpu.memory_space<vmem_shared>>
      %dma_wait3A_49 = arith.constant 0 : i32
      %dma_wait3A_50 = tpu.memref_slice %arg6[%add3A_24, %dma_wait3A_49] : memref<10000x128xf32, #tpu.memory_space<vmem_shared>> -> memref<80x128xf32, #tpu.memory_space<vmem_shared>>
      tpu.wait_dma2 semaphore(%run_scoped3A : memref<!tpu.dma_semaphore, #tpu.memory_space<semaphore_mem>>) src(%arg9 : memref<80x128xf32, #tpu.memory_space<vmem>>) dst(%dma_wait3A_50 : memref<80x128xf32, #tpu.memory_space<vmem_shared>>)
      tpu.yield
    }) : () -> ()
    %add3A_25 = arith.constant 480 : i32
    %add3A_26 = arith.addi %mul3A_2, %add3A_25 : i32
    "tpu.region"() ({
      %run_scoped3A = tpu.sem_alloc : memref<!tpu.dma_semaphore, #tpu.memory_space<semaphore_mem>>
      %dma_start3A = arith.constant 0 : i32
      %dma_start3A_45 = tpu.memref_slice %arg6[%add3A_26, %dma_start3A] : memref<10000x128xf32, #tpu.memory_space<vmem_shared>> -> memref<80x128xf32, #tpu.memory_space<vmem_shared>>
      %dma_start3A_46 = arith.constant 0 : i32
      %dma_start3A_47 = tpu.memref_slice %arg6[%add3A_26, %dma_start3A_46] : memref<10000x128xf32, #tpu.memory_space<vmem_shared>> -> memref<80x128xf32, #tpu.memory_space<vmem_shared>>
      tpu.enqueue_dma source(%arg9 : memref<80x128xf32, #tpu.memory_space<vmem>>) target(%dma_start3A_47 : memref<80x128xf32, #tpu.memory_space<vmem_shared>>) target_semaphore(%run_scoped3A : memref<!tpu.dma_semaphore, #tpu.memory_space<semaphore_mem>>)
      %dma_wait3A = arith.constant 0 : i32
      %dma_wait3A_48 = tpu.memref_slice %arg6[%add3A_26, %dma_wait3A] : memref<10000x128xf32, #tpu.memory_space<vmem_shared>> -> memref<80x128xf32, #tpu.memory_space<vmem_shared>>
      %dma_wait3A_49 = arith.constant 0 : i32
      %dma_wait3A_50 = tpu.memref_slice %arg6[%add3A_26, %dma_wait3A_49] : memref<10000x128xf32, #tpu.memory_space<vmem_shared>> -> memref<80x128xf32, #tpu.memory_space<vmem_shared>>
      tpu.wait_dma2 semaphore(%run_scoped3A : memref<!tpu.dma_semaphore, #tpu.memory_space<semaphore_mem>>) src(%arg9 : memref<80x128xf32, #tpu.memory_space<vmem>>) dst(%dma_wait3A_50 : memref<80x128xf32, #tpu.memory_space<vmem_shared>>)
      tpu.yield
    }) : () -> ()
    %add3A_27 = arith.constant 560 : i32
    %add3A_28 = arith.addi %mul3A_2, %add3A_27 : i32
    "tpu.region"() ({
      %run_scoped3A = tpu.sem_alloc : memref<!tpu.dma_semaphore, #tpu.memory_space<semaphore_mem>>
      %dma_start3A = arith.constant 0 : i32
      %dma_start3A_45 = arith.constant 0 : i32
      %dma_start3A_46 = tpu.memref_slice %arg9[%dma_start3A, %dma_start3A_45] : memref<80x128xf32, #tpu.memory_space<vmem>> -> memref<65x128xf32, #tpu.memory_space<vmem>>
      %dma_start3A_47 = arith.constant 0 : i32
      %dma_start3A_48 = tpu.memref_slice %arg6[%add3A_28, %dma_start3A_47] : memref<10000x128xf32, #tpu.memory_space<vmem_shared>> -> memref<65x128xf32, #tpu.memory_space<vmem_shared>>
      %dma_start3A_49 = arith.constant 0 : i32
      %dma_start3A_50 = tpu.memref_slice %arg6[%add3A_28, %dma_start3A_49] : memref<10000x128xf32, #tpu.memory_space<vmem_shared>> -> memref<65x128xf32, #tpu.memory_space<vmem_shared>>
      %dma_start3A_51 = arith.constant 0 : i32
      %dma_start3A_52 = arith.constant 0 : i32
      %dma_start3A_53 = tpu.memref_slice %arg9[%dma_start3A_51, %dma_start3A_52] : memref<80x128xf32, #tpu.memory_space<vmem>> -> memref<65x128xf32, #tpu.memory_space<vmem>>
      tpu.enqueue_dma source(%dma_start3A_53 : memref<65x128xf32, #tpu.memory_space<vmem>>) target(%dma_start3A_50 : memref<65x128xf32, #tpu.memory_space<vmem_shared>>) target_semaphore(%run_scoped3A : memref<!tpu.dma_semaphore, #tpu.memory_space<semaphore_mem>>)
      %dma_wait3A = arith.constant 0 : i32
      %dma_wait3A_54 = arith.constant 0 : i32
      %dma_wait3A_55 = tpu.memref_slice %arg9[%dma_wait3A, %dma_wait3A_54] : memref<80x128xf32, #tpu.memory_space<vmem>> -> memref<65x128xf32, #tpu.memory_space<vmem>>
      %dma_wait3A_56 = arith.constant 0 : i32
      %dma_wait3A_57 = tpu.memref_slice %arg6[%add3A_28, %dma_wait3A_56] : memref<10000x128xf32, #tpu.memory_space<vmem_shared>> -> memref<65x128xf32, #tpu.memory_space<vmem_shared>>
      %dma_wait3A_58 = arith.constant 0 : i32
      %dma_wait3A_59 = tpu.memref_slice %arg6[%add3A_28, %dma_wait3A_58] : memref<10000x128xf32, #tpu.memory_space<vmem_shared>> -> memref<65x128xf32, #tpu.memory_space<vmem_shared>>
      %dma_wait3A_60 = arith.constant 0 : i32
      %dma_wait3A_61 = arith.constant 0 : i32
      %dma_wait3A_62 = tpu.memref_slice %arg9[%dma_wait3A_60, %dma_wait3A_61] : memref<80x128xf32, #tpu.memory_space<vmem>> -> memref<65x128xf32, #tpu.memory_space<vmem>>
      tpu.wait_dma2 semaphore(%run_scoped3A : memref<!tpu.dma_semaphore, #tpu.memory_space<semaphore_mem>>) src(%dma_wait3A_62 : memref<65x128xf32, #tpu.memory_space<vmem>>) dst(%dma_wait3A_59 : memref<65x128xf32, #tpu.memory_space<vmem_shared>>)
      tpu.yield
    }) : () -> ()
    %barrier3A = arith.constant 0 : index
    tpu.barrier barrier_id(%barrier3A)
    %mul3A_29 = arith.constant 125 : i32
    %mul3A_30 = arith.muli %add3A, %mul3A_29 : i32
    "tpu.region"() ({
      %run_scoped3A = tpu.sem_alloc : memref<!tpu.dma_semaphore, #tpu.memory_space<semaphore_mem>>
      %dma_start3A = arith.constant 0 : i32
      %dma_start3A_45 = tpu.memref_slice %arg2[%mul3A_30, %dma_start3A] : memref<4000x80xi32, #tpu.memory_space<hbm>> -> memref<125x80xi32, #tpu.memory_space<hbm>>
      %dma_start3A_46 = arith.constant 0 : i32
      %dma_start3A_47 = tpu.memref_slice %arg2[%mul3A_30, %dma_start3A_46] : memref<4000x80xi32, #tpu.memory_space<hbm>> -> memref<125x80xi32, #tpu.memory_space<hbm>>
      tpu.enqueue_dma source(%dma_start3A_47 : memref<125x80xi32, #tpu.memory_space<hbm>>) target(%arg7 : memref<125x80xi32, #tpu.memory_space<vmem>>) target_semaphore(%run_scoped3A : memref<!tpu.dma_semaphore, #tpu.memory_space<semaphore_mem>>)
      %dma_wait3A = arith.constant 0 : i32
      %dma_wait3A_48 = tpu.memref_slice %arg2[%mul3A_30, %dma_wait3A] : memref<4000x80xi32, #tpu.memory_space<hbm>> -> memref<125x80xi32, #tpu.memory_space<hbm>>
      %dma_wait3A_49 = arith.constant 0 : i32
      %dma_wait3A_50 = tpu.memref_slice %arg2[%mul3A_30, %dma_wait3A_49] : memref<4000x80xi32, #tpu.memory_space<hbm>> -> memref<125x80xi32, #tpu.memory_space<hbm>>
      tpu.wait_dma2 semaphore(%run_scoped3A : memref<!tpu.dma_semaphore, #tpu.memory_space<semaphore_mem>>) src(%dma_wait3A_50 : memref<125x80xi32, #tpu.memory_space<hbm>>) dst(%arg7 : memref<125x80xi32, #tpu.memory_space<vmem>>)
      tpu.yield
    }) : () -> ()
    %mul3A_31 = arith.constant 125 : i32
    %mul3A_32 = arith.muli %add3A, %mul3A_31 : i32
    "tpu.region"() ({
      %run_scoped3A = tpu.sem_alloc : memref<!tpu.dma_semaphore, #tpu.memory_space<semaphore_mem>>
      %dma_start3A = arith.constant 0 : i32
      %dma_start3A_45 = tpu.memref_slice %arg3[%mul3A_32, %dma_start3A] : memref<4000x80xi32, #tpu.memory_space<hbm>> -> memref<125x80xi32, #tpu.memory_space<hbm>>
      %dma_start3A_46 = arith.constant 0 : i32
      %dma_start3A_47 = tpu.memref_slice %arg3[%mul3A_32, %dma_start3A_46] : memref<4000x80xi32, #tpu.memory_space<hbm>> -> memref<125x80xi32, #tpu.memory_space<hbm>>
      tpu.enqueue_dma source(%dma_start3A_47 : memref<125x80xi32, #tpu.memory_space<hbm>>) target(%arg8 : memref<125x80xi32, #tpu.memory_space<vmem>>) target_semaphore(%run_scoped3A : memref<!tpu.dma_semaphore, #tpu.memory_space<semaphore_mem>>)
      %dma_wait3A = arith.constant 0 : i32
      %dma_wait3A_48 = tpu.memref_slice %arg3[%mul3A_32, %dma_wait3A] : memref<4000x80xi32, #tpu.memory_space<hbm>> -> memref<125x80xi32, #tpu.memory_space<hbm>>
      %dma_wait3A_49 = arith.constant 0 : i32
      %dma_wait3A_50 = tpu.memref_slice %arg3[%mul3A_32, %dma_wait3A_49] : memref<4000x80xi32, #tpu.memory_space<hbm>> -> memref<125x80xi32, #tpu.memory_space<hbm>>
      tpu.wait_dma2 semaphore(%run_scoped3A : memref<!tpu.dma_semaphore, #tpu.memory_space<semaphore_mem>>) src(%dma_wait3A_50 : memref<125x80xi32, #tpu.memory_space<hbm>>) dst(%arg8 : memref<125x80xi32, #tpu.memory_space<vmem>>)
      tpu.yield
    }) : () -> ()
    %while3A_33 = arith.constant 0 : i32
    %while3A_34 = arith.constant 0 : i32
    %while3A_35 = arith.constant 43 : i32
    %while3A_36 = arith.subi %while3A_35, %while3A_34 : i32
    %while3A_37 = arith.addi %while3A_34, %while3A_36 : i32
    %while3A_38 = arith.constant 1 : i32
    %while3A_39 = arith.divsi %while3A_36, %while3A_38 : i32
    %while3A_40 = arith.muli %while3A_39, %while3A_38 : i32
    %while3A_41 = arith.addi %while3A_34, %while3A_40 : i32
    %while3A_42 = arith.constant 1 : i32
    scf.for %while3A_45 = %while3A_34 to %while3A_41 step %while3A_42  : i32 {
      %mul3A_46 = arith.constant 3 : i32
      %mul3A_47 = arith.muli %while3A_45, %mul3A_46 : i32
      %add3A_48 = arith.constant 0 : i32
      %add3A_49 = arith.addi %mul3A_47, %add3A_48 : i32
      %gt3A = arith.constant 0 : i32
      %gt3A_50 = arith.cmpi sgt, %while3A_45, %gt3A : i32
      %lt3A = arith.constant 128 : i32
      %lt3A_51 = arith.cmpi slt, %add3A_49, %lt3A : i32
      %and3A = arith.andi %gt3A_50, %lt3A_51 : i1
      %convert_element_type3A = arith.extui %and3A : i1 to i32
      %cond3A = arith.constant 0 : i32
      %cond3A_52 = arith.cmpi ne, %convert_element_type3A, %cond3A : i32
      scf.if %cond3A_52 {
        %dma_wait3A = arith.constant 0 : i32
        %dma_wait3A_120 = arith.constant 0 : i32
        %dma_wait3A_121 = tpu.memref_slice %arg8[%dma_wait3A, %dma_wait3A_120] : memref<125x80xi32, #tpu.memory_space<vmem>> -> memref<1x80xi32, #tpu.memory_space<vmem>>
        %dma_wait3A_122 = tpu.memref_squeeze %dma_wait3A_121 : memref<1x80xi32, #tpu.memory_space<vmem>> -> memref<80xi32, #tpu.memory_space<vmem>>
        %dma_wait3A_123 = arith.constant 0 : i32
        %dma_wait3A_124 = arith.constant 0 : i32
        %dma_wait3A_125 = tpu.memref_slice %arg6[%dma_wait3A_123, %dma_wait3A_124] : memref<10000x128xf32, #tpu.memory_space<vmem_shared>> -> memref<10000x128xf32, #tpu.memory_space<vmem_shared>>
        tpu.wait_indirect_dma semaphore(%arg15 : memref<!tpu.dma_semaphore, #tpu.memory_space<semaphore_mem>>) src(%arg9 : memref<80x128xf32, #tpu.memory_space<vmem>>) dst(%dma_wait3A_125 : memref<10000x128xf32, #tpu.memory_space<vmem_shared>>)
      } else {
      }
      %lt3A_53 = arith.constant 125 : i32
      %lt3A_54 = arith.cmpi slt, %add3A_49, %lt3A_53 : i32
      %convert_element_type3A_55 = arith.extui %lt3A_54 : i1 to i32
      %cond3A_56 = arith.constant 0 : i32
      %cond3A_57 = arith.cmpi ne, %convert_element_type3A_55, %cond3A_56 : i32
      scf.if %cond3A_57 {
        %dma_start3A = arith.constant 0 : i32
        %dma_start3A_120 = tpu.memref_slice %arg7[%add3A_49, %dma_start3A] : memref<125x80xi32, #tpu.memory_space<vmem>> -> memref<1x80xi32, #tpu.memory_space<vmem>>
        %dma_start3A_121 = tpu.memref_squeeze %dma_start3A_120 : memref<1x80xi32, #tpu.memory_space<vmem>> -> memref<80xi32, #tpu.memory_space<vmem>>
        %dma_start3A_122 = arith.constant 0 : i32
        %dma_start3A_123 = arith.constant 0 : i32
        %dma_start3A_124 = tpu.memref_slice %arg4[%dma_start3A_122, %dma_start3A_123] : memref<10000x128xf32, #tpu.memory_space<hbm>> -> memref<10000x128xf32, #tpu.memory_space<hbm>>
        tpu.enqueue_indirect_dma source(%dma_start3A_124 : memref<10000x128xf32, #tpu.memory_space<hbm>>) target(%arg9 : memref<80x128xf32, #tpu.memory_space<vmem>>) offsets(%dma_start3A_121 : memref<80xi32, #tpu.memory_space<vmem>>) semaphore(%arg12 : memref<!tpu.dma_semaphore, #tpu.memory_space<semaphore_mem>>)
      } else {
      }
      %sub3A = arith.constant 1 : i32
      %sub3A_58 = arith.subi %add3A_49, %sub3A : i32
      %ge3A = arith.constant 0 : i32
      %ge3A_59 = arith.cmpi sge, %sub3A_58, %ge3A : i32
      %lt3A_60 = arith.constant 125 : i32
      %lt3A_61 = arith.cmpi slt, %sub3A_58, %lt3A_60 : i32
      %and3A_62 = arith.andi %ge3A_59, %lt3A_61 : i1
      %convert_element_type3A_63 = arith.extui %and3A_62 : i1 to i32
      %cond3A_64 = arith.constant 0 : i32
      %cond3A_65 = arith.cmpi ne, %convert_element_type3A_63, %cond3A_64 : i32
      scf.if %cond3A_65 {
        %dma_wait3A = arith.constant 0 : i32
        %dma_wait3A_120 = arith.constant 0 : i32
        %dma_wait3A_121 = tpu.memref_slice %arg7[%dma_wait3A, %dma_wait3A_120] : memref<125x80xi32, #tpu.memory_space<vmem>> -> memref<1x80xi32, #tpu.memory_space<vmem>>
        %dma_wait3A_122 = tpu.memref_squeeze %dma_wait3A_121 : memref<1x80xi32, #tpu.memory_space<vmem>> -> memref<80xi32, #tpu.memory_space<vmem>>
        %dma_wait3A_123 = arith.constant 0 : i32
        %dma_wait3A_124 = arith.constant 0 : i32
        %dma_wait3A_125 = tpu.memref_slice %arg4[%dma_wait3A_123, %dma_wait3A_124] : memref<10000x128xf32, #tpu.memory_space<hbm>> -> memref<10000x128xf32, #tpu.memory_space<hbm>>
        tpu.wait_indirect_dma semaphore(%arg14 : memref<!tpu.dma_semaphore, #tpu.memory_space<semaphore_mem>>) src(%dma_wait3A_125 : memref<10000x128xf32, #tpu.memory_space<hbm>>) dst(%arg11 : memref<80x128xf32, #tpu.memory_space<vmem>>)
        %dma_start3A = arith.constant 0 : i32
        %dma_start3A_126 = tpu.memref_slice %arg8[%sub3A_58, %dma_start3A] : memref<125x80xi32, #tpu.memory_space<vmem>> -> memref<1x80xi32, #tpu.memory_space<vmem>>
        %dma_start3A_127 = tpu.memref_squeeze %dma_start3A_126 : memref<1x80xi32, #tpu.memory_space<vmem>> -> memref<80xi32, #tpu.memory_space<vmem>>
        %dma_start3A_128 = arith.constant 0 : i32
        %dma_start3A_129 = arith.constant 0 : i32
        %dma_start3A_130 = tpu.memref_slice %arg6[%dma_start3A_128, %dma_start3A_129] : memref<10000x128xf32, #tpu.memory_space<vmem_shared>> -> memref<10000x128xf32, #tpu.memory_space<vmem_shared>>
        tpu.enqueue_indirect_dma source(%arg11 : memref<80x128xf32, #tpu.memory_space<vmem>>) target(%dma_start3A_130 : memref<10000x128xf32, #tpu.memory_space<vmem_shared>>) offsets(%dma_start3A_127 : memref<80xi32, #tpu.memory_space<vmem>>) semaphore(%arg17 : memref<!tpu.dma_semaphore, #tpu.memory_space<semaphore_mem>>) {add = true}
      } else {
      }
      %mul3A_66 = arith.constant 3 : i32
      %mul3A_67 = arith.muli %while3A_45, %mul3A_66 : i32
      %add3A_68 = arith.constant 1 : i32
      %add3A_69 = arith.addi %mul3A_67, %add3A_68 : i32
      %gt3A_70 = arith.constant 0 : i32
      %gt3A_71 = arith.cmpi sgt, %while3A_45, %gt3A_70 : i32
      %lt3A_72 = arith.constant 128 : i32
      %lt3A_73 = arith.cmpi slt, %add3A_69, %lt3A_72 : i32
      %and3A_74 = arith.andi %gt3A_71, %lt3A_73 : i1
      %convert_element_type3A_75 = arith.extui %and3A_74 : i1 to i32
      %cond3A_76 = arith.constant 0 : i32
      %cond3A_77 = arith.cmpi ne, %convert_element_type3A_75, %cond3A_76 : i32
      scf.if %cond3A_77 {
        %dma_wait3A = arith.constant 0 : i32
        %dma_wait3A_120 = arith.constant 0 : i32
        %dma_wait3A_121 = tpu.memref_slice %arg8[%dma_wait3A, %dma_wait3A_120] : memref<125x80xi32, #tpu.memory_space<vmem>> -> memref<1x80xi32, #tpu.memory_space<vmem>>
        %dma_wait3A_122 = tpu.memref_squeeze %dma_wait3A_121 : memref<1x80xi32, #tpu.memory_space<vmem>> -> memref<80xi32, #tpu.memory_space<vmem>>
        %dma_wait3A_123 = arith.constant 0 : i32
        %dma_wait3A_124 = arith.constant 0 : i32
        %dma_wait3A_125 = tpu.memref_slice %arg6[%dma_wait3A_123, %dma_wait3A_124] : memref<10000x128xf32, #tpu.memory_space<vmem_shared>> -> memref<10000x128xf32, #tpu.memory_space<vmem_shared>>
        tpu.wait_indirect_dma semaphore(%arg16 : memref<!tpu.dma_semaphore, #tpu.memory_space<semaphore_mem>>) src(%arg10 : memref<80x128xf32, #tpu.memory_space<vmem>>) dst(%dma_wait3A_125 : memref<10000x128xf32, #tpu.memory_space<vmem_shared>>)
      } else {
      }
      %lt3A_78 = arith.constant 125 : i32
      %lt3A_79 = arith.cmpi slt, %add3A_69, %lt3A_78 : i32
      %convert_element_type3A_80 = arith.extui %lt3A_79 : i1 to i32
      %cond3A_81 = arith.constant 0 : i32
      %cond3A_82 = arith.cmpi ne, %convert_element_type3A_80, %cond3A_81 : i32
      scf.if %cond3A_82 {
        %dma_start3A = arith.constant 0 : i32
        %dma_start3A_120 = tpu.memref_slice %arg7[%add3A_69, %dma_start3A] : memref<125x80xi32, #tpu.memory_space<vmem>> -> memref<1x80xi32, #tpu.memory_space<vmem>>
        %dma_start3A_121 = tpu.memref_squeeze %dma_start3A_120 : memref<1x80xi32, #tpu.memory_space<vmem>> -> memref<80xi32, #tpu.memory_space<vmem>>
        %dma_start3A_122 = arith.constant 0 : i32
        %dma_start3A_123 = arith.constant 0 : i32
        %dma_start3A_124 = tpu.memref_slice %arg4[%dma_start3A_122, %dma_start3A_123] : memref<10000x128xf32, #tpu.memory_space<hbm>> -> memref<10000x128xf32, #tpu.memory_space<hbm>>
        tpu.enqueue_indirect_dma source(%dma_start3A_124 : memref<10000x128xf32, #tpu.memory_space<hbm>>) target(%arg10 : memref<80x128xf32, #tpu.memory_space<vmem>>) offsets(%dma_start3A_121 : memref<80xi32, #tpu.memory_space<vmem>>) semaphore(%arg13 : memref<!tpu.dma_semaphore, #tpu.memory_space<semaphore_mem>>)
      } else {
      }
      %sub3A_83 = arith.constant 1 : i32
      %sub3A_84 = arith.subi %add3A_69, %sub3A_83 : i32
      %ge3A_85 = arith.constant 0 : i32
      %ge3A_86 = arith.cmpi sge, %sub3A_84, %ge3A_85 : i32
      %lt3A_87 = arith.constant 125 : i32
      %lt3A_88 = arith.cmpi slt, %sub3A_84, %lt3A_87 : i32
      %and3A_89 = arith.andi %ge3A_86, %lt3A_88 : i1
      %convert_element_type3A_90 = arith.extui %and3A_89 : i1 to i32
      %cond3A_91 = arith.constant 0 : i32
      %cond3A_92 = arith.cmpi ne, %convert_element_type3A_90, %cond3A_91 : i32
      scf.if %cond3A_92 {
        %dma_wait3A = arith.constant 0 : i32
        %dma_wait3A_120 = arith.constant 0 : i32
        %dma_wait3A_121 = tpu.memref_slice %arg7[%dma_wait3A, %dma_wait3A_120] : memref<125x80xi32, #tpu.memory_space<vmem>> -> memref<1x80xi32, #tpu.memory_space<vmem>>
        %dma_wait3A_122 = tpu.memref_squeeze %dma_wait3A_121 : memref<1x80xi32, #tpu.memory_space<vmem>> -> memref<80xi32, #tpu.memory_space<vmem>>
        %dma_wait3A_123 = arith.constant 0 : i32
        %dma_wait3A_124 = arith.constant 0 : i32
        %dma_wait3A_125 = tpu.memref_slice %arg4[%dma_wait3A_123, %dma_wait3A_124] : memref<10000x128xf32, #tpu.memory_space<hbm>> -> memref<10000x128xf32, #tpu.memory_space<hbm>>
        tpu.wait_indirect_dma semaphore(%arg12 : memref<!tpu.dma_semaphore, #tpu.memory_space<semaphore_mem>>) src(%dma_wait3A_125 : memref<10000x128xf32, #tpu.memory_space<hbm>>) dst(%arg9 : memref<80x128xf32, #tpu.memory_space<vmem>>)
        %dma_start3A = arith.constant 0 : i32
        %dma_start3A_126 = tpu.memref_slice %arg8[%sub3A_84, %dma_start3A] : memref<125x80xi32, #tpu.memory_space<vmem>> -> memref<1x80xi32, #tpu.memory_space<vmem>>
        %dma_start3A_127 = tpu.memref_squeeze %dma_start3A_126 : memref<1x80xi32, #tpu.memory_space<vmem>> -> memref<80xi32, #tpu.memory_space<vmem>>
        %dma_start3A_128 = arith.constant 0 : i32
        %dma_start3A_129 = arith.constant 0 : i32
        %dma_start3A_130 = tpu.memref_slice %arg6[%dma_start3A_128, %dma_start3A_129] : memref<10000x128xf32, #tpu.memory_space<vmem_shared>> -> memref<10000x128xf32, #tpu.memory_space<vmem_shared>>
        tpu.enqueue_indirect_dma source(%arg9 : memref<80x128xf32, #tpu.memory_space<vmem>>) target(%dma_start3A_130 : memref<10000x128xf32, #tpu.memory_space<vmem_shared>>) offsets(%dma_start3A_127 : memref<80xi32, #tpu.memory_space<vmem>>) semaphore(%arg15 : memref<!tpu.dma_semaphore, #tpu.memory_space<semaphore_mem>>) {add = true}
      } else {
      }
      %mul3A_93 = arith.constant 3 : i32
      %mul3A_94 = arith.muli %while3A_45, %mul3A_93 : i32
      %add3A_95 = arith.constant 2 : i32
      %add3A_96 = arith.addi %mul3A_94, %add3A_95 : i32
      %gt3A_97 = arith.constant 0 : i32
      %gt3A_98 = arith.cmpi sgt, %while3A_45, %gt3A_97 : i32
      %lt3A_99 = arith.constant 128 : i32
      %lt3A_100 = arith.cmpi slt, %add3A_96, %lt3A_99 : i32
      %and3A_101 = arith.andi %gt3A_98, %lt3A_100 : i1
      %convert_element_type3A_102 = arith.extui %and3A_101 : i1 to i32
      %cond3A_103 = arith.constant 0 : i32
      %cond3A_104 = arith.cmpi ne, %convert_element_type3A_102, %cond3A_103 : i32
      scf.if %cond3A_104 {
        %dma_wait3A = arith.constant 0 : i32
        %dma_wait3A_120 = arith.constant 0 : i32
        %dma_wait3A_121 = tpu.memref_slice %arg8[%dma_wait3A, %dma_wait3A_120] : memref<125x80xi32, #tpu.memory_space<vmem>> -> memref<1x80xi32, #tpu.memory_space<vmem>>
        %dma_wait3A_122 = tpu.memref_squeeze %dma_wait3A_121 : memref<1x80xi32, #tpu.memory_space<vmem>> -> memref<80xi32, #tpu.memory_space<vmem>>
        %dma_wait3A_123 = arith.constant 0 : i32
        %dma_wait3A_124 = arith.constant 0 : i32
        %dma_wait3A_125 = tpu.memref_slice %arg6[%dma_wait3A_123, %dma_wait3A_124] : memref<10000x128xf32, #tpu.memory_space<vmem_shared>> -> memref<10000x128xf32, #tpu.memory_space<vmem_shared>>
        tpu.wait_indirect_dma semaphore(%arg17 : memref<!tpu.dma_semaphore, #tpu.memory_space<semaphore_mem>>) src(%arg11 : memref<80x128xf32, #tpu.memory_space<vmem>>) dst(%dma_wait3A_125 : memref<10000x128xf32, #tpu.memory_space<vmem_shared>>)
      } else {
      }
      %lt3A_105 = arith.constant 125 : i32
      %lt3A_106 = arith.cmpi slt, %add3A_96, %lt3A_105 : i32
      %convert_element_type3A_107 = arith.extui %lt3A_106 : i1 to i32
      %cond3A_108 = arith.constant 0 : i32
      %cond3A_109 = arith.cmpi ne, %convert_element_type3A_107, %cond3A_108 : i32
      scf.if %cond3A_109 {
        %dma_start3A = arith.constant 0 : i32
        %dma_start3A_120 = tpu.memref_slice %arg7[%add3A_96, %dma_start3A] : memref<125x80xi32, #tpu.memory_space<vmem>> -> memref<1x80xi32, #tpu.memory_space<vmem>>
        %dma_start3A_121 = tpu.memref_squeeze %dma_start3A_120 : memref<1x80xi32, #tpu.memory_space<vmem>> -> memref<80xi32, #tpu.memory_space<vmem>>
        %dma_start3A_122 = arith.constant 0 : i32
        %dma_start3A_123 = arith.constant 0 : i32
        %dma_start3A_124 = tpu.memref_slice %arg4[%dma_start3A_122, %dma_start3A_123] : memref<10000x128xf32, #tpu.memory_space<hbm>> -> memref<10000x128xf32, #tpu.memory_space<hbm>>
        tpu.enqueue_indirect_dma source(%dma_start3A_124 : memref<10000x128xf32, #tpu.memory_space<hbm>>) target(%arg11 : memref<80x128xf32, #tpu.memory_space<vmem>>) offsets(%dma_start3A_121 : memref<80xi32, #tpu.memory_space<vmem>>) semaphore(%arg14 : memref<!tpu.dma_semaphore, #tpu.memory_space<semaphore_mem>>)
      } else {
      }
      %sub3A_110 = arith.constant 1 : i32
      %sub3A_111 = arith.subi %add3A_96, %sub3A_110 : i32
      %ge3A_112 = arith.constant 0 : i32
      %ge3A_113 = arith.cmpi sge, %sub3A_111, %ge3A_112 : i32
      %lt3A_114 = arith.constant 125 : i32
      %lt3A_115 = arith.cmpi slt, %sub3A_111, %lt3A_114 : i32
      %and3A_116 = arith.andi %ge3A_113, %lt3A_115 : i1
      %convert_element_type3A_117 = arith.extui %and3A_116 : i1 to i32
      %cond3A_118 = arith.constant 0 : i32
      %cond3A_119 = arith.cmpi ne, %convert_element_type3A_117, %cond3A_118 : i32
      scf.if %cond3A_119 {
        %dma_wait3A = arith.constant 0 : i32
        %dma_wait3A_120 = arith.constant 0 : i32
        %dma_wait3A_121 = tpu.memref_slice %arg7[%dma_wait3A, %dma_wait3A_120] : memref<125x80xi32, #tpu.memory_space<vmem>> -> memref<1x80xi32, #tpu.memory_space<vmem>>
        %dma_wait3A_122 = tpu.memref_squeeze %dma_wait3A_121 : memref<1x80xi32, #tpu.memory_space<vmem>> -> memref<80xi32, #tpu.memory_space<vmem>>
        %dma_wait3A_123 = arith.constant 0 : i32
        %dma_wait3A_124 = arith.constant 0 : i32
        %dma_wait3A_125 = tpu.memref_slice %arg4[%dma_wait3A_123, %dma_wait3A_124] : memref<10000x128xf32, #tpu.memory_space<hbm>> -> memref<10000x128xf32, #tpu.memory_space<hbm>>
        tpu.wait_indirect_dma semaphore(%arg13 : memref<!tpu.dma_semaphore, #tpu.memory_space<semaphore_mem>>) src(%dma_wait3A_125 : memref<10000x128xf32, #tpu.memory_space<hbm>>) dst(%arg10 : memref<80x128xf32, #tpu.memory_space<vmem>>)
        %dma_start3A = arith.constant 0 : i32
        %dma_start3A_126 = tpu.memref_slice %arg8[%sub3A_111, %dma_start3A] : memref<125x80xi32, #tpu.memory_space<vmem>> -> memref<1x80xi32, #tpu.memory_space<vmem>>
        %dma_start3A_127 = tpu.memref_squeeze %dma_start3A_126 : memref<1x80xi32, #tpu.memory_space<vmem>> -> memref<80xi32, #tpu.memory_space<vmem>>
        %dma_start3A_128 = arith.constant 0 : i32
        %dma_start3A_129 = arith.constant 0 : i32
        %dma_start3A_130 = tpu.memref_slice %arg6[%dma_start3A_128, %dma_start3A_129] : memref<10000x128xf32, #tpu.memory_space<vmem_shared>> -> memref<10000x128xf32, #tpu.memory_space<vmem_shared>>
        tpu.enqueue_indirect_dma source(%arg10 : memref<80x128xf32, #tpu.memory_space<vmem>>) target(%dma_start3A_130 : memref<10000x128xf32, #tpu.memory_space<vmem_shared>>) offsets(%dma_start3A_127 : memref<80xi32, #tpu.memory_space<vmem>>) semaphore(%arg16 : memref<!tpu.dma_semaphore, #tpu.memory_space<semaphore_mem>>) {add = true}
      } else {
      }
    }
    %while3A_43 = arith.constant 1 : i32
    scf.for %while3A_45 = %while3A_41 to %while3A_37 step %while3A_43  : i32 {
      %mul3A_46 = arith.constant 3 : i32
      %mul3A_47 = arith.muli %while3A_45, %mul3A_46 : i32
      %add3A_48 = arith.constant 0 : i32
      %add3A_49 = arith.addi %mul3A_47, %add3A_48 : i32
      %gt3A = arith.constant 0 : i32
      %gt3A_50 = arith.cmpi sgt, %while3A_45, %gt3A : i32
      %lt3A = arith.constant 128 : i32
      %lt3A_51 = arith.cmpi slt, %add3A_49, %lt3A : i32
      %and3A = arith.andi %gt3A_50, %lt3A_51 : i1
      %convert_element_type3A = arith.extui %and3A : i1 to i32
      %cond3A = arith.constant 0 : i32
      %cond3A_52 = arith.cmpi ne, %convert_element_type3A, %cond3A : i32
      scf.if %cond3A_52 {
        %dma_wait3A = arith.constant 0 : i32
        %dma_wait3A_120 = arith.constant 0 : i32
        %dma_wait3A_121 = tpu.memref_slice %arg8[%dma_wait3A, %dma_wait3A_120] : memref<125x80xi32, #tpu.memory_space<vmem>> -> memref<1x80xi32, #tpu.memory_space<vmem>>
        %dma_wait3A_122 = tpu.memref_squeeze %dma_wait3A_121 : memref<1x80xi32, #tpu.memory_space<vmem>> -> memref<80xi32, #tpu.memory_space<vmem>>
        %dma_wait3A_123 = arith.constant 0 : i32
        %dma_wait3A_124 = arith.constant 0 : i32
        %dma_wait3A_125 = tpu.memref_slice %arg6[%dma_wait3A_123, %dma_wait3A_124] : memref<10000x128xf32, #tpu.memory_space<vmem_shared>> -> memref<10000x128xf32, #tpu.memory_space<vmem_shared>>
        tpu.wait_indirect_dma semaphore(%arg15 : memref<!tpu.dma_semaphore, #tpu.memory_space<semaphore_mem>>) src(%arg9 : memref<80x128xf32, #tpu.memory_space<vmem>>) dst(%dma_wait3A_125 : memref<10000x128xf32, #tpu.memory_space<vmem_shared>>)
      } else {
      }
      %lt3A_53 = arith.constant 125 : i32
      %lt3A_54 = arith.cmpi slt, %add3A_49, %lt3A_53 : i32
      %convert_element_type3A_55 = arith.extui %lt3A_54 : i1 to i32
      %cond3A_56 = arith.constant 0 : i32
      %cond3A_57 = arith.cmpi ne, %convert_element_type3A_55, %cond3A_56 : i32
      scf.if %cond3A_57 {
        %dma_start3A = arith.constant 0 : i32
        %dma_start3A_120 = tpu.memref_slice %arg7[%add3A_49, %dma_start3A] : memref<125x80xi32, #tpu.memory_space<vmem>> -> memref<1x80xi32, #tpu.memory_space<vmem>>
        %dma_start3A_121 = tpu.memref_squeeze %dma_start3A_120 : memref<1x80xi32, #tpu.memory_space<vmem>> -> memref<80xi32, #tpu.memory_space<vmem>>
        %dma_start3A_122 = arith.constant 0 : i32
        %dma_start3A_123 = arith.constant 0 : i32
        %dma_start3A_124 = tpu.memref_slice %arg4[%dma_start3A_122, %dma_start3A_123] : memref<10000x128xf32, #tpu.memory_space<hbm>> -> memref<10000x128xf32, #tpu.memory_space<hbm>>
        tpu.enqueue_indirect_dma source(%dma_start3A_124 : memref<10000x128xf32, #tpu.memory_space<hbm>>) target(%arg9 : memref<80x128xf32, #tpu.memory_space<vmem>>) offsets(%dma_start3A_121 : memref<80xi32, #tpu.memory_space<vmem>>) semaphore(%arg12 : memref<!tpu.dma_semaphore, #tpu.memory_space<semaphore_mem>>)
      } else {
      }
      %sub3A = arith.constant 1 : i32
      %sub3A_58 = arith.subi %add3A_49, %sub3A : i32
      %ge3A = arith.constant 0 : i32
      %ge3A_59 = arith.cmpi sge, %sub3A_58, %ge3A : i32
      %lt3A_60 = arith.constant 125 : i32
      %lt3A_61 = arith.cmpi slt, %sub3A_58, %lt3A_60 : i32
      %and3A_62 = arith.andi %ge3A_59, %lt3A_61 : i1
      %convert_element_type3A_63 = arith.extui %and3A_62 : i1 to i32
      %cond3A_64 = arith.constant 0 : i32
      %cond3A_65 = arith.cmpi ne, %convert_element_type3A_63, %cond3A_64 : i32
      scf.if %cond3A_65 {
        %dma_wait3A = arith.constant 0 : i32
        %dma_wait3A_120 = arith.constant 0 : i32
        %dma_wait3A_121 = tpu.memref_slice %arg7[%dma_wait3A, %dma_wait3A_120] : memref<125x80xi32, #tpu.memory_space<vmem>> -> memref<1x80xi32, #tpu.memory_space<vmem>>
        %dma_wait3A_122 = tpu.memref_squeeze %dma_wait3A_121 : memref<1x80xi32, #tpu.memory_space<vmem>> -> memref<80xi32, #tpu.memory_space<vmem>>
        %dma_wait3A_123 = arith.constant 0 : i32
        %dma_wait3A_124 = arith.constant 0 : i32
        %dma_wait3A_125 = tpu.memref_slice %arg4[%dma_wait3A_123, %dma_wait3A_124] : memref<10000x128xf32, #tpu.memory_space<hbm>> -> memref<10000x128xf32, #tpu.memory_space<hbm>>
        tpu.wait_indirect_dma semaphore(%arg14 : memref<!tpu.dma_semaphore, #tpu.memory_space<semaphore_mem>>) src(%dma_wait3A_125 : memref<10000x128xf32, #tpu.memory_space<hbm>>) dst(%arg11 : memref<80x128xf32, #tpu.memory_space<vmem>>)
        %dma_start3A = arith.constant 0 : i32
        %dma_start3A_126 = tpu.memref_slice %arg8[%sub3A_58, %dma_start3A] : memref<125x80xi32, #tpu.memory_space<vmem>> -> memref<1x80xi32, #tpu.memory_space<vmem>>
        %dma_start3A_127 = tpu.memref_squeeze %dma_start3A_126 : memref<1x80xi32, #tpu.memory_space<vmem>> -> memref<80xi32, #tpu.memory_space<vmem>>
        %dma_start3A_128 = arith.constant 0 : i32
        %dma_start3A_129 = arith.constant 0 : i32
        %dma_start3A_130 = tpu.memref_slice %arg6[%dma_start3A_128, %dma_start3A_129] : memref<10000x128xf32, #tpu.memory_space<vmem_shared>> -> memref<10000x128xf32, #tpu.memory_space<vmem_shared>>
        tpu.enqueue_indirect_dma source(%arg11 : memref<80x128xf32, #tpu.memory_space<vmem>>) target(%dma_start3A_130 : memref<10000x128xf32, #tpu.memory_space<vmem_shared>>) offsets(%dma_start3A_127 : memref<80xi32, #tpu.memory_space<vmem>>) semaphore(%arg17 : memref<!tpu.dma_semaphore, #tpu.memory_space<semaphore_mem>>) {add = true}
      } else {
      }
      %mul3A_66 = arith.constant 3 : i32
      %mul3A_67 = arith.muli %while3A_45, %mul3A_66 : i32
      %add3A_68 = arith.constant 1 : i32
      %add3A_69 = arith.addi %mul3A_67, %add3A_68 : i32
      %gt3A_70 = arith.constant 0 : i32
      %gt3A_71 = arith.cmpi sgt, %while3A_45, %gt3A_70 : i32
      %lt3A_72 = arith.constant 128 : i32
      %lt3A_73 = arith.cmpi slt, %add3A_69, %lt3A_72 : i32
      %and3A_74 = arith.andi %gt3A_71, %lt3A_73 : i1
      %convert_element_type3A_75 = arith.extui %and3A_74 : i1 to i32
      %cond3A_76 = arith.constant 0 : i32
      %cond3A_77 = arith.cmpi ne, %convert_element_type3A_75, %cond3A_76 : i32
      scf.if %cond3A_77 {
        %dma_wait3A = arith.constant 0 : i32
        %dma_wait3A_120 = arith.constant 0 : i32
        %dma_wait3A_121 = tpu.memref_slice %arg8[%dma_wait3A, %dma_wait3A_120] : memref<125x80xi32, #tpu.memory_space<vmem>> -> memref<1x80xi32, #tpu.memory_space<vmem>>
        %dma_wait3A_122 = tpu.memref_squeeze %dma_wait3A_121 : memref<1x80xi32, #tpu.memory_space<vmem>> -> memref<80xi32, #tpu.memory_space<vmem>>
        %dma_wait3A_123 = arith.constant 0 : i32
        %dma_wait3A_124 = arith.constant 0 : i32
        %dma_wait3A_125 = tpu.memref_slice %arg6[%dma_wait3A_123, %dma_wait3A_124] : memref<10000x128xf32, #tpu.memory_space<vmem_shared>> -> memref<10000x128xf32, #tpu.memory_space<vmem_shared>>
        tpu.wait_indirect_dma semaphore(%arg16 : memref<!tpu.dma_semaphore, #tpu.memory_space<semaphore_mem>>) src(%arg10 : memref<80x128xf32, #tpu.memory_space<vmem>>) dst(%dma_wait3A_125 : memref<10000x128xf32, #tpu.memory_space<vmem_shared>>)
      } else {
      }
      %lt3A_78 = arith.constant 125 : i32
      %lt3A_79 = arith.cmpi slt, %add3A_69, %lt3A_78 : i32
      %convert_element_type3A_80 = arith.extui %lt3A_79 : i1 to i32
      %cond3A_81 = arith.constant 0 : i32
      %cond3A_82 = arith.cmpi ne, %convert_element_type3A_80, %cond3A_81 : i32
      scf.if %cond3A_82 {
        %dma_start3A = arith.constant 0 : i32
        %dma_start3A_120 = tpu.memref_slice %arg7[%add3A_69, %dma_start3A] : memref<125x80xi32, #tpu.memory_space<vmem>> -> memref<1x80xi32, #tpu.memory_space<vmem>>
        %dma_start3A_121 = tpu.memref_squeeze %dma_start3A_120 : memref<1x80xi32, #tpu.memory_space<vmem>> -> memref<80xi32, #tpu.memory_space<vmem>>
        %dma_start3A_122 = arith.constant 0 : i32
        %dma_start3A_123 = arith.constant 0 : i32
        %dma_start3A_124 = tpu.memref_slice %arg4[%dma_start3A_122, %dma_start3A_123] : memref<10000x128xf32, #tpu.memory_space<hbm>> -> memref<10000x128xf32, #tpu.memory_space<hbm>>
        tpu.enqueue_indirect_dma source(%dma_start3A_124 : memref<10000x128xf32, #tpu.memory_space<hbm>>) target(%arg10 : memref<80x128xf32, #tpu.memory_space<vmem>>) offsets(%dma_start3A_121 : memref<80xi32, #tpu.memory_space<vmem>>) semaphore(%arg13 : memref<!tpu.dma_semaphore, #tpu.memory_space<semaphore_mem>>)
      } else {
      }
      %sub3A_83 = arith.constant 1 : i32
      %sub3A_84 = arith.subi %add3A_69, %sub3A_83 : i32
      %ge3A_85 = arith.constant 0 : i32
      %ge3A_86 = arith.cmpi sge, %sub3A_84, %ge3A_85 : i32
      %lt3A_87 = arith.constant 125 : i32
      %lt3A_88 = arith.cmpi slt, %sub3A_84, %lt3A_87 : i32
      %and3A_89 = arith.andi %ge3A_86, %lt3A_88 : i1
      %convert_element_type3A_90 = arith.extui %and3A_89 : i1 to i32
      %cond3A_91 = arith.constant 0 : i32
      %cond3A_92 = arith.cmpi ne, %convert_element_type3A_90, %cond3A_91 : i32
      scf.if %cond3A_92 {
        %dma_wait3A = arith.constant 0 : i32
        %dma_wait3A_120 = arith.constant 0 : i32
        %dma_wait3A_121 = tpu.memref_slice %arg7[%dma_wait3A, %dma_wait3A_120] : memref<125x80xi32, #tpu.memory_space<vmem>> -> memref<1x80xi32, #tpu.memory_space<vmem>>
        %dma_wait3A_122 = tpu.memref_squeeze %dma_wait3A_121 : memref<1x80xi32, #tpu.memory_space<vmem>> -> memref<80xi32, #tpu.memory_space<vmem>>
        %dma_wait3A_123 = arith.constant 0 : i32
        %dma_wait3A_124 = arith.constant 0 : i32
        %dma_wait3A_125 = tpu.memref_slice %arg4[%dma_wait3A_123, %dma_wait3A_124] : memref<10000x128xf32, #tpu.memory_space<hbm>> -> memref<10000x128xf32, #tpu.memory_space<hbm>>
        tpu.wait_indirect_dma semaphore(%arg12 : memref<!tpu.dma_semaphore, #tpu.memory_space<semaphore_mem>>) src(%dma_wait3A_125 : memref<10000x128xf32, #tpu.memory_space<hbm>>) dst(%arg9 : memref<80x128xf32, #tpu.memory_space<vmem>>)
        %dma_start3A = arith.constant 0 : i32
        %dma_start3A_126 = tpu.memref_slice %arg8[%sub3A_84, %dma_start3A] : memref<125x80xi32, #tpu.memory_space<vmem>> -> memref<1x80xi32, #tpu.memory_space<vmem>>
        %dma_start3A_127 = tpu.memref_squeeze %dma_start3A_126 : memref<1x80xi32, #tpu.memory_space<vmem>> -> memref<80xi32, #tpu.memory_space<vmem>>
        %dma_start3A_128 = arith.constant 0 : i32
        %dma_start3A_129 = arith.constant 0 : i32
        %dma_start3A_130 = tpu.memref_slice %arg6[%dma_start3A_128, %dma_start3A_129] : memref<10000x128xf32, #tpu.memory_space<vmem_shared>> -> memref<10000x128xf32, #tpu.memory_space<vmem_shared>>
        tpu.enqueue_indirect_dma source(%arg9 : memref<80x128xf32, #tpu.memory_space<vmem>>) target(%dma_start3A_130 : memref<10000x128xf32, #tpu.memory_space<vmem_shared>>) offsets(%dma_start3A_127 : memref<80xi32, #tpu.memory_space<vmem>>) semaphore(%arg15 : memref<!tpu.dma_semaphore, #tpu.memory_space<semaphore_mem>>) {add = true}
      } else {
      }
      %mul3A_93 = arith.constant 3 : i32
      %mul3A_94 = arith.muli %while3A_45, %mul3A_93 : i32
      %add3A_95 = arith.constant 2 : i32
      %add3A_96 = arith.addi %mul3A_94, %add3A_95 : i32
      %gt3A_97 = arith.constant 0 : i32
      %gt3A_98 = arith.cmpi sgt, %while3A_45, %gt3A_97 : i32
      %lt3A_99 = arith.constant 128 : i32
      %lt3A_100 = arith.cmpi slt, %add3A_96, %lt3A_99 : i32
      %and3A_101 = arith.andi %gt3A_98, %lt3A_100 : i1
      %convert_element_type3A_102 = arith.extui %and3A_101 : i1 to i32
      %cond3A_103 = arith.constant 0 : i32
      %cond3A_104 = arith.cmpi ne, %convert_element_type3A_102, %cond3A_103 : i32
      scf.if %cond3A_104 {
        %dma_wait3A = arith.constant 0 : i32
        %dma_wait3A_120 = arith.constant 0 : i32
        %dma_wait3A_121 = tpu.memref_slice %arg8[%dma_wait3A, %dma_wait3A_120] : memref<125x80xi32, #tpu.memory_space<vmem>> -> memref<1x80xi32, #tpu.memory_space<vmem>>
        %dma_wait3A_122 = tpu.memref_squeeze %dma_wait3A_121 : memref<1x80xi32, #tpu.memory_space<vmem>> -> memref<80xi32, #tpu.memory_space<vmem>>
        %dma_wait3A_123 = arith.constant 0 : i32
        %dma_wait3A_124 = arith.constant 0 : i32
        %dma_wait3A_125 = tpu.memref_slice %arg6[%dma_wait3A_123, %dma_wait3A_124] : memref<10000x128xf32, #tpu.memory_space<vmem_shared>> -> memref<10000x128xf32, #tpu.memory_space<vmem_shared>>
        tpu.wait_indirect_dma semaphore(%arg17 : memref<!tpu.dma_semaphore, #tpu.memory_space<semaphore_mem>>) src(%arg11 : memref<80x128xf32, #tpu.memory_space<vmem>>) dst(%dma_wait3A_125 : memref<10000x128xf32, #tpu.memory_space<vmem_shared>>)
      } else {
      }
      %lt3A_105 = arith.constant 125 : i32
      %lt3A_106 = arith.cmpi slt, %add3A_96, %lt3A_105 : i32
      %convert_element_type3A_107 = arith.extui %lt3A_106 : i1 to i32
      %cond3A_108 = arith.constant 0 : i32
      %cond3A_109 = arith.cmpi ne, %convert_element_type3A_107, %cond3A_108 : i32
      scf.if %cond3A_109 {
        %dma_start3A = arith.constant 0 : i32
        %dma_start3A_120 = tpu.memref_slice %arg7[%add3A_96, %dma_start3A] : memref<125x80xi32, #tpu.memory_space<vmem>> -> memref<1x80xi32, #tpu.memory_space<vmem>>
        %dma_start3A_121 = tpu.memref_squeeze %dma_start3A_120 : memref<1x80xi32, #tpu.memory_space<vmem>> -> memref<80xi32, #tpu.memory_space<vmem>>
        %dma_start3A_122 = arith.constant 0 : i32
        %dma_start3A_123 = arith.constant 0 : i32
        %dma_start3A_124 = tpu.memref_slice %arg4[%dma_start3A_122, %dma_start3A_123] : memref<10000x128xf32, #tpu.memory_space<hbm>> -> memref<10000x128xf32, #tpu.memory_space<hbm>>
        tpu.enqueue_indirect_dma source(%dma_start3A_124 : memref<10000x128xf32, #tpu.memory_space<hbm>>) target(%arg11 : memref<80x128xf32, #tpu.memory_space<vmem>>) offsets(%dma_start3A_121 : memref<80xi32, #tpu.memory_space<vmem>>) semaphore(%arg14 : memref<!tpu.dma_semaphore, #tpu.memory_space<semaphore_mem>>)
      } else {
      }
      %sub3A_110 = arith.constant 1 : i32
      %sub3A_111 = arith.subi %add3A_96, %sub3A_110 : i32
      %ge3A_112 = arith.constant 0 : i32
      %ge3A_113 = arith.cmpi sge, %sub3A_111, %ge3A_112 : i32
      %lt3A_114 = arith.constant 125 : i32
      %lt3A_115 = arith.cmpi slt, %sub3A_111, %lt3A_114 : i32
      %and3A_116 = arith.andi %ge3A_113, %lt3A_115 : i1
      %convert_element_type3A_117 = arith.extui %and3A_116 : i1 to i32
      %cond3A_118 = arith.constant 0 : i32
      %cond3A_119 = arith.cmpi ne, %convert_element_type3A_117, %cond3A_118 : i32
      scf.if %cond3A_119 {
        %dma_wait3A = arith.constant 0 : i32
        %dma_wait3A_120 = arith.constant 0 : i32
        %dma_wait3A_121 = tpu.memref_slice %arg7[%dma_wait3A, %dma_wait3A_120] : memref<125x80xi32, #tpu.memory_space<vmem>> -> memref<1x80xi32, #tpu.memory_space<vmem>>
        %dma_wait3A_122 = tpu.memref_squeeze %dma_wait3A_121 : memref<1x80xi32, #tpu.memory_space<vmem>> -> memref<80xi32, #tpu.memory_space<vmem>>
        %dma_wait3A_123 = arith.constant 0 : i32
        %dma_wait3A_124 = arith.constant 0 : i32
        %dma_wait3A_125 = tpu.memref_slice %arg4[%dma_wait3A_123, %dma_wait3A_124] : memref<10000x128xf32, #tpu.memory_space<hbm>> -> memref<10000x128xf32, #tpu.memory_space<hbm>>
        tpu.wait_indirect_dma semaphore(%arg13 : memref<!tpu.dma_semaphore, #tpu.memory_space<semaphore_mem>>) src(%dma_wait3A_125 : memref<10000x128xf32, #tpu.memory_space<hbm>>) dst(%arg10 : memref<80x128xf32, #tpu.memory_space<vmem>>)
        %dma_start3A = arith.constant 0 : i32
        %dma_start3A_126 = tpu.memref_slice %arg8[%sub3A_111, %dma_start3A] : memref<125x80xi32, #tpu.memory_space<vmem>> -> memref<1x80xi32, #tpu.memory_space<vmem>>
        %dma_start3A_127 = tpu.memref_squeeze %dma_start3A_126 : memref<1x80xi32, #tpu.memory_space<vmem>> -> memref<80xi32, #tpu.memory_space<vmem>>
        %dma_start3A_128 = arith.constant 0 : i32
        %dma_start3A_129 = arith.constant 0 : i32
        %dma_start3A_130 = tpu.memref_slice %arg6[%dma_start3A_128, %dma_start3A_129] : memref<10000x128xf32, #tpu.memory_space<vmem_shared>> -> memref<10000x128xf32, #tpu.memory_space<vmem_shared>>
        tpu.enqueue_indirect_dma source(%arg10 : memref<80x128xf32, #tpu.memory_space<vmem>>) target(%dma_start3A_130 : memref<10000x128xf32, #tpu.memory_space<vmem_shared>>) offsets(%dma_start3A_127 : memref<80xi32, #tpu.memory_space<vmem>>) semaphore(%arg16 : memref<!tpu.dma_semaphore, #tpu.memory_space<semaphore_mem>>) {add = true}
      } else {
      }
    }
    %barrier3A_44 = arith.constant 0 : index
    tpu.barrier barrier_id(%barrier3A_44)
    "tpu.region"() ({
      %run_scoped3A = tpu.sem_alloc : memref<!tpu.dma_semaphore, #tpu.memory_space<semaphore_mem>>
      %dma_start3A = arith.constant 0 : i32
      %dma_start3A_45 = tpu.memref_slice %arg5[%arg0, %mul3A_2, %dma_start3A] : memref<2x10000x128xf32, #tpu.memory_space<hbm>> -> memref<1x625x128xf32, #tpu.memory_space<hbm>>
      %dma_start3A_46 = tpu.memref_squeeze %dma_start3A_45 : memref<1x625x128xf32, #tpu.memory_space<hbm>> -> memref<625x128xf32, #tpu.memory_space<hbm>>
      %dma_start3A_47 = arith.constant 0 : i32
      %dma_start3A_48 = tpu.memref_slice %arg6[%mul3A_2, %dma_start3A_47] : memref<10000x128xf32, #tpu.memory_space<vmem_shared>> -> memref<625x128xf32, #tpu.memory_space<vmem_shared>>
      tpu.enqueue_dma source(%dma_start3A_48 : memref<625x128xf32, #tpu.memory_space<vmem_shared>>) target(%dma_start3A_46 : memref<625x128xf32, #tpu.memory_space<hbm>>) target_semaphore(%run_scoped3A : memref<!tpu.dma_semaphore, #tpu.memory_space<semaphore_mem>>)
      %dma_wait3A = arith.constant 0 : i32
      %dma_wait3A_49 = tpu.memref_slice %arg5[%arg0, %mul3A_2, %dma_wait3A] : memref<2x10000x128xf32, #tpu.memory_space<hbm>> -> memref<1x625x128xf32, #tpu.memory_space<hbm>>
      %dma_wait3A_50 = tpu.memref_squeeze %dma_wait3A_49 : memref<1x625x128xf32, #tpu.memory_space<hbm>> -> memref<625x128xf32, #tpu.memory_space<hbm>>
      %dma_wait3A_51 = arith.constant 0 : i32
      %dma_wait3A_52 = tpu.memref_slice %arg6[%mul3A_2, %dma_wait3A_51] : memref<10000x128xf32, #tpu.memory_space<vmem_shared>> -> memref<625x128xf32, #tpu.memory_space<vmem_shared>>
      tpu.wait_dma2 semaphore(%run_scoped3A : memref<!tpu.dma_semaphore, #tpu.memory_space<semaphore_mem>>) src(%dma_wait3A_52 : memref<625x128xf32, #tpu.memory_space<vmem_shared>>) dst(%dma_wait3A_50 : memref<625x128xf32, #tpu.memory_space<hbm>>)
      tpu.yield
    }) : () -> ()
    return
  }
}

#map = affine_map<(d0, d1) -> (0, 0)>
#map1 = affine_map<(d0, d1) -> (0, 0, 0)>
module attributes {stable_mosaic.version = 14 : i64} {
  func.func @body(%arg0: i32, %arg1: i32, %arg2: memref<4000x80xi32, #tpu.memory_space<hbm>>, %arg3: memref<4000x80xi32, #tpu.memory_space<hbm>>, %arg4: memref<10000x128xf32, #tpu.memory_space<hbm>>, %arg5: memref<2x10000x128xf32, #tpu.memory_space<hbm>>, %arg6: memref<10000x128xf32, #tpu.memory_space<vmem_shared>>, %arg7: memref<125x80xi32, #tpu.memory_space<vmem>>, %arg8: memref<125x80xi32, #tpu.memory_space<vmem>>, %arg9: memref<80x128xf32, #tpu.memory_space<vmem>>, %arg10: memref<80x128xf32, #tpu.memory_space<vmem>>, %arg11: memref<80x128xf32, #tpu.memory_space<vmem>>, %arg12: memref<!tpu.dma_semaphore, #tpu.memory_space<semaphore_mem>>, %arg13: memref<!tpu.dma_semaphore, #tpu.memory_space<semaphore_mem>>, %arg14: memref<!tpu.dma_semaphore, #tpu.memory_space<semaphore_mem>>, %arg15: memref<!tpu.dma_semaphore, #tpu.memory_space<semaphore_mem>>, %arg16: memref<!tpu.dma_semaphore, #tpu.memory_space<semaphore_mem>>, %arg17: memref<!tpu.dma_semaphore, #tpu.memory_space<semaphore_mem>>) attributes {dimension_semantics = [#tpu.dimension_semantics<core_parallel>, #tpu.dimension_semantics<subcore_parallel>], iteration_bounds = array<i64: 2, 16>, scalar_prefetch = 0 : i64, scratch_operands = 12 : i64, tpu.core_type = #tpu.core_type<sc_vector_subcore>, window_params = [{transform_indices = #map}, {transform_indices = #map}, {transform_indices = #map}, {transform_indices = #map1}]} {
    %mul3A = arith.constant 16 : i32
    %mul3A_0 = arith.muli %arg0, %mul3A : i32
    %add3A = arith.addi %mul3A_0, %arg1 : i32
    %mul3A_1 = arith.constant 625 : i32
    %mul3A_2 = arith.muli %arg1, %mul3A_1 : i32
    %while3A = arith.constant 0 : i32
    %while3A_3 = arith.constant 0 : i32
    %while3A_4 = arith.constant 80 : i32
    %while3A_5 = arith.subi %while3A_4, %while3A_3 : i32
    %while3A_6 = arith.addi %while3A_3, %while3A_5 : i32
    %while3A_7 = arith.constant 1 : i32
    %while3A_8 = arith.divsi %while3A_5, %while3A_7 : i32
    %while3A_9 = arith.muli %while3A_8, %while3A_7 : i32
    %while3A_10 = arith.addi %while3A_3, %while3A_9 : i32
    %while3A_11 = arith.constant 1 : i32
    scf.for %while3A_45 = %while3A_3 to %while3A_10 step %while3A_11  : i32 {
      %broadcast_in_dim3A = arith.constant 0.000000e+00 : f32
      %broadcast_in_dim3A_46 = vector.broadcast %broadcast_in_dim3A : f32 to vector<16xf32>
      %swap3A = arith.index_cast %while3A_45 : i32 to index
      %swap3A_47 = arith.constant 0 : index
      %swap3A_48 = tpu.vector_load %arg9[%swap3A, %swap3A_47] {strides = array<i32>} : memref<80x128xf32, #tpu.memory_space<vmem>>, vector<1x16xf32>,
      %swap3A_49 = vector.shape_cast %swap3A_48 : vector<1x16xf32> to vector<16xf32>
      %swap3A_50 = vector.shape_cast %broadcast_in_dim3A_46 : vector<16xf32> to vector<1x16xf32>
      tpu.vector_store %arg9[%swap3A, %swap3A_47], %swap3A_50 {strides = array<i32>} : memref<80x128xf32, #tpu.memory_space<vmem>>, vector<1x16xf32>,
      %broadcast_in_dim3A_51 = arith.constant 0.000000e+00 : f32
      %broadcast_in_dim3A_52 = vector.broadcast %broadcast_in_dim3A_51 : f32 to vector<16xf32>
      %swap3A_53 = arith.index_cast %while3A_45 : i32 to index
      %swap3A_54 = arith.constant 16 : index
      %swap3A_55 = tpu.vector_load %arg9[%swap3A_53, %swap3A_54] {strides = array<i32>} : memref<80x128xf32, #tpu.memory_space<vmem>>, vector<1x16xf32>,
      %swap3A_56 = vector.shape_cast %swap3A_55 : vector<1x16xf32> to vector<16xf32>
      %swap3A_57 = vector.shape_cast %broadcast_in_dim3A_52 : vector<16xf32> to vector<1x16xf32>
      tpu.vector_store %arg9[%swap3A_53, %swap3A_54], %swap3A_57 {strides = array<i32>} : memref<80x128xf32, #tpu.memory_space<vmem>>, vector<1x16xf32>,
      %broadcast_in_dim3A_58 = arith.constant 0.000000e+00 : f32
      %broadcast_in_dim3A_59 = vector.broadcast %broadcast_in_dim3A_58 : f32 to vector<16xf32>
      %swap3A_60 = arith.index_cast %while3A_45 : i32 to index
      %swap3A_61 = arith.constant 32 : index
      %swap3A_62 = tpu.vector_load %arg9[%swap3A_60, %swap3A_61] {strides = array<i32>} : memref<80x128xf32, #tpu.memory_space<vmem>>, vector<1x16xf32>,
      %swap3A_63 = vector.shape_cast %swap3A_62 : vector<1x16xf32> to vector<16xf32>
      %swap3A_64 = vector.shape_cast %broadcast_in_dim3A_59 : vector<16xf32> to vector<1x16xf32>
      tpu.vector_store %arg9[%swap3A_60, %swap3A_61], %swap3A_64 {strides = array<i32>} : memref<80x128xf32, #tpu.memory_space<vmem>>, vector<1x16xf32>,
      %broadcast_in_dim3A_65 = arith.constant 0.000000e+00 : f32
      %broadcast_in_dim3A_66 = vector.broadcast %broadcast_in_dim3A_65 : f32 to vector<16xf32>
      %swap3A_67 = arith.index_cast %while3A_45 : i32 to index
      %swap3A_68 = arith.constant 48 : index
      %swap3A_69 = tpu.vector_load %arg9[%swap3A_67, %swap3A_68] {strides = array<i32>} : memref<80x128xf32, #tpu.memory_space<vmem>>, vector<1x16xf32>,
      %swap3A_70 = vector.shape_cast %swap3A_69 : vector<1x16xf32> to vector<16xf32>
      %swap3A_71 = vector.shape_cast %broadcast_in_dim3A_66 : vector<16xf32> to vector<1x16xf32>
      tpu.vector_store %arg9[%swap3A_67, %swap3A_68], %swap3A_71 {strides = array<i32>} : memref<80x128xf32, #tpu.memory_space<vmem>>, vector<1x16xf32>,
      %broadcast_in_dim3A_72 = arith.constant 0.000000e+00 : f32
      %broadcast_in_dim3A_73 = vector.broadcast %broadcast_in_dim3A_72 : f32 to vector<16xf32>
      %swap3A_74 = arith.index_cast %while3A_45 : i32 to index
      %swap3A_75 = arith.constant 64 : index
      %swap3A_76 = tpu.vector_load %arg9[%swap3A_74, %swap3A_75] {strides = array<i32>} : memref<80x128xf32, #tpu.memory_space<vmem>>, vector<1x16xf32>,
      %swap3A_77 = vector.shape_cast %swap3A_76 : vector<1x16xf32> to vector<16xf32>
      %swap3A_78 = vector.shape_cast %broadcast_in_dim3A_73 : vector<16xf32> to vector<1x16xf32>
      tpu.vector_store %arg9[%swap3A_74, %swap3A_75], %swap3A_78 {strides = array<i32>} : memref<80x128xf32, #tpu.memory_space<vmem>>, vector<1x16xf32>,
      %broadcast_in_dim3A_79 = arith.constant 0.000000e+00 : f32
      %broadcast_in_dim3A_80 = vector.broadcast %broadcast_in_dim3A_79 : f32 to vector<16xf32>
      %swap3A_81 = arith.index_cast %while3A_45 : i32 to index
      %swap3A_82 = arith.constant 80 : index
      %swap3A_83 = tpu.vector_load %arg9[%swap3A_81, %swap3A_82] {strides = array<i32>} : memref<80x128xf32, #tpu.memory_space<vmem>>, vector<1x16xf32>,
      %swap3A_84 = vector.shape_cast %swap3A_83 : vector<1x16xf32> to vector<16xf32>
      %swap3A_85 = vector.shape_cast %broadcast_in_dim3A_80 : vector<16xf32> to vector<1x16xf32>
      tpu.vector_store %arg9[%swap3A_81, %swap3A_82], %swap3A_85 {strides = array<i32>} : memref<80x128xf32, #tpu.memory_space<vmem>>, vector<1x16xf32>,
      %broadcast_in_dim3A_86 = arith.constant 0.000000e+00 : f32
      %broadcast_in_dim3A_87 = vector.broadcast %broadcast_in_dim3A_86 : f32 to vector<16xf32>
      %swap3A_88 = arith.index_cast %while3A_45 : i32 to index
      %swap3A_89 = arith.constant 96 : index
      %swap3A_90 = tpu.vector_load %arg9[%swap3A_88, %swap3A_89] {strides = array<i32>} : memref<80x128xf32, #tpu.memory_space<vmem>>, vector<1x16xf32>,
      %swap3A_91 = vector.shape_cast %swap3A_90 : vector<1x16xf32> to vector<16xf32>
      %swap3A_92 = vector.shape_cast %broadcast_in_dim3A_87 : vector<16xf32> to vector<1x16xf32>
      tpu.vector_store %arg9[%swap3A_88, %swap3A_89], %swap3A_92 {strides = array<i32>} : memref<80x128xf32, #tpu.memory_space<vmem>>, vector<1x16xf32>,
      %broadcast_in_dim3A_93 = arith.constant 0.000000e+00 : f32
      %broadcast_in_dim3A_94 = vector.broadcast %broadcast_in_dim3A_93 : f32 to vector<16xf32>
      %swap3A_95 = arith.index_cast %while3A_45 : i32 to index
      %swap3A_96 = arith.constant 112 : index
      %swap3A_97 = tpu.vector_load %arg9[%swap3A_95, %swap3A_96] {strides = array<i32>} : memref<80x128xf32, #tpu.memory_space<vmem>>, vector<1x16xf32>,
      %swap3A_98 = vector.shape_cast %swap3A_97 : vector<1x16xf32> to vector<16xf32>
      %swap3A_99 = vector.shape_cast %broadcast_in_dim3A_94 : vector<16xf32> to vector<1x16xf32>
      tpu.vector_store %arg9[%swap3A_95, %swap3A_96], %swap3A_99 {strides = array<i32>} : memref<80x128xf32, #tpu.memory_space<vmem>>, vector<1x16xf32>,
    }
    %while3A_12 = arith.constant 1 : i32
    scf.for %while3A_45 = %while3A_10 to %while3A_6 step %while3A_12  : i32 {
      %broadcast_in_dim3A = arith.constant 0.000000e+00 : f32
      %broadcast_in_dim3A_46 = vector.broadcast %broadcast_in_dim3A : f32 to vector<16xf32>
      %swap3A = arith.index_cast %while3A_45 : i32 to index
      %swap3A_47 = arith.constant 0 : index
      %swap3A_48 = tpu.vector_load %arg9[%swap3A, %swap3A_47] {strides = array<i32>} : memref<80x128xf32, #tpu.memory_space<vmem>>, vector<1x16xf32>,
      %swap3A_49 = vector.shape_cast %swap3A_48 : vector<1x16xf32> to vector<16xf32>
      %swap3A_50 = vector.shape_cast %broadcast_in_dim3A_46 : vector<16xf32> to vector<1x16xf32>
      tpu.vector_store %arg9[%swap3A, %swap3A_47], %swap3A_50 {strides = array<i32>} : memref<80x128xf32, #tpu.memory_space<vmem>>, vector<1x16xf32>,
      %broadcast_in_dim3A_51 = arith.constant 0.000000e+00 : f32
      %broadcast_in_dim3A_52 = vector.broadcast %broadcast_in_dim3A_51 : f32 to vector<16xf32>
      %swap3A_53 = arith.index_cast %while3A_45 : i32 to index
      %swap3A_54 = arith.constant 16 : index
      %swap3A_55 = tpu.vector_load %arg9[%swap3A_53, %swap3A_54] {strides = array<i32>} : memref<80x128xf32, #tpu.memory_space<vmem>>, vector<1x16xf32>,
      %swap3A_56 = vector.shape_cast %swap3A_55 : vector<1x16xf32> to vector<16xf32>
      %swap3A_57 = vector.shape_cast %broadcast_in_dim3A_52 : vector<16xf32> to vector<1x16xf32>
      tpu.vector_store %arg9[%swap3A_53, %swap3A_54], %swap3A_57 {strides = array<i32>} : memref<80x128xf32, #tpu.memory_space<vmem>>, vector<1x16xf32>,
      %broadcast_in_dim3A_58 = arith.constant 0.000000e+00 : f32
      %broadcast_in_dim3A_59 = vector.broadcast %broadcast_in_dim3A_58 : f32 to vector<16xf32>
      %swap3A_60 = arith.index_cast %while3A_45 : i32 to index
      %swap3A_61 = arith.constant 32 : index
      %swap3A_62 = tpu.vector_load %arg9[%swap3A_60, %swap3A_61] {strides = array<i32>} : memref<80x128xf32, #tpu.memory_space<vmem>>, vector<1x16xf32>,
      %swap3A_63 = vector.shape_cast %swap3A_62 : vector<1x16xf32> to vector<16xf32>
      %swap3A_64 = vector.shape_cast %broadcast_in_dim3A_59 : vector<16xf32> to vector<1x16xf32>
      tpu.vector_store %arg9[%swap3A_60, %swap3A_61], %swap3A_64 {strides = array<i32>} : memref<80x128xf32, #tpu.memory_space<vmem>>, vector<1x16xf32>,
      %broadcast_in_dim3A_65 = arith.constant 0.000000e+00 : f32
      %broadcast_in_dim3A_66 = vector.broadcast %broadcast_in_dim3A_65 : f32 to vector<16xf32>
      %swap3A_67 = arith.index_cast %while3A_45 : i32 to index
      %swap3A_68 = arith.constant 48 : index
      %swap3A_69 = tpu.vector_load %arg9[%swap3A_67, %swap3A_68] {strides = array<i32>} : memref<80x128xf32, #tpu.memory_space<vmem>>, vector<1x16xf32>,
      %swap3A_70 = vector.shape_cast %swap3A_69 : vector<1x16xf32> to vector<16xf32>
      %swap3A_71 = vector.shape_cast %broadcast_in_dim3A_66 : vector<16xf32> to vector<1x16xf32>
      tpu.vector_store %arg9[%swap3A_67, %swap3A_68], %swap3A_71 {strides = array<i32>} : memref<80x128xf32, #tpu.memory_space<vmem>>, vector<1x16xf32>,
      %broadcast_in_dim3A_72 = arith.constant 0.000000e+00 : f32
      %broadcast_in_dim3A_73 = vector.broadcast %broadcast_in_dim3A_72 : f32 to vector<16xf32>
      %swap3A_74 = arith.index_cast %while3A_45 : i32 to index
      %swap3A_75 = arith.constant 64 : index
      %swap3A_76 = tpu.vector_load %arg9[%swap3A_74, %swap3A_75] {strides = array<i32>} : memref<80x128xf32, #tpu.memory_space<vmem>>, vector<1x16xf32>,
      %swap3A_77 = vector.shape_cast %swap3A_76 : vector<1x16xf32> to vector<16xf32>
      %swap3A_78 = vector.shape_cast %broadcast_in_dim3A_73 : vector<16xf32> to vector<1x16xf32>
      tpu.vector_store %arg9[%swap3A_74, %swap3A_75], %swap3A_78 {strides = array<i32>} : memref<80x128xf32, #tpu.memory_space<vmem>>, vector<1x16xf32>,
      %broadcast_in_dim3A_79 = arith.constant 0.000000e+00 : f32
      %broadcast_in_dim3A_80 = vector.broadcast %broadcast_in_dim3A_79 : f32 to vector<16xf32>
      %swap3A_81 = arith.index_cast %while3A_45 : i32 to index
      %swap3A_82 = arith.constant 80 : index
      %swap3A_83 = tpu.vector_load %arg9[%swap3A_81, %swap3A_82] {strides = array<i32>} : memref<80x128xf32, #tpu.memory_space<vmem>>, vector<1x16xf32>,
      %swap3A_84 = vector.shape_cast %swap3A_83 : vector<1x16xf32> to vector<16xf32>
      %swap3A_85 = vector.shape_cast %broadcast_in_dim3A_80 : vector<16xf32> to vector<1x16xf32>
      tpu.vector_store %arg9[%swap3A_81, %swap3A_82], %swap3A_85 {strides = array<i32>} : memref<80x128xf32, #tpu.memory_space<vmem>>, vector<1x16xf32>,
      %broadcast_in_dim3A_86 = arith.constant 0.000000e+00 : f32
      %broadcast_in_dim3A_87 = vector.broadcast %broadcast_in_dim3A_86 : f32 to vector<16xf32>
      %swap3A_88 = arith.index_cast %while3A_45 : i32 to index
      %swap3A_89 = arith.constant 96 : index
      %swap3A_90 = tpu.vector_load %arg9[%swap3A_88, %swap3A_89] {strides = array<i32>} : memref<80x128xf32, #tpu.memory_space<vmem>>, vector<1x16xf32>,
      %swap3A_91 = vector.shape_cast %swap3A_90 : vector<1x16xf32> to vector<16xf32>
      %swap3A_92 = vector.shape_cast %broadcast_in_dim3A_87 : vector<16xf32> to vector<1x16xf32>
      tpu.vector_store %arg9[%swap3A_88, %swap3A_89], %swap3A_92 {strides = array<i32>} : memref<80x128xf32, #tpu.memory_space<vmem>>, vector<1x16xf32>,
      %broadcast_in_dim3A_93 = arith.constant 0.000000e+00 : f32
      %broadcast_in_dim3A_94 = vector.broadcast %broadcast_in_dim3A_93 : f32 to vector<16xf32>
      %swap3A_95 = arith.index_cast %while3A_45 : i32 to index
      %swap3A_96 = arith.constant 112 : index
      %swap3A_97 = tpu.vector_load %arg9[%swap3A_95, %swap3A_96] {strides = array<i32>} : memref<80x128xf32, #tpu.memory_space<vmem>>, vector<1x16xf32>,
      %swap3A_98 = vector.shape_cast %swap3A_97 : vector<1x16xf32> to vector<16xf32>
      %swap3A_99 = vector.shape_cast %broadcast_in_dim3A_94 : vector<16xf32> to vector<1x16xf32>
      tpu.vector_store %arg9[%swap3A_95, %swap3A_96], %swap3A_99 {strides = array<i32>} : memref<80x128xf32, #tpu.memory_space<vmem>>, vector<1x16xf32>,
    }
    %add3A_13 = arith.constant 0 : i32
    %add3A_14 = arith.addi %mul3A_2, %add3A_13 : i32
    "tpu.region"() ({
      %run_scoped3A = tpu.sem_alloc : memref<!tpu.dma_semaphore, #tpu.memory_space<semaphore_mem>>
      %dma_start3A = arith.constant 0 : i32
      %dma_start3A_45 = tpu.memref_slice %arg6[%add3A_14, %dma_start3A] : memref<10000x128xf32, #tpu.memory_space<vmem_shared>> -> memref<80x128xf32, #tpu.memory_space<vmem_shared>>
      %dma_start3A_46 = arith.constant 0 : i32
      %dma_start3A_47 = tpu.memref_slice %arg6[%add3A_14, %dma_start3A_46] : memref<10000x128xf32, #tpu.memory_space<vmem_shared>> -> memref<80x128xf32, #tpu.memory_space<vmem_shared>>
      tpu.enqueue_dma source(%arg9 : memref<80x128xf32, #tpu.memory_space<vmem>>) target(%dma_start3A_47 : memref<80x128xf32, #tpu.memory_space<vmem_shared>>) target_semaphore(%run_scoped3A : memref<!tpu.dma_semaphore, #tpu.memory_space<semaphore_mem>>)
      %dma_wait3A = arith.constant 0 : i32
      %dma_wait3A_48 = tpu.memref_slice %arg6[%add3A_14, %dma_wait3A] : memref<10000x128xf32, #tpu.memory_space<vmem_shared>> -> memref<80x128xf32, #tpu.memory_space<vmem_shared>>
      %dma_wait3A_49 = arith.constant 0 : i32
      %dma_wait3A_50 = tpu.memref_slice %arg6[%add3A_14, %dma_wait3A_49] : memref<10000x128xf32, #tpu.memory_space<vmem_shared>> -> memref<80x128xf32, #tpu.memory_space<vmem_shared>>
      tpu.wait_dma2 semaphore(%run_scoped3A : memref<!tpu.dma_semaphore, #tpu.memory_space<semaphore_mem>>) src(%arg9 : memref<80x128xf32, #tpu.memory_space<vmem>>) dst(%dma_wait3A_50 : memref<80x128xf32, #tpu.memory_space<vmem_shared>>)
      tpu.yield
    }) : () -> ()
    %add3A_15 = arith.constant 80 : i32
    %add3A_16 = arith.addi %mul3A_2, %add3A_15 : i32
    "tpu.region"() ({
      %run_scoped3A = tpu.sem_alloc : memref<!tpu.dma_semaphore, #tpu.memory_space<semaphore_mem>>
      %dma_start3A = arith.constant 0 : i32
      %dma_start3A_45 = tpu.memref_slice %arg6[%add3A_16, %dma_start3A] : memref<10000x128xf32, #tpu.memory_space<vmem_shared>> -> memref<80x128xf32, #tpu.memory_space<vmem_shared>>
      %dma_start3A_46 = arith.constant 0 : i32
      %dma_start3A_47 = tpu.memref_slice %arg6[%add3A_16, %dma_start3A_46] : memref<10000x128xf32, #tpu.memory_space<vmem_shared>> -> memref<80x128xf32, #tpu.memory_space<vmem_shared>>
      tpu.enqueue_dma source(%arg9 : memref<80x128xf32, #tpu.memory_space<vmem>>) target(%dma_start3A_47 : memref<80x128xf32, #tpu.memory_space<vmem_shared>>) target_semaphore(%run_scoped3A : memref<!tpu.dma_semaphore, #tpu.memory_space<semaphore_mem>>)
      %dma_wait3A = arith.constant 0 : i32
      %dma_wait3A_48 = tpu.memref_slice %arg6[%add3A_16, %dma_wait3A] : memref<10000x128xf32, #tpu.memory_space<vmem_shared>> -> memref<80x128xf32, #tpu.memory_space<vmem_shared>>
      %dma_wait3A_49 = arith.constant 0 : i32
      %dma_wait3A_50 = tpu.memref_slice %arg6[%add3A_16, %dma_wait3A_49] : memref<10000x128xf32, #tpu.memory_space<vmem_shared>> -> memref<80x128xf32, #tpu.memory_space<vmem_shared>>
      tpu.wait_dma2 semaphore(%run_scoped3A : memref<!tpu.dma_semaphore, #tpu.memory_space<semaphore_mem>>) src(%arg9 : memref<80x128xf32, #tpu.memory_space<vmem>>) dst(%dma_wait3A_50 : memref<80x128xf32, #tpu.memory_space<vmem_shared>>)
      tpu.yield
    }) : () -> ()
    %add3A_17 = arith.constant 160 : i32
    %add3A_18 = arith.addi %mul3A_2, %add3A_17 : i32
    "tpu.region"() ({
      %run_scoped3A = tpu.sem_alloc : memref<!tpu.dma_semaphore, #tpu.memory_space<semaphore_mem>>
      %dma_start3A = arith.constant 0 : i32
      %dma_start3A_45 = tpu.memref_slice %arg6[%add3A_18, %dma_start3A] : memref<10000x128xf32, #tpu.memory_space<vmem_shared>> -> memref<80x128xf32, #tpu.memory_space<vmem_shared>>
      %dma_start3A_46 = arith.constant 0 : i32
      %dma_start3A_47 = tpu.memref_slice %arg6[%add3A_18, %dma_start3A_46] : memref<10000x128xf32, #tpu.memory_space<vmem_shared>> -> memref<80x128xf32, #tpu.memory_space<vmem_shared>>
      tpu.enqueue_dma source(%arg9 : memref<80x128xf32, #tpu.memory_space<vmem>>) target(%dma_start3A_47 : memref<80x128xf32, #tpu.memory_space<vmem_shared>>) target_semaphore(%run_scoped3A : memref<!tpu.dma_semaphore, #tpu.memory_space<semaphore_mem>>)
      %dma_wait3A = arith.constant 0 : i32
      %dma_wait3A_48 = tpu.memref_slice %arg6[%add3A_18, %dma_wait3A] : memref<10000x128xf32, #tpu.memory_space<vmem_shared>> -> memref<80x128xf32, #tpu.memory_space<vmem_shared>>
      %dma_wait3A_49 = arith.constant 0 : i32
      %dma_wait3A_50 = tpu.memref_slice %arg6[%add3A_18, %dma_wait3A_49] : memref<10000x128xf32, #tpu.memory_space<vmem_shared>> -> memref<80x128xf32, #tpu.memory_space<vmem_shared>>
      tpu.wait_dma2 semaphore(%run_scoped3A : memref<!tpu.dma_semaphore, #tpu.memory_space<semaphore_mem>>) src(%arg9 : memref<80x128xf32, #tpu.memory_space<vmem>>) dst(%dma_wait3A_50 : memref<80x128xf32, #tpu.memory_space<vmem_shared>>)
      tpu.yield
    }) : () -> ()
    %add3A_19 = arith.constant 240 : i32
    %add3A_20 = arith.addi %mul3A_2, %add3A_19 : i32
    "tpu.region"() ({
      %run_scoped3A = tpu.sem_alloc : memref<!tpu.dma_semaphore, #tpu.memory_space<semaphore_mem>>
      %dma_start3A = arith.constant 0 : i32
      %dma_start3A_45 = tpu.memref_slice %arg6[%add3A_20, %dma_start3A] : memref<10000x128xf32, #tpu.memory_space<vmem_shared>> -> memref<80x128xf32, #tpu.memory_space<vmem_shared>>
      %dma_start3A_46 = arith.constant 0 : i32
      %dma_start3A_47 = tpu.memref_slice %arg6[%add3A_20, %dma_start3A_46] : memref<10000x128xf32, #tpu.memory_space<vmem_shared>> -> memref<80x128xf32, #tpu.memory_space<vmem_shared>>
      tpu.enqueue_dma source(%arg9 : memref<80x128xf32, #tpu.memory_space<vmem>>) target(%dma_start3A_47 : memref<80x128xf32, #tpu.memory_space<vmem_shared>>) target_semaphore(%run_scoped3A : memref<!tpu.dma_semaphore, #tpu.memory_space<semaphore_mem>>)
      %dma_wait3A = arith.constant 0 : i32
      %dma_wait3A_48 = tpu.memref_slice %arg6[%add3A_20, %dma_wait3A] : memref<10000x128xf32, #tpu.memory_space<vmem_shared>> -> memref<80x128xf32, #tpu.memory_space<vmem_shared>>
      %dma_wait3A_49 = arith.constant 0 : i32
      %dma_wait3A_50 = tpu.memref_slice %arg6[%add3A_20, %dma_wait3A_49] : memref<10000x128xf32, #tpu.memory_space<vmem_shared>> -> memref<80x128xf32, #tpu.memory_space<vmem_shared>>
      tpu.wait_dma2 semaphore(%run_scoped3A : memref<!tpu.dma_semaphore, #tpu.memory_space<semaphore_mem>>) src(%arg9 : memref<80x128xf32, #tpu.memory_space<vmem>>) dst(%dma_wait3A_50 : memref<80x128xf32, #tpu.memory_space<vmem_shared>>)
      tpu.yield
    }) : () -> ()
    %add3A_21 = arith.constant 320 : i32
    %add3A_22 = arith.addi %mul3A_2, %add3A_21 : i32
    "tpu.region"() ({
      %run_scoped3A = tpu.sem_alloc : memref<!tpu.dma_semaphore, #tpu.memory_space<semaphore_mem>>
      %dma_start3A = arith.constant 0 : i32
      %dma_start3A_45 = tpu.memref_slice %arg6[%add3A_22, %dma_start3A] : memref<10000x128xf32, #tpu.memory_space<vmem_shared>> -> memref<80x128xf32, #tpu.memory_space<vmem_shared>>
      %dma_start3A_46 = arith.constant 0 : i32
      %dma_start3A_47 = tpu.memref_slice %arg6[%add3A_22, %dma_start3A_46] : memref<10000x128xf32, #tpu.memory_space<vmem_shared>> -> memref<80x128xf32, #tpu.memory_space<vmem_shared>>
      tpu.enqueue_dma source(%arg9 : memref<80x128xf32, #tpu.memory_space<vmem>>) target(%dma_start3A_47 : memref<80x128xf32, #tpu.memory_space<vmem_shared>>) target_semaphore(%run_scoped3A : memref<!tpu.dma_semaphore, #tpu.memory_space<semaphore_mem>>)
      %dma_wait3A = arith.constant 0 : i32
      %dma_wait3A_48 = tpu.memref_slice %arg6[%add3A_22, %dma_wait3A] : memref<10000x128xf32, #tpu.memory_space<vmem_shared>> -> memref<80x128xf32, #tpu.memory_space<vmem_shared>>
      %dma_wait3A_49 = arith.constant 0 : i32
      %dma_wait3A_50 = tpu.memref_slice %arg6[%add3A_22, %dma_wait3A_49] : memref<10000x128xf32, #tpu.memory_space<vmem_shared>> -> memref<80x128xf32, #tpu.memory_space<vmem_shared>>
      tpu.wait_dma2 semaphore(%run_scoped3A : memref<!tpu.dma_semaphore, #tpu.memory_space<semaphore_mem>>) src(%arg9 : memref<80x128xf32, #tpu.memory_space<vmem>>) dst(%dma_wait3A_50 : memref<80x128xf32, #tpu.memory_space<vmem_shared>>)
      tpu.yield
    }) : () -> ()
    %add3A_23 = arith.constant 400 : i32
    %add3A_24 = arith.addi %mul3A_2, %add3A_23 : i32
    "tpu.region"() ({
      %run_scoped3A = tpu.sem_alloc : memref<!tpu.dma_semaphore, #tpu.memory_space<semaphore_mem>>
      %dma_start3A = arith.constant 0 : i32
      %dma_start3A_45 = tpu.memref_slice %arg6[%add3A_24, %dma_start3A] : memref<10000x128xf32, #tpu.memory_space<vmem_shared>> -> memref<80x128xf32, #tpu.memory_space<vmem_shared>>
      %dma_start3A_46 = arith.constant 0 : i32
      %dma_start3A_47 = tpu.memref_slice %arg6[%add3A_24, %dma_start3A_46] : memref<10000x128xf32, #tpu.memory_space<vmem_shared>> -> memref<80x128xf32, #tpu.memory_space<vmem_shared>>
      tpu.enqueue_dma source(%arg9 : memref<80x128xf32, #tpu.memory_space<vmem>>) target(%dma_start3A_47 : memref<80x128xf32, #tpu.memory_space<vmem_shared>>) target_semaphore(%run_scoped3A : memref<!tpu.dma_semaphore, #tpu.memory_space<semaphore_mem>>)
      %dma_wait3A = arith.constant 0 : i32
      %dma_wait3A_48 = tpu.memref_slice %arg6[%add3A_24, %dma_wait3A] : memref<10000x128xf32, #tpu.memory_space<vmem_shared>> -> memref<80x128xf32, #tpu.memory_space<vmem_shared>>
      %dma_wait3A_49 = arith.constant 0 : i32
      %dma_wait3A_50 = tpu.memref_slice %arg6[%add3A_24, %dma_wait3A_49] : memref<10000x128xf32, #tpu.memory_space<vmem_shared>> -> memref<80x128xf32, #tpu.memory_space<vmem_shared>>
      tpu.wait_dma2 semaphore(%run_scoped3A : memref<!tpu.dma_semaphore, #tpu.memory_space<semaphore_mem>>) src(%arg9 : memref<80x128xf32, #tpu.memory_space<vmem>>) dst(%dma_wait3A_50 : memref<80x128xf32, #tpu.memory_space<vmem_shared>>)
      tpu.yield
    }) : () -> ()
    %add3A_25 = arith.constant 480 : i32
    %add3A_26 = arith.addi %mul3A_2, %add3A_25 : i32
    "tpu.region"() ({
      %run_scoped3A = tpu.sem_alloc : memref<!tpu.dma_semaphore, #tpu.memory_space<semaphore_mem>>
      %dma_start3A = arith.constant 0 : i32
      %dma_start3A_45 = tpu.memref_slice %arg6[%add3A_26, %dma_start3A] : memref<10000x128xf32, #tpu.memory_space<vmem_shared>> -> memref<80x128xf32, #tpu.memory_space<vmem_shared>>
      %dma_start3A_46 = arith.constant 0 : i32
      %dma_start3A_47 = tpu.memref_slice %arg6[%add3A_26, %dma_start3A_46] : memref<10000x128xf32, #tpu.memory_space<vmem_shared>> -> memref<80x128xf32, #tpu.memory_space<vmem_shared>>
      tpu.enqueue_dma source(%arg9 : memref<80x128xf32, #tpu.memory_space<vmem>>) target(%dma_start3A_47 : memref<80x128xf32, #tpu.memory_space<vmem_shared>>) target_semaphore(%run_scoped3A : memref<!tpu.dma_semaphore, #tpu.memory_space<semaphore_mem>>)
      %dma_wait3A = arith.constant 0 : i32
      %dma_wait3A_48 = tpu.memref_slice %arg6[%add3A_26, %dma_wait3A] : memref<10000x128xf32, #tpu.memory_space<vmem_shared>> -> memref<80x128xf32, #tpu.memory_space<vmem_shared>>
      %dma_wait3A_49 = arith.constant 0 : i32
      %dma_wait3A_50 = tpu.memref_slice %arg6[%add3A_26, %dma_wait3A_49] : memref<10000x128xf32, #tpu.memory_space<vmem_shared>> -> memref<80x128xf32, #tpu.memory_space<vmem_shared>>
      tpu.wait_dma2 semaphore(%run_scoped3A : memref<!tpu.dma_semaphore, #tpu.memory_space<semaphore_mem>>) src(%arg9 : memref<80x128xf32, #tpu.memory_space<vmem>>) dst(%dma_wait3A_50 : memref<80x128xf32, #tpu.memory_space<vmem_shared>>)
      tpu.yield
    }) : () -> ()
    %add3A_27 = arith.constant 560 : i32
    %add3A_28 = arith.addi %mul3A_2, %add3A_27 : i32
    "tpu.region"() ({
      %run_scoped3A = tpu.sem_alloc : memref<!tpu.dma_semaphore, #tpu.memory_space<semaphore_mem>>
      %dma_start3A = arith.constant 0 : i32
      %dma_start3A_45 = arith.constant 0 : i32
      %dma_start3A_46 = tpu.memref_slice %arg9[%dma_start3A, %dma_start3A_45] : memref<80x128xf32, #tpu.memory_space<vmem>> -> memref<65x128xf32, #tpu.memory_space<vmem>>
      %dma_start3A_47 = arith.constant 0 : i32
      %dma_start3A_48 = tpu.memref_slice %arg6[%add3A_28, %dma_start3A_47] : memref<10000x128xf32, #tpu.memory_space<vmem_shared>> -> memref<65x128xf32, #tpu.memory_space<vmem_shared>>
      %dma_start3A_49 = arith.constant 0 : i32
      %dma_start3A_50 = tpu.memref_slice %arg6[%add3A_28, %dma_start3A_49] : memref<10000x128xf32, #tpu.memory_space<vmem_shared>> -> memref<65x128xf32, #tpu.memory_space<vmem_shared>>
      %dma_start3A_51 = arith.constant 0 : i32
      %dma_start3A_52 = arith.constant 0 : i32
      %dma_start3A_53 = tpu.memref_slice %arg9[%dma_start3A_51, %dma_start3A_52] : memref<80x128xf32, #tpu.memory_space<vmem>> -> memref<65x128xf32, #tpu.memory_space<vmem>>
      tpu.enqueue_dma source(%dma_start3A_53 : memref<65x128xf32, #tpu.memory_space<vmem>>) target(%dma_start3A_50 : memref<65x128xf32, #tpu.memory_space<vmem_shared>>) target_semaphore(%run_scoped3A : memref<!tpu.dma_semaphore, #tpu.memory_space<semaphore_mem>>)
      %dma_wait3A = arith.constant 0 : i32
      %dma_wait3A_54 = arith.constant 0 : i32
      %dma_wait3A_55 = tpu.memref_slice %arg9[%dma_wait3A, %dma_wait3A_54] : memref<80x128xf32, #tpu.memory_space<vmem>> -> memref<65x128xf32, #tpu.memory_space<vmem>>
      %dma_wait3A_56 = arith.constant 0 : i32
      %dma_wait3A_57 = tpu.memref_slice %arg6[%add3A_28, %dma_wait3A_56] : memref<10000x128xf32, #tpu.memory_space<vmem_shared>> -> memref<65x128xf32, #tpu.memory_space<vmem_shared>>
      %dma_wait3A_58 = arith.constant 0 : i32
      %dma_wait3A_59 = tpu.memref_slice %arg6[%add3A_28, %dma_wait3A_58] : memref<10000x128xf32, #tpu.memory_space<vmem_shared>> -> memref<65x128xf32, #tpu.memory_space<vmem_shared>>
      %dma_wait3A_60 = arith.constant 0 : i32
      %dma_wait3A_61 = arith.constant 0 : i32
      %dma_wait3A_62 = tpu.memref_slice %arg9[%dma_wait3A_60, %dma_wait3A_61] : memref<80x128xf32, #tpu.memory_space<vmem>> -> memref<65x128xf32, #tpu.memory_space<vmem>>
      tpu.wait_dma2 semaphore(%run_scoped3A : memref<!tpu.dma_semaphore, #tpu.memory_space<semaphore_mem>>) src(%dma_wait3A_62 : memref<65x128xf32, #tpu.memory_space<vmem>>) dst(%dma_wait3A_59 : memref<65x128xf32, #tpu.memory_space<vmem_shared>>)
      tpu.yield
    }) : () -> ()
    %barrier3A = arith.constant 0 : index
    tpu.barrier barrier_id(%barrier3A)
    %mul3A_29 = arith.constant 125 : i32
    %mul3A_30 = arith.muli %add3A, %mul3A_29 : i32
    "tpu.region"() ({
      %run_scoped3A = tpu.sem_alloc : memref<!tpu.dma_semaphore, #tpu.memory_space<semaphore_mem>>
      %dma_start3A = arith.constant 0 : i32
      %dma_start3A_45 = tpu.memref_slice %arg2[%mul3A_30, %dma_start3A] : memref<4000x80xi32, #tpu.memory_space<hbm>> -> memref<125x80xi32, #tpu.memory_space<hbm>>
      %dma_start3A_46 = arith.constant 0 : i32
      %dma_start3A_47 = tpu.memref_slice %arg2[%mul3A_30, %dma_start3A_46] : memref<4000x80xi32, #tpu.memory_space<hbm>> -> memref<125x80xi32, #tpu.memory_space<hbm>>
      tpu.enqueue_dma source(%dma_start3A_47 : memref<125x80xi32, #tpu.memory_space<hbm>>) target(%arg7 : memref<125x80xi32, #tpu.memory_space<vmem>>) target_semaphore(%run_scoped3A : memref<!tpu.dma_semaphore, #tpu.memory_space<semaphore_mem>>)
      %dma_wait3A = arith.constant 0 : i32
      %dma_wait3A_48 = tpu.memref_slice %arg2[%mul3A_30, %dma_wait3A] : memref<4000x80xi32, #tpu.memory_space<hbm>> -> memref<125x80xi32, #tpu.memory_space<hbm>>
      %dma_wait3A_49 = arith.constant 0 : i32
      %dma_wait3A_50 = tpu.memref_slice %arg2[%mul3A_30, %dma_wait3A_49] : memref<4000x80xi32, #tpu.memory_space<hbm>> -> memref<125x80xi32, #tpu.memory_space<hbm>>
      tpu.wait_dma2 semaphore(%run_scoped3A : memref<!tpu.dma_semaphore, #tpu.memory_space<semaphore_mem>>) src(%dma_wait3A_50 : memref<125x80xi32, #tpu.memory_space<hbm>>) dst(%arg7 : memref<125x80xi32, #tpu.memory_space<vmem>>)
      tpu.yield
    }) : () -> ()
    %mul3A_31 = arith.constant 125 : i32
    %mul3A_32 = arith.muli %add3A, %mul3A_31 : i32
    "tpu.region"() ({
      %run_scoped3A = tpu.sem_alloc : memref<!tpu.dma_semaphore, #tpu.memory_space<semaphore_mem>>
      %dma_start3A = arith.constant 0 : i32
      %dma_start3A_45 = tpu.memref_slice %arg3[%mul3A_32, %dma_start3A] : memref<4000x80xi32, #tpu.memory_space<hbm>> -> memref<125x80xi32, #tpu.memory_space<hbm>>
      %dma_start3A_46 = arith.constant 0 : i32
      %dma_start3A_47 = tpu.memref_slice %arg3[%mul3A_32, %dma_start3A_46] : memref<4000x80xi32, #tpu.memory_space<hbm>> -> memref<125x80xi32, #tpu.memory_space<hbm>>
      tpu.enqueue_dma source(%dma_start3A_47 : memref<125x80xi32, #tpu.memory_space<hbm>>) target(%arg8 : memref<125x80xi32, #tpu.memory_space<vmem>>) target_semaphore(%run_scoped3A : memref<!tpu.dma_semaphore, #tpu.memory_space<semaphore_mem>>)
      %dma_wait3A = arith.constant 0 : i32
      %dma_wait3A_48 = tpu.memref_slice %arg3[%mul3A_32, %dma_wait3A] : memref<4000x80xi32, #tpu.memory_space<hbm>> -> memref<125x80xi32, #tpu.memory_space<hbm>>
      %dma_wait3A_49 = arith.constant 0 : i32
      %dma_wait3A_50 = tpu.memref_slice %arg3[%mul3A_32, %dma_wait3A_49] : memref<4000x80xi32, #tpu.memory_space<hbm>> -> memref<125x80xi32, #tpu.memory_space<hbm>>
      tpu.wait_dma2 semaphore(%run_scoped3A : memref<!tpu.dma_semaphore, #tpu.memory_space<semaphore_mem>>) src(%dma_wait3A_50 : memref<125x80xi32, #tpu.memory_space<hbm>>) dst(%arg8 : memref<125x80xi32, #tpu.memory_space<vmem>>)
      tpu.yield
    }) : () -> ()
    %while3A_33 = arith.constant 0 : i32
    %while3A_34 = arith.constant 0 : i32
    %while3A_35 = arith.constant 43 : i32
    %while3A_36 = arith.subi %while3A_35, %while3A_34 : i32
    %while3A_37 = arith.addi %while3A_34, %while3A_36 : i32
    %while3A_38 = arith.constant 1 : i32
    %while3A_39 = arith.divsi %while3A_36, %while3A_38 : i32
    %while3A_40 = arith.muli %while3A_39, %while3A_38 : i32
    %while3A_41 = arith.addi %while3A_34, %while3A_40 : i32
    %while3A_42 = arith.constant 1 : i32
    scf.for %while3A_45 = %while3A_34 to %while3A_41 step %while3A_42  : i32 {
      %mul3A_46 = arith.constant 3 : i32
      %mul3A_47 = arith.muli %while3A_45, %mul3A_46 : i32
      %add3A_48 = arith.constant 0 : i32
      %add3A_49 = arith.addi %mul3A_47, %add3A_48 : i32
      %gt3A = arith.constant 0 : i32
      %gt3A_50 = arith.cmpi sgt, %while3A_45, %gt3A : i32
      %lt3A = arith.constant 128 : i32
      %lt3A_51 = arith.cmpi slt, %add3A_49, %lt3A : i32
      %and3A = arith.andi %gt3A_50, %lt3A_51 : i1
      %convert_element_type3A = arith.extui %and3A : i1 to i32
      %cond3A = arith.constant 0 : i32
      %cond3A_52 = arith.cmpi ne, %convert_element_type3A, %cond3A : i32
      scf.if %cond3A_52 {
        %dma_wait3A = arith.constant 0 : i32
        %dma_wait3A_120 = arith.constant 0 : i32
        %dma_wait3A_121 = tpu.memref_slice %arg8[%dma_wait3A, %dma_wait3A_120] : memref<125x80xi32, #tpu.memory_space<vmem>> -> memref<1x80xi32, #tpu.memory_space<vmem>>
        %dma_wait3A_122 = tpu.memref_squeeze %dma_wait3A_121 : memref<1x80xi32, #tpu.memory_space<vmem>> -> memref<80xi32, #tpu.memory_space<vmem>>
        %dma_wait3A_123 = arith.constant 0 : i32
        %dma_wait3A_124 = arith.constant 0 : i32
        %dma_wait3A_125 = tpu.memref_slice %arg6[%dma_wait3A_123, %dma_wait3A_124] : memref<10000x128xf32, #tpu.memory_space<vmem_shared>> -> memref<10000x128xf32, #tpu.memory_space<vmem_shared>>
        tpu.wait_indirect_dma semaphore(%arg15 : memref<!tpu.dma_semaphore, #tpu.memory_space<semaphore_mem>>) src(%arg9 : memref<80x128xf32, #tpu.memory_space<vmem>>) dst(%dma_wait3A_125 : memref<10000x128xf32, #tpu.memory_space<vmem_shared>>)
      } else {
      }
      %lt3A_53 = arith.constant 125 : i32
      %lt3A_54 = arith.cmpi slt, %add3A_49, %lt3A_53 : i32
      %convert_element_type3A_55 = arith.extui %lt3A_54 : i1 to i32
      %cond3A_56 = arith.constant 0 : i32
      %cond3A_57 = arith.cmpi ne, %convert_element_type3A_55, %cond3A_56 : i32
      scf.if %cond3A_57 {
        %dma_start3A = arith.constant 0 : i32
        %dma_start3A_120 = tpu.memref_slice %arg7[%add3A_49, %dma_start3A] : memref<125x80xi32, #tpu.memory_space<vmem>> -> memref<1x80xi32, #tpu.memory_space<vmem>>
        %dma_start3A_121 = tpu.memref_squeeze %dma_start3A_120 : memref<1x80xi32, #tpu.memory_space<vmem>> -> memref<80xi32, #tpu.memory_space<vmem>>
        %dma_start3A_122 = arith.constant 0 : i32
        %dma_start3A_123 = arith.constant 0 : i32
        %dma_start3A_124 = tpu.memref_slice %arg4[%dma_start3A_122, %dma_start3A_123] : memref<10000x128xf32, #tpu.memory_space<hbm>> -> memref<10000x128xf32, #tpu.memory_space<hbm>>
        tpu.enqueue_indirect_dma source(%dma_start3A_124 : memref<10000x128xf32, #tpu.memory_space<hbm>>) target(%arg9 : memref<80x128xf32, #tpu.memory_space<vmem>>) offsets(%dma_start3A_121 : memref<80xi32, #tpu.memory_space<vmem>>) semaphore(%arg12 : memref<!tpu.dma_semaphore, #tpu.memory_space<semaphore_mem>>)
      } else {
      }
      %sub3A = arith.constant 1 : i32
      %sub3A_58 = arith.subi %add3A_49, %sub3A : i32
      %ge3A = arith.constant 0 : i32
      %ge3A_59 = arith.cmpi sge, %sub3A_58, %ge3A : i32
      %lt3A_60 = arith.constant 125 : i32
      %lt3A_61 = arith.cmpi slt, %sub3A_58, %lt3A_60 : i32
      %and3A_62 = arith.andi %ge3A_59, %lt3A_61 : i1
      %convert_element_type3A_63 = arith.extui %and3A_62 : i1 to i32
      %cond3A_64 = arith.constant 0 : i32
      %cond3A_65 = arith.cmpi ne, %convert_element_type3A_63, %cond3A_64 : i32
      scf.if %cond3A_65 {
        %dma_wait3A = arith.constant 0 : i32
        %dma_wait3A_120 = arith.constant 0 : i32
        %dma_wait3A_121 = tpu.memref_slice %arg7[%dma_wait3A, %dma_wait3A_120] : memref<125x80xi32, #tpu.memory_space<vmem>> -> memref<1x80xi32, #tpu.memory_space<vmem>>
        %dma_wait3A_122 = tpu.memref_squeeze %dma_wait3A_121 : memref<1x80xi32, #tpu.memory_space<vmem>> -> memref<80xi32, #tpu.memory_space<vmem>>
        %dma_wait3A_123 = arith.constant 0 : i32
        %dma_wait3A_124 = arith.constant 0 : i32
        %dma_wait3A_125 = tpu.memref_slice %arg4[%dma_wait3A_123, %dma_wait3A_124] : memref<10000x128xf32, #tpu.memory_space<hbm>> -> memref<10000x128xf32, #tpu.memory_space<hbm>>
        tpu.wait_indirect_dma semaphore(%arg14 : memref<!tpu.dma_semaphore, #tpu.memory_space<semaphore_mem>>) src(%dma_wait3A_125 : memref<10000x128xf32, #tpu.memory_space<hbm>>) dst(%arg11 : memref<80x128xf32, #tpu.memory_space<vmem>>)
        %dma_start3A = arith.constant 0 : i32
        %dma_start3A_126 = tpu.memref_slice %arg8[%sub3A_58, %dma_start3A] : memref<125x80xi32, #tpu.memory_space<vmem>> -> memref<1x80xi32, #tpu.memory_space<vmem>>
        %dma_start3A_127 = tpu.memref_squeeze %dma_start3A_126 : memref<1x80xi32, #tpu.memory_space<vmem>> -> memref<80xi32, #tpu.memory_space<vmem>>
        %dma_start3A_128 = arith.constant 0 : i32
        %dma_start3A_129 = arith.constant 0 : i32
        %dma_start3A_130 = tpu.memref_slice %arg6[%dma_start3A_128, %dma_start3A_129] : memref<10000x128xf32, #tpu.memory_space<vmem_shared>> -> memref<10000x128xf32, #tpu.memory_space<vmem_shared>>
        tpu.enqueue_indirect_dma source(%arg11 : memref<80x128xf32, #tpu.memory_space<vmem>>) target(%dma_start3A_130 : memref<10000x128xf32, #tpu.memory_space<vmem_shared>>) offsets(%dma_start3A_127 : memref<80xi32, #tpu.memory_space<vmem>>) semaphore(%arg17 : memref<!tpu.dma_semaphore, #tpu.memory_space<semaphore_mem>>) {add = true}
      } else {
      }
      %mul3A_66 = arith.constant 3 : i32
      %mul3A_67 = arith.muli %while3A_45, %mul3A_66 : i32
      %add3A_68 = arith.constant 1 : i32
      %add3A_69 = arith.addi %mul3A_67, %add3A_68 : i32
      %gt3A_70 = arith.constant 0 : i32
      %gt3A_71 = arith.cmpi sgt, %while3A_45, %gt3A_70 : i32
      %lt3A_72 = arith.constant 128 : i32
      %lt3A_73 = arith.cmpi slt, %add3A_69, %lt3A_72 : i32
      %and3A_74 = arith.andi %gt3A_71, %lt3A_73 : i1
      %convert_element_type3A_75 = arith.extui %and3A_74 : i1 to i32
      %cond3A_76 = arith.constant 0 : i32
      %cond3A_77 = arith.cmpi ne, %convert_element_type3A_75, %cond3A_76 : i32
      scf.if %cond3A_77 {
        %dma_wait3A = arith.constant 0 : i32
        %dma_wait3A_120 = arith.constant 0 : i32
        %dma_wait3A_121 = tpu.memref_slice %arg8[%dma_wait3A, %dma_wait3A_120] : memref<125x80xi32, #tpu.memory_space<vmem>> -> memref<1x80xi32, #tpu.memory_space<vmem>>
        %dma_wait3A_122 = tpu.memref_squeeze %dma_wait3A_121 : memref<1x80xi32, #tpu.memory_space<vmem>> -> memref<80xi32, #tpu.memory_space<vmem>>
        %dma_wait3A_123 = arith.constant 0 : i32
        %dma_wait3A_124 = arith.constant 0 : i32
        %dma_wait3A_125 = tpu.memref_slice %arg6[%dma_wait3A_123, %dma_wait3A_124] : memref<10000x128xf32, #tpu.memory_space<vmem_shared>> -> memref<10000x128xf32, #tpu.memory_space<vmem_shared>>
        tpu.wait_indirect_dma semaphore(%arg16 : memref<!tpu.dma_semaphore, #tpu.memory_space<semaphore_mem>>) src(%arg10 : memref<80x128xf32, #tpu.memory_space<vmem>>) dst(%dma_wait3A_125 : memref<10000x128xf32, #tpu.memory_space<vmem_shared>>)
      } else {
      }
      %lt3A_78 = arith.constant 125 : i32
      %lt3A_79 = arith.cmpi slt, %add3A_69, %lt3A_78 : i32
      %convert_element_type3A_80 = arith.extui %lt3A_79 : i1 to i32
      %cond3A_81 = arith.constant 0 : i32
      %cond3A_82 = arith.cmpi ne, %convert_element_type3A_80, %cond3A_81 : i32
      scf.if %cond3A_82 {
        %dma_start3A = arith.constant 0 : i32
        %dma_start3A_120 = tpu.memref_slice %arg7[%add3A_69, %dma_start3A] : memref<125x80xi32, #tpu.memory_space<vmem>> -> memref<1x80xi32, #tpu.memory_space<vmem>>
        %dma_start3A_121 = tpu.memref_squeeze %dma_start3A_120 : memref<1x80xi32, #tpu.memory_space<vmem>> -> memref<80xi32, #tpu.memory_space<vmem>>
        %dma_start3A_122 = arith.constant 0 : i32
        %dma_start3A_123 = arith.constant 0 : i32
        %dma_start3A_124 = tpu.memref_slice %arg4[%dma_start3A_122, %dma_start3A_123] : memref<10000x128xf32, #tpu.memory_space<hbm>> -> memref<10000x128xf32, #tpu.memory_space<hbm>>
        tpu.enqueue_indirect_dma source(%dma_start3A_124 : memref<10000x128xf32, #tpu.memory_space<hbm>>) target(%arg10 : memref<80x128xf32, #tpu.memory_space<vmem>>) offsets(%dma_start3A_121 : memref<80xi32, #tpu.memory_space<vmem>>) semaphore(%arg13 : memref<!tpu.dma_semaphore, #tpu.memory_space<semaphore_mem>>)
      } else {
      }
      %sub3A_83 = arith.constant 1 : i32
      %sub3A_84 = arith.subi %add3A_69, %sub3A_83 : i32
      %ge3A_85 = arith.constant 0 : i32
      %ge3A_86 = arith.cmpi sge, %sub3A_84, %ge3A_85 : i32
      %lt3A_87 = arith.constant 125 : i32
      %lt3A_88 = arith.cmpi slt, %sub3A_84, %lt3A_87 : i32
      %and3A_89 = arith.andi %ge3A_86, %lt3A_88 : i1
      %convert_element_type3A_90 = arith.extui %and3A_89 : i1 to i32
      %cond3A_91 = arith.constant 0 : i32
      %cond3A_92 = arith.cmpi ne, %convert_element_type3A_90, %cond3A_91 : i32
      scf.if %cond3A_92 {
        %dma_wait3A = arith.constant 0 : i32
        %dma_wait3A_120 = arith.constant 0 : i32
        %dma_wait3A_121 = tpu.memref_slice %arg7[%dma_wait3A, %dma_wait3A_120] : memref<125x80xi32, #tpu.memory_space<vmem>> -> memref<1x80xi32, #tpu.memory_space<vmem>>
        %dma_wait3A_122 = tpu.memref_squeeze %dma_wait3A_121 : memref<1x80xi32, #tpu.memory_space<vmem>> -> memref<80xi32, #tpu.memory_space<vmem>>
        %dma_wait3A_123 = arith.constant 0 : i32
        %dma_wait3A_124 = arith.constant 0 : i32
        %dma_wait3A_125 = tpu.memref_slice %arg4[%dma_wait3A_123, %dma_wait3A_124] : memref<10000x128xf32, #tpu.memory_space<hbm>> -> memref<10000x128xf32, #tpu.memory_space<hbm>>
        tpu.wait_indirect_dma semaphore(%arg12 : memref<!tpu.dma_semaphore, #tpu.memory_space<semaphore_mem>>) src(%dma_wait3A_125 : memref<10000x128xf32, #tpu.memory_space<hbm>>) dst(%arg9 : memref<80x128xf32, #tpu.memory_space<vmem>>)
        %dma_start3A = arith.constant 0 : i32
        %dma_start3A_126 = tpu.memref_slice %arg8[%sub3A_84, %dma_start3A] : memref<125x80xi32, #tpu.memory_space<vmem>> -> memref<1x80xi32, #tpu.memory_space<vmem>>
        %dma_start3A_127 = tpu.memref_squeeze %dma_start3A_126 : memref<1x80xi32, #tpu.memory_space<vmem>> -> memref<80xi32, #tpu.memory_space<vmem>>
        %dma_start3A_128 = arith.constant 0 : i32
        %dma_start3A_129 = arith.constant 0 : i32
        %dma_start3A_130 = tpu.memref_slice %arg6[%dma_start3A_128, %dma_start3A_129] : memref<10000x128xf32, #tpu.memory_space<vmem_shared>> -> memref<10000x128xf32, #tpu.memory_space<vmem_shared>>
        tpu.enqueue_indirect_dma source(%arg9 : memref<80x128xf32, #tpu.memory_space<vmem>>) target(%dma_start3A_130 : memref<10000x128xf32, #tpu.memory_space<vmem_shared>>) offsets(%dma_start3A_127 : memref<80xi32, #tpu.memory_space<vmem>>) semaphore(%arg15 : memref<!tpu.dma_semaphore, #tpu.memory_space<semaphore_mem>>) {add = true}
      } else {
      }
      %mul3A_93 = arith.constant 3 : i32
      %mul3A_94 = arith.muli %while3A_45, %mul3A_93 : i32
      %add3A_95 = arith.constant 2 : i32
      %add3A_96 = arith.addi %mul3A_94, %add3A_95 : i32
      %gt3A_97 = arith.constant 0 : i32
      %gt3A_98 = arith.cmpi sgt, %while3A_45, %gt3A_97 : i32
      %lt3A_99 = arith.constant 128 : i32
      %lt3A_100 = arith.cmpi slt, %add3A_96, %lt3A_99 : i32
      %and3A_101 = arith.andi %gt3A_98, %lt3A_100 : i1
      %convert_element_type3A_102 = arith.extui %and3A_101 : i1 to i32
      %cond3A_103 = arith.constant 0 : i32
      %cond3A_104 = arith.cmpi ne, %convert_element_type3A_102, %cond3A_103 : i32
      scf.if %cond3A_104 {
        %dma_wait3A = arith.constant 0 : i32
        %dma_wait3A_120 = arith.constant 0 : i32
        %dma_wait3A_121 = tpu.memref_slice %arg8[%dma_wait3A, %dma_wait3A_120] : memref<125x80xi32, #tpu.memory_space<vmem>> -> memref<1x80xi32, #tpu.memory_space<vmem>>
        %dma_wait3A_122 = tpu.memref_squeeze %dma_wait3A_121 : memref<1x80xi32, #tpu.memory_space<vmem>> -> memref<80xi32, #tpu.memory_space<vmem>>
        %dma_wait3A_123 = arith.constant 0 : i32
        %dma_wait3A_124 = arith.constant 0 : i32
        %dma_wait3A_125 = tpu.memref_slice %arg6[%dma_wait3A_123, %dma_wait3A_124] : memref<10000x128xf32, #tpu.memory_space<vmem_shared>> -> memref<10000x128xf32, #tpu.memory_space<vmem_shared>>
        tpu.wait_indirect_dma semaphore(%arg17 : memref<!tpu.dma_semaphore, #tpu.memory_space<semaphore_mem>>) src(%arg11 : memref<80x128xf32, #tpu.memory_space<vmem>>) dst(%dma_wait3A_125 : memref<10000x128xf32, #tpu.memory_space<vmem_shared>>)
      } else {
      }
      %lt3A_105 = arith.constant 125 : i32
      %lt3A_106 = arith.cmpi slt, %add3A_96, %lt3A_105 : i32
      %convert_element_type3A_107 = arith.extui %lt3A_106 : i1 to i32
      %cond3A_108 = arith.constant 0 : i32
      %cond3A_109 = arith.cmpi ne, %convert_element_type3A_107, %cond3A_108 : i32
      scf.if %cond3A_109 {
        %dma_start3A = arith.constant 0 : i32
        %dma_start3A_120 = tpu.memref_slice %arg7[%add3A_96, %dma_start3A] : memref<125x80xi32, #tpu.memory_space<vmem>> -> memref<1x80xi32, #tpu.memory_space<vmem>>
        %dma_start3A_121 = tpu.memref_squeeze %dma_start3A_120 : memref<1x80xi32, #tpu.memory_space<vmem>> -> memref<80xi32, #tpu.memory_space<vmem>>
        %dma_start3A_122 = arith.constant 0 : i32
        %dma_start3A_123 = arith.constant 0 : i32
        %dma_start3A_124 = tpu.memref_slice %arg4[%dma_start3A_122, %dma_start3A_123] : memref<10000x128xf32, #tpu.memory_space<hbm>> -> memref<10000x128xf32, #tpu.memory_space<hbm>>
        tpu.enqueue_indirect_dma source(%dma_start3A_124 : memref<10000x128xf32, #tpu.memory_space<hbm>>) target(%arg11 : memref<80x128xf32, #tpu.memory_space<vmem>>) offsets(%dma_start3A_121 : memref<80xi32, #tpu.memory_space<vmem>>) semaphore(%arg14 : memref<!tpu.dma_semaphore, #tpu.memory_space<semaphore_mem>>)
      } else {
      }
      %sub3A_110 = arith.constant 1 : i32
      %sub3A_111 = arith.subi %add3A_96, %sub3A_110 : i32
      %ge3A_112 = arith.constant 0 : i32
      %ge3A_113 = arith.cmpi sge, %sub3A_111, %ge3A_112 : i32
      %lt3A_114 = arith.constant 125 : i32
      %lt3A_115 = arith.cmpi slt, %sub3A_111, %lt3A_114 : i32
      %and3A_116 = arith.andi %ge3A_113, %lt3A_115 : i1
      %convert_element_type3A_117 = arith.extui %and3A_116 : i1 to i32
      %cond3A_118 = arith.constant 0 : i32
      %cond3A_119 = arith.cmpi ne, %convert_element_type3A_117, %cond3A_118 : i32
      scf.if %cond3A_119 {
        %dma_wait3A = arith.constant 0 : i32
        %dma_wait3A_120 = arith.constant 0 : i32
        %dma_wait3A_121 = tpu.memref_slice %arg7[%dma_wait3A, %dma_wait3A_120] : memref<125x80xi32, #tpu.memory_space<vmem>> -> memref<1x80xi32, #tpu.memory_space<vmem>>
        %dma_wait3A_122 = tpu.memref_squeeze %dma_wait3A_121 : memref<1x80xi32, #tpu.memory_space<vmem>> -> memref<80xi32, #tpu.memory_space<vmem>>
        %dma_wait3A_123 = arith.constant 0 : i32
        %dma_wait3A_124 = arith.constant 0 : i32
        %dma_wait3A_125 = tpu.memref_slice %arg4[%dma_wait3A_123, %dma_wait3A_124] : memref<10000x128xf32, #tpu.memory_space<hbm>> -> memref<10000x128xf32, #tpu.memory_space<hbm>>
        tpu.wait_indirect_dma semaphore(%arg13 : memref<!tpu.dma_semaphore, #tpu.memory_space<semaphore_mem>>) src(%dma_wait3A_125 : memref<10000x128xf32, #tpu.memory_space<hbm>>) dst(%arg10 : memref<80x128xf32, #tpu.memory_space<vmem>>)
        %dma_start3A = arith.constant 0 : i32
        %dma_start3A_126 = tpu.memref_slice %arg8[%sub3A_111, %dma_start3A] : memref<125x80xi32, #tpu.memory_space<vmem>> -> memref<1x80xi32, #tpu.memory_space<vmem>>
        %dma_start3A_127 = tpu.memref_squeeze %dma_start3A_126 : memref<1x80xi32, #tpu.memory_space<vmem>> -> memref<80xi32, #tpu.memory_space<vmem>>
        %dma_start3A_128 = arith.constant 0 : i32
        %dma_start3A_129 = arith.constant 0 : i32
        %dma_start3A_130 = tpu.memref_slice %arg6[%dma_start3A_128, %dma_start3A_129] : memref<10000x128xf32, #tpu.memory_space<vmem_shared>> -> memref<10000x128xf32, #tpu.memory_space<vmem_shared>>
        tpu.enqueue_indirect_dma source(%arg10 : memref<80x128xf32, #tpu.memory_space<vmem>>) target(%dma_start3A_130 : memref<10000x128xf32, #tpu.memory_space<vmem_shared>>) offsets(%dma_start3A_127 : memref<80xi32, #tpu.memory_space<vmem>>) semaphore(%arg16 : memref<!tpu.dma_semaphore, #tpu.memory_space<semaphore_mem>>) {add = true}
      } else {
      }
    }
    %while3A_43 = arith.constant 1 : i32
    scf.for %while3A_45 = %while3A_41 to %while3A_37 step %while3A_43  : i32 {
      %mul3A_46 = arith.constant 3 : i32
      %mul3A_47 = arith.muli %while3A_45, %mul3A_46 : i32
      %add3A_48 = arith.constant 0 : i32
      %add3A_49 = arith.addi %mul3A_47, %add3A_48 : i32
      %gt3A = arith.constant 0 : i32
      %gt3A_50 = arith.cmpi sgt, %while3A_45, %gt3A : i32
      %lt3A = arith.constant 128 : i32
      %lt3A_51 = arith.cmpi slt, %add3A_49, %lt3A : i32
      %and3A = arith.andi %gt3A_50, %lt3A_51 : i1
      %convert_element_type3A = arith.extui %and3A : i1 to i32
      %cond3A = arith.constant 0 : i32
      %cond3A_52 = arith.cmpi ne, %convert_element_type3A, %cond3A : i32
      scf.if %cond3A_52 {
        %dma_wait3A = arith.constant 0 : i32
        %dma_wait3A_120 = arith.constant 0 : i32
        %dma_wait3A_121 = tpu.memref_slice %arg8[%dma_wait3A, %dma_wait3A_120] : memref<125x80xi32, #tpu.memory_space<vmem>> -> memref<1x80xi32, #tpu.memory_space<vmem>>
        %dma_wait3A_122 = tpu.memref_squeeze %dma_wait3A_121 : memref<1x80xi32, #tpu.memory_space<vmem>> -> memref<80xi32, #tpu.memory_space<vmem>>
        %dma_wait3A_123 = arith.constant 0 : i32
        %dma_wait3A_124 = arith.constant 0 : i32
        %dma_wait3A_125 = tpu.memref_slice %arg6[%dma_wait3A_123, %dma_wait3A_124] : memref<10000x128xf32, #tpu.memory_space<vmem_shared>> -> memref<10000x128xf32, #tpu.memory_space<vmem_shared>>
        tpu.wait_indirect_dma semaphore(%arg15 : memref<!tpu.dma_semaphore, #tpu.memory_space<semaphore_mem>>) src(%arg9 : memref<80x128xf32, #tpu.memory_space<vmem>>) dst(%dma_wait3A_125 : memref<10000x128xf32, #tpu.memory_space<vmem_shared>>)
      } else {
      }
      %lt3A_53 = arith.constant 125 : i32
      %lt3A_54 = arith.cmpi slt, %add3A_49, %lt3A_53 : i32
      %convert_element_type3A_55 = arith.extui %lt3A_54 : i1 to i32
      %cond3A_56 = arith.constant 0 : i32
      %cond3A_57 = arith.cmpi ne, %convert_element_type3A_55, %cond3A_56 : i32
      scf.if %cond3A_57 {
        %dma_start3A = arith.constant 0 : i32
        %dma_start3A_120 = tpu.memref_slice %arg7[%add3A_49, %dma_start3A] : memref<125x80xi32, #tpu.memory_space<vmem>> -> memref<1x80xi32, #tpu.memory_space<vmem>>
        %dma_start3A_121 = tpu.memref_squeeze %dma_start3A_120 : memref<1x80xi32, #tpu.memory_space<vmem>> -> memref<80xi32, #tpu.memory_space<vmem>>
        %dma_start3A_122 = arith.constant 0 : i32
        %dma_start3A_123 = arith.constant 0 : i32
        %dma_start3A_124 = tpu.memref_slice %arg4[%dma_start3A_122, %dma_start3A_123] : memref<10000x128xf32, #tpu.memory_space<hbm>> -> memref<10000x128xf32, #tpu.memory_space<hbm>>
        tpu.enqueue_indirect_dma source(%dma_start3A_124 : memref<10000x128xf32, #tpu.memory_space<hbm>>) target(%arg9 : memref<80x128xf32, #tpu.memory_space<vmem>>) offsets(%dma_start3A_121 : memref<80xi32, #tpu.memory_space<vmem>>) semaphore(%arg12 : memref<!tpu.dma_semaphore, #tpu.memory_space<semaphore_mem>>)
      } else {
      }
      %sub3A = arith.constant 1 : i32
      %sub3A_58 = arith.subi %add3A_49, %sub3A : i32
      %ge3A = arith.constant 0 : i32
      %ge3A_59 = arith.cmpi sge, %sub3A_58, %ge3A : i32
      %lt3A_60 = arith.constant 125 : i32
      %lt3A_61 = arith.cmpi slt, %sub3A_58, %lt3A_60 : i32
      %and3A_62 = arith.andi %ge3A_59, %lt3A_61 : i1
      %convert_element_type3A_63 = arith.extui %and3A_62 : i1 to i32
      %cond3A_64 = arith.constant 0 : i32
      %cond3A_65 = arith.cmpi ne, %convert_element_type3A_63, %cond3A_64 : i32
      scf.if %cond3A_65 {
        %dma_wait3A = arith.constant 0 : i32
        %dma_wait3A_120 = arith.constant 0 : i32
        %dma_wait3A_121 = tpu.memref_slice %arg7[%dma_wait3A, %dma_wait3A_120] : memref<125x80xi32, #tpu.memory_space<vmem>> -> memref<1x80xi32, #tpu.memory_space<vmem>>
        %dma_wait3A_122 = tpu.memref_squeeze %dma_wait3A_121 : memref<1x80xi32, #tpu.memory_space<vmem>> -> memref<80xi32, #tpu.memory_space<vmem>>
        %dma_wait3A_123 = arith.constant 0 : i32
        %dma_wait3A_124 = arith.constant 0 : i32
        %dma_wait3A_125 = tpu.memref_slice %arg4[%dma_wait3A_123, %dma_wait3A_124] : memref<10000x128xf32, #tpu.memory_space<hbm>> -> memref<10000x128xf32, #tpu.memory_space<hbm>>
        tpu.wait_indirect_dma semaphore(%arg14 : memref<!tpu.dma_semaphore, #tpu.memory_space<semaphore_mem>>) src(%dma_wait3A_125 : memref<10000x128xf32, #tpu.memory_space<hbm>>) dst(%arg11 : memref<80x128xf32, #tpu.memory_space<vmem>>)
        %dma_start3A = arith.constant 0 : i32
        %dma_start3A_126 = tpu.memref_slice %arg8[%sub3A_58, %dma_start3A] : memref<125x80xi32, #tpu.memory_space<vmem>> -> memref<1x80xi32, #tpu.memory_space<vmem>>
        %dma_start3A_127 = tpu.memref_squeeze %dma_start3A_126 : memref<1x80xi32, #tpu.memory_space<vmem>> -> memref<80xi32, #tpu.memory_space<vmem>>
        %dma_start3A_128 = arith.constant 0 : i32
        %dma_start3A_129 = arith.constant 0 : i32
        %dma_start3A_130 = tpu.memref_slice %arg6[%dma_start3A_128, %dma_start3A_129] : memref<10000x128xf32, #tpu.memory_space<vmem_shared>> -> memref<10000x128xf32, #tpu.memory_space<vmem_shared>>
        tpu.enqueue_indirect_dma source(%arg11 : memref<80x128xf32, #tpu.memory_space<vmem>>) target(%dma_start3A_130 : memref<10000x128xf32, #tpu.memory_space<vmem_shared>>) offsets(%dma_start3A_127 : memref<80xi32, #tpu.memory_space<vmem>>) semaphore(%arg17 : memref<!tpu.dma_semaphore, #tpu.memory_space<semaphore_mem>>) {add = true}
      } else {
      }
      %mul3A_66 = arith.constant 3 : i32
      %mul3A_67 = arith.muli %while3A_45, %mul3A_66 : i32
      %add3A_68 = arith.constant 1 : i32
      %add3A_69 = arith.addi %mul3A_67, %add3A_68 : i32
      %gt3A_70 = arith.constant 0 : i32
      %gt3A_71 = arith.cmpi sgt, %while3A_45, %gt3A_70 : i32
      %lt3A_72 = arith.constant 128 : i32
      %lt3A_73 = arith.cmpi slt, %add3A_69, %lt3A_72 : i32
      %and3A_74 = arith.andi %gt3A_71, %lt3A_73 : i1
      %convert_element_type3A_75 = arith.extui %and3A_74 : i1 to i32
      %cond3A_76 = arith.constant 0 : i32
      %cond3A_77 = arith.cmpi ne, %convert_element_type3A_75, %cond3A_76 : i32
      scf.if %cond3A_77 {
        %dma_wait3A = arith.constant 0 : i32
        %dma_wait3A_120 = arith.constant 0 : i32
        %dma_wait3A_121 = tpu.memref_slice %arg8[%dma_wait3A, %dma_wait3A_120] : memref<125x80xi32, #tpu.memory_space<vmem>> -> memref<1x80xi32, #tpu.memory_space<vmem>>
        %dma_wait3A_122 = tpu.memref_squeeze %dma_wait3A_121 : memref<1x80xi32, #tpu.memory_space<vmem>> -> memref<80xi32, #tpu.memory_space<vmem>>
        %dma_wait3A_123 = arith.constant 0 : i32
        %dma_wait3A_124 = arith.constant 0 : i32
        %dma_wait3A_125 = tpu.memref_slice %arg6[%dma_wait3A_123, %dma_wait3A_124] : memref<10000x128xf32, #tpu.memory_space<vmem_shared>> -> memref<10000x128xf32, #tpu.memory_space<vmem_shared>>
        tpu.wait_indirect_dma semaphore(%arg16 : memref<!tpu.dma_semaphore, #tpu.memory_space<semaphore_mem>>) src(%arg10 : memref<80x128xf32, #tpu.memory_space<vmem>>) dst(%dma_wait3A_125 : memref<10000x128xf32, #tpu.memory_space<vmem_shared>>)
      } else {
      }
      %lt3A_78 = arith.constant 125 : i32
      %lt3A_79 = arith.cmpi slt, %add3A_69, %lt3A_78 : i32
      %convert_element_type3A_80 = arith.extui %lt3A_79 : i1 to i32
      %cond3A_81 = arith.constant 0 : i32
      %cond3A_82 = arith.cmpi ne, %convert_element_type3A_80, %cond3A_81 : i32
      scf.if %cond3A_82 {
        %dma_start3A = arith.constant 0 : i32
        %dma_start3A_120 = tpu.memref_slice %arg7[%add3A_69, %dma_start3A] : memref<125x80xi32, #tpu.memory_space<vmem>> -> memref<1x80xi32, #tpu.memory_space<vmem>>
        %dma_start3A_121 = tpu.memref_squeeze %dma_start3A_120 : memref<1x80xi32, #tpu.memory_space<vmem>> -> memref<80xi32, #tpu.memory_space<vmem>>
        %dma_start3A_122 = arith.constant 0 : i32
        %dma_start3A_123 = arith.constant 0 : i32
        %dma_start3A_124 = tpu.memref_slice %arg4[%dma_start3A_122, %dma_start3A_123] : memref<10000x128xf32, #tpu.memory_space<hbm>> -> memref<10000x128xf32, #tpu.memory_space<hbm>>
        tpu.enqueue_indirect_dma source(%dma_start3A_124 : memref<10000x128xf32, #tpu.memory_space<hbm>>) target(%arg10 : memref<80x128xf32, #tpu.memory_space<vmem>>) offsets(%dma_start3A_121 : memref<80xi32, #tpu.memory_space<vmem>>) semaphore(%arg13 : memref<!tpu.dma_semaphore, #tpu.memory_space<semaphore_mem>>)
      } else {
      }
      %sub3A_83 = arith.constant 1 : i32
      %sub3A_84 = arith.subi %add3A_69, %sub3A_83 : i32
      %ge3A_85 = arith.constant 0 : i32
      %ge3A_86 = arith.cmpi sge, %sub3A_84, %ge3A_85 : i32
      %lt3A_87 = arith.constant 125 : i32
      %lt3A_88 = arith.cmpi slt, %sub3A_84, %lt3A_87 : i32
      %and3A_89 = arith.andi %ge3A_86, %lt3A_88 : i1
      %convert_element_type3A_90 = arith.extui %and3A_89 : i1 to i32
      %cond3A_91 = arith.constant 0 : i32
      %cond3A_92 = arith.cmpi ne, %convert_element_type3A_90, %cond3A_91 : i32
      scf.if %cond3A_92 {
        %dma_wait3A = arith.constant 0 : i32
        %dma_wait3A_120 = arith.constant 0 : i32
        %dma_wait3A_121 = tpu.memref_slice %arg7[%dma_wait3A, %dma_wait3A_120] : memref<125x80xi32, #tpu.memory_space<vmem>> -> memref<1x80xi32, #tpu.memory_space<vmem>>
        %dma_wait3A_122 = tpu.memref_squeeze %dma_wait3A_121 : memref<1x80xi32, #tpu.memory_space<vmem>> -> memref<80xi32, #tpu.memory_space<vmem>>
        %dma_wait3A_123 = arith.constant 0 : i32
        %dma_wait3A_124 = arith.constant 0 : i32
        %dma_wait3A_125 = tpu.memref_slice %arg4[%dma_wait3A_123, %dma_wait3A_124] : memref<10000x128xf32, #tpu.memory_space<hbm>> -> memref<10000x128xf32, #tpu.memory_space<hbm>>
        tpu.wait_indirect_dma semaphore(%arg12 : memref<!tpu.dma_semaphore, #tpu.memory_space<semaphore_mem>>) src(%dma_wait3A_125 : memref<10000x128xf32, #tpu.memory_space<hbm>>) dst(%arg9 : memref<80x128xf32, #tpu.memory_space<vmem>>)
        %dma_start3A = arith.constant 0 : i32
        %dma_start3A_126 = tpu.memref_slice %arg8[%sub3A_84, %dma_start3A] : memref<125x80xi32, #tpu.memory_space<vmem>> -> memref<1x80xi32, #tpu.memory_space<vmem>>
        %dma_start3A_127 = tpu.memref_squeeze %dma_start3A_126 : memref<1x80xi32, #tpu.memory_space<vmem>> -> memref<80xi32, #tpu.memory_space<vmem>>
        %dma_start3A_128 = arith.constant 0 : i32
        %dma_start3A_129 = arith.constant 0 : i32
        %dma_start3A_130 = tpu.memref_slice %arg6[%dma_start3A_128, %dma_start3A_129] : memref<10000x128xf32, #tpu.memory_space<vmem_shared>> -> memref<10000x128xf32, #tpu.memory_space<vmem_shared>>
        tpu.enqueue_indirect_dma source(%arg9 : memref<80x128xf32, #tpu.memory_space<vmem>>) target(%dma_start3A_130 : memref<10000x128xf32, #tpu.memory_space<vmem_shared>>) offsets(%dma_start3A_127 : memref<80xi32, #tpu.memory_space<vmem>>) semaphore(%arg15 : memref<!tpu.dma_semaphore, #tpu.memory_space<semaphore_mem>>) {add = true}
      } else {
      }
      %mul3A_93 = arith.constant 3 : i32
      %mul3A_94 = arith.muli %while3A_45, %mul3A_93 : i32
      %add3A_95 = arith.constant 2 : i32
      %add3A_96 = arith.addi %mul3A_94, %add3A_95 : i32
      %gt3A_97 = arith.constant 0 : i32
      %gt3A_98 = arith.cmpi sgt, %while3A_45, %gt3A_97 : i32
      %lt3A_99 = arith.constant 128 : i32
      %lt3A_100 = arith.cmpi slt, %add3A_96, %lt3A_99 : i32
      %and3A_101 = arith.andi %gt3A_98, %lt3A_100 : i1
      %convert_element_type3A_102 = arith.extui %and3A_101 : i1 to i32
      %cond3A_103 = arith.constant 0 : i32
      %cond3A_104 = arith.cmpi ne, %convert_element_type3A_102, %cond3A_103 : i32
      scf.if %cond3A_104 {
        %dma_wait3A = arith.constant 0 : i32
        %dma_wait3A_120 = arith.constant 0 : i32
        %dma_wait3A_121 = tpu.memref_slice %arg8[%dma_wait3A, %dma_wait3A_120] : memref<125x80xi32, #tpu.memory_space<vmem>> -> memref<1x80xi32, #tpu.memory_space<vmem>>
        %dma_wait3A_122 = tpu.memref_squeeze %dma_wait3A_121 : memref<1x80xi32, #tpu.memory_space<vmem>> -> memref<80xi32, #tpu.memory_space<vmem>>
        %dma_wait3A_123 = arith.constant 0 : i32
        %dma_wait3A_124 = arith.constant 0 : i32
        %dma_wait3A_125 = tpu.memref_slice %arg6[%dma_wait3A_123, %dma_wait3A_124] : memref<10000x128xf32, #tpu.memory_space<vmem_shared>> -> memref<10000x128xf32, #tpu.memory_space<vmem_shared>>
        tpu.wait_indirect_dma semaphore(%arg17 : memref<!tpu.dma_semaphore, #tpu.memory_space<semaphore_mem>>) src(%arg11 : memref<80x128xf32, #tpu.memory_space<vmem>>) dst(%dma_wait3A_125 : memref<10000x128xf32, #tpu.memory_space<vmem_shared>>)
      } else {
      }
      %lt3A_105 = arith.constant 125 : i32
      %lt3A_106 = arith.cmpi slt, %add3A_96, %lt3A_105 : i32
      %convert_element_type3A_107 = arith.extui %lt3A_106 : i1 to i32
      %cond3A_108 = arith.constant 0 : i32
      %cond3A_109 = arith.cmpi ne, %convert_element_type3A_107, %cond3A_108 : i32
      scf.if %cond3A_109 {
        %dma_start3A = arith.constant 0 : i32
        %dma_start3A_120 = tpu.memref_slice %arg7[%add3A_96, %dma_start3A] : memref<125x80xi32, #tpu.memory_space<vmem>> -> memref<1x80xi32, #tpu.memory_space<vmem>>
        %dma_start3A_121 = tpu.memref_squeeze %dma_start3A_120 : memref<1x80xi32, #tpu.memory_space<vmem>> -> memref<80xi32, #tpu.memory_space<vmem>>
        %dma_start3A_122 = arith.constant 0 : i32
        %dma_start3A_123 = arith.constant 0 : i32
        %dma_start3A_124 = tpu.memref_slice %arg4[%dma_start3A_122, %dma_start3A_123] : memref<10000x128xf32, #tpu.memory_space<hbm>> -> memref<10000x128xf32, #tpu.memory_space<hbm>>
        tpu.enqueue_indirect_dma source(%dma_start3A_124 : memref<10000x128xf32, #tpu.memory_space<hbm>>) target(%arg11 : memref<80x128xf32, #tpu.memory_space<vmem>>) offsets(%dma_start3A_121 : memref<80xi32, #tpu.memory_space<vmem>>) semaphore(%arg14 : memref<!tpu.dma_semaphore, #tpu.memory_space<semaphore_mem>>)
      } else {
      }
      %sub3A_110 = arith.constant 1 : i32
      %sub3A_111 = arith.subi %add3A_96, %sub3A_110 : i32
      %ge3A_112 = arith.constant 0 : i32
      %ge3A_113 = arith.cmpi sge, %sub3A_111, %ge3A_112 : i32
      %lt3A_114 = arith.constant 125 : i32
      %lt3A_115 = arith.cmpi slt, %sub3A_111, %lt3A_114 : i32
      %and3A_116 = arith.andi %ge3A_113, %lt3A_115 : i1
      %convert_element_type3A_117 = arith.extui %and3A_116 : i1 to i32
      %cond3A_118 = arith.constant 0 : i32
      %cond3A_119 = arith.cmpi ne, %convert_element_type3A_117, %cond3A_118 : i32
      scf.if %cond3A_119 {
        %dma_wait3A = arith.constant 0 : i32
        %dma_wait3A_120 = arith.constant 0 : i32
        %dma_wait3A_121 = tpu.memref_slice %arg7[%dma_wait3A, %dma_wait3A_120] : memref<125x80xi32, #tpu.memory_space<vmem>> -> memref<1x80xi32, #tpu.memory_space<vmem>>
        %dma_wait3A_122 = tpu.memref_squeeze %dma_wait3A_121 : memref<1x80xi32, #tpu.memory_space<vmem>> -> memref<80xi32, #tpu.memory_space<vmem>>
        %dma_wait3A_123 = arith.constant 0 : i32
        %dma_wait3A_124 = arith.constant 0 : i32
        %dma_wait3A_125 = tpu.memref_slice %arg4[%dma_wait3A_123, %dma_wait3A_124] : memref<10000x128xf32, #tpu.memory_space<hbm>> -> memref<10000x128xf32, #tpu.memory_space<hbm>>
        tpu.wait_indirect_dma semaphore(%arg13 : memref<!tpu.dma_semaphore, #tpu.memory_space<semaphore_mem>>) src(%dma_wait3A_125 : memref<10000x128xf32, #tpu.memory_space<hbm>>) dst(%arg10 : memref<80x128xf32, #tpu.memory_space<vmem>>)
        %dma_start3A = arith.constant 0 : i32
        %dma_start3A_126 = tpu.memref_slice %arg8[%sub3A_111, %dma_start3A] : memref<125x80xi32, #tpu.memory_space<vmem>> -> memref<1x80xi32, #tpu.memory_space<vmem>>
        %dma_start3A_127 = tpu.memref_squeeze %dma_start3A_126 : memref<1x80xi32, #tpu.memory_space<vmem>> -> memref<80xi32, #tpu.memory_space<vmem>>
        %dma_start3A_128 = arith.constant 0 : i32
        %dma_start3A_129 = arith.constant 0 : i32
        %dma_start3A_130 = tpu.memref_slice %arg6[%dma_start3A_128, %dma_start3A_129] : memref<10000x128xf32, #tpu.memory_space<vmem_shared>> -> memref<10000x128xf32, #tpu.memory_space<vmem_shared>>
        tpu.enqueue_indirect_dma source(%arg10 : memref<80x128xf32, #tpu.memory_space<vmem>>) target(%dma_start3A_130 : memref<10000x128xf32, #tpu.memory_space<vmem_shared>>) offsets(%dma_start3A_127 : memref<80xi32, #tpu.memory_space<vmem>>) semaphore(%arg16 : memref<!tpu.dma_semaphore, #tpu.memory_space<semaphore_mem>>) {add = true}
      } else {
      }
    }
    %barrier3A_44 = arith.constant 0 : index
    tpu.barrier barrier_id(%barrier3A_44)
    "tpu.region"() ({
      %run_scoped3A = tpu.sem_alloc : memref<!tpu.dma_semaphore, #tpu.memory_space<semaphore_mem>>
      %dma_start3A = arith.constant 0 : i32
      %dma_start3A_45 = tpu.memref_slice %arg5[%arg0, %mul3A_2, %dma_start3A] : memref<2x10000x128xf32, #tpu.memory_space<hbm>> -> memref<1x625x128xf32, #tpu.memory_space<hbm>>
      %dma_start3A_46 = tpu.memref_squeeze %dma_start3A_45 : memref<1x625x128xf32, #tpu.memory_space<hbm>> -> memref<625x128xf32, #tpu.memory_space<hbm>>
      %dma_start3A_47 = arith.constant 0 : i32
      %dma_start3A_48 = tpu.memref_slice %arg6[%mul3A_2, %dma_start3A_47] : memref<10000x128xf32, #tpu.memory_space<vmem_shared>> -> memref<625x128xf32, #tpu.memory_space<vmem_shared>>
      tpu.enqueue_dma source(%dma_start3A_48 : memref<625x128xf32, #tpu.memory_space<vmem_shared>>) target(%dma_start3A_46 : memref<625x128xf32, #tpu.memory_space<hbm>>) target_semaphore(%run_scoped3A : memref<!tpu.dma_semaphore, #tpu.memory_space<semaphore_mem>>)
      %dma_wait3A = arith.constant 0 : i32
      %dma_wait3A_49 = tpu.memref_slice %arg5[%arg0, %mul3A_2, %dma_wait3A] : memref<2x10000x128xf32, #tpu.memory_space<hbm>> -> memref<1x625x128xf32, #tpu.memory_space<hbm>>
      %dma_wait3A_50 = tpu.memref_squeeze %dma_wait3A_49 : memref<1x625x128xf32, #tpu.memory_space<hbm>> -> memref<625x128xf32, #tpu.memory_space<hbm>>
      %dma_wait3A_51 = arith.constant 0 : i32
      %dma_wait3A_52 = tpu.memref_slice %arg6[%mul3A_2, %dma_wait3A_51] : memref<10000x128xf32, #tpu.memory_space<vmem_shared>> -> memref<625x128xf32, #tpu.memory_space<vmem_shared>>
      tpu.wait_dma2 semaphore(%run_scoped3A : memref<!tpu.dma_semaphore, #tpu.memory_space<semaphore_mem>>) src(%dma_wait3A_52 : memref<625x128xf32, #tpu.memory_space<vmem_shared>>) dst(%dma_wait3A_50 : memref<625x128xf32, #tpu.memory_space<hbm>>)
      tpu.yield
    }) : () -> ()
    return
  }
}

module attributes {stable_mosaic.version = 14 : i64} {
  func.func @body(%arg0: i32, %arg1: memref<1x1000x128xf32, #tpu.memory_space<vmem>>, %arg2: memref<1x1000x128xf32, #tpu.memory_space<vmem>>, %arg3: memref<1000x1xf32, #tpu.memory_space<vmem>>, %arg4: memref<1000x128xf32, #tpu.memory_space<vmem>>, %arg5: memref<128x128xf32, #tpu.memory_space<vmem>>, %arg6: memref<128x128xf32, #tpu.memory_space<vmem>>, %arg7: memref<8x128xf32, #tpu.memory_space<vmem>>, %arg8: memref<128x64xf32, #tpu.memory_space<vmem>>, %arg9: memref<1000x128xf32, #tpu.memory_space<vmem>>, %arg10: memref<1000x64xf32, #tpu.memory_space<vmem>>) attributes {dimension_semantics = [#tpu.dimension_semantics<arbitrary>], iteration_bounds = array<i64: 10>, scalar_prefetch = 0 : i64, scratch_operands = 0 : i64, tpu.core_type = #tpu.core_type<tc>, window_params = [{transform_indices = @transform_0, window_bounds = array<i64: 1, 1000, 128>}, {transform_indices = @transform_1, window_bounds = array<i64: 1, 1000, 128>}, {transform_indices = @transform_2, window_bounds = array<i64: 1000, 1>}, {transform_indices = @transform_3, window_bounds = array<i64: 1000, 128>}, {pipeline_mode = #tpu.pipeline_mode<synchronous>, transform_indices = @transform_4, window_bounds = array<i64: 128, 128>}, {pipeline_mode = #tpu.pipeline_mode<synchronous>, transform_indices = @transform_5, window_bounds = array<i64: 128, 128>}, {pipeline_mode = #tpu.pipeline_mode<synchronous>, transform_indices = @transform_6, window_bounds = array<i64: 8, 128>}, {pipeline_mode = #tpu.pipeline_mode<synchronous>, transform_indices = @transform_7, window_bounds = array<i64: 128, 64>}, {transform_indices = @transform_8, window_bounds = array<i64: 1000, 128>}, {transform_indices = @transform_9, window_bounds = array<i64: 1000, 64>}]} {
    %get3A = arith.constant 0 : index
    %get3A_0 = arith.constant 0 : index
    %get3A_1 = arith.constant 0 : index
    %get3A_2 = vector.load %arg1[%get3A, %get3A_0, %get3A_1] : memref<1x1000x128xf32, #tpu.memory_space<vmem>>, vector<1x1000x128xf32>
    %get3A_3 = vector.shape_cast %get3A_2 : vector<1x1000x128xf32> to vector<1000x128xf32>
    %get3A_4 = arith.constant 0 : index
    %get3A_5 = arith.constant 0 : index
    %get3A_6 = arith.constant 0 : index
    %get3A_7 = vector.load %arg2[%get3A_4, %get3A_5, %get3A_6] : memref<1x1000x128xf32, #tpu.memory_space<vmem>>, vector<1x1000x128xf32>
    %get3A_8 = vector.shape_cast %get3A_7 : vector<1x1000x128xf32> to vector<1000x128xf32>
    %add3A = arith.addf %get3A_3, %get3A_8 : vector<1000x128xf32>
    %get3A_9 = arith.constant 0 : index
    %get3A_10 = arith.constant 0 : index
    %get3A_11 = vector.load %arg3[%get3A_9, %get3A_10] : memref<1000x1xf32, #tpu.memory_space<vmem>>, vector<1000x1xf32>
    %mul3A = vector.broadcast %get3A_11 : vector<1000x1xf32> to vector<1000x128xf32>
    %mul3A_12 = arith.mulf %add3A, %mul3A : vector<1000x128xf32>
    %get3A_13 = arith.constant 0 : index
    %get3A_14 = arith.constant 0 : index
    %get3A_15 = vector.load %arg5[%get3A_13, %get3A_14] : memref<128x128xf32, #tpu.memory_space<vmem>>, vector<128x128xf32>
    %dot_general3A = arith.constant dense<0.000000e+00> : vector<1000x128xf32>
    %dot_general3A_16 = tpu.matmul %mul3A_12, %get3A_15, %dot_general3A {dimension_numbers = #tpu.dot_dimension_numbers<[1], [0], [0], [1], [0, 0, 1, 1], [], []>, transpose_lhs_hint = false} : vector<1000x128xf32>, vector<128x128xf32>, vector<1000x128xf32> -> vector<1000x128xf32>
    %get3A_17 = arith.constant 0 : index
    %get3A_18 = arith.constant 0 : index
    %get3A_19 = vector.load %arg4[%get3A_17, %get3A_18] : memref<1000x128xf32, #tpu.memory_space<vmem>>, vector<1000x128xf32>
    %get3A_20 = arith.constant 0 : index
    %get3A_21 = arith.constant 0 : index
    %get3A_22 = vector.load %arg6[%get3A_20, %get3A_21] : memref<128x128xf32, #tpu.memory_space<vmem>>, vector<128x128xf32>
    %dot_general3A_23 = arith.constant dense<0.000000e+00> : vector<1000x128xf32>
    %dot_general3A_24 = tpu.matmul %get3A_19, %get3A_22, %dot_general3A_23 {dimension_numbers = #tpu.dot_dimension_numbers<[1], [0], [0], [1], [0, 0, 1, 1], [], []>, transpose_lhs_hint = false} : vector<1000x128xf32>, vector<128x128xf32>, vector<1000x128xf32> -> vector<1000x128xf32>
    %add3A_25 = arith.addf %dot_general3A_16, %dot_general3A_24 : vector<1000x128xf32>
    %get3A_26 = arith.constant 0 : index
    %get3A_27 = arith.constant 0 : index
    %get3A_28 = vector.load %arg7[%get3A_26, %get3A_27] : memref<8x128xf32, #tpu.memory_space<vmem>>, vector<1x128xf32>
    %add3A_29 = vector.broadcast %get3A_28 : vector<1x128xf32> to vector<1000x128xf32>
    %add3A_30 = arith.addf %add3A_25, %add3A_29 : vector<1000x128xf32>
    %max3A = arith.constant 0.000000e+00 : f32
    %max3A_31 = vector.broadcast %max3A : f32 to vector<1000x128xf32>
    %max3A_32 = arith.maximumf %add3A_30, %max3A_31 : vector<1000x128xf32>
    %swap3A = arith.constant 0 : index
    %swap3A_33 = arith.constant 0 : index
    %swap3A_34 = vector.load %arg9[%swap3A, %swap3A_33] : memref<1000x128xf32, #tpu.memory_space<vmem>>, vector<1000x128xf32>
    tpu.vector_store %arg9[%swap3A, %swap3A_33], %max3A_32 {strides = array<i32>} : memref<1000x128xf32, #tpu.memory_space<vmem>>, vector<1000x128xf32>,
    %get3A_35 = arith.constant 0 : index
    %get3A_36 = arith.constant 0 : index
    %get3A_37 = vector.load %arg8[%get3A_35, %get3A_36] : memref<128x64xf32, #tpu.memory_space<vmem>>, vector<128x64xf32>
    %dot_general3A_38 = arith.constant dense<0.000000e+00> : vector<1000x64xf32>
    %dot_general3A_39 = tpu.matmul %max3A_32, %get3A_37, %dot_general3A_38 {dimension_numbers = #tpu.dot_dimension_numbers<[1], [0], [0], [1], [0, 0, 1, 1], [], []>, transpose_lhs_hint = false} : vector<1000x128xf32>, vector<128x64xf32>, vector<1000x64xf32> -> vector<1000x64xf32>
    %swap3A_40 = arith.constant 0 : index
    %swap3A_41 = arith.constant 0 : index
    %swap3A_42 = vector.load %arg10[%swap3A_40, %swap3A_41] : memref<1000x64xf32, #tpu.memory_space<vmem>>, vector<1000x64xf32>
    tpu.vector_store %arg10[%swap3A_40, %swap3A_41], %dot_general3A_39 {strides = array<i32>} : memref<1000x64xf32, #tpu.memory_space<vmem>>, vector<1000x64xf32>,
    return
  }
  func.func @transform_0(%arg0: i32) -> (i32, i32, i32) {
    %c0_i32 = arith.constant 0 : i32
    %c0_i32_0 = arith.constant 0 : i32
    %c0_i32_1 = arith.constant 0 : i32
    return %c0_i32, %arg0, %c0_i32_0 : i32, i32, i32
  }
  func.func @transform_1(%arg0: i32) -> (i32, i32, i32) {
    %c1_i32 = arith.constant 1 : i32
    %c0_i32 = arith.constant 0 : i32
    %c0_i32_0 = arith.constant 0 : i32
    return %c1_i32, %arg0, %c0_i32 : i32, i32, i32
  }
  func.func @transform_2(%arg0: i32) -> (i32, i32) {
    %c0_i32 = arith.constant 0 : i32
    %c0_i32_0 = arith.constant 0 : i32
    return %arg0, %c0_i32 : i32, i32
  }
  func.func @transform_3(%arg0: i32) -> (i32, i32) {
    %c0_i32 = arith.constant 0 : i32
    %c0_i32_0 = arith.constant 0 : i32
    return %arg0, %c0_i32 : i32, i32
  }
  func.func @transform_4(%arg0: i32) -> (i32, i32) {
    %c0_i32 = arith.constant 0 : i32
    %c0_i32_0 = arith.constant 0 : i32
    %c0_i32_1 = arith.constant 0 : i32
    return %c0_i32, %c0_i32_0 : i32, i32
  }
  func.func @transform_5(%arg0: i32) -> (i32, i32) {
    %c0_i32 = arith.constant 0 : i32
    %c0_i32_0 = arith.constant 0 : i32
    %c0_i32_1 = arith.constant 0 : i32
    return %c0_i32, %c0_i32_0 : i32, i32
  }
  func.func @transform_6(%arg0: i32) -> (i32, i32) {
    %c0_i32 = arith.constant 0 : i32
    %c0_i32_0 = arith.constant 0 : i32
    %c0_i32_1 = arith.constant 0 : i32
    return %c0_i32, %c0_i32_0 : i32, i32
  }
  func.func @transform_7(%arg0: i32) -> (i32, i32) {
    %c0_i32 = arith.constant 0 : i32
    %c0_i32_0 = arith.constant 0 : i32
    %c0_i32_1 = arith.constant 0 : i32
    return %c0_i32, %c0_i32_0 : i32, i32
  }
  func.func @transform_8(%arg0: i32) -> (i32, i32) {
    %c0_i32 = arith.constant 0 : i32
    %c0_i32_0 = arith.constant 0 : i32
    return %arg0, %c0_i32 : i32, i32
  }
  func.func @transform_9(%arg0: i32) -> (i32, i32) {
    %c0_i32 = arith.constant 0 : i32
    %c0_i32_0 = arith.constant 0 : i32
    return %arg0, %c0_i32 : i32, i32
  }
}

module attributes {stable_mosaic.version = 14 : i64} {
  func.func @body(%arg0: i32, %arg1: memref<1x1000x128xf32, #tpu.memory_space<vmem>>, %arg2: memref<1x1000x128xf32, #tpu.memory_space<vmem>>, %arg3: memref<1x1000x16xf32, #tpu.memory_space<vmem>>, %arg4: memref<1x1000x16xf32, #tpu.memory_space<vmem>>, %arg5: memref<1000x128xf32, #tpu.memory_space<vmem>>, %arg6: memref<128x128xf32, #tpu.memory_space<vmem>>, %arg7: memref<128x128xf32, #tpu.memory_space<vmem>>, %arg8: memref<8x128xf32, #tpu.memory_space<vmem>>, %arg9: memref<1000x128xf32, #tpu.memory_space<vmem>>, %arg10: memref<1000x1xf32, #tpu.memory_space<vmem>>) attributes {dimension_semantics = [#tpu.dimension_semantics<arbitrary>], iteration_bounds = array<i64: 10>, scalar_prefetch = 0 : i64, scratch_operands = 0 : i64, tpu.core_type = #tpu.core_type<tc>, window_params = [{transform_indices = @transform_0, window_bounds = array<i64: 1, 1000, 128>}, {transform_indices = @transform_1, window_bounds = array<i64: 1, 1000, 128>}, {transform_indices = @transform_2, window_bounds = array<i64: 1, 1000, 16>}, {transform_indices = @transform_3, window_bounds = array<i64: 1, 1000, 16>}, {transform_indices = @transform_4, window_bounds = array<i64: 1000, 128>}, {pipeline_mode = #tpu.pipeline_mode<synchronous>, transform_indices = @transform_5, window_bounds = array<i64: 128, 128>}, {pipeline_mode = #tpu.pipeline_mode<synchronous>, transform_indices = @transform_6, window_bounds = array<i64: 128, 128>}, {pipeline_mode = #tpu.pipeline_mode<synchronous>, transform_indices = @transform_7, window_bounds = array<i64: 8, 128>}, {transform_indices = @transform_8, window_bounds = array<i64: 1000, 128>}, {transform_indices = @transform_9, window_bounds = array<i64: 1000, 1>}]} {
    %get3A = arith.constant 0 : index
    %get3A_0 = arith.constant 0 : index
    %get3A_1 = arith.constant 0 : index
    %get3A_2 = vector.load %arg3[%get3A, %get3A_0, %get3A_1] : memref<1x1000x16xf32, #tpu.memory_space<vmem>>, vector<1x1000x1xf32>
    %get3A_3 = vector.shape_cast %get3A_2 : vector<1x1000x1xf32> to vector<1000x1xf32>
    %get3A_4 = arith.constant 0 : index
    %get3A_5 = arith.constant 0 : index
    %get3A_6 = arith.constant 0 : index
    %get3A_7 = vector.load %arg4[%get3A_4, %get3A_5, %get3A_6] : memref<1x1000x16xf32, #tpu.memory_space<vmem>>, vector<1x1000x1xf32>
    %get3A_8 = vector.shape_cast %get3A_7 : vector<1x1000x1xf32> to vector<1000x1xf32>
    %add3A = arith.addf %get3A_3, %get3A_8 : vector<1000x1xf32>
    %max3A = arith.constant 1.000000e+00 : f32
    %max3A_9 = vector.broadcast %max3A : f32 to vector<1000x1xf32>
    %max3A_10 = arith.maximumf %add3A, %max3A_9 : vector<1000x1xf32>
    %div3A = arith.constant 1.000000e+00 : f32
    %div3A_11 = vector.broadcast %div3A : f32 to vector<1000x1xf32>
    %div3A_12 = arith.divf %div3A_11, %max3A_10 : vector<1000x1xf32>
    %get3A_13 = arith.constant 0 : index
    %get3A_14 = arith.constant 0 : index
    %get3A_15 = arith.constant 0 : index
    %get3A_16 = vector.load %arg1[%get3A_13, %get3A_14, %get3A_15] : memref<1x1000x128xf32, #tpu.memory_space<vmem>>, vector<1x1000x128xf32>
    %get3A_17 = vector.shape_cast %get3A_16 : vector<1x1000x128xf32> to vector<1000x128xf32>
    %get3A_18 = arith.constant 0 : index
    %get3A_19 = arith.constant 0 : index
    %get3A_20 = arith.constant 0 : index
    %get3A_21 = vector.load %arg2[%get3A_18, %get3A_19, %get3A_20] : memref<1x1000x128xf32, #tpu.memory_space<vmem>>, vector<1x1000x128xf32>
    %get3A_22 = vector.shape_cast %get3A_21 : vector<1x1000x128xf32> to vector<1000x128xf32>
    %add3A_23 = arith.addf %get3A_17, %get3A_22 : vector<1000x128xf32>
    %mul3A = vector.broadcast %div3A_12 : vector<1000x1xf32> to vector<1000x128xf32>
    %mul3A_24 = arith.mulf %add3A_23, %mul3A : vector<1000x128xf32>
    %get3A_25 = arith.constant 0 : index
    %get3A_26 = arith.constant 0 : index
    %get3A_27 = vector.load %arg6[%get3A_25, %get3A_26] : memref<128x128xf32, #tpu.memory_space<vmem>>, vector<128x128xf32>
    %dot_general3A = arith.constant dense<0.000000e+00> : vector<1000x128xf32>
    %dot_general3A_28 = tpu.matmul %mul3A_24, %get3A_27, %dot_general3A {dimension_numbers = #tpu.dot_dimension_numbers<[1], [0], [0], [1], [0, 0, 1, 1], [], []>, transpose_lhs_hint = false} : vector<1000x128xf32>, vector<128x128xf32>, vector<1000x128xf32> -> vector<1000x128xf32>
    %get3A_29 = arith.constant 0 : index
    %get3A_30 = arith.constant 0 : index
    %get3A_31 = vector.load %arg5[%get3A_29, %get3A_30] : memref<1000x128xf32, #tpu.memory_space<vmem>>, vector<1000x128xf32>
    %get3A_32 = arith.constant 0 : index
    %get3A_33 = arith.constant 0 : index
    %get3A_34 = vector.load %arg7[%get3A_32, %get3A_33] : memref<128x128xf32, #tpu.memory_space<vmem>>, vector<128x128xf32>
    %dot_general3A_35 = arith.constant dense<0.000000e+00> : vector<1000x128xf32>
    %dot_general3A_36 = tpu.matmul %get3A_31, %get3A_34, %dot_general3A_35 {dimension_numbers = #tpu.dot_dimension_numbers<[1], [0], [0], [1], [0, 0, 1, 1], [], []>, transpose_lhs_hint = false} : vector<1000x128xf32>, vector<128x128xf32>, vector<1000x128xf32> -> vector<1000x128xf32>
    %add3A_37 = arith.addf %dot_general3A_28, %dot_general3A_36 : vector<1000x128xf32>
    %get3A_38 = arith.constant 0 : index
    %get3A_39 = arith.constant 0 : index
    %get3A_40 = vector.load %arg8[%get3A_38, %get3A_39] : memref<8x128xf32, #tpu.memory_space<vmem>>, vector<1x128xf32>
    %add3A_41 = vector.broadcast %get3A_40 : vector<1x128xf32> to vector<1000x128xf32>
    %add3A_42 = arith.addf %add3A_37, %add3A_41 : vector<1000x128xf32>
    %max3A_43 = arith.constant 0.000000e+00 : f32
    %max3A_44 = vector.broadcast %max3A_43 : f32 to vector<1000x128xf32>
    %max3A_45 = arith.maximumf %add3A_42, %max3A_44 : vector<1000x128xf32>
    %swap3A = arith.constant 0 : index
    %swap3A_46 = arith.constant 0 : index
    %swap3A_47 = vector.load %arg9[%swap3A, %swap3A_46] : memref<1000x128xf32, #tpu.memory_space<vmem>>, vector<1000x128xf32>
    tpu.vector_store %arg9[%swap3A, %swap3A_46], %max3A_45 {strides = array<i32>} : memref<1000x128xf32, #tpu.memory_space<vmem>>, vector<1000x128xf32>,
    %swap3A_48 = arith.constant 0 : index
    %swap3A_49 = arith.constant 0 : index
    %swap3A_50 = vector.load %arg10[%swap3A_48, %swap3A_49] : memref<1000x1xf32, #tpu.memory_space<vmem>>, vector<1000x1xf32>
    tpu.vector_store %arg10[%swap3A_48, %swap3A_49], %div3A_12 {strides = array<i32>} : memref<1000x1xf32, #tpu.memory_space<vmem>>, vector<1000x1xf32>,
    return
  }
  func.func @transform_0(%arg0: i32) -> (i32, i32, i32) {
    %c0_i32 = arith.constant 0 : i32
    %c0_i32_0 = arith.constant 0 : i32
    %c0_i32_1 = arith.constant 0 : i32
    return %c0_i32, %arg0, %c0_i32_0 : i32, i32, i32
  }
  func.func @transform_1(%arg0: i32) -> (i32, i32, i32) {
    %c1_i32 = arith.constant 1 : i32
    %c0_i32 = arith.constant 0 : i32
    %c0_i32_0 = arith.constant 0 : i32
    return %c1_i32, %arg0, %c0_i32 : i32, i32, i32
  }
  func.func @transform_2(%arg0: i32) -> (i32, i32, i32) {
    %c0_i32 = arith.constant 0 : i32
    %c0_i32_0 = arith.constant 0 : i32
    %c0_i32_1 = arith.constant 0 : i32
    return %c0_i32, %arg0, %c0_i32_0 : i32, i32, i32
  }
  func.func @transform_3(%arg0: i32) -> (i32, i32, i32) {
    %c1_i32 = arith.constant 1 : i32
    %c0_i32 = arith.constant 0 : i32
    %c0_i32_0 = arith.constant 0 : i32
    return %c1_i32, %arg0, %c0_i32 : i32, i32, i32
  }
  func.func @transform_4(%arg0: i32) -> (i32, i32) {
    %c0_i32 = arith.constant 0 : i32
    %c0_i32_0 = arith.constant 0 : i32
    return %arg0, %c0_i32 : i32, i32
  }
  func.func @transform_5(%arg0: i32) -> (i32, i32) {
    %c0_i32 = arith.constant 0 : i32
    %c0_i32_0 = arith.constant 0 : i32
    %c0_i32_1 = arith.constant 0 : i32
    return %c0_i32, %c0_i32_0 : i32, i32
  }
  func.func @transform_6(%arg0: i32) -> (i32, i32) {
    %c0_i32 = arith.constant 0 : i32
    %c0_i32_0 = arith.constant 0 : i32
    %c0_i32_1 = arith.constant 0 : i32
    return %c0_i32, %c0_i32_0 : i32, i32
  }
  func.func @transform_7(%arg0: i32) -> (i32, i32) {
    %c0_i32 = arith.constant 0 : i32
    %c0_i32_0 = arith.constant 0 : i32
    %c0_i32_1 = arith.constant 0 : i32
    return %c0_i32, %c0_i32_0 : i32, i32
  }
  func.func @transform_8(%arg0: i32) -> (i32, i32) {
    %c0_i32 = arith.constant 0 : i32
    %c0_i32_0 = arith.constant 0 : i32
    return %arg0, %c0_i32 : i32, i32
  }
  func.func @transform_9(%arg0: i32) -> (i32, i32) {
    %c0_i32 = arith.constant 0 : i32
    %c0_i32_0 = arith.constant 0 : i32
    return %arg0, %c0_i32 : i32, i32
  }
}

module attributes {stable_mosaic.version = 14 : i64} {
  func.func @body(%arg0: i32, %arg1: memref<1x1000x64xf32, #tpu.memory_space<vmem>>, %arg2: memref<1x1000x64xf32, #tpu.memory_space<vmem>>, %arg3: memref<1000x1xf32, #tpu.memory_space<vmem>>, %arg4: memref<1000x128xf32, #tpu.memory_space<vmem>>, %arg5: memref<128x64xf32, #tpu.memory_space<vmem>>, %arg6: memref<8x64xf32, #tpu.memory_space<vmem>>, %arg7: memref<1000x64xf32, #tpu.memory_space<vmem>>) attributes {dimension_semantics = [#tpu.dimension_semantics<arbitrary>], iteration_bounds = array<i64: 10>, scalar_prefetch = 0 : i64, scratch_operands = 0 : i64, tpu.core_type = #tpu.core_type<tc>, window_params = [{transform_indices = @transform_0, window_bounds = array<i64: 1, 1000, 64>}, {transform_indices = @transform_1, window_bounds = array<i64: 1, 1000, 64>}, {transform_indices = @transform_2, window_bounds = array<i64: 1000, 1>}, {transform_indices = @transform_3, window_bounds = array<i64: 1000, 128>}, {pipeline_mode = #tpu.pipeline_mode<synchronous>, transform_indices = @transform_4, window_bounds = array<i64: 128, 64>}, {pipeline_mode = #tpu.pipeline_mode<synchronous>, transform_indices = @transform_5, window_bounds = array<i64: 8, 64>}, {transform_indices = @transform_6, window_bounds = array<i64: 1000, 64>}]} {
    %get3A = arith.constant 0 : index
    %get3A_0 = arith.constant 0 : index
    %get3A_1 = arith.constant 0 : index
    %get3A_2 = vector.load %arg1[%get3A, %get3A_0, %get3A_1] : memref<1x1000x64xf32, #tpu.memory_space<vmem>>, vector<1x1000x64xf32>
    %get3A_3 = vector.shape_cast %get3A_2 : vector<1x1000x64xf32> to vector<1000x64xf32>
    %get3A_4 = arith.constant 0 : index
    %get3A_5 = arith.constant 0 : index
    %get3A_6 = arith.constant 0 : index
    %get3A_7 = vector.load %arg2[%get3A_4, %get3A_5, %get3A_6] : memref<1x1000x64xf32, #tpu.memory_space<vmem>>, vector<1x1000x64xf32>
    %get3A_8 = vector.shape_cast %get3A_7 : vector<1x1000x64xf32> to vector<1000x64xf32>
    %add3A = arith.addf %get3A_3, %get3A_8 : vector<1000x64xf32>
    %get3A_9 = arith.constant 0 : index
    %get3A_10 = arith.constant 0 : index
    %get3A_11 = vector.load %arg3[%get3A_9, %get3A_10] : memref<1000x1xf32, #tpu.memory_space<vmem>>, vector<1000x1xf32>
    %mul3A = vector.broadcast %get3A_11 : vector<1000x1xf32> to vector<1000x64xf32>
    %mul3A_12 = arith.mulf %add3A, %mul3A : vector<1000x64xf32>
    %get3A_13 = arith.constant 0 : index
    %get3A_14 = arith.constant 0 : index
    %get3A_15 = vector.load %arg4[%get3A_13, %get3A_14] : memref<1000x128xf32, #tpu.memory_space<vmem>>, vector<1000x128xf32>
    %get3A_16 = arith.constant 0 : index
    %get3A_17 = arith.constant 0 : index
    %get3A_18 = vector.load %arg5[%get3A_16, %get3A_17] : memref<128x64xf32, #tpu.memory_space<vmem>>, vector<128x64xf32>
    %dot_general3A = arith.constant dense<0.000000e+00> : vector<1000x64xf32>
    %dot_general3A_19 = tpu.matmul %get3A_15, %get3A_18, %dot_general3A {dimension_numbers = #tpu.dot_dimension_numbers<[1], [0], [0], [1], [0, 0, 1, 1], [], []>, transpose_lhs_hint = false} : vector<1000x128xf32>, vector<128x64xf32>, vector<1000x64xf32> -> vector<1000x64xf32>
    %add3A_20 = arith.addf %mul3A_12, %dot_general3A_19 : vector<1000x64xf32>
    %get3A_21 = arith.constant 0 : index
    %get3A_22 = arith.constant 0 : index
    %get3A_23 = vector.load %arg6[%get3A_21, %get3A_22] : memref<8x64xf32, #tpu.memory_space<vmem>>, vector<1x64xf32>
    %add3A_24 = vector.broadcast %get3A_23 : vector<1x64xf32> to vector<1000x64xf32>
    %add3A_25 = arith.addf %add3A_20, %add3A_24 : vector<1000x64xf32>
    %swap3A = arith.constant 0 : index
    %swap3A_26 = arith.constant 0 : index
    %swap3A_27 = vector.load %arg7[%swap3A, %swap3A_26] : memref<1000x64xf32, #tpu.memory_space<vmem>>, vector<1000x64xf32>
    tpu.vector_store %arg7[%swap3A, %swap3A_26], %add3A_25 {strides = array<i32>} : memref<1000x64xf32, #tpu.memory_space<vmem>>, vector<1000x64xf32>,
    return
  }
  func.func @transform_0(%arg0: i32) -> (i32, i32, i32) {
    %c0_i32 = arith.constant 0 : i32
    %c0_i32_0 = arith.constant 0 : i32
    %c0_i32_1 = arith.constant 0 : i32
    return %c0_i32, %arg0, %c0_i32_0 : i32, i32, i32
  }
  func.func @transform_1(%arg0: i32) -> (i32, i32, i32) {
    %c1_i32 = arith.constant 1 : i32
    %c0_i32 = arith.constant 0 : i32
    %c0_i32_0 = arith.constant 0 : i32
    return %c1_i32, %arg0, %c0_i32 : i32, i32, i32
  }
  func.func @transform_2(%arg0: i32) -> (i32, i32) {
    %c0_i32 = arith.constant 0 : i32
    %c0_i32_0 = arith.constant 0 : i32
    return %arg0, %c0_i32 : i32, i32
  }
  func.func @transform_3(%arg0: i32) -> (i32, i32) {
    %c0_i32 = arith.constant 0 : i32
    %c0_i32_0 = arith.constant 0 : i32
    return %arg0, %c0_i32 : i32, i32
  }
  func.func @transform_4(%arg0: i32) -> (i32, i32) {
    %c0_i32 = arith.constant 0 : i32
    %c0_i32_0 = arith.constant 0 : i32
    %c0_i32_1 = arith.constant 0 : i32
    return %c0_i32, %c0_i32_0 : i32, i32
  }
  func.func @transform_5(%arg0: i32) -> (i32, i32) {
    %c0_i32 = arith.constant 0 : i32
    %c0_i32_0 = arith.constant 0 : i32
    %c0_i32_1 = arith.constant 0 : i32
    return %c0_i32, %c0_i32_0 : i32, i32
  }
  func.func @transform_6(%arg0: i32) -> (i32, i32) {
    %c0_i32 = arith.constant 0 : i32
    %c0_i32_0 = arith.constant 0 : i32
    return %arg0, %c0_i32 : i32, i32
  }
}

</mosaic_0001>

<sc_bundles>
// kernel: kernel.12.cloned.1.call-start
scs
__scs_entry_jumppad:
0x0: {  	(pc) =	sbr.rel $0x88, $3  }
0x1: {  	(tag) =	ssettag $0x0;
	lr =	simm.s32 $0x1  }
0x2: {  	[smem:$0x3F90] =	sst lr;
	_ =	strace $0xD0000000  }
0x3: {  	_ = 	snop  }
0x4: {  	_ = 	snop  }
0x5: {  	_ = 	snop  }
0x6: {  	_ = 	snop  }
0x7: {  	_ = 	snop  }
__scs_overlays_trampoline_lowered:
0x8: {  	[smem:$0x3F9F] =	sst s0  }
0x9: {  	[smem:$0x3FA0] =	sst s1  }
0xa: {  	[smem:$0x3FA1] =	sst s2  }
0xb: {  	[smem:$0x3FA2] =	sst s3  }
0xc: {  	[smem:$0x3FA3] =	sst s4  }
0xd: {  	[smem:$0x3FA4] =	sst s5  }
0xe: {  	[smem:$0x3FA5] =	sst s6  }
0xf: {  	[smem:$0x3FA6] =	sst s7  }
0x10: {  	[smem:$0x3FA7] =	sst s8  }
0x11: {  	[smem:$0x3FA8] =	sst s9;
	s0 =	simm.s32 @!p0 $0x0  }
0x12: {  	s1 =	sld [smem:$0x3F8E];
	s0 =	simm.s32 @p0 $0x1  }
0x13: {  	[smem:$0x3FA9] =	sst s0;
	s0 =	simm.s32 @!p1 $0x0  }
0x14: {  	s2 =	sld [smem:$0x3F8D];
	s0 =	simm.s32 @p1 $0x1  }
0x15: {  	[smem:$0x3FAA] =	sst s0;
	s0 =	simm.s32 @!p2 $0x0  }
0x16: {  	s3 =	sld [smem:$0x3FDB];
	s0 =	simm.s32 @p2 $0x1  }
0x17: {  	s4 =	simm.s32 $0x1BF5;
	[smem:$0x3FAC] =	sst s0  }
0x18: {  	s0 =	sld [smem:$0x3F8F];
	_ =	swait.ge [sflag:s4], $0x0  }
0x19: {  	s7 =	sld [smem:$0x3F90]  }
0x1a: {  	s8 =	sadd.s32 $0xFFFFE003, lr  }
0x1b: {  	s9 =	sadd.s32 $0xFFFFFEF7, lr;
	s5 =	simm.s32 $0xFFFFFFFF;
	p2 =	slt.u32 s8, $0xFFFFF086  }
0x1c: {  	p1 =	slt.u32 s9, $0xF7A;
	s5 =	simm.s32 @!p2 $0x0  }
0x1d: {  	s5 =	simm.s32 @p1 $0x1;
	p0 =	seq.s32 s7, s2  }
0x1e: {  	s7 =	smul.u32 @!p0 $0xF7A, s2;
	p2 =	seq.s32 @!p0 s5, $0x0  }
0x1f: {  	s9 =	smul.u32 $0xF7A, s1;
	s8 =	simm.s32 @!p0 $0x1BF5;
	p2 =	por !p2, p0  }
0x20: {  	[sflag:s8] =	ssyncset.s32 @!p0 $0xFFFFF086;
	s6 =	sadd.s32 @!p0 s3, s7;
	s7 =	simm.s32 @!p0 $0x108  }
0x21: {  	s3 =	sadd.s32 s3, s9;
	s6 =	sadd.s32 @!p0 $0x88, s6;
	s7 =	simm.s32 @p2 $0x1082  }
0x22: {  	[simem:s7], [sflag:s8] =	dma.local @!p0 [hbm:s6], $0xF7A  }
0x23: {  	s9 =	sor.u32 $0xD0000000, s2;
	s6 =	simm.s32 $0x108;
	_ =	swait.ge @!p0 [sflag:s8], $0x0  }
0x24: {  	s3 =	sadd.s32 $0x88, s3;
	s6 =	simm.s32 @!p1 $0x1082;
	[sflag:s4] =	ssyncset.s32 $0xFFFFF086  }
0x25: {  	[simem:s6], [sflag:s4] =	dma.local [hbm:s3], $0xF7A  }
0x26: {  	[smem:$0x3F90] =	sst s1;
	(tag) =	ssettag s2;
	_ =	strace s9  }
0x27: {  	s1 =	sld [smem:$0x3FA0]  }
0x28: {  	s2 =	sld [smem:$0x3FA1]  }
0x29: {  	s4 =	sld [smem:$0x3FA3]  }
0x2a: {  	p0 =	seq.s32 s5, $0x0;
	s5 =	sld [smem:$0x3FA4]  }
0x2b: {  	s6 =	sld [smem:$0x3FA5]  }
0x2c: {  	s7 =	sld [smem:$0x3FA6]  }
0x2d: {  	s3 =	simm.s32 $0x108;
	s8 =	sld [smem:$0x3FA7]  }
0x2e: {  	s3 =	simm.s32 @!p0 $0x1082;
	s9 =	sld [smem:$0x3FA8]  }
0x2f: {  	lr =	sadd.s32 s0, s3;
	s0 =	sld [smem:$0x3F9F]  }
0x30: {  	s3 =	sld [smem:$0x3FA2]  }
0x31: {  	[smem:$0x3FAB] =	sst s10  }
0x32: {  	s10 =	sld [smem:$0x3FA9];
	_ =	sdelay $0x3  }
0x33: {  	p0 =	seq.s32 s10, $0x1;
	s10 =	sld [smem:$0x3FAB];
	_ =	sdelay $0x3  }
0x34: {  	[smem:$0x3FAB] =	sst s10  }
0x35: {  	s10 =	sld [smem:$0x3FAA];
	_ =	sdelay $0x3  }
0x36: {  	p1 =	seq.s32 s10, $0x1;
	s10 =	sld [smem:$0x3FAB];
	_ =	sdelay $0x3  }
0x37: {  	[smem:$0x3FAB] =	sst s10  }
0x38: {  	s10 =	sld [smem:$0x3FAC]  }
0x39: {  	_ = 	snop;
	(pc) =	sbr.ind lr, $3  }
0x3a: {  	_ = 	snop  }
0x3b: {  	_ = 	snop  }
0x3c: {  	p2 =	seq.s32 s10, $0x1;
	s10 =	sld [smem:$0x3FAB]  }
0x3d: {  	_ =	shalt  }
0x3e: {  	_ =	shalt  }
0x3f: {  	_ =	shalt  }
0x40: {  	_ =	shalt  }
0x41: {  	_ =	shalt  }
0x42: {  	_ =	shalt  }
0x43: {  	_ =	shalt  }
0x44: {  	_ =	shalt  }
0x45: {  	_ =	shalt  }
0x46: {  	_ =	shalt  }
0x47: {  	_ =	shalt  }
0x48: {  	_ =	shalt  }
0x49: {  	_ =	shalt  }
0x4a: {  	_ =	shalt  }
0x4b: {  	_ =	shalt  }
0x4c: {  	_ =	shalt  }
0x4d: {  	_ =	shalt  }
0x4e: {  	_ =	shalt  }
0x4f: {  	_ =	shalt  }
0x50: {  	_ =	shalt  }
0x51: {  	_ =	shalt  }
0x52: {  	_ =	shalt  }
0x53: {  	_ =	shalt  }
0x54: {  	_ =	shalt  }
0x55: {  	_ =	shalt  }
0x56: {  	_ =	shalt  }
0x57: {  	_ =	shalt  }
0x58: {  	_ =	shalt  }
0x59: {  	_ =	shalt  }
0x5a: {  	_ =	shalt  }
0x5b: {  	_ =	shalt  }
0x5c: {  	_ =	shalt  }
0x5d: {  	_ =	shalt  }
0x5e: {  	_ =	shalt  }
0x5f: {  	_ =	shalt  }
0x60: {  	_ =	shalt  }
0x61: {  	_ =	shalt  }
0x62: {  	_ =	shalt  }
0x63: {  	_ =	shalt  }
0x64: {  	_ =	shalt  }
0x65: {  	_ =	shalt  }
0x66: {  	_ =	shalt  }
0x67: {  	_ =	shalt  }
0x68: {  	_ =	shalt  }
0x69: {  	_ =	shalt  }
0x6a: {  	_ =	shalt  }
0x6b: {  	_ =	shalt  }
0x6c: {  	_ =	shalt  }
0x6d: {  	_ =	shalt  }
0x6e: {  	_ =	shalt  }
0x6f: {  	_ =	shalt  }
0x70: {  	_ =	shalt  }
0x71: {  	_ =	shalt  }
0x72: {  	_ =	shalt  }
0x73: {  	_ =	shalt  }
0x74: {  	_ =	shalt  }
0x75: {  	_ =	shalt  }
0x76: {  	_ =	shalt  }
0x77: {  	_ =	shalt  }
0x78: {  	_ =	shalt  }
0x79: {  	_ =	shalt  }
0x7a: {  	_ =	shalt  }
0x7b: {  	_ =	shalt  }
0x7c: {  	_ =	shalt  }
0x7d: {  	_ =	shalt  }
0x7e: {  	_ =	shalt  }
0x7f: {  	_ =	shalt  }
0x80: {  	_ =	shalt  }
0x81: {  	_ =	shalt  }
0x82: {  	_ =	shalt  }
0x83: {  	_ =	shalt  }
0x84: {  	_ =	shalt  }
0x85: {  	_ =	shalt  }
0x86: {  	_ =	shalt  }
0x87: {  	_ =	shalt  }
.Lfunc_end0:
.L_simem_size_0:
called_computation.1_lowered:
.L_overlay_start_0:
0x88: {  	s2 =	sld [smem:$0x3FD9]  }
0x89: {  	s3 =	sld [smem:$0x3FFE];
	_ =	sdelay $0x1  }
0x8a: {  	s1 =	srdreg.scid  }
0x8b: {  	s0 =	sand.u32 $0x1, s1  }
0x8c: {  	s17 =	sshll.u32 s0, $0xA;
	s2 =	sadd.s32 s3, s2  }
0x8d: {  	s2 =	sadd.s32 s2, s17  }
0x8e: {  	[smem:$0x3FB7] =	sst s2  }
0x8f: {  	_ = 	snop  }
0x90: {  	s2 =	sld [smem:$0x3FD0];
	(tm) =	ssettm $0x1  }
0x91: {  	s18 =	sld [smem:$0x3FFB];
	_ =	sdelay $0x3  }
0x92: {  	_ =	strace s18  }
0x93: {  	s3 =	sld [smem:$0x3FFC];
	_ =	sdelay $0x3  }
0x94: {  	_ =	strace s3  }
0x95: {  	s3 =	sld [smem:$0x3FFD];
	_ =	sdelay $0x3  }
0x96: {  	_ =	strace s3  }
0x97: {  	_ =	strace $0x8FFFFFFF  }
0x98: {  	s19 =	sld [smem:$0x3FDB];
	_ =	sdelay $0x1  }
0x99: {  	s4 =	simm.s32 $_scs_section_size  }
0x9a: {  	s5 =	simm.s32 $_size__tile_overlayer_lowered;
	s6 =	simm.s32 $_tile_overlayer_lowered  }
0x9b: {  	s22 =	simm.s32 $0x1BFF;
	s21 =	sshll.u32 s6, $0x1;
	s3 =	sadd.s32 s4, s19  }
0x9c: {  	s7 =	simm.s32 $0x0;
	s20 =	sshll.u32 s5, $0x1;
	s5 =	sadd.s32 s21, s3  }
0x9d: {  	[timem:s7], [sflag:s22] =	dma.local [hbm:s5], s20  }
0x9e: {  	_ =	swait.ge [sflag:s22], s20  }
0x9f: {  	s4 =	ssub.s32 $0x0, s20;
	[sflag:s22] =	ssyncset.done $0x0  }
0xa0: {  	[sflag:s22] =	ssyncadd.s32 s4;
	_ =	sdelay $0x1  }
0xa1: {  	s23 =	simm.s32 $0x1B8B  }
0xa2: {  	_ =	swait.ge [sflag:s23], $0x1  }
0xa3: {  	[sflag:s23] =	ssyncset.done $0x0  }
0xa4: {  	s25 =	simm.s32 $0x1B8E;
	s24 =	sld [smem:$0x3FFE];
	[sflag:s23] =	ssyncadd.s32 $0xFFFFFFFF  }
0xa5: {  	s26 =	simm.s32 $execute0_lowered;
	[smem:$0x3FD2] =	sst s25  }
0xa6: {  	s5 =	sshll.u32 s26, $0x1;
	_ =	strace $0x80000046;
	[dreg:$0x1] =	wrdreg $0xFFFFFFFF  }
0xa7: {  	s28 =	simm.s32 $_size_execute0_lowered;
	s3 =	sadd.s32 s3, s5;
	[dreg:$0x0] =	wrdreg $0x0  }
0xa8: {  	s5 =	sshll.u32 s28, $0x1;
	[dreg:$0x2] =	wrdreg s3  }
0xa9: {  	[dreg:$0x3] =	wrdreg s5  }
0xaa: {  	[dreg:$0x4] =	wrdreg $0xC0  }
0xab: {  	_ =	task [dreg:s7], $0x5FFFF  }
0xac: {  	[dreg:$0x1] =	wrdreg $0xFFFFFFFF  }
0xad: {  	[dreg:$0x0] =	wrdreg $0x60  }
0xae: {  	[dreg:$0x2] =	wrdreg s24  }
0xaf: {  	[dreg:$0x3] =	wrdreg s2  }
0xb0: {  	[dreg:$0x4] =	wrdreg $0x0  }
0xb1: {  	[dreg:$0x5] =	wrdreg $0xA  }
0xb2: {  	_ =	task.clear_ibuf [dreg:s7], $0x6FFFF;
	_ =	strace $0x90000046  }
0xb3: {  	s29 =	simm.s32 $0xA;
	_ =	strace $0x80000048  }
0xb4: {  	_ =	swait.ge [sflag:s29], $0x1  }
0xb5: {  	[sflag:s29] =	ssyncadd.s32 $0xFFFFFFFF  }
0xb6: {  	_ =	strace $0x90000048  }
0xb7: {  	_ =	sfence  }
0xb8: {  	s30 =	sld [smem:$0x0];
	_ =	sdelay $0x2  }
0xb9: {  	s31 =	sshll.u32 s1, $0xD;
	s1 =	sshrl.u32 s1, $0x2  }
0xba: {  	s3 =	sand.u32 $0x4000, s31;
	s1 =	sadd.s32 s1, s30  }
0xbb: {  	s0 =	sor.u32 s3, s0;
	s1 =	sshll.u32 s1, $0x11  }
0xbc: {  	s0 =	sor.u32 s1, s0  }
0xbd: {  	s0 =	sadd.s32 $0x8F2B, s0  }
0xbe: {  	[sflag:s0] =	ssyncadd.remote.s32 $0x1  }
0xbf: {  	_ =	sfence.sel $0xFFFF  }
0xc0: {  	[dreg:$0x0] =	wrdreg $0xFFFFFFFF;
	(pc) =	sbr.abs _section_cstart, $3  }
0xc1: {  	[dreg:$0x1] =	wrdreg $0xFFFFFFFF  }
0xc2: {  	_ =	task.clear_ibuf [dreg:s7], $0x2FFFF;
	_ =	strace $0x9FFFFFFF  }
0xc3: {  	(tm) =	ssettm $0x7FFFFFFF  }
tec
execute0_lowered:
.L_overlay_start_1:
0x0: {  	(tag) =	ssettag $0x1  }
0x1: {  	s5 =	rddreg [dreg:$0x0]  }
0x2: {  	s6 =	rddreg [dreg:$0x1]  }
0x3: {  	s0 =	srdreg.scid;
	s2 =	rddreg [dreg:$0x2];
	s3 =	simm.s32 $0x0  }
0x4: {  	s11 =	simm.s32 $0x50;
	s12 =	simm.s32 $0x4E20;
	s13 =	simm.s32 $0x5370  }
0x5: {  	s14 =	simm.s32 $0x53C0;
	s15 =	simm.s32 $0x5410;
	s16 =	simm.s32 $0x1  }
0x6: {  	s17 =	simm.s32 $0x2;
	s18 =	simm.s32 $0x3;
	s19 =	simm.s32 $0x4  }
0x7: {  	s20 =	simm.s32 $0x0;
	s4 =	sand.u32 $0x1, s0;
	s0 =	stileid.u32  }
0x8: {  	[smem:$0x7FF] =	sst s3;
	s1 =	sshll.u32 s4, $0x4;
	s8 =	smul.u32 $0x2710, s0  }
0x9: {  	s9 =	ssub.s32 $0x2, s4;
	s4 =	smul.u32 $0x27100, s4;
	s1 =	sor.u32 s0, s1  }
0xa: {  	s10 =	sshrl.u32 s9, $0x1;
	s7 =	smul.u32 $0x4E2, s1;
	s1 =	rddreg [dreg:$0x3]  }
0xb: {  	_ =	strace $0x80000047;
	s29 =	ssub.s32 s9, s10;
	s30 =	sadd.s32 s8, s4  }
0xc: {  	s4 =	sadd.s32 s8, s2;
	s8 =	simm.s32 $0x2710;
	s9 =	simm.s32 $0x5  }
0xd: {  	s10 =	simm.s32 $0x5320;
	s31 =	sshrl.u32 s30, $0x3;
	s5 =	sadd.s32 s7, s5  }
0xe: {  	v0 =	vimm.f32 $0.0e+00;
	v1 =	vimm.f32 $1.000000000e+00;
	s6 =	sadd.s32 s6, s31;
	s7 =	smax.u32 s29, $0x1;
	s5 =	sadd.s32 $0x4800, s5  }
.LBB2_1:
0xf: {  	s21 =	simm.s32 $0x40;
	s22 =	simm.s32 $0x0  }
.LBB2_2:
0x10: {  	p0 =	sne.s32 s21, $0x9C00;
	[tilespmem:s22+$0x2710] =	vst v0;
	s22 =	smov.u32 s21;
	s21 =	sadd.s32 $0x40, s21  }
.Ltmp0:
0x11: {  	(pc) =	sbr.rel @p0 .LBB2_2-.Ltmp0, $2  }
0x12: {  	_ =	sdelay $0x2  }
0x13: {  	s22 =	sshra.s32 s22, $0x2  }
0x14: {  	[tilespmem:s22+$0x2710] =	vst v0  }
0x15: {  	[spmem:s4] =	stream.linear.scatter [tilespmem:s8], [sflag:$0x5], $0x2710, $0x38;
	[tilespmem:$0x7A30] =	vst v63  }
0x16: {  	_ =	swait.ge [sflag:s9], $0x2710  }
0x17: {  	[sflag:s9] =	ssyncset.done $0x0  }
0x18: {  	s21 =	simm.s32 $0x40;
	s22 =	simm.s32 $0x0;
	[sflag:s9] =	ssyncadd.s32 $0xFFFFD8F0  }
.LBB2_4:
0x19: {  	p0 =	sne.s32 s21, $0x13C0;
	[tilespmem:s22+$0x4E20] =	vst v1;
	s22 =	smov.u32 s21;
	s21 =	sadd.s32 $0x40, s21  }
.Ltmp1:
0x1a: {  	(pc) =	sbr.rel @p0 .LBB2_4-.Ltmp1, $2  }
0x1b: {  	_ =	sdelay $0x2  }
0x1c: {  	s22 =	sshra.s32 s22, $0x2  }
0x1d: {  	[tilespmem:s22+$0x4E20] =	vst v1  }
0x1e: {  	[bflag:$0x0] =	sbarrier.arrive $0xFFFF  }
0x1f: {  	[tilespmem:s10], [sflag:$0x5] =	stream.linear.gather [hbm4b:s5+s3], $0x2710, $0x38;
	[tilespmem:$0x7A30] =	vst v63  }
0x20: {  	_ =	swait.ge [sflag:s9], $0x2710  }
0x21: {  	[sflag:s9] =	ssyncset.done $0x0  }
0x22: {  	[sflag:s9] =	ssyncadd.s32 $0xFFFFD8F0  }
0x23: {  	[spmem:s2] =	stream.indirect.scatter.add.f32 [tilespmem:s12], [sflag:$0x1], $0x10, s10, s11, $0xb8;
	[tilespmem:$0x7A30] =	vst v63  }
0x24: {  	_ = 	snop  }
0x25: {  	[spmem:s2] =	stream.indirect.scatter.add.f32 [tilespmem:s12], [sflag:$0x2], $0x10, s13, s11, $0xb8;
	[tilespmem:$0x7A30] =	vst v63  }
0x26: {  	_ = 	snop  }
0x27: {  	[spmem:s2] =	stream.indirect.scatter.add.f32 [tilespmem:s12], [sflag:$0x3], $0x10, s14, s11, $0xb8;
	[tilespmem:$0x7A30] =	vst v63  }
0x28: {  	_ = 	snop  }
0x29: {  	[spmem:s2] =	stream.indirect.scatter.add.f32 [tilespmem:s12], [sflag:$0x4], $0x10, s15, s11, $0xb8;
	[tilespmem:$0x7A30] =	vst v63  }
0x2a: {  	_ =	swait.ge [sflag:s16], $0x500  }
0x2b: {  	[sflag:s16] =	ssyncset.done $0x0  }
0x2c: {  	s21 =	simm.s32 $0x5460;
	[sflag:s16] =	ssyncadd.s32 $0xFFFFFB00  }
0x2d: {  	[spmem:s2] =	stream.indirect.scatter.add.f32 [tilespmem:s12], [sflag:$0x1], $0x10, s21, s11, $0xb8;
	[tilespmem:$0x7A30] =	vst v63  }
0x2e: {  	_ =	swait.ge [sflag:s17], $0x500  }
0x2f: {  	[sflag:s17] =	ssyncset.done $0x0  }
0x30: {  	s29 =	simm.s32 $0x54B0;
	[sflag:s17] =	ssyncadd.s32 $0xFFFFFB00  }
0x31: {  	[spmem:s2] =	stream.indirect.scatter.add.f32 [tilespmem:s12], [sflag:$0x2], $0x10, s29, s11, $0xb8;
	[tilespmem:$0x7A30] =	vst v63  }
0x32: {  	_ =	swait.ge [sflag:s18], $0x500  }
0x33: {  	[sflag:s18] =	ssyncset.done $0x0  }
0x34: {  	s30 =	simm.s32 $0x5500;
	[sflag:s18] =	ssyncadd.s32 $0xFFFFFB00  }
0x35: {  	[spmem:s2] =	stream.indirect.scatter.add.f32 [tilespmem:s12], [sflag:$0x3], $0x10, s30, s11, $0xb8;
	[tilespmem:$0x7A30] =	vst v63  }
0x36: {  	_ =	swait.ge [sflag:s19], $0x500  }
0x37: {  	[sflag:s19] =	ssyncset.done $0x0  }
0x38: {  	s31 =	simm.s32 $0x5550;
	[sflag:s19] =	ssyncadd.s32 $0xFFFFFB00  }
0x39: {  	[spmem:s2] =	stream.indirect.scatter.add.f32 [tilespmem:s12], [sflag:$0x4], $0x10, s31, s11, $0xb8;
	[tilespmem:$0x7A30] =	vst v63  }
0x3a: {  	_ =	swait.ge [sflag:s16], $0x500  }
0x3b: {  	s22 =	simm.s32 $0xFFFFDBC0;
	s21 =	simm.s32 $0xFFFF7400;
	[sflag:s16] =	ssyncset.done $0x0  }
.LBB2_6:
0x3c: {  	s23 =	sadd.s32 $0x79E0, s22  }
0x3d: {  	[sflag:s16] =	ssyncadd.s32 $0xFFFFFB00;
	s24 =	smov.u32 s21;
	s21 =	sadd.s32 $0x500, s21  }
0x3e: {  	[spmem:s2] =	stream.indirect.scatter.add.f32 [tilespmem:s12], [sflag:$0x1], $0x10, s23, s11, $0xb8;
	[tilespmem:$0x7A30] =	vst v63  }
0x3f: {  	p0 =	sne.s32 s21, $0x0;
	_ =	swait.ge [sflag:s17], $0x500  }
0x40: {  	[sflag:s17] =	ssyncset.done $0x0  }
0x41: {  	s23 =	sadd.s32 $0x7A30, s22;
	[sflag:s17] =	ssyncadd.s32 $0xFFFFFB00  }
0x42: {  	[spmem:s2] =	stream.indirect.scatter.add.f32 [tilespmem:s12], [sflag:$0x2], $0x10, s23, s11, $0xb8;
	[tilespmem:$0x7A30] =	vst v63  }
0x43: {  	_ =	swait.ge [sflag:s18], $0x500  }
0x44: {  	[sflag:s18] =	ssyncset.done $0x0  }
0x45: {  	s23 =	sadd.s32 $0x7A80, s22;
	[sflag:s18] =	ssyncadd.s32 $0xFFFFFB00  }
0x46: {  	[spmem:s2] =	stream.indirect.scatter.add.f32 [tilespmem:s12], [sflag:$0x3], $0x10, s23, s11, $0xb8;
	[tilespmem:$0x7A30] =	vst v63  }
0x47: {  	_ =	swait.ge [sflag:s19], $0x500  }
.Ltmp2:
0x48: {  	[sflag:s19] =	ssyncset.done $0x0;
	(pc) =	sbr.rel @p0 .LBB2_6-.Ltmp2, $4  }
0x49: {  	s22 =	sadd.s32 $0x7AD0, s22;
	[sflag:s19] =	ssyncadd.s32 $0xFFFFFB00  }
0x4a: {  	[spmem:s2] =	stream.indirect.scatter.add.f32 [tilespmem:s12], [sflag:$0x4], $0x10, s22, s11, $0xb8;
	[tilespmem:$0x7A30] =	vst v63  }
0x4b: {  	_ =	swait.ge [sflag:s16], $0x500  }
0x4c: {  	s22 =	sshra.s32 s24, $0x2;
	[sflag:s16] =	ssyncset.done $0x0  }
0x4d: {  	s23 =	sadd.s32 $0x79E0, s22;
	[sflag:s16] =	ssyncadd.s32 $0xFFFFFB00  }
0x4e: {  	[spmem:s2] =	stream.indirect.scatter.add.f32 [tilespmem:s12], [sflag:$0x1], $0x10, s23, s11, $0xb8;
	[tilespmem:$0x7A30] =	vst v63  }
0x4f: {  	_ =	swait.ge [sflag:s17], $0x500  }
0x50: {  	[sflag:s17] =	ssyncset.done $0x0  }
0x51: {  	s29 =	sadd.s32 $0x7A30, s22;
	[sflag:s17] =	ssyncadd.s32 $0xFFFFFB00  }
0x52: {  	[spmem:s2] =	stream.indirect.scatter.add.f32 [tilespmem:s12], [sflag:$0x2], $0x10, s29, s11, $0xb8;
	[tilespmem:$0x7A30] =	vst v63  }
0x53: {  	_ =	swait.ge [sflag:s18], $0x500  }
0x54: {  	[sflag:s18] =	ssyncset.done $0x0  }
0x55: {  	s30 =	sadd.s32 $0x7A80, s22;
	[sflag:s18] =	ssyncadd.s32 $0xFFFFFB00  }
0x56: {  	[spmem:s2] =	stream.indirect.scatter.add.f32 [tilespmem:s12], [sflag:$0x3], $0x10, s30, s11, $0xb8;
	[tilespmem:$0x7A30] =	vst v63  }
0x57: {  	_ =	swait.ge [sflag:s19], $0x500  }
0x58: {  	[sflag:s19] =	ssyncset.done $0x0  }
0x59: {  	s31 =	sadd.s32 $0x7AD0, s22;
	[sflag:s19] =	ssyncadd.s32 $0xFFFFFB00  }
0x5a: {  	[spmem:s2] =	stream.indirect.scatter.add.f32 [tilespmem:s12], [sflag:$0x4], $0x10, s31, s11, $0xb8;
	[tilespmem:$0x7A30] =	vst v63  }
0x5b: {  	_ =	swait.ge [sflag:s16], $0x500  }
0x5c: {  	s21 =	sshra.s32 s21, $0x2;
	[sflag:s16] =	ssyncset.done $0x0  }
0x5d: {  	s21 =	sadd.s32 $0x79E0, s21;
	[sflag:s16] =	ssyncadd.s32 $0xFFFFFB00  }
0x5e: {  	[spmem:s2] =	stream.indirect.scatter.add.f32 [tilespmem:s12], [sflag:$0x1], $0x10, s21, s11, $0xb8;
	[tilespmem:$0x7A30] =	vst v63  }
0x5f: {  	_ =	swait.ge [sflag:s17], $0x500  }
0x60: {  	[sflag:s17] =	ssyncset.done $0x0  }
0x61: {  	[sflag:s17] =	ssyncadd.s32 $0xFFFFFB00  }
0x62: {  	_ =	swait.ge [sflag:s18], $0x500  }
0x63: {  	[sflag:s18] =	ssyncset.done $0x0  }
0x64: {  	[sflag:s18] =	ssyncadd.s32 $0xFFFFFB00  }
0x65: {  	_ =	swait.ge [sflag:s19], $0x500  }
0x66: {  	[sflag:s19] =	ssyncset.done $0x0  }
0x67: {  	[sflag:s19] =	ssyncadd.s32 $0xFFFFFB00  }
0x68: {  	_ =	swait.ge [sflag:s16], $0x500  }
0x69: {  	[sflag:s16] =	ssyncset.done $0x0  }
0x6a: {  	[sflag:s16] =	ssyncadd.s32 $0xFFFFFB00  }
0x6b: {  	[bflag:$0x0] =	sbarrier.arrive $0xFFFF  }
0x6c: {  	[tilespmem:s8], [sflag:$0x5] =	stream.linear.gather [spmem:s4], $0x2710, $0x38;
	[tilespmem:$0x7A30] =	vst v63  }
0x6d: {  	s20 =	sadd.s32 $0x1, s20;
	_ =	swait.ge [sflag:s9], $0x2710  }
0x6e: {  	p0 =	sne.s32 s20, s7;
	[sflag:s9] =	ssyncset.done $0x0  }
.Ltmp3:
0x6f: {  	[sflag:s9] =	ssyncadd.s32 $0xFFFFD8F0;
	(pc) =	sbr.rel @p0 .LBB2_1-.Ltmp3, $4  }
0x70: {  	[hbm4b:s6+s3] =	stream.linear.scatter [tilespmem:s8], [sflag:$0x5], $0x2710, $0x38;
	[tilespmem:$0x7A30] =	vst v63  }
0x71: {  	_ =	swait.ge [sflag:s9], $0x2710  }
0x72: {  	[sflag:s9] =	ssyncset.done $0x0  }
0x73: {  	[sflag:s9] =	ssyncadd.s32 $0xFFFFD8F0  }
0x74: {  	_ =	sfence.sel $0x180000  }
0x75: {  	[bflag:$0x0] =	sbarrier.arrive $0xFFFF  }
0x76: {  	p0 =	sne.s32 s0, $0x0;
	_ =	strace $0x90000047  }
0x77: {  	s0 =	sadd.s32 @!p0 $0x100000, s1;
	[bflag:$0x2] =	sbarrier.arrive $0xFFFF  }
0x78: {  	[sflag:s0] =	ssyncadd.tile.s32 @!p0 $0x1;
	_ =	shalt  }
.Lfunc_end2:
_tile_overlayer_lowered:
.L_overlay_start_2:
0x79: {  	(tag) =	ssettag $0x2  }
0x7a: {  	s0 =	rddreg [dreg:$0x0];
	s2 =	stileid.u32  }
0x7b: {  	s1 =	rddreg [dreg:$0x1];
	p0 =	sne.s32 s2, $0x0  }
0x7c: {  	s3 =	rddreg [dreg:$0x2];
	[bflag:$0x3] =	sbarrier.arrive $0xFFFF;
	s2 =	simm.s32 @!p0 $0x1C05  }
0x7d: {  	[timem:s3], [sflag:s2] =	dma.local @!p0 [hbm:s0], s1  }
0x7e: {  	s0 =	simm.s32 @!p0 $0x5  }
0x7f: {  	_ =	swait.ge @!p0 [sflag:s0], s1  }
0x80: {  	s1 =	ssub.s32 @!p0 $0x0, s1;
	[sflag:s0] =	ssyncset.done @!p0 $0x0  }
0x81: {  	[sflag:s0] =	ssyncadd.s32 @!p0 s1  }
0x82: {  	[bflag:$0x3] =	sbarrier.arrive $0xFFFF  }
0x83: {  	_ =	shalt  }

// kernel: kernel.15.cloned.1.call-start
scs
__scs_entry_jumppad:
0x0: {  	(pc) =	sbr.rel $0x88, $3  }
0x1: {  	(tag) =	ssettag $0x0;
	lr =	simm.s32 $0x1  }
0x2: {  	[smem:$0x3F90] =	sst lr;
	_ =	strace $0xD0000000  }
0x3: {  	_ = 	snop  }
0x4: {  	_ = 	snop  }
0x5: {  	_ = 	snop  }
0x6: {  	_ = 	snop  }
0x7: {  	_ = 	snop  }
__scs_overlays_trampoline_lowered:
0x8: {  	[smem:$0x3F9F] =	sst s0  }
0x9: {  	[smem:$0x3FA0] =	sst s1  }
0xa: {  	[smem:$0x3FA1] =	sst s2  }
0xb: {  	[smem:$0x3FA2] =	sst s3  }
0xc: {  	[smem:$0x3FA3] =	sst s4  }
0xd: {  	[smem:$0x3FA4] =	sst s5  }
0xe: {  	[smem:$0x3FA5] =	sst s6  }
0xf: {  	[smem:$0x3FA6] =	sst s7  }
0x10: {  	[smem:$0x3FA7] =	sst s8  }
0x11: {  	[smem:$0x3FA8] =	sst s9;
	s0 =	simm.s32 @!p0 $0x0  }
0x12: {  	s1 =	sld [smem:$0x3F8E];
	s0 =	simm.s32 @p0 $0x1  }
0x13: {  	[smem:$0x3FA9] =	sst s0;
	s0 =	simm.s32 @!p1 $0x0  }
0x14: {  	s2 =	sld [smem:$0x3F8D];
	s0 =	simm.s32 @p1 $0x1  }
0x15: {  	[smem:$0x3FAA] =	sst s0;
	s0 =	simm.s32 @!p2 $0x0  }
0x16: {  	s3 =	sld [smem:$0x3FDB];
	s0 =	simm.s32 @p2 $0x1  }
0x17: {  	s4 =	simm.s32 $0x1BF5;
	[smem:$0x3FAC] =	sst s0  }
0x18: {  	s0 =	sld [smem:$0x3F8F];
	_ =	swait.ge [sflag:s4], $0x0  }
0x19: {  	s7 =	sld [smem:$0x3F90]  }
0x1a: {  	s8 =	sadd.s32 $0xFFFFE003, lr  }
0x1b: {  	s9 =	sadd.s32 $0xFFFFFEF7, lr;
	s5 =	simm.s32 $0xFFFFFFFF;
	p2 =	slt.u32 s8, $0xFFFFF086  }
0x1c: {  	p1 =	slt.u32 s9, $0xF7A;
	s5 =	simm.s32 @!p2 $0x0  }
0x1d: {  	s5 =	simm.s32 @p1 $0x1;
	p0 =	seq.s32 s7, s2  }
0x1e: {  	s7 =	smul.u32 @!p0 $0xF7A, s2;
	p2 =	seq.s32 @!p0 s5, $0x0  }
0x1f: {  	s9 =	smul.u32 $0xF7A, s1;
	s8 =	simm.s32 @!p0 $0x1BF5;
	p2 =	por !p2, p0  }
0x20: {  	[sflag:s8] =	ssyncset.s32 @!p0 $0xFFFFF086;
	s6 =	sadd.s32 @!p0 s3, s7;
	s7 =	simm.s32 @!p0 $0x108  }
0x21: {  	s3 =	sadd.s32 s3, s9;
	s6 =	sadd.s32 @!p0 $0x88, s6;
	s7 =	simm.s32 @p2 $0x1082  }
0x22: {  	[simem:s7], [sflag:s8] =	dma.local @!p0 [hbm:s6], $0xF7A  }
0x23: {  	s9 =	sor.u32 $0xD0000000, s2;
	s6 =	simm.s32 $0x108;
	_ =	swait.ge @!p0 [sflag:s8], $0x0  }
0x24: {  	s3 =	sadd.s32 $0x88, s3;
	s6 =	simm.s32 @!p1 $0x1082;
	[sflag:s4] =	ssyncset.s32 $0xFFFFF086  }
0x25: {  	[simem:s6], [sflag:s4] =	dma.local [hbm:s3], $0xF7A  }
0x26: {  	[smem:$0x3F90] =	sst s1;
	(tag) =	ssettag s2;
	_ =	strace s9  }
0x27: {  	s1 =	sld [smem:$0x3FA0]  }
0x28: {  	s2 =	sld [smem:$0x3FA1]  }
0x29: {  	s4 =	sld [smem:$0x3FA3]  }
0x2a: {  	p0 =	seq.s32 s5, $0x0;
	s5 =	sld [smem:$0x3FA4]  }
0x2b: {  	s6 =	sld [smem:$0x3FA5]  }
0x2c: {  	s7 =	sld [smem:$0x3FA6]  }
0x2d: {  	s3 =	simm.s32 $0x108;
	s8 =	sld [smem:$0x3FA7]  }
0x2e: {  	s3 =	simm.s32 @!p0 $0x1082;
	s9 =	sld [smem:$0x3FA8]  }
0x2f: {  	lr =	sadd.s32 s0, s3;
	s0 =	sld [smem:$0x3F9F]  }
0x30: {  	s3 =	sld [smem:$0x3FA2]  }
0x31: {  	[smem:$0x3FAB] =	sst s10  }
0x32: {  	s10 =	sld [smem:$0x3FA9];
	_ =	sdelay $0x3  }
0x33: {  	p0 =	seq.s32 s10, $0x1;
	s10 =	sld [smem:$0x3FAB];
	_ =	sdelay $0x3  }
0x34: {  	[smem:$0x3FAB] =	sst s10  }
0x35: {  	s10 =	sld [smem:$0x3FAA];
	_ =	sdelay $0x3  }
0x36: {  	p1 =	seq.s32 s10, $0x1;
	s10 =	sld [smem:$0x3FAB];
	_ =	sdelay $0x3  }
0x37: {  	[smem:$0x3FAB] =	sst s10  }
0x38: {  	s10 =	sld [smem:$0x3FAC]  }
0x39: {  	_ = 	snop;
	(pc) =	sbr.ind lr, $3  }
0x3a: {  	_ = 	snop  }
0x3b: {  	_ = 	snop  }
0x3c: {  	p2 =	seq.s32 s10, $0x1;
	s10 =	sld [smem:$0x3FAB]  }
0x3d: {  	_ =	shalt  }
0x3e: {  	_ =	shalt  }
0x3f: {  	_ =	shalt  }
0x40: {  	_ =	shalt  }
0x41: {  	_ =	shalt  }
0x42: {  	_ =	shalt  }
0x43: {  	_ =	shalt  }
0x44: {  	_ =	shalt  }
0x45: {  	_ =	shalt  }
0x46: {  	_ =	shalt  }
0x47: {  	_ =	shalt  }
0x48: {  	_ =	shalt  }
0x49: {  	_ =	shalt  }
0x4a: {  	_ =	shalt  }
0x4b: {  	_ =	shalt  }
0x4c: {  	_ =	shalt  }
0x4d: {  	_ =	shalt  }
0x4e: {  	_ =	shalt  }
0x4f: {  	_ =	shalt  }
0x50: {  	_ =	shalt  }
0x51: {  	_ =	shalt  }
0x52: {  	_ =	shalt  }
0x53: {  	_ =	shalt  }
0x54: {  	_ =	shalt  }
0x55: {  	_ =	shalt  }
0x56: {  	_ =	shalt  }
0x57: {  	_ =	shalt  }
0x58: {  	_ =	shalt  }
0x59: {  	_ =	shalt  }
0x5a: {  	_ =	shalt  }
0x5b: {  	_ =	shalt  }
0x5c: {  	_ =	shalt  }
0x5d: {  	_ =	shalt  }
0x5e: {  	_ =	shalt  }
0x5f: {  	_ =	shalt  }
0x60: {  	_ =	shalt  }
0x61: {  	_ =	shalt  }
0x62: {  	_ =	shalt  }
0x63: {  	_ =	shalt  }
0x64: {  	_ =	shalt  }
0x65: {  	_ =	shalt  }
0x66: {  	_ =	shalt  }
0x67: {  	_ =	shalt  }
0x68: {  	_ =	shalt  }
0x69: {  	_ =	shalt  }
0x6a: {  	_ =	shalt  }
0x6b: {  	_ =	shalt  }
0x6c: {  	_ =	shalt  }
0x6d: {  	_ =	shalt  }
0x6e: {  	_ =	shalt  }
0x6f: {  	_ =	shalt  }
0x70: {  	_ =	shalt  }
0x71: {  	_ =	shalt  }
0x72: {  	_ =	shalt  }
0x73: {  	_ =	shalt  }
0x74: {  	_ =	shalt  }
0x75: {  	_ =	shalt  }
0x76: {  	_ =	shalt  }
0x77: {  	_ =	shalt  }
0x78: {  	_ =	shalt  }
0x79: {  	_ =	shalt  }
0x7a: {  	_ =	shalt  }
0x7b: {  	_ =	shalt  }
0x7c: {  	_ =	shalt  }
0x7d: {  	_ =	shalt  }
0x7e: {  	_ =	shalt  }
0x7f: {  	_ =	shalt  }
0x80: {  	_ =	shalt  }
0x81: {  	_ =	shalt  }
0x82: {  	_ =	shalt  }
0x83: {  	_ =	shalt  }
0x84: {  	_ =	shalt  }
0x85: {  	_ =	shalt  }
0x86: {  	_ =	shalt  }
0x87: {  	_ =	shalt  }
.Lfunc_end0:
.L_simem_size_0:
called_computation.2_lowered:
.L_overlay_start_0:
0x88: {  	s2 =	sld [smem:$0x3FD9]  }
0x89: {  	s3 =	sld [smem:$0x3FFE];
	_ =	sdelay $0x1  }
0x8a: {  	s1 =	srdreg.scid  }
0x8b: {  	s0 =	sand.u32 $0x1, s1  }
0x8c: {  	s16 =	sshll.u32 s0, $0xA;
	s2 =	sadd.s32 s3, s2  }
0x8d: {  	s2 =	sadd.s32 s2, s16  }
0x8e: {  	[smem:$0x3FB7] =	sst s2  }
0x8f: {  	_ = 	snop  }
0x90: {  	(tm) =	ssettm $0x1  }
0x91: {  	s17 =	sld [smem:$0x3FFB];
	_ =	sdelay $0x3  }
0x92: {  	_ =	strace s17  }
0x93: {  	s2 =	sld [smem:$0x3FFC];
	_ =	sdelay $0x3  }
0x94: {  	_ =	strace s2  }
0x95: {  	s2 =	sld [smem:$0x3FFD];
	_ =	sdelay $0x3  }
0x96: {  	_ =	strace s2  }
0x97: {  	_ =	strace $0x8FFFFFFF  }
0x98: {  	s18 =	sld [smem:$0x3FDB];
	_ =	sdelay $0x1  }
0x99: {  	s19 =	simm.s32 $_scs_section_size  }
0x9a: {  	s4 =	simm.s32 $_size__tile_overlayer_lowered;
	s5 =	simm.s32 $_tile_overlayer_lowered  }
0x9b: {  	s22 =	simm.s32 $0x1BFF;
	s21 =	sshll.u32 s5, $0x1;
	s2 =	sadd.s32 s19, s18  }
0x9c: {  	s6 =	simm.s32 $0x0;
	s20 =	sshll.u32 s4, $0x1;
	s4 =	sadd.s32 s21, s2  }
0x9d: {  	[timem:s6], [sflag:s22] =	dma.local [hbm:s4], s20  }
0x9e: {  	_ =	swait.ge [sflag:s22], s20  }
0x9f: {  	s3 =	ssub.s32 $0x0, s20;
	[sflag:s22] =	ssyncset.done $0x0  }
0xa0: {  	[sflag:s22] =	ssyncadd.s32 s3;
	_ =	sdelay $0x1  }
0xa1: {  	s23 =	simm.s32 $0x1B8B  }
0xa2: {  	_ =	swait.ge [sflag:s23], $0x1  }
0xa3: {  	[sflag:s23] =	ssyncset.done $0x0  }
0xa4: {  	s25 =	simm.s32 $0x1B8E;
	s24 =	sld [smem:$0x3FFE];
	[sflag:s23] =	ssyncadd.s32 $0xFFFFFFFF  }
0xa5: {  	s26 =	simm.s32 $execute0_lowered;
	[smem:$0x3FD2] =	sst s25  }
0xa6: {  	s4 =	sshll.u32 s26, $0x1;
	_ =	strace $0x8000004C;
	[dreg:$0x1] =	wrdreg $0xFFFFFFFF  }
0xa7: {  	s28 =	simm.s32 $_size_execute0_lowered;
	s2 =	sadd.s32 s2, s4;
	[dreg:$0x0] =	wrdreg $0x0  }
0xa8: {  	s4 =	sshll.u32 s28, $0x1;
	[dreg:$0x2] =	wrdreg s2  }
0xa9: {  	[dreg:$0x3] =	wrdreg s4  }
0xaa: {  	[dreg:$0x4] =	wrdreg $0xC0  }
0xab: {  	_ =	task [dreg:s6], $0x5FFFF  }
0xac: {  	[dreg:$0x1] =	wrdreg $0xFFFFFFFF  }
0xad: {  	[dreg:$0x0] =	wrdreg $0x60  }
0xae: {  	[dreg:$0x2] =	wrdreg s24  }
0xaf: {  	[dreg:$0x3] =	wrdreg $0x0  }
0xb0: {  	[dreg:$0x4] =	wrdreg $0x9  }
0xb1: {  	_ =	task.clear_ibuf [dreg:s6], $0x5FFFF;
	_ =	strace $0x9000004C  }
0xb2: {  	s29 =	simm.s32 $0x9;
	_ =	strace $0x8000004E  }
0xb3: {  	_ =	swait.ge [sflag:s29], $0x1  }
0xb4: {  	[sflag:s29] =	ssyncadd.s32 $0xFFFFFFFF  }
0xb5: {  	_ =	strace $0x9000004E  }
0xb6: {  	_ =	sfence  }
0xb7: {  	s30 =	sld [smem:$0x0];
	_ =	sdelay $0x2  }
0xb8: {  	s31 =	sshll.u32 s1, $0xD;
	s1 =	sshrl.u32 s1, $0x2  }
0xb9: {  	s3 =	sand.u32 $0x4000, s31;
	s1 =	sadd.s32 s1, s30  }
0xba: {  	s0 =	sor.u32 s3, s0;
	s1 =	sshll.u32 s1, $0x11  }
0xbb: {  	s0 =	sor.u32 s1, s0  }
0xbc: {  	s0 =	sadd.s32 $0x8F2B, s0  }
0xbd: {  	[sflag:s0] =	ssyncadd.remote.s32 $0x1  }
0xbe: {  	_ =	sfence.sel $0xFFFF  }
0xbf: {  	[dreg:$0x0] =	wrdreg $0xFFFFFFFF;
	(pc) =	sbr.abs _section_cstart, $3  }
0xc0: {  	[dreg:$0x1] =	wrdreg $0xFFFFFFFF  }
0xc1: {  	_ =	task.clear_ibuf [dreg:s6], $0x2FFFF;
	_ =	strace $0x9FFFFFFF  }
0xc2: {  	(tm) =	ssettm $0x7FFFFFFF  }
0xc3: {  	_ =	shalt  }
tec
execute0_lowered:
.L_overlay_start_1:
0x0: {  	(tag) =	ssettag $0x1  }
0x1: {  	s0 =	srdreg.scid;
	s5 =	rddreg [dreg:$0x0]  }
0x2: {  	s8 =	stileid.u32;
	s2 =	rddreg [dreg:$0x1];
	s3 =	simm.s32 $0x0  }
0x3: {  	s17 =	simm.s32 $0x186A0;
	s18 =	simm.s32 $0x7;
	s19 =	simm.s32 $0x13880  }
0x4: {  	s20 =	simm.s32 $0x15F90;
	s21 =	simm.s32 $0x50;
	s29 =	simm.s32 $0x4  }
0x5: {  	s30 =	simm.s32 $0x5;
	s31 =	simm.s32 $0x3;
	s0 =	sand.u32 $0x1, s0  }
0x6: {  	s6 =	smul.u32 $0x13880, s8;
	[smem:$0x7FF] =	sst s3;
	s1 =	sshll.u32 s0, $0x4  }
0x7: {  	s4 =	smul.u32 $0x138800, s0;
	_ =	strace $0x8000004D;
	s0 =	ssub.s32 $0x2, s0  }
0x8: {  	s1 =	sor.u32 s8, s1;
	s8 =	smul.u32 $0x4E200, s8;
	s23 =	sshrl.u32 s0, $0x1  }
0x9: {  	s1 =	smul.u32 $0x4E2, s1;
	s7 =	sadd.s32 s6, s4;
	s4 =	sadd.s32 $0x18400, s5  }
0xa: {  	s0 =	ssub.s32 s0, s23;
	s23 =	simm.s32 $0x1AEA0;
	s7 =	sshrl.u32 s7, $0x3  }
0xb: {  	s24 =	sshrl.u32 s8, $0x2;
	s16 =	smax.u32 s0, $0x1;
	s0 =	simm.s32 $0x6  }
0xc: {  	s1 =	sadd.s32 s1, s5;
	s15 =	sadd.s32 s7, s5;
	s12 =	sadd.s32 s24, s2  }
0xd: {  	s5 =	sadd.s32 s6, s2;
	s25 =	sadd.s32 $0x2800, s12;
	s26 =	sadd.s32 $0x5000, s12  }
.Ltmp0:
0xe: {  	s28 =	sadd.s32 $0x7800, s12;
	s9 =	sadd.s32 $0xA000, s12;
	(pc) =	sbr.rel .LBB2_1-.Ltmp0, $4  }
0xf: {  	s10 =	sadd.s32 $0xC800, s12;
	s11 =	sadd.s32 $0xF000, s12;
	s12 =	sadd.s32 $0x11800, s12  }
0x10: {  	s13 =	sadd.s32 $0xE600, s1;
	s14 =	sadd.s32 $0x4800, s1;
	[dreg:$0x3] =	wrdreg s25  }
0x11: {  	s15 =	sadd.s32 $0x3F600, s15;
	s1 =	simm.s32 $0x1;
	[dreg:$0x4] =	wrdreg s26  }
0x12: {  	v0 =	vimm.f32 $0.0e+00;
	[dreg:$0x5] =	wrdreg s28;
	s25 =	simm.s32 $0x1D6A0;
	s26 =	simm.s32 $0x2  }
.LBB2_6:
0x13: {  	_ =	swait.ge [sflag:s30], $0x2800  }
0x14: {  	[sflag:s30] =	ssyncset.done $0x0  }
0x15: {  	[sflag:s30] =	ssyncadd.s32 $0xFFFFD800  }
.LBB2_7:
0x16: {  	s6 =	stileid.u32;
	s3 =	sadd.s32 $0x1, s3  }
0x17: {  	[bflag:$0x0] =	sbarrier.arrive $0xFFFF;
	s6 =	sshll.u32 s6, $0x6;
	p0 =	sne.s32 s3, s16  }
.Ltmp1:
0x18: {  	s7 =	sshrl.u32 s5, $0x3;
	s6 =	sor.u32 $0x1C07, s6;
	(pc) =	sbr.rel @!p0 .LBB2_8-.Ltmp1, $4  }
0x19: {  	[hbm:s15], [sflag:s6] =	dma.local [spmem:s7], $0x2710  }
0x1a: {  	_ =	swait.ge [sflag:s18], $0x2710  }
0x1b: {  	[sflag:s18] =	ssyncset.done $0x0  }
0x1c: {  	[sflag:s18] =	ssyncadd.s32 $0xFFFFD8F0  }
.LBB2_1:
0x1d: {  	s22 =	simm.s32 $0x0;
	s24 =	simm.s32 $0x200  }
.LBB2_2:
0x1e: {  	p0 =	sne.s32 s24, $0x9E00;
	[tilespmem:s22+$0x18710] =	vst v0  }
0x1f: {  	[tilespmem:s22+$0x186A0] =	vst v0  }
0x20: {  	[tilespmem:s22+$0x186B0] =	vst v0  }
.Ltmp2:
0x21: {  	[tilespmem:s22+$0x186C0] =	vst v0;
	(pc) =	sbr.rel @p0 .LBB2_2-.Ltmp2, $4  }
0x22: {  	[tilespmem:s22+$0x186D0] =	vst v0  }
0x23: {  	[tilespmem:s22+$0x186E0] =	vst v0  }
0x24: {  	[tilespmem:s22+$0x186F0] =	vst v0  }
0x25: {  	[tilespmem:s22+$0x18700] =	vst v0;
	s22 =	sshra.s32 s24, $0x2;
	s24 =	sadd.s32 $0x200, s24  }
0x26: {  	[tilespmem:s22+$0x18710] =	vst v0  }
0x27: {  	[tilespmem:s22+$0x186A0] =	vst v0  }
0x28: {  	[tilespmem:s22+$0x186B0] =	vst v0  }
0x29: {  	[tilespmem:s22+$0x186C0] =	vst v0  }
0x2a: {  	[tilespmem:s22+$0x186D0] =	vst v0  }
0x2b: {  	[tilespmem:s22+$0x186E0] =	vst v0  }
0x2c: {  	[tilespmem:s22+$0x186F0] =	vst v0  }
0x2d: {  	[tilespmem:s22+$0x18700] =	vst v0  }
0x2e: {  	[spmem:s5] =	stream.linear.scatter [tilespmem:s17], [sflag:$0x7], $0x2800, $0x38;
	[tilespmem:$0x1FEA0] =	vst v63  }
0x2f: {  	_ =	swait.ge [sflag:s18], $0x2800  }
0x30: {  	[sflag:s18] =	ssyncset.done $0x0  }
0x31: {  	s6 =	rddreg [dreg:$0x3];
	[sflag:s18] =	ssyncadd.s32 $0xFFFFD800  }
0x32: {  	[spmem:s6] =	stream.linear.scatter [tilespmem:s17], [sflag:$0x7], $0x2800, $0x38;
	[tilespmem:$0x1FEA0] =	vst v63  }
0x33: {  	_ =	swait.ge [sflag:s18], $0x2800  }
0x34: {  	[sflag:s18] =	ssyncset.done $0x0  }
0x35: {  	s24 =	rddreg [dreg:$0x4];
	[sflag:s18] =	ssyncadd.s32 $0xFFFFD800  }
0x36: {  	[spmem:s24] =	stream.linear.scatter [tilespmem:s17], [sflag:$0x7], $0x2800, $0x38;
	[tilespmem:$0x1FEA0] =	vst v63  }
0x37: {  	_ =	swait.ge [sflag:s18], $0x2800  }
0x38: {  	[sflag:s18] =	ssyncset.done $0x0  }
0x39: {  	s28 =	rddreg [dreg:$0x5];
	[sflag:s18] =	ssyncadd.s32 $0xFFFFD800  }
0x3a: {  	[spmem:s28] =	stream.linear.scatter [tilespmem:s17], [sflag:$0x7], $0x2800, $0x38;
	[tilespmem:$0x1FEA0] =	vst v63  }
0x3b: {  	_ =	swait.ge [sflag:s18], $0x2800  }
0x3c: {  	[sflag:s18] =	ssyncset.done $0x0  }
0x3d: {  	[sflag:s18] =	ssyncadd.s32 $0xFFFFD800  }
0x3e: {  	[spmem:s9] =	stream.linear.scatter [tilespmem:s17], [sflag:$0x7], $0x2800, $0x38;
	[tilespmem:$0x1FEA0] =	vst v63  }
0x3f: {  	_ =	swait.ge [sflag:s18], $0x2800  }
0x40: {  	[sflag:s18] =	ssyncset.done $0x0  }
0x41: {  	[sflag:s18] =	ssyncadd.s32 $0xFFFFD800  }
0x42: {  	[spmem:s10] =	stream.linear.scatter [tilespmem:s17], [sflag:$0x7], $0x2800, $0x38;
	[tilespmem:$0x1FEA0] =	vst v63  }
0x43: {  	_ =	swait.ge [sflag:s18], $0x2800  }
0x44: {  	[sflag:s18] =	ssyncset.done $0x0  }
0x45: {  	[sflag:s18] =	ssyncadd.s32 $0xFFFFD800  }
0x46: {  	[spmem:s11] =	stream.linear.scatter [tilespmem:s17], [sflag:$0x7], $0x2800, $0x38;
	[tilespmem:$0x1FEA0] =	vst v63  }
0x47: {  	_ =	swait.ge [sflag:s18], $0x2800  }
0x48: {  	[sflag:s18] =	ssyncset.done $0x0  }
0x49: {  	[sflag:s18] =	ssyncadd.s32 $0xFFFFD800  }
0x4a: {  	[spmem:s12] =	stream.linear.scatter [tilespmem:s17], [sflag:$0x7], $0x2080, $0x38;
	[tilespmem:$0x1FEA0] =	vst v63  }
0x4b: {  	_ =	swait.ge [sflag:s18], $0x2080  }
0x4c: {  	[sflag:s18] =	ssyncset.done $0x0  }
0x4d: {  	[sflag:s18] =	ssyncadd.s32 $0xFFFFDF80  }
0x4e: {  	s22 =	simm.s32 $0x0;
	[bflag:$0x0] =	sbarrier.arrive $0xFFFF  }
0x4f: {  	[tilespmem:s19], [sflag:$0x7] =	stream.linear.gather [hbm4b:s13+s22], $0x2710, $0x38;
	[tilespmem:$0x1FEA0] =	vst v63  }
0x50: {  	_ =	swait.ge [sflag:s18], $0x2710  }
0x51: {  	[sflag:s18] =	ssyncset.done $0x0  }
0x52: {  	[sflag:s18] =	ssyncadd.s32 $0xFFFFD8F0  }
0x53: {  	[tilespmem:s20], [sflag:$0x7] =	stream.linear.gather [hbm4b:s14+s22], $0x2710, $0x38;
	[tilespmem:$0x1FEA0] =	vst v63  }
0x54: {  	_ =	swait.ge [sflag:s18], $0x2710  }
0x55: {  	[sflag:s18] =	ssyncset.done $0x0  }
0x56: {  	[sflag:s18] =	ssyncadd.s32 $0xFFFFD8F0  }
0x57: {  	[tilespmem:s17], [sflag:$0x1] =	stream.indirect.gather [hbm4b:s4+s21], $0x80, s19, s21, $0xb8;
	[tilespmem:$0x1FEA0] =	vst v63  }
0x58: {  	s7 =	simm.s32 $0x138D0;
	s24 =	simm.s32 $0x1  }
0x59: {  	[tilespmem:s23], [sflag:$0x2] =	stream.indirect.gather [hbm4b:s4+s21], $0x80, s7, s21, $0xb8;
	[tilespmem:$0x1FEA0] =	vst v63  }
0x5a: {  	_ =	swait.ge [sflag:s24], $0x2800  }
0x5b: {  	[sflag:s24] =	ssyncset.done $0x0  }
0x5c: {  	[sflag:s24] =	ssyncadd.s32 $0xFFFFD800  }
0x5d: {  	[spmem:s2] =	stream.indirect.scatter.add.f32 [tilespmem:s17], [sflag:$0x4], $0x80, s20, s21, $0xb8;
	[tilespmem:$0x1FEA0] =	vst v63  }
0x5e: {  	s8 =	simm.s32 $0x13920  }
0x5f: {  	[tilespmem:s25], [sflag:$0x3] =	stream.indirect.gather [hbm4b:s4+s21], $0x80, s8, s21, $0xb8;
	[tilespmem:$0x1FEA0] =	vst v63  }
0x60: {  	_ =	swait.ge [sflag:s26], $0x2800  }
0x61: {  	[sflag:s26] =	ssyncset.done $0x0  }
0x62: {  	s28 =	simm.s32 $0x15FE0;
	[sflag:s26] =	ssyncadd.s32 $0xFFFFD800  }
0x63: {  	[spmem:s2] =	stream.indirect.scatter.add.f32 [tilespmem:s23], [sflag:$0x5], $0x80, s28, s21, $0xb8;
	[tilespmem:$0x1FEA0] =	vst v63  }
.LBB2_4:
0x64: {  	p0 =	seq.s32 s22, $0x99C0  }
.Ltmp3:
0x65: {  	_ = 	snop;
	(pc) =	sbr.rel @p0 .LBB2_6-.Ltmp3, $4  }
0x66: {  	_ = 	snop  }
0x67: {  	_ =	swait.ge [sflag:s29], $0x2800  }
0x68: {  	[sflag:s29] =	ssyncset.done $0x0  }
0x69: {  	[sflag:s29] =	ssyncadd.s32 $0xFFFFD800  }
0x6a: {  	s28 =	sshra.s32 s22, $0x2  }
0x6b: {  	s6 =	sadd.s32 $0x13970, s28  }
0x6c: {  	[tilespmem:s17], [sflag:$0x1] =	stream.indirect.gather [hbm4b:s4+s21], $0x80, s6, s21, $0xb8;
	[tilespmem:$0x1FEA0] =	vst v63  }
0x6d: {  	_ =	swait.ge [sflag:s31], $0x2800  }
0x6e: {  	[sflag:s31] =	ssyncset.done $0x0  }
0x6f: {  	s8 =	sadd.s32 $0x16030, s28;
	[sflag:s31] =	ssyncadd.s32 $0xFFFFD800  }
0x70: {  	[spmem:s2] =	stream.indirect.scatter.add.f32 [tilespmem:s25], [sflag:$0x6], $0x80, s8, s21, $0xb8;
	[tilespmem:$0x1FEA0] =	vst v63  }
0x71: {  	_ =	swait.ge [sflag:s30], $0x2800  }
0x72: {  	[sflag:s30] =	ssyncset.done $0x0  }
0x73: {  	s7 =	sadd.s32 $0x139C0, s28;
	[sflag:s30] =	ssyncadd.s32 $0xFFFFD800  }
0x74: {  	[tilespmem:s23], [sflag:$0x2] =	stream.indirect.gather [hbm4b:s4+s21], $0x80, s7, s21, $0xb8;
	[tilespmem:$0x1FEA0] =	vst v63  }
0x75: {  	_ =	swait.ge [sflag:s1], $0x2800  }
0x76: {  	[sflag:s1] =	ssyncset.done $0x0  }
0x77: {  	p0 =	sgt.u32 s24, $0x28;
	s8 =	sadd.s32 $0x16080, s28;
	[sflag:s1] =	ssyncadd.s32 $0xFFFFD800  }
0x78: {  	[spmem:s2] =	stream.indirect.scatter.add.f32 [tilespmem:s17], [sflag:$0x4], $0x80, s8, s21, $0xb8;
	[tilespmem:$0x1FEA0] =	vst v63  }
0x79: {  	s6 =	sshra.s32 @!p0 s22, $0x2;
	_ =	swait.ge [sflag:s0], $0x2800  }
0x7a: {  	s22 =	sadd.s32 $0x3C0, s22;
	s6 =	sadd.s32 @!p0 $0x13A10, s6;
	[sflag:s0] =	ssyncset.done $0x0  }
0x7b: {  	s7 =	simm.s32 @!p0 $0x50;
	s8 =	simm.s32 @!p0 $0x1D6A0;
	[sflag:s0] =	ssyncadd.s32 $0xFFFFD800  }
0x7c: {  	[tilespmem:s8], [sflag:$0x3] =	stream.indirect.gather @!p0 [hbm4b:s4+s7], $0x80, s6, s7, $0xb8;
	[tilespmem:$0x1FEA0] =	vst v63  }
0x7d: {  	p0 =	seq.s32 s22, $0x9D80  }
.Ltmp4:
0x7e: {  	_ = 	snop;
	(pc) =	sbr.rel @!p0 .LBB2_4-.Ltmp4, $4  }
.Ltmp5:
0x7f: {  	_ =	swait.ge [sflag:s26], $0x2800;
	(pc) =	sbr.rel @p0 .LBB2_7-.Ltmp5, $4  }
0x80: {  	[sflag:s26] =	ssyncset.done $0x0  }
0x81: {  	s24 =	sadd.s32 $0x1, s24;
	s28 =	sadd.s32 $0x160D0, s28;
	[sflag:s26] =	ssyncadd.s32 $0xFFFFD800  }
0x82: {  	[spmem:s2] =	stream.indirect.scatter.add.f32 [tilespmem:s23], [sflag:$0x5], $0x80, s28, s21, $0xb8;
	[tilespmem:$0x1FEA0] =	vst v63  }
0x83: {  	_ = 	snop  }
.LBB2_8:
0x84: {  	_ =	sfence.sel $0x180000  }
0x85: {  	[bflag:$0x0] =	sbarrier.arrive $0xFFFF  }
0x86: {  	_ =	strace $0x9000004D  }
0x87: {  	s0 =	stileid.u32;
	[bflag:$0x2] =	sbarrier.arrive $0xFFFF  }
0x88: {  	p0 =	sne.s32 s0, $0x0;
	s0 =	rddreg [dreg:$0x2]  }
0x89: {  	s0 =	sadd.s32 @!p0 $0x100000, s0  }
0x8a: {  	[sflag:s0] =	ssyncadd.tile.s32 @!p0 $0x1;
	_ =	shalt  }
.Lfunc_end2:
_tile_overlayer_lowered:
.L_overlay_start_2:
0x8b: {  	(tag) =	ssettag $0x2  }
0x8c: {  	s0 =	rddreg [dreg:$0x0];
	s2 =	stileid.u32  }
0x8d: {  	s1 =	rddreg [dreg:$0x1];
	p0 =	sne.s32 s2, $0x0  }
0x8e: {  	s3 =	rddreg [dreg:$0x2];
	[bflag:$0x3] =	sbarrier.arrive $0xFFFF;
	s2 =	simm.s32 @!p0 $0x1C07  }
0x8f: {  	[timem:s3], [sflag:s2] =	dma.local @!p0 [hbm:s0], s1  }
0x90: {  	s0 =	simm.s32 @!p0 $0x7  }
0x91: {  	_ =	swait.ge @!p0 [sflag:s0], s1  }
0x92: {  	s1 =	ssub.s32 @!p0 $0x0, s1;
	[sflag:s0] =	ssyncset.done @!p0 $0x0  }
0x93: {  	[sflag:s0] =	ssyncadd.s32 @!p0 s1  }
0x94: {  	[bflag:$0x3] =	sbarrier.arrive $0xFFFF  }
0x95: {  	_ =	shalt  }

// kernel: kernel.18.cloned.1.call-start
scs
__scs_entry_jumppad:
0x0: {  	(pc) =	sbr.rel $0x88, $3  }
0x1: {  	(tag) =	ssettag $0x0;
	lr =	simm.s32 $0x1  }
0x2: {  	[smem:$0x3F90] =	sst lr;
	_ =	strace $0xD0000000  }
0x3: {  	_ = 	snop  }
0x4: {  	_ = 	snop  }
0x5: {  	_ = 	snop  }
0x6: {  	_ = 	snop  }
0x7: {  	_ = 	snop  }
__scs_overlays_trampoline_lowered:
0x8: {  	[smem:$0x3F9F] =	sst s0  }
0x9: {  	[smem:$0x3FA0] =	sst s1  }
0xa: {  	[smem:$0x3FA1] =	sst s2  }
0xb: {  	[smem:$0x3FA2] =	sst s3  }
0xc: {  	[smem:$0x3FA3] =	sst s4  }
0xd: {  	[smem:$0x3FA4] =	sst s5  }
0xe: {  	[smem:$0x3FA5] =	sst s6  }
0xf: {  	[smem:$0x3FA6] =	sst s7  }
0x10: {  	[smem:$0x3FA7] =	sst s8  }
0x11: {  	[smem:$0x3FA8] =	sst s9;
	s0 =	simm.s32 @!p0 $0x0  }
0x12: {  	s1 =	sld [smem:$0x3F8E];
	s0 =	simm.s32 @p0 $0x1  }
0x13: {  	[smem:$0x3FA9] =	sst s0;
	s0 =	simm.s32 @!p1 $0x0  }
0x14: {  	s2 =	sld [smem:$0x3F8D];
	s0 =	simm.s32 @p1 $0x1  }
0x15: {  	[smem:$0x3FAA] =	sst s0;
	s0 =	simm.s32 @!p2 $0x0  }
0x16: {  	s3 =	sld [smem:$0x3FDB];
	s0 =	simm.s32 @p2 $0x1  }
0x17: {  	s4 =	simm.s32 $0x1BF5;
	[smem:$0x3FAC] =	sst s0  }
0x18: {  	s0 =	sld [smem:$0x3F8F];
	_ =	swait.ge [sflag:s4], $0x0  }
0x19: {  	s7 =	sld [smem:$0x3F90]  }
0x1a: {  	s8 =	sadd.s32 $0xFFFFE003, lr  }
0x1b: {  	s9 =	sadd.s32 $0xFFFFFEF7, lr;
	s5 =	simm.s32 $0xFFFFFFFF;
	p2 =	slt.u32 s8, $0xFFFFF086  }
0x1c: {  	p1 =	slt.u32 s9, $0xF7A;
	s5 =	simm.s32 @!p2 $0x0  }
0x1d: {  	s5 =	simm.s32 @p1 $0x1;
	p0 =	seq.s32 s7, s2  }
0x1e: {  	s7 =	smul.u32 @!p0 $0xF7A, s2;
	p2 =	seq.s32 @!p0 s5, $0x0  }
0x1f: {  	s9 =	smul.u32 $0xF7A, s1;
	s8 =	simm.s32 @!p0 $0x1BF5;
	p2 =	por !p2, p0  }
0x20: {  	[sflag:s8] =	ssyncset.s32 @!p0 $0xFFFFF086;
	s6 =	sadd.s32 @!p0 s3, s7;
	s7 =	simm.s32 @!p0 $0x108  }
0x21: {  	s3 =	sadd.s32 s3, s9;
	s6 =	sadd.s32 @!p0 $0x88, s6;
	s7 =	simm.s32 @p2 $0x1082  }
0x22: {  	[simem:s7], [sflag:s8] =	dma.local @!p0 [hbm:s6], $0xF7A  }
0x23: {  	s9 =	sor.u32 $0xD0000000, s2;
	s6 =	simm.s32 $0x108;
	_ =	swait.ge @!p0 [sflag:s8], $0x0  }
0x24: {  	s3 =	sadd.s32 $0x88, s3;
	s6 =	simm.s32 @!p1 $0x1082;
	[sflag:s4] =	ssyncset.s32 $0xFFFFF086  }
0x25: {  	[simem:s6], [sflag:s4] =	dma.local [hbm:s3], $0xF7A  }
0x26: {  	[smem:$0x3F90] =	sst s1;
	(tag) =	ssettag s2;
	_ =	strace s9  }
0x27: {  	s1 =	sld [smem:$0x3FA0]  }
0x28: {  	s2 =	sld [smem:$0x3FA1]  }
0x29: {  	s4 =	sld [smem:$0x3FA3]  }
0x2a: {  	p0 =	seq.s32 s5, $0x0;
	s5 =	sld [smem:$0x3FA4]  }
0x2b: {  	s6 =	sld [smem:$0x3FA5]  }
0x2c: {  	s7 =	sld [smem:$0x3FA6]  }
0x2d: {  	s3 =	simm.s32 $0x108;
	s8 =	sld [smem:$0x3FA7]  }
0x2e: {  	s3 =	simm.s32 @!p0 $0x1082;
	s9 =	sld [smem:$0x3FA8]  }
0x2f: {  	lr =	sadd.s32 s0, s3;
	s0 =	sld [smem:$0x3F9F]  }
0x30: {  	s3 =	sld [smem:$0x3FA2]  }
0x31: {  	[smem:$0x3FAB] =	sst s10  }
0x32: {  	s10 =	sld [smem:$0x3FA9];
	_ =	sdelay $0x3  }
0x33: {  	p0 =	seq.s32 s10, $0x1;
	s10 =	sld [smem:$0x3FAB];
	_ =	sdelay $0x3  }
0x34: {  	[smem:$0x3FAB] =	sst s10  }
0x35: {  	s10 =	sld [smem:$0x3FAA];
	_ =	sdelay $0x3  }
0x36: {  	p1 =	seq.s32 s10, $0x1;
	s10 =	sld [smem:$0x3FAB];
	_ =	sdelay $0x3  }
0x37: {  	[smem:$0x3FAB] =	sst s10  }
0x38: {  	s10 =	sld [smem:$0x3FAC]  }
0x39: {  	_ = 	snop;
	(pc) =	sbr.ind lr, $3  }
0x3a: {  	_ = 	snop  }
0x3b: {  	_ = 	snop  }
0x3c: {  	p2 =	seq.s32 s10, $0x1;
	s10 =	sld [smem:$0x3FAB]  }
0x3d: {  	_ =	shalt  }
0x3e: {  	_ =	shalt  }
0x3f: {  	_ =	shalt  }
0x40: {  	_ =	shalt  }
0x41: {  	_ =	shalt  }
0x42: {  	_ =	shalt  }
0x43: {  	_ =	shalt  }
0x44: {  	_ =	shalt  }
0x45: {  	_ =	shalt  }
0x46: {  	_ =	shalt  }
0x47: {  	_ =	shalt  }
0x48: {  	_ =	shalt  }
0x49: {  	_ =	shalt  }
0x4a: {  	_ =	shalt  }
0x4b: {  	_ =	shalt  }
0x4c: {  	_ =	shalt  }
0x4d: {  	_ =	shalt  }
0x4e: {  	_ =	shalt  }
0x4f: {  	_ =	shalt  }
0x50: {  	_ =	shalt  }
0x51: {  	_ =	shalt  }
0x52: {  	_ =	shalt  }
0x53: {  	_ =	shalt  }
0x54: {  	_ =	shalt  }
0x55: {  	_ =	shalt  }
0x56: {  	_ =	shalt  }
0x57: {  	_ =	shalt  }
0x58: {  	_ =	shalt  }
0x59: {  	_ =	shalt  }
0x5a: {  	_ =	shalt  }
0x5b: {  	_ =	shalt  }
0x5c: {  	_ =	shalt  }
0x5d: {  	_ =	shalt  }
0x5e: {  	_ =	shalt  }
0x5f: {  	_ =	shalt  }
0x60: {  	_ =	shalt  }
0x61: {  	_ =	shalt  }
0x62: {  	_ =	shalt  }
0x63: {  	_ =	shalt  }
0x64: {  	_ =	shalt  }
0x65: {  	_ =	shalt  }
0x66: {  	_ =	shalt  }
0x67: {  	_ =	shalt  }
0x68: {  	_ =	shalt  }
0x69: {  	_ =	shalt  }
0x6a: {  	_ =	shalt  }
0x6b: {  	_ =	shalt  }
0x6c: {  	_ =	shalt  }
0x6d: {  	_ =	shalt  }
0x6e: {  	_ =	shalt  }
0x6f: {  	_ =	shalt  }
0x70: {  	_ =	shalt  }
0x71: {  	_ =	shalt  }
0x72: {  	_ =	shalt  }
0x73: {  	_ =	shalt  }
0x74: {  	_ =	shalt  }
0x75: {  	_ =	shalt  }
0x76: {  	_ =	shalt  }
0x77: {  	_ =	shalt  }
0x78: {  	_ =	shalt  }
0x79: {  	_ =	shalt  }
0x7a: {  	_ =	shalt  }
0x7b: {  	_ =	shalt  }
0x7c: {  	_ =	shalt  }
0x7d: {  	_ =	shalt  }
0x7e: {  	_ =	shalt  }
0x7f: {  	_ =	shalt  }
0x80: {  	_ =	shalt  }
0x81: {  	_ =	shalt  }
0x82: {  	_ =	shalt  }
0x83: {  	_ =	shalt  }
0x84: {  	_ =	shalt  }
0x85: {  	_ =	shalt  }
0x86: {  	_ =	shalt  }
0x87: {  	_ =	shalt  }
.Lfunc_end0:
.L_simem_size_0:
called_computation.3_lowered:
.L_overlay_start_0:
0x88: {  	s2 =	sld [smem:$0x3FD9]  }
0x89: {  	s3 =	sld [smem:$0x3FFE];
	_ =	sdelay $0x1  }
0x8a: {  	s1 =	srdreg.scid  }
0x8b: {  	s0 =	sand.u32 $0x1, s1  }
0x8c: {  	s17 =	sshll.u32 s0, $0xA;
	s2 =	sadd.s32 s3, s2  }
0x8d: {  	s2 =	sadd.s32 s2, s17  }
0x8e: {  	[smem:$0x3FB7] =	sst s2  }
0x8f: {  	_ = 	snop  }
0x90: {  	s2 =	sld [smem:$0x3FD0];
	(tm) =	ssettm $0x1  }
0x91: {  	s18 =	sld [smem:$0x3FFB];
	_ =	sdelay $0x3  }
0x92: {  	_ =	strace s18  }
0x93: {  	s3 =	sld [smem:$0x3FFC];
	_ =	sdelay $0x3  }
0x94: {  	_ =	strace s3  }
0x95: {  	s3 =	sld [smem:$0x3FFD];
	_ =	sdelay $0x3  }
0x96: {  	_ =	strace s3  }
0x97: {  	_ =	strace $0x8FFFFFFF  }
0x98: {  	s19 =	sld [smem:$0x3FDB];
	_ =	sdelay $0x1  }
0x99: {  	s4 =	simm.s32 $_scs_section_size  }
0x9a: {  	s5 =	simm.s32 $_size__tile_overlayer_lowered;
	s6 =	simm.s32 $_tile_overlayer_lowered  }
0x9b: {  	s22 =	simm.s32 $0x1BFF;
	s21 =	sshll.u32 s6, $0x1;
	s3 =	sadd.s32 s4, s19  }
0x9c: {  	s7 =	simm.s32 $0x0;
	s20 =	sshll.u32 s5, $0x1;
	s5 =	sadd.s32 s21, s3  }
0x9d: {  	[timem:s7], [sflag:s22] =	dma.local [hbm:s5], s20  }
0x9e: {  	_ =	swait.ge [sflag:s22], s20  }
0x9f: {  	s4 =	ssub.s32 $0x0, s20;
	[sflag:s22] =	ssyncset.done $0x0  }
0xa0: {  	[sflag:s22] =	ssyncadd.s32 s4;
	_ =	sdelay $0x1  }
0xa1: {  	s23 =	simm.s32 $0x1B8B  }
0xa2: {  	_ =	swait.ge [sflag:s23], $0x1  }
0xa3: {  	[sflag:s23] =	ssyncset.done $0x0  }
0xa4: {  	s25 =	simm.s32 $0x1B8E;
	s24 =	sld [smem:$0x3FFE];
	[sflag:s23] =	ssyncadd.s32 $0xFFFFFFFF  }
0xa5: {  	s26 =	simm.s32 $execute0_lowered;
	[smem:$0x3FD2] =	sst s25  }
0xa6: {  	s5 =	sshll.u32 s26, $0x1;
	_ =	strace $0x8000004F;
	[dreg:$0x1] =	wrdreg $0xFFFFFFFF  }
0xa7: {  	s28 =	simm.s32 $_size_execute0_lowered;
	s3 =	sadd.s32 s3, s5;
	[dreg:$0x0] =	wrdreg $0x0  }
0xa8: {  	s5 =	sshll.u32 s28, $0x1;
	[dreg:$0x2] =	wrdreg s3  }
0xa9: {  	[dreg:$0x3] =	wrdreg s5  }
0xaa: {  	[dreg:$0x4] =	wrdreg $0xC0  }
0xab: {  	_ =	task [dreg:s7], $0x5FFFF  }
0xac: {  	[dreg:$0x1] =	wrdreg $0xFFFFFFFF  }
0xad: {  	[dreg:$0x0] =	wrdreg $0x60  }
0xae: {  	[dreg:$0x2] =	wrdreg s24  }
0xaf: {  	[dreg:$0x3] =	wrdreg s2  }
0xb0: {  	[dreg:$0x4] =	wrdreg $0x0  }
0xb1: {  	[dreg:$0x5] =	wrdreg $0x9  }
0xb2: {  	_ =	task.clear_ibuf [dreg:s7], $0x6FFFF;
	_ =	strace $0x9000004F  }
0xb3: {  	s29 =	simm.s32 $0x9;
	_ =	strace $0x80000051  }
0xb4: {  	_ =	swait.ge [sflag:s29], $0x1  }
0xb5: {  	[sflag:s29] =	ssyncadd.s32 $0xFFFFFFFF  }
0xb6: {  	_ =	strace $0x90000051  }
0xb7: {  	_ =	sfence  }
0xb8: {  	s30 =	sld [smem:$0x0];
	_ =	sdelay $0x2  }
0xb9: {  	s31 =	sshll.u32 s1, $0xD;
	s1 =	sshrl.u32 s1, $0x2  }
0xba: {  	s3 =	sand.u32 $0x4000, s31;
	s1 =	sadd.s32 s1, s30  }
0xbb: {  	s0 =	sor.u32 s3, s0;
	s1 =	sshll.u32 s1, $0x11  }
0xbc: {  	s0 =	sor.u32 s1, s0  }
0xbd: {  	s0 =	sadd.s32 $0x8F2B, s0  }
0xbe: {  	[sflag:s0] =	ssyncadd.remote.s32 $0x1  }
0xbf: {  	_ =	sfence.sel $0xFFFF  }
0xc0: {  	[dreg:$0x0] =	wrdreg $0xFFFFFFFF;
	(pc) =	sbr.abs _section_cstart, $3  }
0xc1: {  	[dreg:$0x1] =	wrdreg $0xFFFFFFFF  }
0xc2: {  	_ =	task.clear_ibuf [dreg:s7], $0x2FFFF;
	_ =	strace $0x9FFFFFFF  }
0xc3: {  	(tm) =	ssettm $0x7FFFFFFF  }
tec
execute0_lowered:
.L_overlay_start_1:
0x0: {  	(tag) =	ssettag $0x1  }
0x1: {  	s0 =	rddreg [dreg:$0x0]  }
0x2: {  	s2 =	rddreg [dreg:$0x1]  }
0x3: {  	s4 =	srdreg.scid;
	s1 =	stileid.u32  }
0x4: {  	s3 =	rddreg [dreg:$0x2];
	s17 =	simm.s32 $0xEA60;
	s7 =	smul.u32 $0x9C40, s1  }
0x5: {  	s18 =	simm.s32 $0xB;
	s5 =	sand.u32 $0x1, s4;
	s9 =	smul.u32 $0x27100, s1  }
0x6: {  	s4 =	simm.s32 $0x0;
	s6 =	sshll.u32 s5, $0x4;
	s8 =	smul.u32 $0x9C400, s5  }
0x7: {  	[smem:$0x7FF] =	sst s4;
	s5 =	ssub.s32 $0x2, s5;
	s6 =	sor.u32 s1, s6  }
0x8: {  	_ =	strace $0x80000050;
	s24 =	sshrl.u32 s5, $0x1;
	s25 =	sshrl.u32 s9, $0x2  }
0x9: {  	s6 =	smul.u32 $0x4E2, s6;
	s8 =	sadd.s32 s7, s8;
	s12 =	sadd.s32 s25, s3  }
0xa: {  	s16 =	ssub.s32 s5, s24;
	s5 =	sadd.s32 s7, s3;
	s26 =	sadd.s32 $0x1400, s12  }
0xb: {  	s23 =	sshrl.u32 s8, $0x3;
	s28 =	sadd.s32 $0x2800, s12;
	[dreg:$0x4] =	wrdreg s26  }
0xc: {  	s29 =	sadd.s32 $0x3C00, s12;
	s30 =	sadd.s32 $0x5000, s12;
	[dreg:$0x5] =	wrdreg s28  }
0xd: {  	s31 =	sadd.s32 $0x6400, s12;
	s11 =	sadd.s32 $0x7800, s12;
	[dreg:$0x6] =	wrdreg s29  }
0xe: {  	s12 =	sadd.s32 $0x8C00, s12;
	s16 =	smax.u32 s16, $0x1;
	[dreg:$0x7] =	wrdreg s30  }
0xf: {  	s14 =	sadd.s32 s6, s0;
	s0 =	sadd.s32 s23, s0;
	[dreg:$0x8] =	wrdreg s31  }
0x10: {  	v0 =	vimm.f32 $0.0e+00;
	s13 =	sadd.s32 $0xE600, s14;
	s14 =	sadd.s32 $0x4800, s14;
	s15 =	sadd.s32 $0x18400, s0  }
.LBB2_1:
0x11: {  	s19 =	simm.s32 $0x100;
	s0 =	simm.s32 $0x0  }
.LBB2_2:
0x12: {  	p0 =	sne.s32 s19, $0x4F00;
	[tilespmem:s0+$0xEA90] =	vst v0;
	s20 =	smov.u32 s19;
	s19 =	sadd.s32 $0x100, s19  }
.Ltmp0:
0x13: {  	[tilespmem:s0+$0xEA80] =	vst v0;
	(pc) =	sbr.rel @p0 .LBB2_2-.Ltmp0, $3  }
0x14: {  	[tilespmem:s0+$0xEA60] =	vst v0  }
0x15: {  	[tilespmem:s0+$0xEA70] =	vst v0;
	_ =	sdelay $0x1  }
0x16: {  	s0 =	sshra.s32 s20, $0x2  }
0x17: {  	[tilespmem:s0+$0xEA90] =	vst v0  }
0x18: {  	[tilespmem:s0+$0xEA80] =	vst v0  }
0x19: {  	[tilespmem:s0+$0xEA60] =	vst v0  }
0x1a: {  	[tilespmem:s0+$0xEA70] =	vst v0  }
0x1b: {  	[spmem:s5] =	stream.linear.scatter [tilespmem:s17], [sflag:$0xB], $0x1400, $0x38;
	[tilespmem:$0x14E60] =	vst v63  }
0x1c: {  	_ =	swait.ge [sflag:s18], $0x1400  }
0x1d: {  	[sflag:s18] =	ssyncset.done $0x0  }
0x1e: {  	s23 =	rddreg [dreg:$0x4];
	[sflag:s18] =	ssyncadd.s32 $0xFFFFEC00  }
0x1f: {  	[spmem:s23] =	stream.linear.scatter [tilespmem:s17], [sflag:$0xB], $0x1400, $0x38;
	[tilespmem:$0x14E60] =	vst v63  }
0x20: {  	_ =	swait.ge [sflag:s18], $0x1400  }
0x21: {  	[sflag:s18] =	ssyncset.done $0x0  }
0x22: {  	s24 =	rddreg [dreg:$0x5];
	[sflag:s18] =	ssyncadd.s32 $0xFFFFEC00  }
0x23: {  	[spmem:s24] =	stream.linear.scatter [tilespmem:s17], [sflag:$0xB], $0x1400, $0x38;
	[tilespmem:$0x14E60] =	vst v63  }
0x24: {  	_ =	swait.ge [sflag:s18], $0x1400  }
0x25: {  	[sflag:s18] =	ssyncset.done $0x0  }
0x26: {  	s25 =	rddreg [dreg:$0x6];
	[sflag:s18] =	ssyncadd.s32 $0xFFFFEC00  }
0x27: {  	[spmem:s25] =	stream.linear.scatter [tilespmem:s17], [sflag:$0xB], $0x1400, $0x38;
	[tilespmem:$0x14E60] =	vst v63  }
0x28: {  	_ =	swait.ge [sflag:s18], $0x1400  }
0x29: {  	[sflag:s18] =	ssyncset.done $0x0  }
0x2a: {  	s26 =	rddreg [dreg:$0x7];
	[sflag:s18] =	ssyncadd.s32 $0xFFFFEC00  }
0x2b: {  	[spmem:s26] =	stream.linear.scatter [tilespmem:s17], [sflag:$0xB], $0x1400, $0x38;
	[tilespmem:$0x14E60] =	vst v63  }
0x2c: {  	_ =	swait.ge [sflag:s18], $0x1400  }
0x2d: {  	[sflag:s18] =	ssyncset.done $0x0  }
0x2e: {  	s29 =	rddreg [dreg:$0x8];
	[sflag:s18] =	ssyncadd.s32 $0xFFFFEC00  }
0x2f: {  	[spmem:s29] =	stream.linear.scatter [tilespmem:s17], [sflag:$0xB], $0x1400, $0x38;
	[tilespmem:$0x14E60] =	vst v63  }
0x30: {  	_ =	swait.ge [sflag:s18], $0x1400  }
0x31: {  	[sflag:s18] =	ssyncset.done $0x0  }
0x32: {  	[sflag:s18] =	ssyncadd.s32 $0xFFFFEC00  }
0x33: {  	[spmem:s11] =	stream.linear.scatter [tilespmem:s17], [sflag:$0xB], $0x1400, $0x38;
	[tilespmem:$0x14E60] =	vst v63  }
0x34: {  	_ =	swait.ge [sflag:s18], $0x1400  }
0x35: {  	[sflag:s18] =	ssyncset.done $0x0  }
0x36: {  	[sflag:s18] =	ssyncadd.s32 $0xFFFFEC00  }
0x37: {  	[spmem:s12] =	stream.linear.scatter [tilespmem:s17], [sflag:$0xB], $0x1040, $0x38;
	[tilespmem:$0x14E60] =	vst v63  }
0x38: {  	_ =	swait.ge [sflag:s18], $0x1040  }
0x39: {  	[sflag:s18] =	ssyncset.done $0x0  }
0x3a: {  	[sflag:s18] =	ssyncadd.s32 $0xFFFFEFC0  }
0x3b: {  	s30 =	simm.s32 $0x0;
	s1 =	simm.s32 $0x9C40;
	[bflag:$0x0] =	sbarrier.arrive $0xFFFF  }
0x3c: {  	[tilespmem:s1], [sflag:$0xB] =	stream.linear.gather [hbm4b:s13+s30], $0x2710, $0x38;
	[tilespmem:$0x14E60] =	vst v63  }
0x3d: {  	_ =	swait.ge [sflag:s18], $0x2710  }
0x3e: {  	[sflag:s18] =	ssyncset.done $0x0  }
0x3f: {  	s31 =	simm.s32 $0xC350;
	p0 =	por $0x1, $0x1;
	[sflag:s18] =	ssyncadd.s32 $0xFFFFD8F0  }
0x40: {  	[tilespmem:s31], [sflag:$0xB] =	stream.linear.gather [hbm4b:s14+s30], $0x2710, $0x38;
	[tilespmem:$0x14E60] =	vst v63  }
0x41: {  	p1 =	por @!p0 $0x0, $0x0;
	_ =	swait.ge [sflag:s18], $0x2710  }
0x42: {  	p0 =	por p1, p0;
	[sflag:s18] =	ssyncset.done $0x0  }
0x43: {  	p2 =	por $0x0, $0x0;
	s0 =	simm.s32 @!p0 $0x6;
	[sflag:s18] =	ssyncadd.s32 $0xFFFFD8F0  }
0x44: {  	s21 =	simm.s32 @!p2 $0x50;
	_ =	swait.ge @!p0 [sflag:s0], $0x1400  }
0x45: {  	s19 =	simm.s32 @!p2 $0x9C40;
	p1 =	por $0x1, $0x1;
	[sflag:s0] =	ssyncset.done @!p0 $0x0  }
0x46: {  	s20 =	simm.s32 @!p2 $0xEA60;
	[sflag:s0] =	ssyncadd.s32 @!p0 $0xFFFFEC00;
	s0 =	simm.s32 @!p1 $0x4  }
0x47: {  	[tilespmem:s20], [sflag:$0x1] =	stream.indirect.gather @!p2 [hbm4b:s2+s21], $0x40, s19, s21, $0xb8;
	[tilespmem:$0x14E60] =	vst v63  }
0x48: {  	_ =	swait.ge @!p1 [sflag:s0], $0x1400  }
0x49: {  	s22 =	simm.s32 @!p1 $0x50;
	s23 =	simm.s32 @!p1 $0x12660;
	[sflag:s0] =	ssyncset.done @!p1 $0x0  }
0x4a: {  	s19 =	simm.s32 @!p0 $0x7;
	[sflag:s0] =	ssyncadd.s32 @!p1 $0xFFFFEC00;
	s0 =	simm.s32 @!p1 $0xC2B0  }
0x4b: {  	[spmem:s3] =	stream.indirect.scatter.add.f32 @!p1 [tilespmem:s23], [sflag:$0x9], $0x40, s0, s22, $0xb8;
	[tilespmem:$0x14E60] =	vst v63  }
0x4c: {  	_ =	swait.ge @!p0 [sflag:s19], $0x1400  }
0x4d: {  	s0 =	simm.s32 @!p2 $0x9C90;
	p1 =	por $0x1, $0x1;
	[sflag:s19] =	ssyncset.done @!p0 $0x0  }
0x4e: {  	s22 =	simm.s32 @!p2 $0xFE60;
	[sflag:s19] =	ssyncadd.s32 @!p0 $0xFFFFEC00;
	s19 =	simm.s32 @!p1 $0x5  }
0x4f: {  	[tilespmem:s22], [sflag:$0x2] =	stream.indirect.gather @!p2 [hbm4b:s2+s21], $0x40, s0, s21, $0xb8;
	[tilespmem:$0x14E60] =	vst v63  }
0x50: {  	_ =	swait.ge @!p1 [sflag:s19], $0x1400  }
0x51: {  	s23 =	simm.s32 @!p0 $0x8;
	s24 =	simm.s32 @!p1 $0x50;
	[sflag:s19] =	ssyncset.done @!p1 $0x0  }
0x52: {  	s25 =	simm.s32 @!p1 $0x13A60;
	s0 =	simm.s32 @!p1 $0xC300;
	[sflag:s19] =	ssyncadd.s32 @!p1 $0xFFFFEC00  }
0x53: {  	[spmem:s3] =	stream.indirect.scatter.add.f32 @!p1 [tilespmem:s25], [sflag:$0xA], $0x40, s0, s24, $0xb8;
	[tilespmem:$0x14E60] =	vst v63  }
0x54: {  	_ =	swait.ge @!p0 [sflag:s23], $0x1400  }
0x55: {  	s0 =	simm.s32 @!p2 $0x9CE0;
	p1 =	por p2, p2;
	[sflag:s23] =	ssyncset.done @!p0 $0x0  }
0x56: {  	s19 =	simm.s32 @!p1 $0x1;
	s26 =	simm.s32 @!p1 $0x11260;
	[sflag:s23] =	ssyncadd.s32 @!p0 $0xFFFFEC00  }
0x57: {  	[tilespmem:s26], [sflag:$0x3] =	stream.indirect.gather @!p1 [hbm4b:s2+s21], $0x40, s0, s21, $0xb8;
	[tilespmem:$0x14E60] =	vst v63  }
0x58: {  	_ =	swait.ge @!p1 [sflag:s19], $0x1400  }
0x59: {  	[sflag:s19] =	ssyncset.done @!p1 $0x0  }
0x5a: {  	s23 =	simm.s32 @!p0 $0x9;
	s0 =	simm.s32 @!p2 $0xC350;
	[sflag:s19] =	ssyncadd.s32 @!p1 $0xFFFFEC00  }
0x5b: {  	[spmem:s3] =	stream.indirect.scatter.add.f32 @!p1 [tilespmem:s20], [sflag:$0x6], $0x40, s0, s21, $0xb8;
	[tilespmem:$0x14E60] =	vst v63  }
0x5c: {  	_ =	swait.ge @!p0 [sflag:s23], $0x1400  }
0x5d: {  	s19 =	simm.s32 @!p1 $0x2;
	[sflag:s23] =	ssyncset.done @!p0 $0x0  }
0x5e: {  	s0 =	simm.s32 @!p1 $0x12660;
	s20 =	simm.s32 @!p1 $0x9D30;
	[sflag:s23] =	ssyncadd.s32 @!p0 $0xFFFFEC00  }
0x5f: {  	[tilespmem:s0], [sflag:$0x4] =	stream.indirect.gather @!p1 [hbm4b:s2+s21], $0x40, s20, s21, $0xb8;
	[tilespmem:$0x14E60] =	vst v63  }
0x60: {  	_ =	swait.ge @!p1 [sflag:s19], $0x1400  }
0x61: {  	p3 =	por $0x0, $0x0;
	[sflag:s19] =	ssyncset.done @!p1 $0x0  }
0x62: {  	s0 =	simm.s32 @!p2 $0xC3A0;
	s20 =	simm.s32 @!p0 $0xA;
	[sflag:s19] =	ssyncadd.s32 @!p1 $0xFFFFEC00  }
0x63: {  	[spmem:s3] =	stream.indirect.scatter.add.f32 @!p1 [tilespmem:s22], [sflag:$0x7], $0x40, s0, s21, $0xb8;
	[tilespmem:$0x14E60] =	vst v63  }
0x64: {  	s28 =	simm.s32 @!p2 $0xC3F0;
	p4 =	por @!p3 $0x0, $0x0;
	_ =	swait.ge @!p0 [sflag:s20], $0x1400  }
0x65: {  	s24 =	simm.s32 $0xC80;
	s25 =	simm.s32 $0x1;
	[sflag:s20] =	ssyncset.done @!p0 $0x0  }
0x66: {  	s19 =	simm.s32 @!p1 $0x13A60;
	s0 =	simm.s32 @!p2 $0x9D80;
	[sflag:s20] =	ssyncadd.s32 @!p0 $0xFFFFEC00  }
0x67: {  	[tilespmem:s19], [sflag:$0x5] =	stream.indirect.gather @!p1 [hbm4b:s2+s21], $0x40, s0, s21, $0xb8;
	[tilespmem:$0x14E60] =	vst v63  }
0x68: {  	s23 =	simm.s32 $0x3;
	s22 =	simm.s32 $0x640;
	s0 =	simm.s32 @!p1 $0x3  }
.LBB2_4:
0x69: {  	p0 =	por p4, p3  }
0x6a: {  	_ =	swait.ge @!p1 [sflag:s0], $0x1400;
	s19 =	smov.u32 s24;
	s24 =	sadd.s32 $0x640, s24  }
0x6b: {  	s1 =	sadd.s32 $0x1, s23;
	s20 =	simm.s32 @!p0 $0x6;
	[sflag:s0] =	ssyncset.done @!p1 $0x0  }
0x6c: {  	p3 =	sgt.u32 s25, $0x18;
	p2 =	sne.s32 s24, $0xA8C0;
	[sflag:s0] =	ssyncadd.s32 @!p1 $0xFFFFEC00  }
0x6d: {  	[spmem:s3] =	stream.indirect.scatter.add.f32 @!p1 [tilespmem:s26], [sflag:$0x8], $0x40, s28, s21, $0xb8;
	[tilespmem:$0x14E60] =	vst v63  }
0x6e: {  	s29 =	sshra.s32 @!p3 s22, $0x2;
	s21 =	simm.s32 @!p3 $0x50;
	_ =	swait.ge @!p0 [sflag:s20], $0x1400  }
0x6f: {  	s31 =	simm.s32 @!p3 $0xEA60;
	s0 =	sadd.s32 @!p3 $0x9C40, s29;
	[sflag:s20] =	ssyncset.done @!p0 $0x0  }
0x70: {  	s6 =	sadd.s32 @!p3 $0x9CE0, s29;
	p1 =	sgt.u32 s23, $0x7C;
	[sflag:s20] =	ssyncadd.s32 @!p0 $0xFFFFEC00  }
0x71: {  	[tilespmem:s31], [sflag:$0x1] =	stream.indirect.gather @!p3 [hbm4b:s2+s21], $0x40, s0, s21, $0xb8;
	[tilespmem:$0x14E60] =	vst v63  }
0x72: {  	s7 =	sadd.s32 @!p3 $0xC350, s29;
	s20 =	sshra.s32 @!p1 s22, $0x2;
	s0 =	simm.s32 @!p1 $0x4  }
0x73: {  	s8 =	sadd.s32 @!p3 $0x9C90, s29;
	s26 =	simm.s32 @!p0 $0x7;
	_ =	swait.ge @!p1 [sflag:s0], $0x1400  }
0x74: {  	s28 =	simm.s32 @!p1 $0x50;
	s30 =	simm.s32 @!p1 $0x12660;
	[sflag:s0] =	ssyncset.done @!p1 $0x0  }
0x75: {  	s20 =	sadd.s32 @!p1 $0xC2B0, s20;
	[sflag:s0] =	ssyncadd.s32 @!p1 $0xFFFFEC00;
	s0 =	sadd.s32 @!p3 $0xC3A0, s29  }
0x76: {  	[spmem:s3] =	stream.indirect.scatter.add.f32 @!p1 [tilespmem:s30], [sflag:$0x9], $0x40, s20, s28, $0xb8;
	[tilespmem:$0x14E60] =	vst v63  }
0x77: {  	s20 =	simm.s32 @!p3 $0xFE60;
	s30 =	sadd.s32 @!p3 $0x9D80, s29;
	_ =	swait.ge @!p0 [sflag:s26], $0x1400  }
0x78: {  	p4 =	sgt.u32 s1, $0x7C;
	s28 =	sadd.s32 @!p3 $0xC3F0, s29;
	[sflag:s26] =	ssyncset.done @!p0 $0x0  }
0x79: {  	s1 =	simm.s32 @!p4 $0x5;
	s22 =	sshra.s32 @!p4 s22, $0x2;
	[sflag:s26] =	ssyncadd.s32 @!p0 $0xFFFFEC00  }
0x7a: {  	[tilespmem:s20], [sflag:$0x2] =	stream.indirect.gather @!p3 [hbm4b:s2+s21], $0x40, s8, s21, $0xb8;
	[tilespmem:$0x14E60] =	vst v63  }
0x7b: {  	s9 =	simm.s32 @!p0 $0x8;
	s8 =	sadd.s32 @!p4 $0xC300, s22;
	_ =	swait.ge @!p4 [sflag:s1], $0x1400  }
0x7c: {  	s10 =	simm.s32 @!p4 $0x13A60;
	s26 =	simm.s32 @!p4 $0x50;
	[sflag:s1] =	ssyncset.done @!p4 $0x0  }
0x7d: {  	p1 =	por p3, p3;
	s22 =	smov.u32 s19;
	[sflag:s1] =	ssyncadd.s32 @!p4 $0xFFFFEC00  }
0x7e: {  	[spmem:s3] =	stream.indirect.scatter.add.f32 @!p4 [tilespmem:s10], [sflag:$0xA], $0x40, s8, s26, $0xb8;
	[tilespmem:$0x14E60] =	vst v63  }
0x7f: {  	s1 =	simm.s32 @!p1 $0x1;
	_ =	swait.ge @!p0 [sflag:s9], $0x1400  }
0x80: {  	s26 =	simm.s32 @!p1 $0x11260;
	[sflag:s9] =	ssyncset.done @!p0 $0x0  }
0x81: {  	[sflag:s9] =	ssyncadd.s32 @!p0 $0xFFFFEC00  }
0x82: {  	[tilespmem:s26], [sflag:$0x3] =	stream.indirect.gather @!p1 [hbm4b:s2+s21], $0x40, s6, s21, $0xb8;
	[tilespmem:$0x14E60] =	vst v63  }
0x83: {  	s6 =	simm.s32 @!p0 $0x9;
	_ =	swait.ge @!p1 [sflag:s1], $0x1400  }
0x84: {  	[sflag:s1] =	ssyncset.done @!p1 $0x0  }
0x85: {  	[sflag:s1] =	ssyncadd.s32 @!p1 $0xFFFFEC00  }
0x86: {  	[spmem:s3] =	stream.indirect.scatter.add.f32 @!p1 [tilespmem:s31], [sflag:$0x6], $0x40, s7, s21, $0xb8;
	[tilespmem:$0x14E60] =	vst v63  }
0x87: {  	s1 =	simm.s32 @!p1 $0x12660;
	s7 =	simm.s32 @!p1 $0x2;
	_ =	swait.ge @!p0 [sflag:s6], $0x1400  }
0x88: {  	[sflag:s6] =	ssyncset.done @!p0 $0x0  }
0x89: {  	[sflag:s6] =	ssyncadd.s32 @!p0 $0xFFFFEC00;
	s6 =	sadd.s32 @!p1 $0x9D30, s29  }
0x8a: {  	[tilespmem:s1], [sflag:$0x4] =	stream.indirect.gather @!p1 [hbm4b:s2+s21], $0x40, s6, s21, $0xb8;
	[tilespmem:$0x14E60] =	vst v63  }
0x8b: {  	s1 =	simm.s32 @!p0 $0xA;
	_ =	swait.ge @!p1 [sflag:s7], $0x1400  }
0x8c: {  	[sflag:s7] =	ssyncset.done @!p1 $0x0  }
0x8d: {  	[sflag:s7] =	ssyncadd.s32 @!p1 $0xFFFFEC00  }
0x8e: {  	[spmem:s3] =	stream.indirect.scatter.add.f32 @!p1 [tilespmem:s20], [sflag:$0x7], $0x40, s0, s21, $0xb8;
	[tilespmem:$0x14E60] =	vst v63  }
.Ltmp1:
0x8f: {  	_ = 	snop;
	(pc) =	sbr.rel @p2 .LBB2_4-.Ltmp1, $4  }
0x90: {  	s25 =	sadd.s32 $0x1, s25;
	s6 =	simm.s32 @!p1 $0x13A60;
	_ =	swait.ge @!p0 [sflag:s1], $0x1400  }
0x91: {  	p3 =	seq.s32 s25, $0x0;
	s0 =	simm.s32 @!p1 $0x3;
	[sflag:s1] =	ssyncset.done @!p0 $0x0  }
0x92: {  	s23 =	sadd.s32 $0x5, s23;
	p4 =	seq.s32 @!p3 s25, $0x1A;
	[sflag:s1] =	ssyncadd.s32 @!p0 $0xFFFFEC00  }
0x93: {  	[tilespmem:s6], [sflag:$0x5] =	stream.indirect.gather @!p1 [hbm4b:s2+s21], $0x40, s30, s21, $0xb8;
	[tilespmem:$0x14E60] =	vst v63  }
0x94: {  	_ =	swait.ge @!p1 [sflag:s0], $0x1400  }
0x95: {  	p2 =	por p4, p3;
	[sflag:s0] =	ssyncset.done @!p1 $0x0  }
0x96: {  	p0 =	sgt.u32 s25, $0x18;
	s1 =	simm.s32 @!p2 $0x6;
	[sflag:s0] =	ssyncadd.s32 @!p1 $0xFFFFEC00  }
0x97: {  	[spmem:s3] =	stream.indirect.scatter.add.f32 @!p1 [tilespmem:s26], [sflag:$0x8], $0x40, s28, s21, $0xb8;
	[tilespmem:$0x14E60] =	vst v63  }
0x98: {  	s24 =	sshra.s32 @!p0 s22, $0x2;
	_ =	swait.ge @!p2 [sflag:s1], $0x1400  }
0x99: {  	s6 =	simm.s32 @!p0 $0xEA60;
	s0 =	sadd.s32 @!p0 $0x9C40, s24;
	[sflag:s1] =	ssyncset.done @!p2 $0x0  }
0x9a: {  	s21 =	simm.s32 @!p0 $0x50;
	p1 =	sgt.u32 s23, $0x7C;
	[sflag:s1] =	ssyncadd.s32 @!p2 $0xFFFFEC00  }
0x9b: {  	[tilespmem:s6], [sflag:$0x1] =	stream.indirect.gather @!p0 [hbm4b:s2+s21], $0x40, s0, s21, $0xb8;
	[tilespmem:$0x14E60] =	vst v63  }
0x9c: {  	s0 =	simm.s32 @!p1 $0x4  }
0x9d: {  	s7 =	simm.s32 @!p2 $0x7;
	_ =	swait.ge @!p1 [sflag:s0], $0x1400  }
0x9e: {  	s8 =	simm.s32 @!p1 $0x50;
	s1 =	sshra.s32 @!p1 s22, $0x2;
	[sflag:s0] =	ssyncset.done @!p1 $0x0  }
0x9f: {  	s9 =	simm.s32 @!p1 $0x12660;
	[sflag:s0] =	ssyncadd.s32 @!p1 $0xFFFFEC00;
	s0 =	sadd.s32 @!p1 $0xC2B0, s1  }
0xa0: {  	[spmem:s3] =	stream.indirect.scatter.add.f32 @!p1 [tilespmem:s9], [sflag:$0x9], $0x40, s0, s8, $0xb8;
	[tilespmem:$0x14E60] =	vst v63  }
0xa1: {  	s29 =	sadd.s32 $0x1, s23;
	_ =	swait.ge @!p2 [sflag:s7], $0x1400  }
0xa2: {  	s1 =	sadd.s32 @!p0 $0x9C90, s24;
	p1 =	sgt.u32 s29, $0x7C;
	[sflag:s7] =	ssyncset.done @!p2 $0x0  }
0xa3: {  	s0 =	simm.s32 @!p0 $0xFE60;
	[sflag:s7] =	ssyncadd.s32 @!p2 $0xFFFFEC00;
	s7 =	simm.s32 @!p1 $0x5  }
0xa4: {  	[tilespmem:s0], [sflag:$0x2] =	stream.indirect.gather @!p0 [hbm4b:s2+s21], $0x40, s1, s21, $0xb8;
	[tilespmem:$0x14E60] =	vst v63  }
0xa5: {  	s8 =	simm.s32 @!p2 $0x8;
	_ =	swait.ge @!p1 [sflag:s7], $0x1400  }
0xa6: {  	s9 =	simm.s32 @!p1 $0x50;
	s1 =	sshra.s32 @!p1 s22, $0x2;
	[sflag:s7] =	ssyncset.done @!p1 $0x0  }
0xa7: {  	s10 =	simm.s32 @!p1 $0x13A60;
	s1 =	sadd.s32 @!p1 $0xC300, s1;
	[sflag:s7] =	ssyncadd.s32 @!p1 $0xFFFFEC00  }
0xa8: {  	[spmem:s3] =	stream.indirect.scatter.add.f32 @!p1 [tilespmem:s10], [sflag:$0xA], $0x40, s1, s9, $0xb8;
	[tilespmem:$0x14E60] =	vst v63  }
0xa9: {  	_ =	swait.ge @!p2 [sflag:s8], $0x1400  }
0xaa: {  	s1 =	sadd.s32 @!p0 $0x9CE0, s24;
	p1 =	por p0, p0;
	[sflag:s8] =	ssyncset.done @!p2 $0x0  }
0xab: {  	s7 =	simm.s32 @!p1 $0x1;
	s9 =	simm.s32 @!p1 $0x11260;
	[sflag:s8] =	ssyncadd.s32 @!p2 $0xFFFFEC00  }
0xac: {  	[tilespmem:s9], [sflag:$0x3] =	stream.indirect.gather @!p1 [hbm4b:s2+s21], $0x40, s1, s21, $0xb8;
	[tilespmem:$0x14E60] =	vst v63  }
0xad: {  	_ =	swait.ge @!p1 [sflag:s7], $0x1400  }
0xae: {  	[sflag:s7] =	ssyncset.done @!p1 $0x0  }
0xaf: {  	s8 =	simm.s32 @!p2 $0x9;
	s1 =	sadd.s32 @!p0 $0xC350, s24;
	[sflag:s7] =	ssyncadd.s32 @!p1 $0xFFFFEC00  }
0xb0: {  	[spmem:s3] =	stream.indirect.scatter.add.f32 @!p1 [tilespmem:s6], [sflag:$0x6], $0x40, s1, s21, $0xb8;
	[tilespmem:$0x14E60] =	vst v63  }
0xb1: {  	_ =	swait.ge @!p2 [sflag:s8], $0x1400  }
0xb2: {  	s7 =	sadd.s32 @!p1 $0x9D30, s24;
	[sflag:s8] =	ssyncset.done @!p2 $0x0  }
0xb3: {  	s1 =	simm.s32 @!p1 $0x12660;
	s6 =	simm.s32 @!p1 $0x2;
	[sflag:s8] =	ssyncadd.s32 @!p2 $0xFFFFEC00  }
0xb4: {  	[tilespmem:s1], [sflag:$0x4] =	stream.indirect.gather @!p1 [hbm4b:s2+s21], $0x40, s7, s21, $0xb8;
	[tilespmem:$0x14E60] =	vst v63  }
0xb5: {  	_ =	swait.ge @!p1 [sflag:s6], $0x1400  }
0xb6: {  	[sflag:s6] =	ssyncset.done @!p1 $0x0  }
0xb7: {  	s1 =	sadd.s32 @!p0 $0xC3A0, s24;
	s7 =	simm.s32 @!p2 $0xA;
	[sflag:s6] =	ssyncadd.s32 @!p1 $0xFFFFEC00  }
0xb8: {  	[spmem:s3] =	stream.indirect.scatter.add.f32 @!p1 [tilespmem:s0], [sflag:$0x7], $0x40, s1, s21, $0xb8;
	[tilespmem:$0x14E60] =	vst v63  }
0xb9: {  	_ =	swait.ge @!p2 [sflag:s7], $0x1400  }
0xba: {  	s6 =	simm.s32 @!p1 $0x3;
	[sflag:s7] =	ssyncset.done @!p2 $0x0  }
0xbb: {  	s0 =	sadd.s32 @!p0 $0x9D80, s24;
	s1 =	simm.s32 @!p1 $0x13A60;
	[sflag:s7] =	ssyncadd.s32 @!p2 $0xFFFFEC00  }
0xbc: {  	[tilespmem:s1], [sflag:$0x5] =	stream.indirect.gather @!p1 [hbm4b:s2+s21], $0x40, s0, s21, $0xb8;
	[tilespmem:$0x14E60] =	vst v63  }
0xbd: {  	_ =	swait.ge @!p1 [sflag:s6], $0x1400  }
0xbe: {  	s30 =	stileid.u32;
	[sflag:s6] =	ssyncset.done @!p1 $0x0  }
0xbf: {  	s4 =	sadd.s32 $0x1, s4;
	s0 =	sadd.s32 @!p0 $0xC3F0, s24;
	[sflag:s6] =	ssyncadd.s32 @!p1 $0xFFFFEC00  }
0xc0: {  	[spmem:s3] =	stream.indirect.scatter.add.f32 @!p1 [tilespmem:s9], [sflag:$0x8], $0x40, s0, s21, $0xb8;
	[tilespmem:$0x14E60] =	vst v63  }
0xc1: {  	s31 =	sshrl.u32 s5, $0x3;
	p0 =	sne.s32 s4, s16;
	s0 =	sshll.u32 s30, $0x6  }
.Ltmp2:
0xc2: {  	[bflag:$0x0] =	sbarrier.arrive $0xFFFF;
	s0 =	sor.u32 $0x1C0B, s0;
	(pc) =	sbr.rel @p0 .LBB2_1-.Ltmp2, $4  }
0xc3: {  	[hbm:s15], [sflag:s0] =	dma.local [spmem:s31], $0x1388  }
0xc4: {  	_ =	swait.ge [sflag:s18], $0x1388  }
0xc5: {  	[sflag:s18] =	ssyncset.done $0x0  }
0xc6: {  	[sflag:s18] =	ssyncadd.s32 $0xFFFFEC78  }
0xc7: {  	_ =	sfence.sel $0x180000  }
0xc8: {  	[bflag:$0x0] =	sbarrier.arrive $0xFFFF  }
0xc9: {  	_ =	strace $0x90000050  }
0xca: {  	s0 =	stileid.u32;
	[bflag:$0x2] =	sbarrier.arrive $0xFFFF  }
0xcb: {  	p0 =	sne.s32 s0, $0x0;
	s0 =	rddreg [dreg:$0x3]  }
0xcc: {  	s0 =	sadd.s32 @!p0 $0x100000, s0  }
0xcd: {  	[sflag:s0] =	ssyncadd.tile.s32 @!p0 $0x1;
	_ =	shalt  }
.Lfunc_end2:
_tile_overlayer_lowered:
.L_overlay_start_2:
0xce: {  	(tag) =	ssettag $0x2  }
0xcf: {  	s0 =	rddreg [dreg:$0x0];
	s2 =	stileid.u32  }
0xd0: {  	s1 =	rddreg [dreg:$0x1];
	p0 =	sne.s32 s2, $0x0  }
0xd1: {  	s3 =	rddreg [dreg:$0x2];
	[bflag:$0x3] =	sbarrier.arrive $0xFFFF;
	s2 =	simm.s32 @!p0 $0x1C0B  }
0xd2: {  	[timem:s3], [sflag:s2] =	dma.local @!p0 [hbm:s0], s1  }
0xd3: {  	s0 =	simm.s32 @!p0 $0xB  }
0xd4: {  	_ =	swait.ge @!p0 [sflag:s0], s1  }
0xd5: {  	s1 =	ssub.s32 @!p0 $0x0, s1;
	[sflag:s0] =	ssyncset.done @!p0 $0x0  }
0xd6: {  	[sflag:s0] =	ssyncadd.s32 @!p0 s1  }
0xd7: {  	[bflag:$0x3] =	sbarrier.arrive $0xFFFF  }
0xd8: {  	_ =	shalt  }

// kernel: kernel.9.cloned.1.call-start
scs
__scs_entry_jumppad:
0x0: {  	(pc) =	sbr.rel $0x88, $3  }
0x1: {  	(tag) =	ssettag $0x0;
	lr =	simm.s32 $0x1  }
0x2: {  	[smem:$0x3F90] =	sst lr;
	_ =	strace $0xD0000000  }
0x3: {  	_ = 	snop  }
0x4: {  	_ = 	snop  }
0x5: {  	_ = 	snop  }
0x6: {  	_ = 	snop  }
0x7: {  	_ = 	snop  }
__scs_overlays_trampoline_lowered:
0x8: {  	[smem:$0x3F9F] =	sst s0  }
0x9: {  	[smem:$0x3FA0] =	sst s1  }
0xa: {  	[smem:$0x3FA1] =	sst s2  }
0xb: {  	[smem:$0x3FA2] =	sst s3  }
0xc: {  	[smem:$0x3FA3] =	sst s4  }
0xd: {  	[smem:$0x3FA4] =	sst s5  }
0xe: {  	[smem:$0x3FA5] =	sst s6  }
0xf: {  	[smem:$0x3FA6] =	sst s7  }
0x10: {  	[smem:$0x3FA7] =	sst s8  }
0x11: {  	[smem:$0x3FA8] =	sst s9;
	s0 =	simm.s32 @!p0 $0x0  }
0x12: {  	s1 =	sld [smem:$0x3F8E];
	s0 =	simm.s32 @p0 $0x1  }
0x13: {  	[smem:$0x3FA9] =	sst s0;
	s0 =	simm.s32 @!p1 $0x0  }
0x14: {  	s2 =	sld [smem:$0x3F8D];
	s0 =	simm.s32 @p1 $0x1  }
0x15: {  	[smem:$0x3FAA] =	sst s0;
	s0 =	simm.s32 @!p2 $0x0  }
0x16: {  	s3 =	sld [smem:$0x3FDB];
	s0 =	simm.s32 @p2 $0x1  }
0x17: {  	s4 =	simm.s32 $0x1BF5;
	[smem:$0x3FAC] =	sst s0  }
0x18: {  	s0 =	sld [smem:$0x3F8F];
	_ =	swait.ge [sflag:s4], $0x0  }
0x19: {  	s7 =	sld [smem:$0x3F90]  }
0x1a: {  	s8 =	sadd.s32 $0xFFFFE003, lr  }
0x1b: {  	s9 =	sadd.s32 $0xFFFFFEF7, lr;
	s5 =	simm.s32 $0xFFFFFFFF;
	p2 =	slt.u32 s8, $0xFFFFF086  }
0x1c: {  	p1 =	slt.u32 s9, $0xF7A;
	s5 =	simm.s32 @!p2 $0x0  }
0x1d: {  	s5 =	simm.s32 @p1 $0x1;
	p0 =	seq.s32 s7, s2  }
0x1e: {  	s7 =	smul.u32 @!p0 $0xF7A, s2;
	p2 =	seq.s32 @!p0 s5, $0x0  }
0x1f: {  	s9 =	smul.u32 $0xF7A, s1;
	s8 =	simm.s32 @!p0 $0x1BF5;
	p2 =	por !p2, p0  }
0x20: {  	[sflag:s8] =	ssyncset.s32 @!p0 $0xFFFFF086;
	s6 =	sadd.s32 @!p0 s3, s7;
	s7 =	simm.s32 @!p0 $0x108  }
0x21: {  	s3 =	sadd.s32 s3, s9;
	s6 =	sadd.s32 @!p0 $0x88, s6;
	s7 =	simm.s32 @p2 $0x1082  }
0x22: {  	[simem:s7], [sflag:s8] =	dma.local @!p0 [hbm:s6], $0xF7A  }
0x23: {  	s9 =	sor.u32 $0xD0000000, s2;
	s6 =	simm.s32 $0x108;
	_ =	swait.ge @!p0 [sflag:s8], $0x0  }
0x24: {  	s3 =	sadd.s32 $0x88, s3;
	s6 =	simm.s32 @!p1 $0x1082;
	[sflag:s4] =	ssyncset.s32 $0xFFFFF086  }
0x25: {  	[simem:s6], [sflag:s4] =	dma.local [hbm:s3], $0xF7A  }
0x26: {  	[smem:$0x3F90] =	sst s1;
	(tag) =	ssettag s2;
	_ =	strace s9  }
0x27: {  	s1 =	sld [smem:$0x3FA0]  }
0x28: {  	s2 =	sld [smem:$0x3FA1]  }
0x29: {  	s4 =	sld [smem:$0x3FA3]  }
0x2a: {  	p0 =	seq.s32 s5, $0x0;
	s5 =	sld [smem:$0x3FA4]  }
0x2b: {  	s6 =	sld [smem:$0x3FA5]  }
0x2c: {  	s7 =	sld [smem:$0x3FA6]  }
0x2d: {  	s3 =	simm.s32 $0x108;
	s8 =	sld [smem:$0x3FA7]  }
0x2e: {  	s3 =	simm.s32 @!p0 $0x1082;
	s9 =	sld [smem:$0x3FA8]  }
0x2f: {  	lr =	sadd.s32 s0, s3;
	s0 =	sld [smem:$0x3F9F]  }
0x30: {  	s3 =	sld [smem:$0x3FA2]  }
0x31: {  	[smem:$0x3FAB] =	sst s10  }
0x32: {  	s10 =	sld [smem:$0x3FA9];
	_ =	sdelay $0x3  }
0x33: {  	p0 =	seq.s32 s10, $0x1;
	s10 =	sld [smem:$0x3FAB];
	_ =	sdelay $0x3  }
0x34: {  	[smem:$0x3FAB] =	sst s10  }
0x35: {  	s10 =	sld [smem:$0x3FAA];
	_ =	sdelay $0x3  }
0x36: {  	p1 =	seq.s32 s10, $0x1;
	s10 =	sld [smem:$0x3FAB];
	_ =	sdelay $0x3  }
0x37: {  	[smem:$0x3FAB] =	sst s10  }
0x38: {  	s10 =	sld [smem:$0x3FAC]  }
0x39: {  	_ = 	snop;
	(pc) =	sbr.ind lr, $3  }
0x3a: {  	_ = 	snop  }
0x3b: {  	_ = 	snop  }
0x3c: {  	p2 =	seq.s32 s10, $0x1;
	s10 =	sld [smem:$0x3FAB]  }
0x3d: {  	_ =	shalt  }
0x3e: {  	_ =	shalt  }
0x3f: {  	_ =	shalt  }
0x40: {  	_ =	shalt  }
0x41: {  	_ =	shalt  }
0x42: {  	_ =	shalt  }
0x43: {  	_ =	shalt  }
0x44: {  	_ =	shalt  }
0x45: {  	_ =	shalt  }
0x46: {  	_ =	shalt  }
0x47: {  	_ =	shalt  }
0x48: {  	_ =	shalt  }
0x49: {  	_ =	shalt  }
0x4a: {  	_ =	shalt  }
0x4b: {  	_ =	shalt  }
0x4c: {  	_ =	shalt  }
0x4d: {  	_ =	shalt  }
0x4e: {  	_ =	shalt  }
0x4f: {  	_ =	shalt  }
0x50: {  	_ =	shalt  }
0x51: {  	_ =	shalt  }
0x52: {  	_ =	shalt  }
0x53: {  	_ =	shalt  }
0x54: {  	_ =	shalt  }
0x55: {  	_ =	shalt  }
0x56: {  	_ =	shalt  }
0x57: {  	_ =	shalt  }
0x58: {  	_ =	shalt  }
0x59: {  	_ =	shalt  }
0x5a: {  	_ =	shalt  }
0x5b: {  	_ =	shalt  }
0x5c: {  	_ =	shalt  }
0x5d: {  	_ =	shalt  }
0x5e: {  	_ =	shalt  }
0x5f: {  	_ =	shalt  }
0x60: {  	_ =	shalt  }
0x61: {  	_ =	shalt  }
0x62: {  	_ =	shalt  }
0x63: {  	_ =	shalt  }
0x64: {  	_ =	shalt  }
0x65: {  	_ =	shalt  }
0x66: {  	_ =	shalt  }
0x67: {  	_ =	shalt  }
0x68: {  	_ =	shalt  }
0x69: {  	_ =	shalt  }
0x6a: {  	_ =	shalt  }
0x6b: {  	_ =	shalt  }
0x6c: {  	_ =	shalt  }
0x6d: {  	_ =	shalt  }
0x6e: {  	_ =	shalt  }
0x6f: {  	_ =	shalt  }
0x70: {  	_ =	shalt  }
0x71: {  	_ =	shalt  }
0x72: {  	_ =	shalt  }
0x73: {  	_ =	shalt  }
0x74: {  	_ =	shalt  }
0x75: {  	_ =	shalt  }
0x76: {  	_ =	shalt  }
0x77: {  	_ =	shalt  }
0x78: {  	_ =	shalt  }
0x79: {  	_ =	shalt  }
0x7a: {  	_ =	shalt  }
0x7b: {  	_ =	shalt  }
0x7c: {  	_ =	shalt  }
0x7d: {  	_ =	shalt  }
0x7e: {  	_ =	shalt  }
0x7f: {  	_ =	shalt  }
0x80: {  	_ =	shalt  }
0x81: {  	_ =	shalt  }
0x82: {  	_ =	shalt  }
0x83: {  	_ =	shalt  }
0x84: {  	_ =	shalt  }
0x85: {  	_ =	shalt  }
0x86: {  	_ =	shalt  }
0x87: {  	_ =	shalt  }
.Lfunc_end0:
.L_simem_size_0:
called_computation_lowered:
.L_overlay_start_0:
0x88: {  	s2 =	sld [smem:$0x3FD9]  }
0x89: {  	s3 =	sld [smem:$0x3FFE];
	_ =	sdelay $0x1  }
0x8a: {  	s1 =	srdreg.scid  }
0x8b: {  	s0 =	sand.u32 $0x1, s1  }
0x8c: {  	s17 =	sshll.u32 s0, $0xA;
	s2 =	sadd.s32 s3, s2  }
0x8d: {  	s2 =	sadd.s32 s2, s17  }
0x8e: {  	[smem:$0x3FB7] =	sst s2  }
0x8f: {  	_ = 	snop  }
0x90: {  	s18 =	sld [smem:$0x3FC9];
	(tm) =	ssettm $0x1  }
0x91: {  	s19 =	sld [smem:$0x3FFB];
	_ =	sdelay $0x3  }
0x92: {  	_ =	strace s19  }
0x93: {  	s2 =	sld [smem:$0x3FFC];
	_ =	sdelay $0x3  }
0x94: {  	_ =	strace s2  }
0x95: {  	s2 =	sld [smem:$0x3FFD];
	_ =	sdelay $0x3  }
0x96: {  	_ =	strace s2  }
0x97: {  	_ =	strace $0x8FFFFFFF  }
0x98: {  	s20 =	sld [smem:$0x3FDB];
	_ =	sdelay $0x1  }
0x99: {  	s4 =	simm.s32 $_scs_section_size  }
0x9a: {  	s5 =	simm.s32 $_size__tile_overlayer_lowered;
	s6 =	simm.s32 $_tile_overlayer_lowered  }
0x9b: {  	s7 =	simm.s32 $0x1BFF;
	s21 =	sshll.u32 s6, $0x1;
	s4 =	sadd.s32 s4, s20  }
0x9c: {  	s22 =	simm.s32 $0x0;
	s5 =	sshll.u32 s5, $0x1;
	s6 =	sadd.s32 s21, s4  }
0x9d: {  	[timem:s22], [sflag:s7] =	dma.local [hbm:s6], s5  }
0x9e: {  	_ =	swait.ge [sflag:s7], s5  }
0x9f: {  	s5 =	ssub.s32 $0x0, s5;
	[sflag:s7] =	ssyncset.done $0x0  }
0xa0: {  	[sflag:s7] =	ssyncadd.s32 s5;
	_ =	sdelay $0x1  }
0xa1: {  	s23 =	simm.s32 $0x1B8B  }
0xa2: {  	_ =	swait.ge [sflag:s23], $0x1  }
0xa3: {  	[sflag:s23] =	ssyncset.done $0x0  }
0xa4: {  	[sflag:s23] =	ssyncadd.s32 $0xFFFFFFFF  }
0xa5: {  	s5 =	sld [smem:$0x0]  }
0xa6: {  	s6 =	sand.u32 $0xFFFFFFFE, s1  }
0xa7: {  	p0 =	sne.s32 s1, s6  }
0xa8: {  	s6 =	sshll.u32 @p0 s6, $0xE  }
0xa9: {  	s6 =	sadd.s32 @p0 $0x11B8D, s6;
	s7 =	sshll.u32 @p0 s5, $0x11  }
0xaa: {  	s6 =	sor.u32 @p0 s7, s6  }
0xab: {  	[sflag:s6] =	ssyncadd.remote.s32 @p0 $0x1;
	_ =	sdelay $0x1  }
0xac: {  	s6 =	simm.s32 @p0 $0x1B8D  }
0xad: {  	_ =	swait.eq @p0 [sflag:s6], $0x1  }
0xae: {  	[sflag:s6] =	ssyncadd.s32 @p0 $0xFFFFFFFF  }
0xaf: {  	s7 =	sshll.u32 @!p0 s1, $0xE  }
0xb0: {  	s7 =	sor.u32 @!p0 $0x4000, s7;
	s6 =	simm.s32 @!p0 $0x1B8D  }
0xb1: {  	s5 =	sshll.u32 @!p0 s5, $0x11;
	s7 =	sadd.s32 @!p0 $0x11B8D, s7;
	_ =	swait.eq @!p0 [sflag:s6], $0x1  }
0xb2: {  	s5 =	sor.u32 @!p0 s5, s7;
	[sflag:s6] =	ssyncadd.s32 @!p0 $0xFFFFFFFF  }
0xb3: {  	s25 =	simm.s32 $0x1B8E;
	s24 =	sld [smem:$0x3FFE];
	[sflag:s5] =	ssyncadd.remote.s32 @!p0 $0x1  }
0xb4: {  	s26 =	simm.s32 $execute0_lowered;
	[smem:$0x3FD2] =	sst s25  }
0xb5: {  	s6 =	sshll.u32 s26, $0x1;
	_ =	strace $0x80000049;
	[dreg:$0x1] =	wrdreg $0xFFFFFFFF  }
0xb6: {  	s28 =	simm.s32 $_size_execute0_lowered;
	s4 =	sadd.s32 s4, s6;
	[dreg:$0x0] =	wrdreg $0x0  }
0xb7: {  	s6 =	sshll.u32 s28, $0x1;
	[dreg:$0x2] =	wrdreg s4  }
0xb8: {  	[dreg:$0x3] =	wrdreg s6  }
0xb9: {  	[dreg:$0x4] =	wrdreg $0xC0  }
0xba: {  	_ =	task [dreg:s22], $0x5FFFF  }
0xbb: {  	[dreg:$0x1] =	wrdreg $0xFFFFFFFF  }
0xbc: {  	[dreg:$0x0] =	wrdreg $0x60  }
0xbd: {  	[dreg:$0x2] =	wrdreg s24  }
0xbe: {  	[dreg:$0x3] =	wrdreg s18  }
0xbf: {  	[dreg:$0x4] =	wrdreg $0x0  }
0xc0: {  	[dreg:$0x5] =	wrdreg $0x9  }
0xc1: {  	_ =	task.clear_ibuf [dreg:s22], $0x6FFFF;
	_ =	strace $0x90000049  }
0xc2: {  	s29 =	simm.s32 $0x9;
	_ =	strace $0x8000004B  }
0xc3: {  	_ =	swait.ge [sflag:s29], $0x1  }
0xc4: {  	[sflag:s29] =	ssyncadd.s32 $0xFFFFFFFF  }
0xc5: {  	_ =	strace $0x9000004B  }
0xc6: {  	_ =	sfence  }
0xc7: {  	s30 =	sld [smem:$0x0];
	_ =	sdelay $0x2  }
0xc8: {  	s31 =	sshll.u32 s1, $0xD;
	s1 =	sshrl.u32 s1, $0x2  }
0xc9: {  	s4 =	sand.u32 $0x4000, s31;
	s1 =	sadd.s32 s1, s30  }
0xca: {  	s0 =	sor.u32 s4, s0;
	s1 =	sshll.u32 s1, $0x11  }
0xcb: {  	s0 =	sor.u32 s1, s0  }
0xcc: {  	s0 =	sadd.s32 $0x8F2B, s0  }
0xcd: {  	[sflag:s0] =	ssyncadd.remote.s32 $0x1  }
0xce: {  	_ =	sfence.sel $0xFFFF  }
0xcf: {  	[dreg:$0x0] =	wrdreg $0xFFFFFFFF;
	(pc) =	sbr.abs _section_cstart, $3  }
0xd0: {  	[dreg:$0x1] =	wrdreg $0xFFFFFFFF  }
0xd1: {  	_ =	task.clear_ibuf [dreg:s22], $0x2FFFF;
	_ =	strace $0x9FFFFFFF  }
0xd2: {  	(tm) =	ssettm $0x7FFFFFFF  }
0xd3: {  	_ =	shalt  }
tec
execute0_lowered:
.L_overlay_start_1:
0x0: {  	(tag) =	ssettag $0x1  }
0x1: {  	s0 =	rddreg [dreg:$0x0]  }
0x2: {  	s2 =	rddreg [dreg:$0x1];
	s1 =	srdreg.scid  }
0x3: {  	s3 =	rddreg [dreg:$0x2];
	s8 =	stileid.u32  }
0x4: {  	s4 =	simm.s32 $0x0;
	s17 =	simm.s32 $0x186A0;
	s18 =	simm.s32 $0x7  }
0x5: {  	s19 =	simm.s32 $0x13880;
	s20 =	simm.s32 $0x15F90;
	s21 =	simm.s32 $0x50  }
0x6: {  	s29 =	simm.s32 $0x4;
	s30 =	simm.s32 $0x5;
	s31 =	simm.s32 $0x3  }
0x7: {  	s1 =	sand.u32 $0x1, s1;
	s6 =	smul.u32 $0x13880, s8;
	[smem:$0x7FF] =	sst s4  }
0x8: {  	s5 =	sshll.u32 s1, $0x4;
	s7 =	smul.u32 $0x138800, s1;
	_ =	strace $0x8000004A  }
0x9: {  	s1 =	ssub.s32 $0x2, s1;
	s5 =	sor.u32 s8, s5;
	s8 =	smul.u32 $0x4E200, s8  }
0xa: {  	s23 =	sshrl.u32 s1, $0x1;
	s5 =	smul.u32 $0x4E2, s5;
	s7 =	sadd.s32 s6, s7  }
0xb: {  	s1 =	ssub.s32 s1, s23;
	s23 =	simm.s32 $0x1AEA0;
	s22 =	sshrl.u32 s7, $0x3  }
0xc: {  	s24 =	sshrl.u32 s8, $0x2;
	s16 =	smax.u32 s1, $0x1;
	s1 =	simm.s32 $0x6  }
0xd: {  	s14 =	sadd.s32 s5, s0;
	s0 =	sadd.s32 s22, s0;
	s12 =	sadd.s32 s24, s3  }
0xe: {  	s5 =	sadd.s32 s6, s3;
	s25 =	sadd.s32 $0x2800, s12;
	s26 =	sadd.s32 $0x5000, s12  }
.Ltmp0:
0xf: {  	s28 =	sadd.s32 $0x7800, s12;
	s9 =	sadd.s32 $0xA000, s12;
	(pc) =	sbr.rel .LBB2_1-.Ltmp0, $4  }
0x10: {  	s10 =	sadd.s32 $0xC800, s12;
	s11 =	sadd.s32 $0xF000, s12;
	s12 =	sadd.s32 $0x11800, s12  }
0x11: {  	s13 =	sadd.s32 $0xE600, s14;
	s14 =	sadd.s32 $0x4800, s14;
	[dreg:$0x4] =	wrdreg s25  }
0x12: {  	s15 =	sadd.s32 $0x18400, s0;
	s0 =	simm.s32 $0x1;
	[dreg:$0x5] =	wrdreg s26  }
0x13: {  	v0 =	vimm.f32 $0.0e+00;
	[dreg:$0x6] =	wrdreg s28;
	s25 =	simm.s32 $0x1D6A0;
	s26 =	simm.s32 $0x2  }
.LBB2_6:
0x14: {  	_ =	swait.ge [sflag:s30], $0x2800  }
0x15: {  	[sflag:s30] =	ssyncset.done $0x0  }
0x16: {  	[sflag:s30] =	ssyncadd.s32 $0xFFFFD800  }
.LBB2_7:
0x17: {  	s6 =	stileid.u32;
	s4 =	sadd.s32 $0x1, s4  }
0x18: {  	[bflag:$0x0] =	sbarrier.arrive $0xFFFF;
	s6 =	sshll.u32 s6, $0x6;
	p0 =	sne.s32 s4, s16  }
.Ltmp1:
0x19: {  	s7 =	sshrl.u32 s5, $0x3;
	s6 =	sor.u32 $0x1C07, s6;
	(pc) =	sbr.rel @!p0 .LBB2_8-.Ltmp1, $4  }
0x1a: {  	[hbm:s15], [sflag:s6] =	dma.local [spmem:s7], $0x2710  }
0x1b: {  	_ =	swait.ge [sflag:s18], $0x2710  }
0x1c: {  	[sflag:s18] =	ssyncset.done $0x0  }
0x1d: {  	[sflag:s18] =	ssyncadd.s32 $0xFFFFD8F0  }
.LBB2_1:
0x1e: {  	s22 =	simm.s32 $0x0;
	s24 =	simm.s32 $0x200  }
.LBB2_2:
0x1f: {  	p0 =	sne.s32 s24, $0x9E00;
	[tilespmem:s22+$0x18710] =	vst v0  }
0x20: {  	[tilespmem:s22+$0x186A0] =	vst v0  }
0x21: {  	[tilespmem:s22+$0x186B0] =	vst v0  }
.Ltmp2:
0x22: {  	[tilespmem:s22+$0x186C0] =	vst v0;
	(pc) =	sbr.rel @p0 .LBB2_2-.Ltmp2, $4  }
0x23: {  	[tilespmem:s22+$0x186D0] =	vst v0  }
0x24: {  	[tilespmem:s22+$0x186E0] =	vst v0  }
0x25: {  	[tilespmem:s22+$0x186F0] =	vst v0  }
0x26: {  	[tilespmem:s22+$0x18700] =	vst v0;
	s22 =	sshra.s32 s24, $0x2;
	s24 =	sadd.s32 $0x200, s24  }
0x27: {  	[tilespmem:s22+$0x18710] =	vst v0  }
0x28: {  	[tilespmem:s22+$0x186A0] =	vst v0  }
0x29: {  	[tilespmem:s22+$0x186B0] =	vst v0  }
0x2a: {  	[tilespmem:s22+$0x186C0] =	vst v0  }
0x2b: {  	[tilespmem:s22+$0x186D0] =	vst v0  }
0x2c: {  	[tilespmem:s22+$0x186E0] =	vst v0  }
0x2d: {  	[tilespmem:s22+$0x186F0] =	vst v0  }
0x2e: {  	[tilespmem:s22+$0x18700] =	vst v0  }
0x2f: {  	[spmem:s5] =	stream.linear.scatter [tilespmem:s17], [sflag:$0x7], $0x2800, $0x38;
	[tilespmem:$0x1FEA0] =	vst v63  }
0x30: {  	_ =	swait.ge [sflag:s18], $0x2800  }
0x31: {  	[sflag:s18] =	ssyncset.done $0x0  }
0x32: {  	s6 =	rddreg [dreg:$0x4];
	[sflag:s18] =	ssyncadd.s32 $0xFFFFD800  }
0x33: {  	[spmem:s6] =	stream.linear.scatter [tilespmem:s17], [sflag:$0x7], $0x2800, $0x38;
	[tilespmem:$0x1FEA0] =	vst v63  }
0x34: {  	_ =	swait.ge [sflag:s18], $0x2800  }
0x35: {  	[sflag:s18] =	ssyncset.done $0x0  }
0x36: {  	s24 =	rddreg [dreg:$0x5];
	[sflag:s18] =	ssyncadd.s32 $0xFFFFD800  }
0x37: {  	[spmem:s24] =	stream.linear.scatter [tilespmem:s17], [sflag:$0x7], $0x2800, $0x38;
	[tilespmem:$0x1FEA0] =	vst v63  }
0x38: {  	_ =	swait.ge [sflag:s18], $0x2800  }
0x39: {  	[sflag:s18] =	ssyncset.done $0x0  }
0x3a: {  	s28 =	rddreg [dreg:$0x6];
	[sflag:s18] =	ssyncadd.s32 $0xFFFFD800  }
0x3b: {  	[spmem:s28] =	stream.linear.scatter [tilespmem:s17], [sflag:$0x7], $0x2800, $0x38;
	[tilespmem:$0x1FEA0] =	vst v63  }
0x3c: {  	_ =	swait.ge [sflag:s18], $0x2800  }
0x3d: {  	[sflag:s18] =	ssyncset.done $0x0  }
0x3e: {  	[sflag:s18] =	ssyncadd.s32 $0xFFFFD800  }
0x3f: {  	[spmem:s9] =	stream.linear.scatter [tilespmem:s17], [sflag:$0x7], $0x2800, $0x38;
	[tilespmem:$0x1FEA0] =	vst v63  }
0x40: {  	_ =	swait.ge [sflag:s18], $0x2800  }
0x41: {  	[sflag:s18] =	ssyncset.done $0x0  }
0x42: {  	[sflag:s18] =	ssyncadd.s32 $0xFFFFD800  }
0x43: {  	[spmem:s10] =	stream.linear.scatter [tilespmem:s17], [sflag:$0x7], $0x2800, $0x38;
	[tilespmem:$0x1FEA0] =	vst v63  }
0x44: {  	_ =	swait.ge [sflag:s18], $0x2800  }
0x45: {  	[sflag:s18] =	ssyncset.done $0x0  }
0x46: {  	[sflag:s18] =	ssyncadd.s32 $0xFFFFD800  }
0x47: {  	[spmem:s11] =	stream.linear.scatter [tilespmem:s17], [sflag:$0x7], $0x2800, $0x38;
	[tilespmem:$0x1FEA0] =	vst v63  }
0x48: {  	_ =	swait.ge [sflag:s18], $0x2800  }
0x49: {  	[sflag:s18] =	ssyncset.done $0x0  }
0x4a: {  	[sflag:s18] =	ssyncadd.s32 $0xFFFFD800  }
0x4b: {  	[spmem:s12] =	stream.linear.scatter [tilespmem:s17], [sflag:$0x7], $0x2080, $0x38;
	[tilespmem:$0x1FEA0] =	vst v63  }
0x4c: {  	_ =	swait.ge [sflag:s18], $0x2080  }
0x4d: {  	[sflag:s18] =	ssyncset.done $0x0  }
0x4e: {  	[sflag:s18] =	ssyncadd.s32 $0xFFFFDF80  }
0x4f: {  	s22 =	simm.s32 $0x0;
	[bflag:$0x0] =	sbarrier.arrive $0xFFFF  }
0x50: {  	[tilespmem:s19], [sflag:$0x7] =	stream.linear.gather [hbm4b:s13+s22], $0x2710, $0x38;
	[tilespmem:$0x1FEA0] =	vst v63  }
0x51: {  	_ =	swait.ge [sflag:s18], $0x2710  }
0x52: {  	[sflag:s18] =	ssyncset.done $0x0  }
0x53: {  	[sflag:s18] =	ssyncadd.s32 $0xFFFFD8F0  }
0x54: {  	[tilespmem:s20], [sflag:$0x7] =	stream.linear.gather [hbm4b:s14+s22], $0x2710, $0x38;
	[tilespmem:$0x1FEA0] =	vst v63  }
0x55: {  	_ =	swait.ge [sflag:s18], $0x2710  }
0x56: {  	[sflag:s18] =	ssyncset.done $0x0  }
0x57: {  	[sflag:s18] =	ssyncadd.s32 $0xFFFFD8F0  }
0x58: {  	[tilespmem:s17], [sflag:$0x1] =	stream.indirect.gather [hbm4b:s2+s21], $0x80, s19, s21, $0xb8;
	[tilespmem:$0x1FEA0] =	vst v63  }
0x59: {  	s7 =	simm.s32 $0x138D0;
	s24 =	simm.s32 $0x1  }
0x5a: {  	[tilespmem:s23], [sflag:$0x2] =	stream.indirect.gather [hbm4b:s2+s21], $0x80, s7, s21, $0xb8;
	[tilespmem:$0x1FEA0] =	vst v63  }
0x5b: {  	_ =	swait.ge [sflag:s24], $0x2800  }
0x5c: {  	[sflag:s24] =	ssyncset.done $0x0  }
0x5d: {  	[sflag:s24] =	ssyncadd.s32 $0xFFFFD800  }
0x5e: {  	[spmem:s3] =	stream.indirect.scatter.add.f32 [tilespmem:s17], [sflag:$0x4], $0x80, s20, s21, $0xb8;
	[tilespmem:$0x1FEA0] =	vst v63  }
0x5f: {  	s8 =	simm.s32 $0x13920  }
0x60: {  	[tilespmem:s25], [sflag:$0x3] =	stream.indirect.gather [hbm4b:s2+s21], $0x80, s8, s21, $0xb8;
	[tilespmem:$0x1FEA0] =	vst v63  }
0x61: {  	_ =	swait.ge [sflag:s26], $0x2800  }
0x62: {  	[sflag:s26] =	ssyncset.done $0x0  }
0x63: {  	s28 =	simm.s32 $0x15FE0;
	[sflag:s26] =	ssyncadd.s32 $0xFFFFD800  }
0x64: {  	[spmem:s3] =	stream.indirect.scatter.add.f32 [tilespmem:s23], [sflag:$0x5], $0x80, s28, s21, $0xb8;
	[tilespmem:$0x1FEA0] =	vst v63  }
.LBB2_4:
0x65: {  	p0 =	seq.s32 s22, $0x99C0  }
.Ltmp3:
0x66: {  	_ = 	snop;
	(pc) =	sbr.rel @p0 .LBB2_6-.Ltmp3, $4  }
0x67: {  	_ = 	snop  }
0x68: {  	_ =	swait.ge [sflag:s29], $0x2800  }
0x69: {  	[sflag:s29] =	ssyncset.done $0x0  }
0x6a: {  	[sflag:s29] =	ssyncadd.s32 $0xFFFFD800  }
0x6b: {  	s28 =	sshra.s32 s22, $0x2  }
0x6c: {  	s6 =	sadd.s32 $0x13970, s28  }
0x6d: {  	[tilespmem:s17], [sflag:$0x1] =	stream.indirect.gather [hbm4b:s2+s21], $0x80, s6, s21, $0xb8;
	[tilespmem:$0x1FEA0] =	vst v63  }
0x6e: {  	_ =	swait.ge [sflag:s31], $0x2800  }
0x6f: {  	[sflag:s31] =	ssyncset.done $0x0  }
0x70: {  	s8 =	sadd.s32 $0x16030, s28;
	[sflag:s31] =	ssyncadd.s32 $0xFFFFD800  }
0x71: {  	[spmem:s3] =	stream.indirect.scatter.add.f32 [tilespmem:s25], [sflag:$0x6], $0x80, s8, s21, $0xb8;
	[tilespmem:$0x1FEA0] =	vst v63  }
0x72: {  	_ =	swait.ge [sflag:s30], $0x2800  }
0x73: {  	[sflag:s30] =	ssyncset.done $0x0  }
0x74: {  	s7 =	sadd.s32 $0x139C0, s28;
	[sflag:s30] =	ssyncadd.s32 $0xFFFFD800  }
0x75: {  	[tilespmem:s23], [sflag:$0x2] =	stream.indirect.gather [hbm4b:s2+s21], $0x80, s7, s21, $0xb8;
	[tilespmem:$0x1FEA0] =	vst v63  }
0x76: {  	_ =	swait.ge [sflag:s0], $0x2800  }
0x77: {  	[sflag:s0] =	ssyncset.done $0x0  }
0x78: {  	p0 =	sgt.u32 s24, $0x28;
	s8 =	sadd.s32 $0x16080, s28;
	[sflag:s0] =	ssyncadd.s32 $0xFFFFD800  }
0x79: {  	[spmem:s3] =	stream.indirect.scatter.add.f32 [tilespmem:s17], [sflag:$0x4], $0x80, s8, s21, $0xb8;
	[tilespmem:$0x1FEA0] =	vst v63  }
0x7a: {  	s6 =	sshra.s32 @!p0 s22, $0x2;
	_ =	swait.ge [sflag:s1], $0x2800  }
0x7b: {  	s22 =	sadd.s32 $0x3C0, s22;
	s6 =	sadd.s32 @!p0 $0x13A10, s6;
	[sflag:s1] =	ssyncset.done $0x0  }
0x7c: {  	s7 =	simm.s32 @!p0 $0x50;
	s8 =	simm.s32 @!p0 $0x1D6A0;
	[sflag:s1] =	ssyncadd.s32 $0xFFFFD800  }
0x7d: {  	[tilespmem:s8], [sflag:$0x3] =	stream.indirect.gather @!p0 [hbm4b:s2+s7], $0x80, s6, s7, $0xb8;
	[tilespmem:$0x1FEA0] =	vst v63  }
0x7e: {  	p0 =	seq.s32 s22, $0x9D80  }
.Ltmp4:
0x7f: {  	_ = 	snop;
	(pc) =	sbr.rel @!p0 .LBB2_4-.Ltmp4, $4  }
.Ltmp5:
0x80: {  	_ =	swait.ge [sflag:s26], $0x2800;
	(pc) =	sbr.rel @p0 .LBB2_7-.Ltmp5, $4  }
0x81: {  	[sflag:s26] =	ssyncset.done $0x0  }
0x82: {  	s24 =	sadd.s32 $0x1, s24;
	s28 =	sadd.s32 $0x160D0, s28;
	[sflag:s26] =	ssyncadd.s32 $0xFFFFD800  }
0x83: {  	[spmem:s3] =	stream.indirect.scatter.add.f32 [tilespmem:s23], [sflag:$0x5], $0x80, s28, s21, $0xb8;
	[tilespmem:$0x1FEA0] =	vst v63  }
0x84: {  	_ = 	snop  }
.LBB2_8:
0x85: {  	_ =	sfence.sel $0x180000  }
0x86: {  	[bflag:$0x0] =	sbarrier.arrive $0xFFFF  }
0x87: {  	_ =	strace $0x9000004A  }
0x88: {  	s0 =	stileid.u32;
	[bflag:$0x2] =	sbarrier.arrive $0xFFFF  }
0x89: {  	p0 =	sne.s32 s0, $0x0;
	s0 =	rddreg [dreg:$0x3]  }
0x8a: {  	s0 =	sadd.s32 @!p0 $0x100000, s0  }
0x8b: {  	[sflag:s0] =	ssyncadd.tile.s32 @!p0 $0x1;
	_ =	shalt  }
.Lfunc_end2:
_tile_overlayer_lowered:
.L_overlay_start_2:
0x8c: {  	(tag) =	ssettag $0x2  }
0x8d: {  	s0 =	rddreg [dreg:$0x0];
	s2 =	stileid.u32  }
0x8e: {  	s1 =	rddreg [dreg:$0x1];
	p0 =	sne.s32 s2, $0x0  }
0x8f: {  	s3 =	rddreg [dreg:$0x2];
	[bflag:$0x3] =	sbarrier.arrive $0xFFFF;
	s2 =	simm.s32 @!p0 $0x1C07  }
0x90: {  	[timem:s3], [sflag:s2] =	dma.local @!p0 [hbm:s0], s1  }
0x91: {  	s0 =	simm.s32 @!p0 $0x7  }
0x92: {  	_ =	swait.ge @!p0 [sflag:s0], s1  }
0x93: {  	s1 =	ssub.s32 @!p0 $0x0, s1;
	[sflag:s0] =	ssyncset.done @!p0 $0x0  }
0x94: {  	[sflag:s0] =	ssyncadd.s32 @!p0 s1  }
0x95: {  	[bflag:$0x3] =	sbarrier.arrive $0xFFFF  }
0x96: {  	_ =	shalt  }

</sc_bundles>
